<compile_context>
chip_gen: v7x
topology: tpu7x:2x2x1
jax: 0.10.2.dev20260603
libtpu: 0.0.44.dev20260713+nightly
codegen_flags: <defaults>
</compile_context>

<pallas_src>
import functools

import jax
import jax.numpy as jnp
from jax import lax
from jax.experimental import pallas as pl
from jax.experimental.pallas import tpu as pltpu
from jax.experimental.pallas import tpu_sc as plsc

B = 4096
L = 200
D = 8
VOCAB = 1000000
VPAD = 1048576
W = 16
NC = 2
NS = 16
NW = NC * NS
RPW = B // NW
S1 = 128
S2 = L - S1
NV1 = S1 // 2
NV2 = S2 // 2
NB = 4
CPW = VPAD // NW
CHUNK = 2048

_mesh = plsc.VectorSubcoreMesh(
    core_axis_name="c", subcore_axis_name="s", num_cores=NC, num_subcores=NS
)



RB = 65536


def _tc_linearize(tin_ref, *out_refs):
    x = tin_ref[...]
    for c in range(D):
        out_refs[c][...] = x[c, :]


_lin_call = pl.pallas_call(
    _tc_linearize,
    grid=(VPAD // RB,),
    in_specs=[pl.BlockSpec((D, RB), lambda k: (0, k))],
    out_specs=[pl.BlockSpec((RB,), lambda k: (k,)) for _ in range(D)],
    out_shape=[jax.ShapeDtypeStruct((VPAD,), jnp.float32)
               for _ in range(D)],
)



@functools.partial(
    pl.kernel,
    mesh=_mesh,
    out_type=jax.ShapeDtypeStruct((VPAD * W,), jnp.float32),
    scratch_types=(
        [pltpu.VMEM((CHUNK,), jnp.float32) for _ in range(D)],
        pltpu.VMEM((CHUNK * W,), jnp.float32),
        pltpu.SemaphoreType.DMA,
    ),
    compiler_params=pltpu.CompilerParams(
        needs_layout_passes=False, use_tc_tiling_on_sc=False),
)
def _sc_interleave(c0, c1, c2, c3, c4, c5, c6, c7, tw_out,
                   dimbufs, outbuf, sem):
    cmaj = (c0, c1, c2, c3, c4, c5, c6, c7)
    wid = lax.axis_index("s") * NC + lax.axis_index("c")
    base = wid * CPW
    lane = lax.iota(jnp.int32, 16)

    @pl.loop(0, CPW // CHUNK)
    def chunk_loop(k):
        off = base + CHUNK * k
        copies = [
            pltpu.async_copy(cmaj[c].at[pl.ds(off, CHUNK)], dimbufs[c], sem)
            for c in range(D)
        ]
        for cp in copies:
            cp.wait()

        @pl.loop(0, CHUNK // 16)
        def g_loop(g):
            dest0 = (g * 16 + lane) * W
            for c in range(D):
                v = dimbufs[c][pl.ds(g * 16, 16)]
                plsc.store_scatter(outbuf, [dest0 + c], v)

        pltpu.sync_copy(outbuf, tw_out.at[pl.ds(off * W, CHUNK * W)])



@functools.partial(
    pl.kernel,
    mesh=_mesh,
    out_type=(
        jax.ShapeDtypeStruct((B * 16,), jnp.float32),
        jax.ShapeDtypeStruct((B * D,), jnp.float32),
    ),
    scratch_types=(
        pltpu.VMEM((RPW * L,), jnp.int32),
        pltpu.VMEM((RPW,), jnp.int32),
        pltpu.VMEM((RPW,), jnp.int32),
        pltpu.VMEM((RPW, W), jnp.float32),
        [pltpu.VMEM((S1, W), jnp.float32) for _ in range(NB)],
        [pltpu.VMEM((S2, W), jnp.float32) for _ in range(NB)],
        pltpu.VMEM((RPW * 16,), jnp.float32),
        pltpu.VMEM((RPW * D,), jnp.float32),
        [pltpu.SemaphoreType.DMA for _ in range(NB)],
    ),
    compiler_params=pltpu.CompilerParams(
        needs_layout_passes=False, use_tc_tiling_on_sc=False),
)
def _sc_gather_sum(seq_hbm, len_hbm, table_hbm,
                   ms_out, mt_out,
                   idxblk, len_v, lastid_v, lastrow_v,
                   bufAs, bufBs, stage, mt_stage, sems):
    wid = lax.axis_index("s") * NC + lax.axis_index("c")
    base = wid * RPW

    pltpu.sync_copy(seq_hbm.at[pl.ds(base * L, RPW * L)], idxblk)
    pltpu.sync_copy(len_hbm.at[pl.ds(base, RPW)], len_v)

    lane = lax.iota(jnp.int32, 16)
    rowpat = lane >> 3
    colpat = lane & 7

    for k in range(RPW // 16):
        lv = len_v[pl.ds(k * 16, 16)]
        pos = (k * 16 + lane) * L + lv - 1
        lastid_v[pl.ds(k * 16, 16)] = plsc.load_gather(idxblk, [pos])
    pltpu.async_copy(table_hbm.at[lastid_v.at[pl.ds(0, RPW)]], lastrow_v,
                     sems[0]).wait()
    for m in range(RPW // 2):
        mt_stage[pl.ds(m * 16, 16)] = plsc.load_gather(
            lastrow_v, [rowpat + 2 * m, colpat])
    pltpu.sync_copy(mt_stage, mt_out.at[pl.ds(base * D, RPW * D)])

    def issue(row, b):
        pltpu.async_copy(
            table_hbm.at[idxblk.at[pl.ds(row * L, S1)]], bufAs[b], sems[b])
        pltpu.async_copy(
            table_hbm.at[idxblk.at[pl.ds(row * L + S1, S2)]], bufBs[b],
            sems[b])

    def wait_set(b):
        pltpu.make_async_copy(
            table_hbm.at[idxblk.at[pl.ds(0, S1)]], bufAs[b], sems[b]).wait()
        pltpu.make_async_copy(
            table_hbm.at[idxblk.at[pl.ds(0, S2)]], bufBs[b], sems[b]).wait()

    for b in range(NB):
        issue(b, b)

    @pl.loop(0, RPW, step=NB)
    def row_loop(r):
        for b in range(NB):
            rr = r + b
            wait_set(b)
            accs = [jnp.zeros((16,), jnp.float32) for _ in range(4)]
            for j in range(NV1):
                accs[j & 3] = accs[j & 3] + plsc.load_gather(
                    bufAs[b], [rowpat + 2 * j, colpat])
            for j in range(NV2):
                accs[j & 3] = accs[j & 3] + plsc.load_gather(
                    bufBs[b], [rowpat + 2 * j, colpat])
            acc = (accs[0] + accs[1]) + (accs[2] + accs[3])
            stage[pl.ds(rr * 16, 16)] = acc
            issue((rr + NB) % RPW, b)

    for b in range(NB):
        wait_set(b)

    pltpu.sync_copy(stage, ms_out.at[pl.ds(base * 16, RPW * 16)])



def _tc_tail(st_ref, lenf_ref, mt_ref, wat_ref, ba_ref, wbt_ref, bb_ref,
             out_ref):
    st = st_ref[...]
    ms = (st[:, :D] + st[:, D:]) / lenf_ref[...]
    hs = jnp.tanh(
        jnp.dot(ms, wat_ref[...], preferred_element_type=jnp.float32)
        + ba_ref[...])
    ht = jnp.tanh(
        jnp.dot(mt_ref[...], wbt_ref[...], preferred_element_type=jnp.float32)
        + bb_ref[...])
    out_ref[...] = hs * ht


_tc_call = pl.pallas_call(
    _tc_tail,
    out_shape=jax.ShapeDtypeStruct((B, D), jnp.float32),
)


def kernel(item_seq, item_seq_len, emb_table, Wa, ba, Wb, bb):
    lens = item_seq_len.astype(jnp.int32)
    seq_flat = item_seq.astype(jnp.int32).reshape(B * L)
    cmaj = _lin_call(emb_table.T)
    tablew = _sc_interleave(*cmaj)
    stage_flat, mt_flat = _sc_gather_sum(seq_flat, lens,
                                         tablew.reshape(VPAD, W))
    stage2d = stage_flat.reshape(B, 16)
    mt = mt_flat.reshape(B, D)
    lenf = lens.astype(jnp.float32).reshape(B, 1)
    return _tc_call(stage2d, lenf, mt, Wa.T, ba.reshape(1, D), Wb.T,
                    bb.reshape(1, D))

# --- scband reference (transcript-rebuilt; emitter-appended) ---
"""Pipeline reference for scband-stmp-29669634080875 (READ-ONLY COPY).

The authoritative reference and input builder live on the scoring server;
editing this copy changes nothing except your own understanding.
"""

import jax, jax.numpy as jnp
import numpy as np

VOCAB = 1000000
B = 4096
L = 200
D = 8

def setup_inputs(seed: int = 0) -> dict:
    key = jax.random.key(seed)
    k1, k2, k3, k4, k5, k6, k7 = jax.random.split(key, 7)
    item_seq = jax.random.randint(k1, (B, L), 0, VOCAB, dtype=jnp.int64) if jax.config.jax_enable_x64 else jax.random.randint(k1, (B, L), 0, VOCAB, dtype=jnp.int32)
    # lengths in [1, L] so that (len - 1) is a valid index
    item_seq_len = jax.random.randint(k2, (B,), 1, L + 1, dtype=item_seq.dtype)
    emb_table = jax.random.normal(k3, (VOCAB, D), dtype=jnp.float32) * 0.02
    emb_table = emb_table.at[0].set(0.0)  # padding_idx=0
    Wa = jax.random.normal(k4, (D, D), dtype=jnp.float32) * (1.0 / np.sqrt(D))
    ba = jax.random.normal(k5, (D,), dtype=jnp.float32) * 0.01
    Wb = jax.random.normal(k6, (D, D), dtype=jnp.float32) * (1.0 / np.sqrt(D))
    bb = jax.random.normal(k7, (D,), dtype=jnp.float32) * 0.01
    return {"item_seq": item_seq, "item_seq_len": item_seq_len, "emb_table": emb_table, "Wa": Wa, "ba": ba, "Wb": Wb, "bb": bb}

def reference(item_seq, item_seq_len, emb_table, Wa, ba, Wb, bb):
    # embedding lookup
    item_seq_emb = jnp.take(emb_table, item_seq, axis=0)  # [B, L, D]
    # gather_indexes: pick the (len-1)-th timestep per batch row
    gather_idx = (item_seq_len - 1)[:, None, None]  # [B, 1, 1]
    last_inputs = jnp.take_along_axis(item_seq_emb, jnp.broadcast_to(gather_idx, (item_seq_emb.shape[0], 1, item_seq_emb.shape[2])), axis=1)[:, 0, :]  # [B, D]
    org_memory = item_seq_emb
    ms = jnp.sum(org_memory, axis=1) / item_seq_len[:, None].astype(jnp.float32)  # [B, D]
    mt = last_inputs
    hs = jnp.tanh(ms @ Wa.T + ba)
    ht = jnp.tanh(mt @ Wb.T + bb)
    seq_output = hs * ht
    return seq_output

if __name__ == "__main__":
    import jax
    _d = setup_inputs()
    print(jax.jit(kernel)(*tuple(_d.values())))

</pallas_src>

<mosaic_0001>
#map = affine_map<(d0, d1) -> (0)>
#map1 = affine_map<(d0, d1) -> (0, 0)>
module attributes {stable_mosaic.version = 14 : i64} {
  func.func @_sc_gather_sum(%arg0: i32, %arg1: i32, %arg2: memref<819200xi32, #tpu.memory_space<hbm>>, %arg3: memref<4096xi32, #tpu.memory_space<hbm>>, %arg4: memref<1048576x16xf32, #tpu.memory_space<hbm>>, %arg5: memref<65536xf32, #tpu.memory_space<hbm>>, %arg6: memref<32768xf32, #tpu.memory_space<hbm>>, %arg7: memref<25600xi32, #tpu.memory_space<vmem>>, %arg8: memref<128xi32, #tpu.memory_space<vmem>>, %arg9: memref<128xi32, #tpu.memory_space<vmem>>, %arg10: memref<128x16xf32, #tpu.memory_space<vmem>>, %arg11: memref<128x16xf32, #tpu.memory_space<vmem>>, %arg12: memref<128x16xf32, #tpu.memory_space<vmem>>, %arg13: memref<128x16xf32, #tpu.memory_space<vmem>>, %arg14: memref<128x16xf32, #tpu.memory_space<vmem>>, %arg15: memref<72x16xf32, #tpu.memory_space<vmem>>, %arg16: memref<72x16xf32, #tpu.memory_space<vmem>>, %arg17: memref<72x16xf32, #tpu.memory_space<vmem>>, %arg18: memref<72x16xf32, #tpu.memory_space<vmem>>, %arg19: memref<2048xf32, #tpu.memory_space<vmem>>, %arg20: memref<1024xf32, #tpu.memory_space<vmem>>, %arg21: memref<!tpu.dma_semaphore, #tpu.memory_space<semaphore_mem>>, %arg22: memref<!tpu.dma_semaphore, #tpu.memory_space<semaphore_mem>>, %arg23: memref<!tpu.dma_semaphore, #tpu.memory_space<semaphore_mem>>, %arg24: memref<!tpu.dma_semaphore, #tpu.memory_space<semaphore_mem>>) attributes {dimension_semantics = [#tpu.dimension_semantics<core_parallel>, #tpu.dimension_semantics<subcore_parallel>], iteration_bounds = array<i64: 2, 16>, scalar_prefetch = 0 : i64, scratch_operands = 18 : i64, tpu.core_type = #tpu.core_type<sc_vector_subcore>, window_params = [{transform_indices = #map}, {transform_indices = #map}, {transform_indices = #map1}, {transform_indices = #map}, {transform_indices = #map}]} {
    %mul3A = arith.constant 2 : i32
    %mul3A_0 = arith.muli %arg1, %mul3A : i32
    %add3A = arith.addi %mul3A_0, %arg0 : i32
    %mul3A_1 = arith.constant 128 : i32
    %mul3A_2 = arith.muli %add3A, %mul3A_1 : i32
    %mul3A_3 = arith.constant 200 : i32
    %mul3A_4 = arith.muli %mul3A_2, %mul3A_3 : i32
    "tpu.region"() ({
      %run_scoped3A = tpu.sem_alloc : memref<!tpu.dma_semaphore, #tpu.memory_space<semaphore_mem>>
      %dma_start3A_605 = tpu.memref_slice %arg2[%mul3A_4] : memref<819200xi32, #tpu.memory_space<hbm>> -> memref<25600xi32, #tpu.memory_space<hbm>>
      %dma_start3A_606 = tpu.memref_slice %arg2[%mul3A_4] : memref<819200xi32, #tpu.memory_space<hbm>> -> memref<25600xi32, #tpu.memory_space<hbm>>
      tpu.enqueue_dma source(%dma_start3A_606 : memref<25600xi32, #tpu.memory_space<hbm>>) target(%arg7 : memref<25600xi32, #tpu.memory_space<vmem>>) target_semaphore(%run_scoped3A : memref<!tpu.dma_semaphore, #tpu.memory_space<semaphore_mem>>)
      %dma_wait3A_607 = tpu.memref_slice %arg2[%mul3A_4] : memref<819200xi32, #tpu.memory_space<hbm>> -> memref<25600xi32, #tpu.memory_space<hbm>>
      %dma_wait3A_608 = tpu.memref_slice %arg2[%mul3A_4] : memref<819200xi32, #tpu.memory_space<hbm>> -> memref<25600xi32, #tpu.memory_space<hbm>>
      tpu.wait_dma2 semaphore(%run_scoped3A : memref<!tpu.dma_semaphore, #tpu.memory_space<semaphore_mem>>) src(%dma_wait3A_608 : memref<25600xi32, #tpu.memory_space<hbm>>) dst(%arg7 : memref<25600xi32, #tpu.memory_space<vmem>>)
      tpu.yield
    }) : () -> ()
    "tpu.region"() ({
      %run_scoped3A = tpu.sem_alloc : memref<!tpu.dma_semaphore, #tpu.memory_space<semaphore_mem>>
      %dma_start3A_605 = tpu.memref_slice %arg3[%mul3A_2] : memref<4096xi32, #tpu.memory_space<hbm>> -> memref<128xi32, #tpu.memory_space<hbm>>
      %dma_start3A_606 = tpu.memref_slice %arg3[%mul3A_2] : memref<4096xi32, #tpu.memory_space<hbm>> -> memref<128xi32, #tpu.memory_space<hbm>>
      tpu.enqueue_dma source(%dma_start3A_606 : memref<128xi32, #tpu.memory_space<hbm>>) target(%arg8 : memref<128xi32, #tpu.memory_space<vmem>>) target_semaphore(%run_scoped3A : memref<!tpu.dma_semaphore, #tpu.memory_space<semaphore_mem>>)
      %dma_wait3A_607 = tpu.memref_slice %arg3[%mul3A_2] : memref<4096xi32, #tpu.memory_space<hbm>> -> memref<128xi32, #tpu.memory_space<hbm>>
      %dma_wait3A_608 = tpu.memref_slice %arg3[%mul3A_2] : memref<4096xi32, #tpu.memory_space<hbm>> -> memref<128xi32, #tpu.memory_space<hbm>>
      tpu.wait_dma2 semaphore(%run_scoped3A : memref<!tpu.dma_semaphore, #tpu.memory_space<semaphore_mem>>) src(%dma_wait3A_608 : memref<128xi32, #tpu.memory_space<hbm>>) dst(%arg8 : memref<128xi32, #tpu.memory_space<vmem>>)
      tpu.yield
    }) : () -> ()
    %iota3A = tpu.iota {dimensions = array<i32: 0>} : vector<16xi32>
    %shift_right_arithmetic3A = arith.constant 3 : i32
    %shift_right_arithmetic3A_5 = vector.broadcast %shift_right_arithmetic3A : i32 to vector<16xi32>
    %shift_right_arithmetic3A_6 = arith.shrsi %iota3A, %shift_right_arithmetic3A_5 : vector<16xi32>
    %and3A = arith.constant 7 : i32
    %and3A_7 = vector.broadcast %and3A : i32 to vector<16xi32>
    %and3A_8 = arith.andi %iota3A, %and3A_7 : vector<16xi32>
    %get3A = arith.constant 0 : index
    %get3A_9 = tpu.vector_load %arg8[%get3A] {strides = array<i32>} : memref<128xi32, #tpu.memory_space<vmem>>, vector<16xi32>,
    %add3A_10 = arith.constant 0 : i32
    %add3A_11 = vector.broadcast %add3A_10 : i32 to vector<16xi32>
    %add3A_12 = arith.addi %add3A_11, %iota3A : vector<16xi32>
    %mul3A_13 = arith.constant 200 : i32
    %mul3A_14 = vector.broadcast %mul3A_13 : i32 to vector<16xi32>
    %mul3A_15 = arith.muli %add3A_12, %mul3A_14 : vector<16xi32>
    %add3A_16 = arith.addi %mul3A_15, %get3A_9 : vector<16xi32>
    %sub3A = arith.constant 1 : i32
    %sub3A_17 = vector.broadcast %sub3A : i32 to vector<16xi32>
    %sub3A_18 = arith.subi %add3A_16, %sub3A_17 : vector<16xi32>
    %gather3A = tpu.vector_load_idx %arg7[%sub3A_18] : memref<25600xi32, #tpu.memory_space<vmem>>[vector<16xi32>], vector<16xi32>,
    %swap3A = arith.constant 0 : index
    %swap3A_19 = tpu.vector_load %arg9[%swap3A] {strides = array<i32>} : memref<128xi32, #tpu.memory_space<vmem>>, vector<16xi32>,
    tpu.vector_store %arg9[%swap3A], %gather3A {strides = array<i32>} : memref<128xi32, #tpu.memory_space<vmem>>, vector<16xi32>,
    %get3A_20 = arith.constant 16 : index
    %get3A_21 = tpu.vector_load %arg8[%get3A_20] {strides = array<i32>} : memref<128xi32, #tpu.memory_space<vmem>>, vector<16xi32>,
    %add3A_22 = arith.constant 16 : i32
    %add3A_23 = vector.broadcast %add3A_22 : i32 to vector<16xi32>
    %add3A_24 = arith.addi %add3A_23, %iota3A : vector<16xi32>
    %mul3A_25 = arith.constant 200 : i32
    %mul3A_26 = vector.broadcast %mul3A_25 : i32 to vector<16xi32>
    %mul3A_27 = arith.muli %add3A_24, %mul3A_26 : vector<16xi32>
    %add3A_28 = arith.addi %mul3A_27, %get3A_21 : vector<16xi32>
    %sub3A_29 = arith.constant 1 : i32
    %sub3A_30 = vector.broadcast %sub3A_29 : i32 to vector<16xi32>
    %sub3A_31 = arith.subi %add3A_28, %sub3A_30 : vector<16xi32>
    %gather3A_32 = tpu.vector_load_idx %arg7[%sub3A_31] : memref<25600xi32, #tpu.memory_space<vmem>>[vector<16xi32>], vector<16xi32>,
    %swap3A_33 = arith.constant 16 : index
    %swap3A_34 = tpu.vector_load %arg9[%swap3A_33] {strides = array<i32>} : memref<128xi32, #tpu.memory_space<vmem>>, vector<16xi32>,
    tpu.vector_store %arg9[%swap3A_33], %gather3A_32 {strides = array<i32>} : memref<128xi32, #tpu.memory_space<vmem>>, vector<16xi32>,
    %get3A_35 = arith.constant 32 : index
    %get3A_36 = tpu.vector_load %arg8[%get3A_35] {strides = array<i32>} : memref<128xi32, #tpu.memory_space<vmem>>, vector<16xi32>,
    %add3A_37 = arith.constant 32 : i32
    %add3A_38 = vector.broadcast %add3A_37 : i32 to vector<16xi32>
    %add3A_39 = arith.addi %add3A_38, %iota3A : vector<16xi32>
    %mul3A_40 = arith.constant 200 : i32
    %mul3A_41 = vector.broadcast %mul3A_40 : i32 to vector<16xi32>
    %mul3A_42 = arith.muli %add3A_39, %mul3A_41 : vector<16xi32>
    %add3A_43 = arith.addi %mul3A_42, %get3A_36 : vector<16xi32>
    %sub3A_44 = arith.constant 1 : i32
    %sub3A_45 = vector.broadcast %sub3A_44 : i32 to vector<16xi32>
    %sub3A_46 = arith.subi %add3A_43, %sub3A_45 : vector<16xi32>
    %gather3A_47 = tpu.vector_load_idx %arg7[%sub3A_46] : memref<25600xi32, #tpu.memory_space<vmem>>[vector<16xi32>], vector<16xi32>,
    %swap3A_48 = arith.constant 32 : index
    %swap3A_49 = tpu.vector_load %arg9[%swap3A_48] {strides = array<i32>} : memref<128xi32, #tpu.memory_space<vmem>>, vector<16xi32>,
    tpu.vector_store %arg9[%swap3A_48], %gather3A_47 {strides = array<i32>} : memref<128xi32, #tpu.memory_space<vmem>>, vector<16xi32>,
    %get3A_50 = arith.constant 48 : index
    %get3A_51 = tpu.vector_load %arg8[%get3A_50] {strides = array<i32>} : memref<128xi32, #tpu.memory_space<vmem>>, vector<16xi32>,
    %add3A_52 = arith.constant 48 : i32
    %add3A_53 = vector.broadcast %add3A_52 : i32 to vector<16xi32>
    %add3A_54 = arith.addi %add3A_53, %iota3A : vector<16xi32>
    %mul3A_55 = arith.constant 200 : i32
    %mul3A_56 = vector.broadcast %mul3A_55 : i32 to vector<16xi32>
    %mul3A_57 = arith.muli %add3A_54, %mul3A_56 : vector<16xi32>
    %add3A_58 = arith.addi %mul3A_57, %get3A_51 : vector<16xi32>
    %sub3A_59 = arith.constant 1 : i32
    %sub3A_60 = vector.broadcast %sub3A_59 : i32 to vector<16xi32>
    %sub3A_61 = arith.subi %add3A_58, %sub3A_60 : vector<16xi32>
    %gather3A_62 = tpu.vector_load_idx %arg7[%sub3A_61] : memref<25600xi32, #tpu.memory_space<vmem>>[vector<16xi32>], vector<16xi32>,
    %swap3A_63 = arith.constant 48 : index
    %swap3A_64 = tpu.vector_load %arg9[%swap3A_63] {strides = array<i32>} : memref<128xi32, #tpu.memory_space<vmem>>, vector<16xi32>,
    tpu.vector_store %arg9[%swap3A_63], %gather3A_62 {strides = array<i32>} : memref<128xi32, #tpu.memory_space<vmem>>, vector<16xi32>,
    %get3A_65 = arith.constant 64 : index
    %get3A_66 = tpu.vector_load %arg8[%get3A_65] {strides = array<i32>} : memref<128xi32, #tpu.memory_space<vmem>>, vector<16xi32>,
    %add3A_67 = arith.constant 64 : i32
    %add3A_68 = vector.broadcast %add3A_67 : i32 to vector<16xi32>
    %add3A_69 = arith.addi %add3A_68, %iota3A : vector<16xi32>
    %mul3A_70 = arith.constant 200 : i32
    %mul3A_71 = vector.broadcast %mul3A_70 : i32 to vector<16xi32>
    %mul3A_72 = arith.muli %add3A_69, %mul3A_71 : vector<16xi32>
    %add3A_73 = arith.addi %mul3A_72, %get3A_66 : vector<16xi32>
    %sub3A_74 = arith.constant 1 : i32
    %sub3A_75 = vector.broadcast %sub3A_74 : i32 to vector<16xi32>
    %sub3A_76 = arith.subi %add3A_73, %sub3A_75 : vector<16xi32>
    %gather3A_77 = tpu.vector_load_idx %arg7[%sub3A_76] : memref<25600xi32, #tpu.memory_space<vmem>>[vector<16xi32>], vector<16xi32>,
    %swap3A_78 = arith.constant 64 : index
    %swap3A_79 = tpu.vector_load %arg9[%swap3A_78] {strides = array<i32>} : memref<128xi32, #tpu.memory_space<vmem>>, vector<16xi32>,
    tpu.vector_store %arg9[%swap3A_78], %gather3A_77 {strides = array<i32>} : memref<128xi32, #tpu.memory_space<vmem>>, vector<16xi32>,
    %get3A_80 = arith.constant 80 : index
    %get3A_81 = tpu.vector_load %arg8[%get3A_80] {strides = array<i32>} : memref<128xi32, #tpu.memory_space<vmem>>, vector<16xi32>,
    %add3A_82 = arith.constant 80 : i32
    %add3A_83 = vector.broadcast %add3A_82 : i32 to vector<16xi32>
    %add3A_84 = arith.addi %add3A_83, %iota3A : vector<16xi32>
    %mul3A_85 = arith.constant 200 : i32
    %mul3A_86 = vector.broadcast %mul3A_85 : i32 to vector<16xi32>
    %mul3A_87 = arith.muli %add3A_84, %mul3A_86 : vector<16xi32>
    %add3A_88 = arith.addi %mul3A_87, %get3A_81 : vector<16xi32>
    %sub3A_89 = arith.constant 1 : i32
    %sub3A_90 = vector.broadcast %sub3A_89 : i32 to vector<16xi32>
    %sub3A_91 = arith.subi %add3A_88, %sub3A_90 : vector<16xi32>
    %gather3A_92 = tpu.vector_load_idx %arg7[%sub3A_91] : memref<25600xi32, #tpu.memory_space<vmem>>[vector<16xi32>], vector<16xi32>,
    %swap3A_93 = arith.constant 80 : index
    %swap3A_94 = tpu.vector_load %arg9[%swap3A_93] {strides = array<i32>} : memref<128xi32, #tpu.memory_space<vmem>>, vector<16xi32>,
    tpu.vector_store %arg9[%swap3A_93], %gather3A_92 {strides = array<i32>} : memref<128xi32, #tpu.memory_space<vmem>>, vector<16xi32>,
    %get3A_95 = arith.constant 96 : index
    %get3A_96 = tpu.vector_load %arg8[%get3A_95] {strides = array<i32>} : memref<128xi32, #tpu.memory_space<vmem>>, vector<16xi32>,
    %add3A_97 = arith.constant 96 : i32
    %add3A_98 = vector.broadcast %add3A_97 : i32 to vector<16xi32>
    %add3A_99 = arith.addi %add3A_98, %iota3A : vector<16xi32>
    %mul3A_100 = arith.constant 200 : i32
    %mul3A_101 = vector.broadcast %mul3A_100 : i32 to vector<16xi32>
    %mul3A_102 = arith.muli %add3A_99, %mul3A_101 : vector<16xi32>
    %add3A_103 = arith.addi %mul3A_102, %get3A_96 : vector<16xi32>
    %sub3A_104 = arith.constant 1 : i32
    %sub3A_105 = vector.broadcast %sub3A_104 : i32 to vector<16xi32>
    %sub3A_106 = arith.subi %add3A_103, %sub3A_105 : vector<16xi32>
    %gather3A_107 = tpu.vector_load_idx %arg7[%sub3A_106] : memref<25600xi32, #tpu.memory_space<vmem>>[vector<16xi32>], vector<16xi32>,
    %swap3A_108 = arith.constant 96 : index
    %swap3A_109 = tpu.vector_load %arg9[%swap3A_108] {strides = array<i32>} : memref<128xi32, #tpu.memory_space<vmem>>, vector<16xi32>,
    tpu.vector_store %arg9[%swap3A_108], %gather3A_107 {strides = array<i32>} : memref<128xi32, #tpu.memory_space<vmem>>, vector<16xi32>,
    %get3A_110 = arith.constant 112 : index
    %get3A_111 = tpu.vector_load %arg8[%get3A_110] {strides = array<i32>} : memref<128xi32, #tpu.memory_space<vmem>>, vector<16xi32>,
    %add3A_112 = arith.constant 112 : i32
    %add3A_113 = vector.broadcast %add3A_112 : i32 to vector<16xi32>
    %add3A_114 = arith.addi %add3A_113, %iota3A : vector<16xi32>
    %mul3A_115 = arith.constant 200 : i32
    %mul3A_116 = vector.broadcast %mul3A_115 : i32 to vector<16xi32>
    %mul3A_117 = arith.muli %add3A_114, %mul3A_116 : vector<16xi32>
    %add3A_118 = arith.addi %mul3A_117, %get3A_111 : vector<16xi32>
    %sub3A_119 = arith.constant 1 : i32
    %sub3A_120 = vector.broadcast %sub3A_119 : i32 to vector<16xi32>
    %sub3A_121 = arith.subi %add3A_118, %sub3A_120 : vector<16xi32>
    %gather3A_122 = tpu.vector_load_idx %arg7[%sub3A_121] : memref<25600xi32, #tpu.memory_space<vmem>>[vector<16xi32>], vector<16xi32>,
    %swap3A_123 = arith.constant 112 : index
    %swap3A_124 = tpu.vector_load %arg9[%swap3A_123] {strides = array<i32>} : memref<128xi32, #tpu.memory_space<vmem>>, vector<16xi32>,
    tpu.vector_store %arg9[%swap3A_123], %gather3A_122 {strides = array<i32>} : memref<128xi32, #tpu.memory_space<vmem>>, vector<16xi32>,
    %dma_start3A = arith.constant 0 : i32
    %dma_start3A_125 = tpu.memref_slice %arg9[%dma_start3A] : memref<128xi32, #tpu.memory_space<vmem>> -> memref<128xi32, #tpu.memory_space<vmem>>
    %dma_start3A_126 = arith.constant 0 : i32
    %dma_start3A_127 = arith.constant 0 : i32
    %dma_start3A_128 = tpu.memref_slice %arg4[%dma_start3A_126, %dma_start3A_127] : memref<1048576x16xf32, #tpu.memory_space<hbm>> -> memref<1048576x16xf32, #tpu.memory_space<hbm>>
    tpu.enqueue_indirect_dma source(%dma_start3A_128 : memref<1048576x16xf32, #tpu.memory_space<hbm>>) target(%arg10 : memref<128x16xf32, #tpu.memory_space<vmem>>) offsets(%dma_start3A_125 : memref<128xi32, #tpu.memory_space<vmem>>) semaphore(%arg21 : memref<!tpu.dma_semaphore, #tpu.memory_space<semaphore_mem>>)
    %dma_wait3A = arith.constant 0 : i32
    %dma_wait3A_129 = tpu.memref_slice %arg9[%dma_wait3A] : memref<128xi32, #tpu.memory_space<vmem>> -> memref<128xi32, #tpu.memory_space<vmem>>
    %dma_wait3A_130 = arith.constant 0 : i32
    %dma_wait3A_131 = arith.constant 0 : i32
    %dma_wait3A_132 = tpu.memref_slice %arg4[%dma_wait3A_130, %dma_wait3A_131] : memref<1048576x16xf32, #tpu.memory_space<hbm>> -> memref<1048576x16xf32, #tpu.memory_space<hbm>>
    tpu.wait_indirect_dma semaphore(%arg21 : memref<!tpu.dma_semaphore, #tpu.memory_space<semaphore_mem>>) src(%dma_wait3A_132 : memref<1048576x16xf32, #tpu.memory_space<hbm>>) dst(%arg10 : memref<128x16xf32, #tpu.memory_space<vmem>>)
    %add3A_133 = arith.constant 0 : i32
    %add3A_134 = vector.broadcast %add3A_133 : i32 to vector<16xi32>
    %add3A_135 = arith.addi %shift_right_arithmetic3A_6, %add3A_134 : vector<16xi32>
    %gather3A_136 = tpu.vector_load_idx %arg10[%add3A_135, %and3A_8] : memref<128x16xf32, #tpu.memory_space<vmem>>[vector<16xi32>, vector<16xi32>], vector<16xf32>,
    %swap3A_137 = arith.constant 0 : index
    %swap3A_138 = tpu.vector_load %arg20[%swap3A_137] {strides = array<i32>} : memref<1024xf32, #tpu.memory_space<vmem>>, vector<16xf32>,
    tpu.vector_store %arg20[%swap3A_137], %gather3A_136 {strides = array<i32>} : memref<1024xf32, #tpu.memory_space<vmem>>, vector<16xf32>,
    %add3A_139 = arith.constant 2 : i32
    %add3A_140 = vector.broadcast %add3A_139 : i32 to vector<16xi32>
    %add3A_141 = arith.addi %shift_right_arithmetic3A_6, %add3A_140 : vector<16xi32>
    %gather3A_142 = tpu.vector_load_idx %arg10[%add3A_141, %and3A_8] : memref<128x16xf32, #tpu.memory_space<vmem>>[vector<16xi32>, vector<16xi32>], vector<16xf32>,
    %swap3A_143 = arith.constant 16 : index
    %swap3A_144 = tpu.vector_load %arg20[%swap3A_143] {strides = array<i32>} : memref<1024xf32, #tpu.memory_space<vmem>>, vector<16xf32>,
    tpu.vector_store %arg20[%swap3A_143], %gather3A_142 {strides = array<i32>} : memref<1024xf32, #tpu.memory_space<vmem>>, vector<16xf32>,
    %add3A_145 = arith.constant 4 : i32
    %add3A_146 = vector.broadcast %add3A_145 : i32 to vector<16xi32>
    %add3A_147 = arith.addi %shift_right_arithmetic3A_6, %add3A_146 : vector<16xi32>
    %gather3A_148 = tpu.vector_load_idx %arg10[%add3A_147, %and3A_8] : memref<128x16xf32, #tpu.memory_space<vmem>>[vector<16xi32>, vector<16xi32>], vector<16xf32>,
    %swap3A_149 = arith.constant 32 : index
    %swap3A_150 = tpu.vector_load %arg20[%swap3A_149] {strides = array<i32>} : memref<1024xf32, #tpu.memory_space<vmem>>, vector<16xf32>,
    tpu.vector_store %arg20[%swap3A_149], %gather3A_148 {strides = array<i32>} : memref<1024xf32, #tpu.memory_space<vmem>>, vector<16xf32>,
    %add3A_151 = arith.constant 6 : i32
    %add3A_152 = vector.broadcast %add3A_151 : i32 to vector<16xi32>
    %add3A_153 = arith.addi %shift_right_arithmetic3A_6, %add3A_152 : vector<16xi32>
    %gather3A_154 = tpu.vector_load_idx %arg10[%add3A_153, %and3A_8] : memref<128x16xf32, #tpu.memory_space<vmem>>[vector<16xi32>, vector<16xi32>], vector<16xf32>,
    %swap3A_155 = arith.constant 48 : index
    %swap3A_156 = tpu.vector_load %arg20[%swap3A_155] {strides = array<i32>} : memref<1024xf32, #tpu.memory_space<vmem>>, vector<16xf32>,
    tpu.vector_store %arg20[%swap3A_155], %gather3A_154 {strides = array<i32>} : memref<1024xf32, #tpu.memory_space<vmem>>, vector<16xf32>,
    %add3A_157 = arith.constant 8 : i32
    %add3A_158 = vector.broadcast %add3A_157 : i32 to vector<16xi32>
    %add3A_159 = arith.addi %shift_right_arithmetic3A_6, %add3A_158 : vector<16xi32>
    %gather3A_160 = tpu.vector_load_idx %arg10[%add3A_159, %and3A_8] : memref<128x16xf32, #tpu.memory_space<vmem>>[vector<16xi32>, vector<16xi32>], vector<16xf32>,
    %swap3A_161 = arith.constant 64 : index
    %swap3A_162 = tpu.vector_load %arg20[%swap3A_161] {strides = array<i32>} : memref<1024xf32, #tpu.memory_space<vmem>>, vector<16xf32>,
    tpu.vector_store %arg20[%swap3A_161], %gather3A_160 {strides = array<i32>} : memref<1024xf32, #tpu.memory_space<vmem>>, vector<16xf32>,
    %add3A_163 = arith.constant 10 : i32
    %add3A_164 = vector.broadcast %add3A_163 : i32 to vector<16xi32>
    %add3A_165 = arith.addi %shift_right_arithmetic3A_6, %add3A_164 : vector<16xi32>
    %gather3A_166 = tpu.vector_load_idx %arg10[%add3A_165, %and3A_8] : memref<128x16xf32, #tpu.memory_space<vmem>>[vector<16xi32>, vector<16xi32>], vector<16xf32>,
    %swap3A_167 = arith.constant 80 : index
    %swap3A_168 = tpu.vector_load %arg20[%swap3A_167] {strides = array<i32>} : memref<1024xf32, #tpu.memory_space<vmem>>, vector<16xf32>,
    tpu.vector_store %arg20[%swap3A_167], %gather3A_166 {strides = array<i32>} : memref<1024xf32, #tpu.memory_space<vmem>>, vector<16xf32>,
    %add3A_169 = arith.constant 12 : i32
    %add3A_170 = vector.broadcast %add3A_169 : i32 to vector<16xi32>
    %add3A_171 = arith.addi %shift_right_arithmetic3A_6, %add3A_170 : vector<16xi32>
    %gather3A_172 = tpu.vector_load_idx %arg10[%add3A_171, %and3A_8] : memref<128x16xf32, #tpu.memory_space<vmem>>[vector<16xi32>, vector<16xi32>], vector<16xf32>,
    %swap3A_173 = arith.constant 96 : index
    %swap3A_174 = tpu.vector_load %arg20[%swap3A_173] {strides = array<i32>} : memref<1024xf32, #tpu.memory_space<vmem>>, vector<16xf32>,
    tpu.vector_store %arg20[%swap3A_173], %gather3A_172 {strides = array<i32>} : memref<1024xf32, #tpu.memory_space<vmem>>, vector<16xf32>,
    %add3A_175 = arith.constant 14 : i32
    %add3A_176 = vector.broadcast %add3A_175 : i32 to vector<16xi32>
    %add3A_177 = arith.addi %shift_right_arithmetic3A_6, %add3A_176 : vector<16xi32>
    %gather3A_178 = tpu.vector_load_idx %arg10[%add3A_177, %and3A_8] : memref<128x16xf32, #tpu.memory_space<vmem>>[vector<16xi32>, vector<16xi32>], vector<16xf32>,
    %swap3A_179 = arith.constant 112 : index
    %swap3A_180 = tpu.vector_load %arg20[%swap3A_179] {strides = array<i32>} : memref<1024xf32, #tpu.memory_space<vmem>>, vector<16xf32>,
    tpu.vector_store %arg20[%swap3A_179], %gather3A_178 {strides = array<i32>} : memref<1024xf32, #tpu.memory_space<vmem>>, vector<16xf32>,
    %add3A_181 = arith.constant 16 : i32
    %add3A_182 = vector.broadcast %add3A_181 : i32 to vector<16xi32>
    %add3A_183 = arith.addi %shift_right_arithmetic3A_6, %add3A_182 : vector<16xi32>
    %gather3A_184 = tpu.vector_load_idx %arg10[%add3A_183, %and3A_8] : memref<128x16xf32, #tpu.memory_space<vmem>>[vector<16xi32>, vector<16xi32>], vector<16xf32>,
    %swap3A_185 = arith.constant 128 : index
    %swap3A_186 = tpu.vector_load %arg20[%swap3A_185] {strides = array<i32>} : memref<1024xf32, #tpu.memory_space<vmem>>, vector<16xf32>,
    tpu.vector_store %arg20[%swap3A_185], %gather3A_184 {strides = array<i32>} : memref<1024xf32, #tpu.memory_space<vmem>>, vector<16xf32>,
    %add3A_187 = arith.constant 18 : i32
    %add3A_188 = vector.broadcast %add3A_187 : i32 to vector<16xi32>
    %add3A_189 = arith.addi %shift_right_arithmetic3A_6, %add3A_188 : vector<16xi32>
    %gather3A_190 = tpu.vector_load_idx %arg10[%add3A_189, %and3A_8] : memref<128x16xf32, #tpu.memory_space<vmem>>[vector<16xi32>, vector<16xi32>], vector<16xf32>,
    %swap3A_191 = arith.constant 144 : index
    %swap3A_192 = tpu.vector_load %arg20[%swap3A_191] {strides = array<i32>} : memref<1024xf32, #tpu.memory_space<vmem>>, vector<16xf32>,
    tpu.vector_store %arg20[%swap3A_191], %gather3A_190 {strides = array<i32>} : memref<1024xf32, #tpu.memory_space<vmem>>, vector<16xf32>,
    %add3A_193 = arith.constant 20 : i32
    %add3A_194 = vector.broadcast %add3A_193 : i32 to vector<16xi32>
    %add3A_195 = arith.addi %shift_right_arithmetic3A_6, %add3A_194 : vector<16xi32>
    %gather3A_196 = tpu.vector_load_idx %arg10[%add3A_195, %and3A_8] : memref<128x16xf32, #tpu.memory_space<vmem>>[vector<16xi32>, vector<16xi32>], vector<16xf32>,
    %swap3A_197 = arith.constant 160 : index
    %swap3A_198 = tpu.vector_load %arg20[%swap3A_197] {strides = array<i32>} : memref<1024xf32, #tpu.memory_space<vmem>>, vector<16xf32>,
    tpu.vector_store %arg20[%swap3A_197], %gather3A_196 {strides = array<i32>} : memref<1024xf32, #tpu.memory_space<vmem>>, vector<16xf32>,
    %add3A_199 = arith.constant 22 : i32
    %add3A_200 = vector.broadcast %add3A_199 : i32 to vector<16xi32>
    %add3A_201 = arith.addi %shift_right_arithmetic3A_6, %add3A_200 : vector<16xi32>
    %gather3A_202 = tpu.vector_load_idx %arg10[%add3A_201, %and3A_8] : memref<128x16xf32, #tpu.memory_space<vmem>>[vector<16xi32>, vector<16xi32>], vector<16xf32>,
    %swap3A_203 = arith.constant 176 : index
    %swap3A_204 = tpu.vector_load %arg20[%swap3A_203] {strides = array<i32>} : memref<1024xf32, #tpu.memory_space<vmem>>, vector<16xf32>,
    tpu.vector_store %arg20[%swap3A_203], %gather3A_202 {strides = array<i32>} : memref<1024xf32, #tpu.memory_space<vmem>>, vector<16xf32>,
    %add3A_205 = arith.constant 24 : i32
    %add3A_206 = vector.broadcast %add3A_205 : i32 to vector<16xi32>
    %add3A_207 = arith.addi %shift_right_arithmetic3A_6, %add3A_206 : vector<16xi32>
    %gather3A_208 = tpu.vector_load_idx %arg10[%add3A_207, %and3A_8] : memref<128x16xf32, #tpu.memory_space<vmem>>[vector<16xi32>, vector<16xi32>], vector<16xf32>,
    %swap3A_209 = arith.constant 192 : index
    %swap3A_210 = tpu.vector_load %arg20[%swap3A_209] {strides = array<i32>} : memref<1024xf32, #tpu.memory_space<vmem>>, vector<16xf32>,
    tpu.vector_store %arg20[%swap3A_209], %gather3A_208 {strides = array<i32>} : memref<1024xf32, #tpu.memory_space<vmem>>, vector<16xf32>,
    %add3A_211 = arith.constant 26 : i32
    %add3A_212 = vector.broadcast %add3A_211 : i32 to vector<16xi32>
    %add3A_213 = arith.addi %shift_right_arithmetic3A_6, %add3A_212 : vector<16xi32>
    %gather3A_214 = tpu.vector_load_idx %arg10[%add3A_213, %and3A_8] : memref<128x16xf32, #tpu.memory_space<vmem>>[vector<16xi32>, vector<16xi32>], vector<16xf32>,
    %swap3A_215 = arith.constant 208 : index
    %swap3A_216 = tpu.vector_load %arg20[%swap3A_215] {strides = array<i32>} : memref<1024xf32, #tpu.memory_space<vmem>>, vector<16xf32>,
    tpu.vector_store %arg20[%swap3A_215], %gather3A_214 {strides = array<i32>} : memref<1024xf32, #tpu.memory_space<vmem>>, vector<16xf32>,
    %add3A_217 = arith.constant 28 : i32
    %add3A_218 = vector.broadcast %add3A_217 : i32 to vector<16xi32>
    %add3A_219 = arith.addi %shift_right_arithmetic3A_6, %add3A_218 : vector<16xi32>
    %gather3A_220 = tpu.vector_load_idx %arg10[%add3A_219, %and3A_8] : memref<128x16xf32, #tpu.memory_space<vmem>>[vector<16xi32>, vector<16xi32>], vector<16xf32>,
    %swap3A_221 = arith.constant 224 : index
    %swap3A_222 = tpu.vector_load %arg20[%swap3A_221] {strides = array<i32>} : memref<1024xf32, #tpu.memory_space<vmem>>, vector<16xf32>,
    tpu.vector_store %arg20[%swap3A_221], %gather3A_220 {strides = array<i32>} : memref<1024xf32, #tpu.memory_space<vmem>>, vector<16xf32>,
    %add3A_223 = arith.constant 30 : i32
    %add3A_224 = vector.broadcast %add3A_223 : i32 to vector<16xi32>
    %add3A_225 = arith.addi %shift_right_arithmetic3A_6, %add3A_224 : vector<16xi32>
    %gather3A_226 = tpu.vector_load_idx %arg10[%add3A_225, %and3A_8] : memref<128x16xf32, #tpu.memory_space<vmem>>[vector<16xi32>, vector<16xi32>], vector<16xf32>,
    %swap3A_227 = arith.constant 240 : index
    %swap3A_228 = tpu.vector_load %arg20[%swap3A_227] {strides = array<i32>} : memref<1024xf32, #tpu.memory_space<vmem>>, vector<16xf32>,
    tpu.vector_store %arg20[%swap3A_227], %gather3A_226 {strides = array<i32>} : memref<1024xf32, #tpu.memory_space<vmem>>, vector<16xf32>,
    %add3A_229 = arith.constant 32 : i32
    %add3A_230 = vector.broadcast %add3A_229 : i32 to vector<16xi32>
    %add3A_231 = arith.addi %shift_right_arithmetic3A_6, %add3A_230 : vector<16xi32>
    %gather3A_232 = tpu.vector_load_idx %arg10[%add3A_231, %and3A_8] : memref<128x16xf32, #tpu.memory_space<vmem>>[vector<16xi32>, vector<16xi32>], vector<16xf32>,
    %swap3A_233 = arith.constant 256 : index
    %swap3A_234 = tpu.vector_load %arg20[%swap3A_233] {strides = array<i32>} : memref<1024xf32, #tpu.memory_space<vmem>>, vector<16xf32>,
    tpu.vector_store %arg20[%swap3A_233], %gather3A_232 {strides = array<i32>} : memref<1024xf32, #tpu.memory_space<vmem>>, vector<16xf32>,
    %add3A_235 = arith.constant 34 : i32
    %add3A_236 = vector.broadcast %add3A_235 : i32 to vector<16xi32>
    %add3A_237 = arith.addi %shift_right_arithmetic3A_6, %add3A_236 : vector<16xi32>
    %gather3A_238 = tpu.vector_load_idx %arg10[%add3A_237, %and3A_8] : memref<128x16xf32, #tpu.memory_space<vmem>>[vector<16xi32>, vector<16xi32>], vector<16xf32>,
    %swap3A_239 = arith.constant 272 : index
    %swap3A_240 = tpu.vector_load %arg20[%swap3A_239] {strides = array<i32>} : memref<1024xf32, #tpu.memory_space<vmem>>, vector<16xf32>,
    tpu.vector_store %arg20[%swap3A_239], %gather3A_238 {strides = array<i32>} : memref<1024xf32, #tpu.memory_space<vmem>>, vector<16xf32>,
    %add3A_241 = arith.constant 36 : i32
    %add3A_242 = vector.broadcast %add3A_241 : i32 to vector<16xi32>
    %add3A_243 = arith.addi %shift_right_arithmetic3A_6, %add3A_242 : vector<16xi32>
    %gather3A_244 = tpu.vector_load_idx %arg10[%add3A_243, %and3A_8] : memref<128x16xf32, #tpu.memory_space<vmem>>[vector<16xi32>, vector<16xi32>], vector<16xf32>,
    %swap3A_245 = arith.constant 288 : index
    %swap3A_246 = tpu.vector_load %arg20[%swap3A_245] {strides = array<i32>} : memref<1024xf32, #tpu.memory_space<vmem>>, vector<16xf32>,
    tpu.vector_store %arg20[%swap3A_245], %gather3A_244 {strides = array<i32>} : memref<1024xf32, #tpu.memory_space<vmem>>, vector<16xf32>,
    %add3A_247 = arith.constant 38 : i32
    %add3A_248 = vector.broadcast %add3A_247 : i32 to vector<16xi32>
    %add3A_249 = arith.addi %shift_right_arithmetic3A_6, %add3A_248 : vector<16xi32>
    %gather3A_250 = tpu.vector_load_idx %arg10[%add3A_249, %and3A_8] : memref<128x16xf32, #tpu.memory_space<vmem>>[vector<16xi32>, vector<16xi32>], vector<16xf32>,
    %swap3A_251 = arith.constant 304 : index
    %swap3A_252 = tpu.vector_load %arg20[%swap3A_251] {strides = array<i32>} : memref<1024xf32, #tpu.memory_space<vmem>>, vector<16xf32>,
    tpu.vector_store %arg20[%swap3A_251], %gather3A_250 {strides = array<i32>} : memref<1024xf32, #tpu.memory_space<vmem>>, vector<16xf32>,
    %add3A_253 = arith.constant 40 : i32
    %add3A_254 = vector.broadcast %add3A_253 : i32 to vector<16xi32>
    %add3A_255 = arith.addi %shift_right_arithmetic3A_6, %add3A_254 : vector<16xi32>
    %gather3A_256 = tpu.vector_load_idx %arg10[%add3A_255, %and3A_8] : memref<128x16xf32, #tpu.memory_space<vmem>>[vector<16xi32>, vector<16xi32>], vector<16xf32>,
    %swap3A_257 = arith.constant 320 : index
    %swap3A_258 = tpu.vector_load %arg20[%swap3A_257] {strides = array<i32>} : memref<1024xf32, #tpu.memory_space<vmem>>, vector<16xf32>,
    tpu.vector_store %arg20[%swap3A_257], %gather3A_256 {strides = array<i32>} : memref<1024xf32, #tpu.memory_space<vmem>>, vector<16xf32>,
    %add3A_259 = arith.constant 42 : i32
    %add3A_260 = vector.broadcast %add3A_259 : i32 to vector<16xi32>
    %add3A_261 = arith.addi %shift_right_arithmetic3A_6, %add3A_260 : vector<16xi32>
    %gather3A_262 = tpu.vector_load_idx %arg10[%add3A_261, %and3A_8] : memref<128x16xf32, #tpu.memory_space<vmem>>[vector<16xi32>, vector<16xi32>], vector<16xf32>,
    %swap3A_263 = arith.constant 336 : index
    %swap3A_264 = tpu.vector_load %arg20[%swap3A_263] {strides = array<i32>} : memref<1024xf32, #tpu.memory_space<vmem>>, vector<16xf32>,
    tpu.vector_store %arg20[%swap3A_263], %gather3A_262 {strides = array<i32>} : memref<1024xf32, #tpu.memory_space<vmem>>, vector<16xf32>,
    %add3A_265 = arith.constant 44 : i32
    %add3A_266 = vector.broadcast %add3A_265 : i32 to vector<16xi32>
    %add3A_267 = arith.addi %shift_right_arithmetic3A_6, %add3A_266 : vector<16xi32>
    %gather3A_268 = tpu.vector_load_idx %arg10[%add3A_267, %and3A_8] : memref<128x16xf32, #tpu.memory_space<vmem>>[vector<16xi32>, vector<16xi32>], vector<16xf32>,
    %swap3A_269 = arith.constant 352 : index
    %swap3A_270 = tpu.vector_load %arg20[%swap3A_269] {strides = array<i32>} : memref<1024xf32, #tpu.memory_space<vmem>>, vector<16xf32>,
    tpu.vector_store %arg20[%swap3A_269], %gather3A_268 {strides = array<i32>} : memref<1024xf32, #tpu.memory_space<vmem>>, vector<16xf32>,
    %add3A_271 = arith.constant 46 : i32
    %add3A_272 = vector.broadcast %add3A_271 : i32 to vector<16xi32>
    %add3A_273 = arith.addi %shift_right_arithmetic3A_6, %add3A_272 : vector<16xi32>
    %gather3A_274 = tpu.vector_load_idx %arg10[%add3A_273, %and3A_8] : memref<128x16xf32, #tpu.memory_space<vmem>>[vector<16xi32>, vector<16xi32>], vector<16xf32>,
    %swap3A_275 = arith.constant 368 : index
    %swap3A_276 = tpu.vector_load %arg20[%swap3A_275] {strides = array<i32>} : memref<1024xf32, #tpu.memory_space<vmem>>, vector<16xf32>,
    tpu.vector_store %arg20[%swap3A_275], %gather3A_274 {strides = array<i32>} : memref<1024xf32, #tpu.memory_space<vmem>>, vector<16xf32>,
    %add3A_277 = arith.constant 48 : i32
    %add3A_278 = vector.broadcast %add3A_277 : i32 to vector<16xi32>
    %add3A_279 = arith.addi %shift_right_arithmetic3A_6, %add3A_278 : vector<16xi32>
    %gather3A_280 = tpu.vector_load_idx %arg10[%add3A_279, %and3A_8] : memref<128x16xf32, #tpu.memory_space<vmem>>[vector<16xi32>, vector<16xi32>], vector<16xf32>,
    %swap3A_281 = arith.constant 384 : index
    %swap3A_282 = tpu.vector_load %arg20[%swap3A_281] {strides = array<i32>} : memref<1024xf32, #tpu.memory_space<vmem>>, vector<16xf32>,
    tpu.vector_store %arg20[%swap3A_281], %gather3A_280 {strides = array<i32>} : memref<1024xf32, #tpu.memory_space<vmem>>, vector<16xf32>,
    %add3A_283 = arith.constant 50 : i32
    %add3A_284 = vector.broadcast %add3A_283 : i32 to vector<16xi32>
    %add3A_285 = arith.addi %shift_right_arithmetic3A_6, %add3A_284 : vector<16xi32>
    %gather3A_286 = tpu.vector_load_idx %arg10[%add3A_285, %and3A_8] : memref<128x16xf32, #tpu.memory_space<vmem>>[vector<16xi32>, vector<16xi32>], vector<16xf32>,
    %swap3A_287 = arith.constant 400 : index
    %swap3A_288 = tpu.vector_load %arg20[%swap3A_287] {strides = array<i32>} : memref<1024xf32, #tpu.memory_space<vmem>>, vector<16xf32>,
    tpu.vector_store %arg20[%swap3A_287], %gather3A_286 {strides = array<i32>} : memref<1024xf32, #tpu.memory_space<vmem>>, vector<16xf32>,
    %add3A_289 = arith.constant 52 : i32
    %add3A_290 = vector.broadcast %add3A_289 : i32 to vector<16xi32>
    %add3A_291 = arith.addi %shift_right_arithmetic3A_6, %add3A_290 : vector<16xi32>
    %gather3A_292 = tpu.vector_load_idx %arg10[%add3A_291, %and3A_8] : memref<128x16xf32, #tpu.memory_space<vmem>>[vector<16xi32>, vector<16xi32>], vector<16xf32>,
    %swap3A_293 = arith.constant 416 : index
    %swap3A_294 = tpu.vector_load %arg20[%swap3A_293] {strides = array<i32>} : memref<1024xf32, #tpu.memory_space<vmem>>, vector<16xf32>,
    tpu.vector_store %arg20[%swap3A_293], %gather3A_292 {strides = array<i32>} : memref<1024xf32, #tpu.memory_space<vmem>>, vector<16xf32>,
    %add3A_295 = arith.constant 54 : i32
    %add3A_296 = vector.broadcast %add3A_295 : i32 to vector<16xi32>
    %add3A_297 = arith.addi %shift_right_arithmetic3A_6, %add3A_296 : vector<16xi32>
    %gather3A_298 = tpu.vector_load_idx %arg10[%add3A_297, %and3A_8] : memref<128x16xf32, #tpu.memory_space<vmem>>[vector<16xi32>, vector<16xi32>], vector<16xf32>,
    %swap3A_299 = arith.constant 432 : index
    %swap3A_300 = tpu.vector_load %arg20[%swap3A_299] {strides = array<i32>} : memref<1024xf32, #tpu.memory_space<vmem>>, vector<16xf32>,
    tpu.vector_store %arg20[%swap3A_299], %gather3A_298 {strides = array<i32>} : memref<1024xf32, #tpu.memory_space<vmem>>, vector<16xf32>,
    %add3A_301 = arith.constant 56 : i32
    %add3A_302 = vector.broadcast %add3A_301 : i32 to vector<16xi32>
    %add3A_303 = arith.addi %shift_right_arithmetic3A_6, %add3A_302 : vector<16xi32>
    %gather3A_304 = tpu.vector_load_idx %arg10[%add3A_303, %and3A_8] : memref<128x16xf32, #tpu.memory_space<vmem>>[vector<16xi32>, vector<16xi32>], vector<16xf32>,
    %swap3A_305 = arith.constant 448 : index
    %swap3A_306 = tpu.vector_load %arg20[%swap3A_305] {strides = array<i32>} : memref<1024xf32, #tpu.memory_space<vmem>>, vector<16xf32>,
    tpu.vector_store %arg20[%swap3A_305], %gather3A_304 {strides = array<i32>} : memref<1024xf32, #tpu.memory_space<vmem>>, vector<16xf32>,
    %add3A_307 = arith.constant 58 : i32
    %add3A_308 = vector.broadcast %add3A_307 : i32 to vector<16xi32>
    %add3A_309 = arith.addi %shift_right_arithmetic3A_6, %add3A_308 : vector<16xi32>
    %gather3A_310 = tpu.vector_load_idx %arg10[%add3A_309, %and3A_8] : memref<128x16xf32, #tpu.memory_space<vmem>>[vector<16xi32>, vector<16xi32>], vector<16xf32>,
    %swap3A_311 = arith.constant 464 : index
    %swap3A_312 = tpu.vector_load %arg20[%swap3A_311] {strides = array<i32>} : memref<1024xf32, #tpu.memory_space<vmem>>, vector<16xf32>,
    tpu.vector_store %arg20[%swap3A_311], %gather3A_310 {strides = array<i32>} : memref<1024xf32, #tpu.memory_space<vmem>>, vector<16xf32>,
    %add3A_313 = arith.constant 60 : i32
    %add3A_314 = vector.broadcast %add3A_313 : i32 to vector<16xi32>
    %add3A_315 = arith.addi %shift_right_arithmetic3A_6, %add3A_314 : vector<16xi32>
    %gather3A_316 = tpu.vector_load_idx %arg10[%add3A_315, %and3A_8] : memref<128x16xf32, #tpu.memory_space<vmem>>[vector<16xi32>, vector<16xi32>], vector<16xf32>,
    %swap3A_317 = arith.constant 480 : index
    %swap3A_318 = tpu.vector_load %arg20[%swap3A_317] {strides = array<i32>} : memref<1024xf32, #tpu.memory_space<vmem>>, vector<16xf32>,
    tpu.vector_store %arg20[%swap3A_317], %gather3A_316 {strides = array<i32>} : memref<1024xf32, #tpu.memory_space<vmem>>, vector<16xf32>,
    %add3A_319 = arith.constant 62 : i32
    %add3A_320 = vector.broadcast %add3A_319 : i32 to vector<16xi32>
    %add3A_321 = arith.addi %shift_right_arithmetic3A_6, %add3A_320 : vector<16xi32>
    %gather3A_322 = tpu.vector_load_idx %arg10[%add3A_321, %and3A_8] : memref<128x16xf32, #tpu.memory_space<vmem>>[vector<16xi32>, vector<16xi32>], vector<16xf32>,
    %swap3A_323 = arith.constant 496 : index
    %swap3A_324 = tpu.vector_load %arg20[%swap3A_323] {strides = array<i32>} : memref<1024xf32, #tpu.memory_space<vmem>>, vector<16xf32>,
    tpu.vector_store %arg20[%swap3A_323], %gather3A_322 {strides = array<i32>} : memref<1024xf32, #tpu.memory_space<vmem>>, vector<16xf32>,
    %add3A_325 = arith.constant 64 : i32
    %add3A_326 = vector.broadcast %add3A_325 : i32 to vector<16xi32>
    %add3A_327 = arith.addi %shift_right_arithmetic3A_6, %add3A_326 : vector<16xi32>
    %gather3A_328 = tpu.vector_load_idx %arg10[%add3A_327, %and3A_8] : memref<128x16xf32, #tpu.memory_space<vmem>>[vector<16xi32>, vector<16xi32>], vector<16xf32>,
    %swap3A_329 = arith.constant 512 : index
    %swap3A_330 = tpu.vector_load %arg20[%swap3A_329] {strides = array<i32>} : memref<1024xf32, #tpu.memory_space<vmem>>, vector<16xf32>,
    tpu.vector_store %arg20[%swap3A_329], %gather3A_328 {strides = array<i32>} : memref<1024xf32, #tpu.memory_space<vmem>>, vector<16xf32>,
    %add3A_331 = arith.constant 66 : i32
    %add3A_332 = vector.broadcast %add3A_331 : i32 to vector<16xi32>
    %add3A_333 = arith.addi %shift_right_arithmetic3A_6, %add3A_332 : vector<16xi32>
    %gather3A_334 = tpu.vector_load_idx %arg10[%add3A_333, %and3A_8] : memref<128x16xf32, #tpu.memory_space<vmem>>[vector<16xi32>, vector<16xi32>], vector<16xf32>,
    %swap3A_335 = arith.constant 528 : index
    %swap3A_336 = tpu.vector_load %arg20[%swap3A_335] {strides = array<i32>} : memref<1024xf32, #tpu.memory_space<vmem>>, vector<16xf32>,
    tpu.vector_store %arg20[%swap3A_335], %gather3A_334 {strides = array<i32>} : memref<1024xf32, #tpu.memory_space<vmem>>, vector<16xf32>,
    %add3A_337 = arith.constant 68 : i32
    %add3A_338 = vector.broadcast %add3A_337 : i32 to vector<16xi32>
    %add3A_339 = arith.addi %shift_right_arithmetic3A_6, %add3A_338 : vector<16xi32>
    %gather3A_340 = tpu.vector_load_idx %arg10[%add3A_339, %and3A_8] : memref<128x16xf32, #tpu.memory_space<vmem>>[vector<16xi32>, vector<16xi32>], vector<16xf32>,
    %swap3A_341 = arith.constant 544 : index
    %swap3A_342 = tpu.vector_load %arg20[%swap3A_341] {strides = array<i32>} : memref<1024xf32, #tpu.memory_space<vmem>>, vector<16xf32>,
    tpu.vector_store %arg20[%swap3A_341], %gather3A_340 {strides = array<i32>} : memref<1024xf32, #tpu.memory_space<vmem>>, vector<16xf32>,
    %add3A_343 = arith.constant 70 : i32
    %add3A_344 = vector.broadcast %add3A_343 : i32 to vector<16xi32>
    %add3A_345 = arith.addi %shift_right_arithmetic3A_6, %add3A_344 : vector<16xi32>
    %gather3A_346 = tpu.vector_load_idx %arg10[%add3A_345, %and3A_8] : memref<128x16xf32, #tpu.memory_space<vmem>>[vector<16xi32>, vector<16xi32>], vector<16xf32>,
    %swap3A_347 = arith.constant 560 : index
    %swap3A_348 = tpu.vector_load %arg20[%swap3A_347] {strides = array<i32>} : memref<1024xf32, #tpu.memory_space<vmem>>, vector<16xf32>,
    tpu.vector_store %arg20[%swap3A_347], %gather3A_346 {strides = array<i32>} : memref<1024xf32, #tpu.memory_space<vmem>>, vector<16xf32>,
    %add3A_349 = arith.constant 72 : i32
    %add3A_350 = vector.broadcast %add3A_349 : i32 to vector<16xi32>
    %add3A_351 = arith.addi %shift_right_arithmetic3A_6, %add3A_350 : vector<16xi32>
    %gather3A_352 = tpu.vector_load_idx %arg10[%add3A_351, %and3A_8] : memref<128x16xf32, #tpu.memory_space<vmem>>[vector<16xi32>, vector<16xi32>], vector<16xf32>,
    %swap3A_353 = arith.constant 576 : index
    %swap3A_354 = tpu.vector_load %arg20[%swap3A_353] {strides = array<i32>} : memref<1024xf32, #tpu.memory_space<vmem>>, vector<16xf32>,
    tpu.vector_store %arg20[%swap3A_353], %gather3A_352 {strides = array<i32>} : memref<1024xf32, #tpu.memory_space<vmem>>, vector<16xf32>,
    %add3A_355 = arith.constant 74 : i32
    %add3A_356 = vector.broadcast %add3A_355 : i32 to vector<16xi32>
    %add3A_357 = arith.addi %shift_right_arithmetic3A_6, %add3A_356 : vector<16xi32>
    %gather3A_358 = tpu.vector_load_idx %arg10[%add3A_357, %and3A_8] : memref<128x16xf32, #tpu.memory_space<vmem>>[vector<16xi32>, vector<16xi32>], vector<16xf32>,
    %swap3A_359 = arith.constant 592 : index
    %swap3A_360 = tpu.vector_load %arg20[%swap3A_359] {strides = array<i32>} : memref<1024xf32, #tpu.memory_space<vmem>>, vector<16xf32>,
    tpu.vector_store %arg20[%swap3A_359], %gather3A_358 {strides = array<i32>} : memref<1024xf32, #tpu.memory_space<vmem>>, vector<16xf32>,
    %add3A_361 = arith.constant 76 : i32
    %add3A_362 = vector.broadcast %add3A_361 : i32 to vector<16xi32>
    %add3A_363 = arith.addi %shift_right_arithmetic3A_6, %add3A_362 : vector<16xi32>
    %gather3A_364 = tpu.vector_load_idx %arg10[%add3A_363, %and3A_8] : memref<128x16xf32, #tpu.memory_space<vmem>>[vector<16xi32>, vector<16xi32>], vector<16xf32>,
    %swap3A_365 = arith.constant 608 : index
    %swap3A_366 = tpu.vector_load %arg20[%swap3A_365] {strides = array<i32>} : memref<1024xf32, #tpu.memory_space<vmem>>, vector<16xf32>,
    tpu.vector_store %arg20[%swap3A_365], %gather3A_364 {strides = array<i32>} : memref<1024xf32, #tpu.memory_space<vmem>>, vector<16xf32>,
    %add3A_367 = arith.constant 78 : i32
    %add3A_368 = vector.broadcast %add3A_367 : i32 to vector<16xi32>
    %add3A_369 = arith.addi %shift_right_arithmetic3A_6, %add3A_368 : vector<16xi32>
    %gather3A_370 = tpu.vector_load_idx %arg10[%add3A_369, %and3A_8] : memref<128x16xf32, #tpu.memory_space<vmem>>[vector<16xi32>, vector<16xi32>], vector<16xf32>,
    %swap3A_371 = arith.constant 624 : index
    %swap3A_372 = tpu.vector_load %arg20[%swap3A_371] {strides = array<i32>} : memref<1024xf32, #tpu.memory_space<vmem>>, vector<16xf32>,
    tpu.vector_store %arg20[%swap3A_371], %gather3A_370 {strides = array<i32>} : memref<1024xf32, #tpu.memory_space<vmem>>, vector<16xf32>,
    %add3A_373 = arith.constant 80 : i32
    %add3A_374 = vector.broadcast %add3A_373 : i32 to vector<16xi32>
    %add3A_375 = arith.addi %shift_right_arithmetic3A_6, %add3A_374 : vector<16xi32>
    %gather3A_376 = tpu.vector_load_idx %arg10[%add3A_375, %and3A_8] : memref<128x16xf32, #tpu.memory_space<vmem>>[vector<16xi32>, vector<16xi32>], vector<16xf32>,
    %swap3A_377 = arith.constant 640 : index
    %swap3A_378 = tpu.vector_load %arg20[%swap3A_377] {strides = array<i32>} : memref<1024xf32, #tpu.memory_space<vmem>>, vector<16xf32>,
    tpu.vector_store %arg20[%swap3A_377], %gather3A_376 {strides = array<i32>} : memref<1024xf32, #tpu.memory_space<vmem>>, vector<16xf32>,
    %add3A_379 = arith.constant 82 : i32
    %add3A_380 = vector.broadcast %add3A_379 : i32 to vector<16xi32>
    %add3A_381 = arith.addi %shift_right_arithmetic3A_6, %add3A_380 : vector<16xi32>
    %gather3A_382 = tpu.vector_load_idx %arg10[%add3A_381, %and3A_8] : memref<128x16xf32, #tpu.memory_space<vmem>>[vector<16xi32>, vector<16xi32>], vector<16xf32>,
    %swap3A_383 = arith.constant 656 : index
    %swap3A_384 = tpu.vector_load %arg20[%swap3A_383] {strides = array<i32>} : memref<1024xf32, #tpu.memory_space<vmem>>, vector<16xf32>,
    tpu.vector_store %arg20[%swap3A_383], %gather3A_382 {strides = array<i32>} : memref<1024xf32, #tpu.memory_space<vmem>>, vector<16xf32>,
    %add3A_385 = arith.constant 84 : i32
    %add3A_386 = vector.broadcast %add3A_385 : i32 to vector<16xi32>
    %add3A_387 = arith.addi %shift_right_arithmetic3A_6, %add3A_386 : vector<16xi32>
    %gather3A_388 = tpu.vector_load_idx %arg10[%add3A_387, %and3A_8] : memref<128x16xf32, #tpu.memory_space<vmem>>[vector<16xi32>, vector<16xi32>], vector<16xf32>,
    %swap3A_389 = arith.constant 672 : index
    %swap3A_390 = tpu.vector_load %arg20[%swap3A_389] {strides = array<i32>} : memref<1024xf32, #tpu.memory_space<vmem>>, vector<16xf32>,
    tpu.vector_store %arg20[%swap3A_389], %gather3A_388 {strides = array<i32>} : memref<1024xf32, #tpu.memory_space<vmem>>, vector<16xf32>,
    %add3A_391 = arith.constant 86 : i32
    %add3A_392 = vector.broadcast %add3A_391 : i32 to vector<16xi32>
    %add3A_393 = arith.addi %shift_right_arithmetic3A_6, %add3A_392 : vector<16xi32>
    %gather3A_394 = tpu.vector_load_idx %arg10[%add3A_393, %and3A_8] : memref<128x16xf32, #tpu.memory_space<vmem>>[vector<16xi32>, vector<16xi32>], vector<16xf32>,
    %swap3A_395 = arith.constant 688 : index
    %swap3A_396 = tpu.vector_load %arg20[%swap3A_395] {strides = array<i32>} : memref<1024xf32, #tpu.memory_space<vmem>>, vector<16xf32>,
    tpu.vector_store %arg20[%swap3A_395], %gather3A_394 {strides = array<i32>} : memref<1024xf32, #tpu.memory_space<vmem>>, vector<16xf32>,
    %add3A_397 = arith.constant 88 : i32
    %add3A_398 = vector.broadcast %add3A_397 : i32 to vector<16xi32>
    %add3A_399 = arith.addi %shift_right_arithmetic3A_6, %add3A_398 : vector<16xi32>
    %gather3A_400 = tpu.vector_load_idx %arg10[%add3A_399, %and3A_8] : memref<128x16xf32, #tpu.memory_space<vmem>>[vector<16xi32>, vector<16xi32>], vector<16xf32>,
    %swap3A_401 = arith.constant 704 : index
    %swap3A_402 = tpu.vector_load %arg20[%swap3A_401] {strides = array<i32>} : memref<1024xf32, #tpu.memory_space<vmem>>, vector<16xf32>,
    tpu.vector_store %arg20[%swap3A_401], %gather3A_400 {strides = array<i32>} : memref<1024xf32, #tpu.memory_space<vmem>>, vector<16xf32>,
    %add3A_403 = arith.constant 90 : i32
    %add3A_404 = vector.broadcast %add3A_403 : i32 to vector<16xi32>
    %add3A_405 = arith.addi %shift_right_arithmetic3A_6, %add3A_404 : vector<16xi32>
    %gather3A_406 = tpu.vector_load_idx %arg10[%add3A_405, %and3A_8] : memref<128x16xf32, #tpu.memory_space<vmem>>[vector<16xi32>, vector<16xi32>], vector<16xf32>,
    %swap3A_407 = arith.constant 720 : index
    %swap3A_408 = tpu.vector_load %arg20[%swap3A_407] {strides = array<i32>} : memref<1024xf32, #tpu.memory_space<vmem>>, vector<16xf32>,
    tpu.vector_store %arg20[%swap3A_407], %gather3A_406 {strides = array<i32>} : memref<1024xf32, #tpu.memory_space<vmem>>, vector<16xf32>,
    %add3A_409 = arith.constant 92 : i32
    %add3A_410 = vector.broadcast %add3A_409 : i32 to vector<16xi32>
    %add3A_411 = arith.addi %shift_right_arithmetic3A_6, %add3A_410 : vector<16xi32>
    %gather3A_412 = tpu.vector_load_idx %arg10[%add3A_411, %and3A_8] : memref<128x16xf32, #tpu.memory_space<vmem>>[vector<16xi32>, vector<16xi32>], vector<16xf32>,
    %swap3A_413 = arith.constant 736 : index
    %swap3A_414 = tpu.vector_load %arg20[%swap3A_413] {strides = array<i32>} : memref<1024xf32, #tpu.memory_space<vmem>>, vector<16xf32>,
    tpu.vector_store %arg20[%swap3A_413], %gather3A_412 {strides = array<i32>} : memref<1024xf32, #tpu.memory_space<vmem>>, vector<16xf32>,
    %add3A_415 = arith.constant 94 : i32
    %add3A_416 = vector.broadcast %add3A_415 : i32 to vector<16xi32>
    %add3A_417 = arith.addi %shift_right_arithmetic3A_6, %add3A_416 : vector<16xi32>
    %gather3A_418 = tpu.vector_load_idx %arg10[%add3A_417, %and3A_8] : memref<128x16xf32, #tpu.memory_space<vmem>>[vector<16xi32>, vector<16xi32>], vector<16xf32>,
    %swap3A_419 = arith.constant 752 : index
    %swap3A_420 = tpu.vector_load %arg20[%swap3A_419] {strides = array<i32>} : memref<1024xf32, #tpu.memory_space<vmem>>, vector<16xf32>,
    tpu.vector_store %arg20[%swap3A_419], %gather3A_418 {strides = array<i32>} : memref<1024xf32, #tpu.memory_space<vmem>>, vector<16xf32>,
    %add3A_421 = arith.constant 96 : i32
    %add3A_422 = vector.broadcast %add3A_421 : i32 to vector<16xi32>
    %add3A_423 = arith.addi %shift_right_arithmetic3A_6, %add3A_422 : vector<16xi32>
    %gather3A_424 = tpu.vector_load_idx %arg10[%add3A_423, %and3A_8] : memref<128x16xf32, #tpu.memory_space<vmem>>[vector<16xi32>, vector<16xi32>], vector<16xf32>,
    %swap3A_425 = arith.constant 768 : index
    %swap3A_426 = tpu.vector_load %arg20[%swap3A_425] {strides = array<i32>} : memref<1024xf32, #tpu.memory_space<vmem>>, vector<16xf32>,
    tpu.vector_store %arg20[%swap3A_425], %gather3A_424 {strides = array<i32>} : memref<1024xf32, #tpu.memory_space<vmem>>, vector<16xf32>,
    %add3A_427 = arith.constant 98 : i32
    %add3A_428 = vector.broadcast %add3A_427 : i32 to vector<16xi32>
    %add3A_429 = arith.addi %shift_right_arithmetic3A_6, %add3A_428 : vector<16xi32>
    %gather3A_430 = tpu.vector_load_idx %arg10[%add3A_429, %and3A_8] : memref<128x16xf32, #tpu.memory_space<vmem>>[vector<16xi32>, vector<16xi32>], vector<16xf32>,
    %swap3A_431 = arith.constant 784 : index
    %swap3A_432 = tpu.vector_load %arg20[%swap3A_431] {strides = array<i32>} : memref<1024xf32, #tpu.memory_space<vmem>>, vector<16xf32>,
    tpu.vector_store %arg20[%swap3A_431], %gather3A_430 {strides = array<i32>} : memref<1024xf32, #tpu.memory_space<vmem>>, vector<16xf32>,
    %add3A_433 = arith.constant 100 : i32
    %add3A_434 = vector.broadcast %add3A_433 : i32 to vector<16xi32>
    %add3A_435 = arith.addi %shift_right_arithmetic3A_6, %add3A_434 : vector<16xi32>
    %gather3A_436 = tpu.vector_load_idx %arg10[%add3A_435, %and3A_8] : memref<128x16xf32, #tpu.memory_space<vmem>>[vector<16xi32>, vector<16xi32>], vector<16xf32>,
    %swap3A_437 = arith.constant 800 : index
    %swap3A_438 = tpu.vector_load %arg20[%swap3A_437] {strides = array<i32>} : memref<1024xf32, #tpu.memory_space<vmem>>, vector<16xf32>,
    tpu.vector_store %arg20[%swap3A_437], %gather3A_436 {strides = array<i32>} : memref<1024xf32, #tpu.memory_space<vmem>>, vector<16xf32>,
    %add3A_439 = arith.constant 102 : i32
    %add3A_440 = vector.broadcast %add3A_439 : i32 to vector<16xi32>
    %add3A_441 = arith.addi %shift_right_arithmetic3A_6, %add3A_440 : vector<16xi32>
    %gather3A_442 = tpu.vector_load_idx %arg10[%add3A_441, %and3A_8] : memref<128x16xf32, #tpu.memory_space<vmem>>[vector<16xi32>, vector<16xi32>], vector<16xf32>,
    %swap3A_443 = arith.constant 816 : index
    %swap3A_444 = tpu.vector_load %arg20[%swap3A_443] {strides = array<i32>} : memref<1024xf32, #tpu.memory_space<vmem>>, vector<16xf32>,
    tpu.vector_store %arg20[%swap3A_443], %gather3A_442 {strides = array<i32>} : memref<1024xf32, #tpu.memory_space<vmem>>, vector<16xf32>,
    %add3A_445 = arith.constant 104 : i32
    %add3A_446 = vector.broadcast %add3A_445 : i32 to vector<16xi32>
    %add3A_447 = arith.addi %shift_right_arithmetic3A_6, %add3A_446 : vector<16xi32>
    %gather3A_448 = tpu.vector_load_idx %arg10[%add3A_447, %and3A_8] : memref<128x16xf32, #tpu.memory_space<vmem>>[vector<16xi32>, vector<16xi32>], vector<16xf32>,
    %swap3A_449 = arith.constant 832 : index
    %swap3A_450 = tpu.vector_load %arg20[%swap3A_449] {strides = array<i32>} : memref<1024xf32, #tpu.memory_space<vmem>>, vector<16xf32>,
    tpu.vector_store %arg20[%swap3A_449], %gather3A_448 {strides = array<i32>} : memref<1024xf32, #tpu.memory_space<vmem>>, vector<16xf32>,
    %add3A_451 = arith.constant 106 : i32
    %add3A_452 = vector.broadcast %add3A_451 : i32 to vector<16xi32>
    %add3A_453 = arith.addi %shift_right_arithmetic3A_6, %add3A_452 : vector<16xi32>
    %gather3A_454 = tpu.vector_load_idx %arg10[%add3A_453, %and3A_8] : memref<128x16xf32, #tpu.memory_space<vmem>>[vector<16xi32>, vector<16xi32>], vector<16xf32>,
    %swap3A_455 = arith.constant 848 : index
    %swap3A_456 = tpu.vector_load %arg20[%swap3A_455] {strides = array<i32>} : memref<1024xf32, #tpu.memory_space<vmem>>, vector<16xf32>,
    tpu.vector_store %arg20[%swap3A_455], %gather3A_454 {strides = array<i32>} : memref<1024xf32, #tpu.memory_space<vmem>>, vector<16xf32>,
    %add3A_457 = arith.constant 108 : i32
    %add3A_458 = vector.broadcast %add3A_457 : i32 to vector<16xi32>
    %add3A_459 = arith.addi %shift_right_arithmetic3A_6, %add3A_458 : vector<16xi32>
    %gather3A_460 = tpu.vector_load_idx %arg10[%add3A_459, %and3A_8] : memref<128x16xf32, #tpu.memory_space<vmem>>[vector<16xi32>, vector<16xi32>], vector<16xf32>,
    %swap3A_461 = arith.constant 864 : index
    %swap3A_462 = tpu.vector_load %arg20[%swap3A_461] {strides = array<i32>} : memref<1024xf32, #tpu.memory_space<vmem>>, vector<16xf32>,
    tpu.vector_store %arg20[%swap3A_461], %gather3A_460 {strides = array<i32>} : memref<1024xf32, #tpu.memory_space<vmem>>, vector<16xf32>,
    %add3A_463 = arith.constant 110 : i32
    %add3A_464 = vector.broadcast %add3A_463 : i32 to vector<16xi32>
    %add3A_465 = arith.addi %shift_right_arithmetic3A_6, %add3A_464 : vector<16xi32>
    %gather3A_466 = tpu.vector_load_idx %arg10[%add3A_465, %and3A_8] : memref<128x16xf32, #tpu.memory_space<vmem>>[vector<16xi32>, vector<16xi32>], vector<16xf32>,
    %swap3A_467 = arith.constant 880 : index
    %swap3A_468 = tpu.vector_load %arg20[%swap3A_467] {strides = array<i32>} : memref<1024xf32, #tpu.memory_space<vmem>>, vector<16xf32>,
    tpu.vector_store %arg20[%swap3A_467], %gather3A_466 {strides = array<i32>} : memref<1024xf32, #tpu.memory_space<vmem>>, vector<16xf32>,
    %add3A_469 = arith.constant 112 : i32
    %add3A_470 = vector.broadcast %add3A_469 : i32 to vector<16xi32>
    %add3A_471 = arith.addi %shift_right_arithmetic3A_6, %add3A_470 : vector<16xi32>
    %gather3A_472 = tpu.vector_load_idx %arg10[%add3A_471, %and3A_8] : memref<128x16xf32, #tpu.memory_space<vmem>>[vector<16xi32>, vector<16xi32>], vector<16xf32>,
    %swap3A_473 = arith.constant 896 : index
    %swap3A_474 = tpu.vector_load %arg20[%swap3A_473] {strides = array<i32>} : memref<1024xf32, #tpu.memory_space<vmem>>, vector<16xf32>,
    tpu.vector_store %arg20[%swap3A_473], %gather3A_472 {strides = array<i32>} : memref<1024xf32, #tpu.memory_space<vmem>>, vector<16xf32>,
    %add3A_475 = arith.constant 114 : i32
    %add3A_476 = vector.broadcast %add3A_475 : i32 to vector<16xi32>
    %add3A_477 = arith.addi %shift_right_arithmetic3A_6, %add3A_476 : vector<16xi32>
    %gather3A_478 = tpu.vector_load_idx %arg10[%add3A_477, %and3A_8] : memref<128x16xf32, #tpu.memory_space<vmem>>[vector<16xi32>, vector<16xi32>], vector<16xf32>,
    %swap3A_479 = arith.constant 912 : index
    %swap3A_480 = tpu.vector_load %arg20[%swap3A_479] {strides = array<i32>} : memref<1024xf32, #tpu.memory_space<vmem>>, vector<16xf32>,
    tpu.vector_store %arg20[%swap3A_479], %gather3A_478 {strides = array<i32>} : memref<1024xf32, #tpu.memory_space<vmem>>, vector<16xf32>,
    %add3A_481 = arith.constant 116 : i32
    %add3A_482 = vector.broadcast %add3A_481 : i32 to vector<16xi32>
    %add3A_483 = arith.addi %shift_right_arithmetic3A_6, %add3A_482 : vector<16xi32>
    %gather3A_484 = tpu.vector_load_idx %arg10[%add3A_483, %and3A_8] : memref<128x16xf32, #tpu.memory_space<vmem>>[vector<16xi32>, vector<16xi32>], vector<16xf32>,
    %swap3A_485 = arith.constant 928 : index
    %swap3A_486 = tpu.vector_load %arg20[%swap3A_485] {strides = array<i32>} : memref<1024xf32, #tpu.memory_space<vmem>>, vector<16xf32>,
    tpu.vector_store %arg20[%swap3A_485], %gather3A_484 {strides = array<i32>} : memref<1024xf32, #tpu.memory_space<vmem>>, vector<16xf32>,
    %add3A_487 = arith.constant 118 : i32
    %add3A_488 = vector.broadcast %add3A_487 : i32 to vector<16xi32>
    %add3A_489 = arith.addi %shift_right_arithmetic3A_6, %add3A_488 : vector<16xi32>
    %gather3A_490 = tpu.vector_load_idx %arg10[%add3A_489, %and3A_8] : memref<128x16xf32, #tpu.memory_space<vmem>>[vector<16xi32>, vector<16xi32>], vector<16xf32>,
    %swap3A_491 = arith.constant 944 : index
    %swap3A_492 = tpu.vector_load %arg20[%swap3A_491] {strides = array<i32>} : memref<1024xf32, #tpu.memory_space<vmem>>, vector<16xf32>,
    tpu.vector_store %arg20[%swap3A_491], %gather3A_490 {strides = array<i32>} : memref<1024xf32, #tpu.memory_space<vmem>>, vector<16xf32>,
    %add3A_493 = arith.constant 120 : i32
    %add3A_494 = vector.broadcast %add3A_493 : i32 to vector<16xi32>
    %add3A_495 = arith.addi %shift_right_arithmetic3A_6, %add3A_494 : vector<16xi32>
    %gather3A_496 = tpu.vector_load_idx %arg10[%add3A_495, %and3A_8] : memref<128x16xf32, #tpu.memory_space<vmem>>[vector<16xi32>, vector<16xi32>], vector<16xf32>,
    %swap3A_497 = arith.constant 960 : index
    %swap3A_498 = tpu.vector_load %arg20[%swap3A_497] {strides = array<i32>} : memref<1024xf32, #tpu.memory_space<vmem>>, vector<16xf32>,
    tpu.vector_store %arg20[%swap3A_497], %gather3A_496 {strides = array<i32>} : memref<1024xf32, #tpu.memory_space<vmem>>, vector<16xf32>,
    %add3A_499 = arith.constant 122 : i32
    %add3A_500 = vector.broadcast %add3A_499 : i32 to vector<16xi32>
    %add3A_501 = arith.addi %shift_right_arithmetic3A_6, %add3A_500 : vector<16xi32>
    %gather3A_502 = tpu.vector_load_idx %arg10[%add3A_501, %and3A_8] : memref<128x16xf32, #tpu.memory_space<vmem>>[vector<16xi32>, vector<16xi32>], vector<16xf32>,
    %swap3A_503 = arith.constant 976 : index
    %swap3A_504 = tpu.vector_load %arg20[%swap3A_503] {strides = array<i32>} : memref<1024xf32, #tpu.memory_space<vmem>>, vector<16xf32>,
    tpu.vector_store %arg20[%swap3A_503], %gather3A_502 {strides = array<i32>} : memref<1024xf32, #tpu.memory_space<vmem>>, vector<16xf32>,
    %add3A_505 = arith.constant 124 : i32
    %add3A_506 = vector.broadcast %add3A_505 : i32 to vector<16xi32>
    %add3A_507 = arith.addi %shift_right_arithmetic3A_6, %add3A_506 : vector<16xi32>
    %gather3A_508 = tpu.vector_load_idx %arg10[%add3A_507, %and3A_8] : memref<128x16xf32, #tpu.memory_space<vmem>>[vector<16xi32>, vector<16xi32>], vector<16xf32>,
    %swap3A_509 = arith.constant 992 : index
    %swap3A_510 = tpu.vector_load %arg20[%swap3A_509] {strides = array<i32>} : memref<1024xf32, #tpu.memory_space<vmem>>, vector<16xf32>,
    tpu.vector_store %arg20[%swap3A_509], %gather3A_508 {strides = array<i32>} : memref<1024xf32, #tpu.memory_space<vmem>>, vector<16xf32>,
    %add3A_511 = arith.constant 126 : i32
    %add3A_512 = vector.broadcast %add3A_511 : i32 to vector<16xi32>
    %add3A_513 = arith.addi %shift_right_arithmetic3A_6, %add3A_512 : vector<16xi32>
    %gather3A_514 = tpu.vector_load_idx %arg10[%add3A_513, %and3A_8] : memref<128x16xf32, #tpu.memory_space<vmem>>[vector<16xi32>, vector<16xi32>], vector<16xf32>,
    %swap3A_515 = arith.constant 1008 : index
    %swap3A_516 = tpu.vector_load %arg20[%swap3A_515] {strides = array<i32>} : memref<1024xf32, #tpu.memory_space<vmem>>, vector<16xf32>,
    tpu.vector_store %arg20[%swap3A_515], %gather3A_514 {strides = array<i32>} : memref<1024xf32, #tpu.memory_space<vmem>>, vector<16xf32>,
    %mul3A_517 = arith.constant 8 : i32
    %mul3A_518 = arith.muli %mul3A_2, %mul3A_517 : i32
    "tpu.region"() ({
      %run_scoped3A = tpu.sem_alloc : memref<!tpu.dma_semaphore, #tpu.memory_space<semaphore_mem>>
      %dma_start3A_605 = tpu.memref_slice %arg6[%mul3A_518] : memref<32768xf32, #tpu.memory_space<hbm>> -> memref<1024xf32, #tpu.memory_space<hbm>>
      %dma_start3A_606 = tpu.memref_slice %arg6[%mul3A_518] : memref<32768xf32, #tpu.memory_space<hbm>> -> memref<1024xf32, #tpu.memory_space<hbm>>
      tpu.enqueue_dma source(%arg20 : memref<1024xf32, #tpu.memory_space<vmem>>) target(%dma_start3A_606 : memref<1024xf32, #tpu.memory_space<hbm>>) target_semaphore(%run_scoped3A : memref<!tpu.dma_semaphore, #tpu.memory_space<semaphore_mem>>)
      %dma_wait3A_607 = tpu.memref_slice %arg6[%mul3A_518] : memref<32768xf32, #tpu.memory_space<hbm>> -> memref<1024xf32, #tpu.memory_space<hbm>>
      %dma_wait3A_608 = tpu.memref_slice %arg6[%mul3A_518] : memref<32768xf32, #tpu.memory_space<hbm>> -> memref<1024xf32, #tpu.memory_space<hbm>>
      tpu.wait_dma2 semaphore(%run_scoped3A : memref<!tpu.dma_semaphore, #tpu.memory_space<semaphore_mem>>) src(%arg20 : memref<1024xf32, #tpu.memory_space<vmem>>) dst(%dma_wait3A_608 : memref<1024xf32, #tpu.memory_space<hbm>>)
      tpu.yield
    }) : () -> ()
    %dma_start3A_519 = arith.constant 0 : i32
    %dma_start3A_520 = tpu.memref_slice %arg7[%dma_start3A_519] : memref<25600xi32, #tpu.memory_space<vmem>> -> memref<128xi32, #tpu.memory_space<vmem>>
    %dma_start3A_521 = arith.constant 0 : i32
    %dma_start3A_522 = arith.constant 0 : i32
    %dma_start3A_523 = tpu.memref_slice %arg4[%dma_start3A_521, %dma_start3A_522] : memref<1048576x16xf32, #tpu.memory_space<hbm>> -> memref<1048576x16xf32, #tpu.memory_space<hbm>>
    tpu.enqueue_indirect_dma source(%dma_start3A_523 : memref<1048576x16xf32, #tpu.memory_space<hbm>>) target(%arg11 : memref<128x16xf32, #tpu.memory_space<vmem>>) offsets(%dma_start3A_520 : memref<128xi32, #tpu.memory_space<vmem>>) semaphore(%arg21 : memref<!tpu.dma_semaphore, #tpu.memory_space<semaphore_mem>>)
    %dma_start3A_524 = arith.constant 128 : i32
    %dma_start3A_525 = tpu.memref_slice %arg7[%dma_start3A_524] : memref<25600xi32, #tpu.memory_space<vmem>> -> memref<72xi32, #tpu.memory_space<vmem>>
    %dma_start3A_526 = arith.constant 0 : i32
    %dma_start3A_527 = arith.constant 0 : i32
    %dma_start3A_528 = tpu.memref_slice %arg4[%dma_start3A_526, %dma_start3A_527] : memref<1048576x16xf32, #tpu.memory_space<hbm>> -> memref<1048576x16xf32, #tpu.memory_space<hbm>>
    tpu.enqueue_indirect_dma source(%dma_start3A_528 : memref<1048576x16xf32, #tpu.memory_space<hbm>>) target(%arg15 : memref<72x16xf32, #tpu.memory_space<vmem>>) offsets(%dma_start3A_525 : memref<72xi32, #tpu.memory_space<vmem>>) semaphore(%arg21 : memref<!tpu.dma_semaphore, #tpu.memory_space<semaphore_mem>>)
    %dma_start3A_529 = arith.constant 200 : i32
    %dma_start3A_530 = tpu.memref_slice %arg7[%dma_start3A_529] : memref<25600xi32, #tpu.memory_space<vmem>> -> memref<128xi32, #tpu.memory_space<vmem>>
    %dma_start3A_531 = arith.constant 0 : i32
    %dma_start3A_532 = arith.constant 0 : i32
    %dma_start3A_533 = tpu.memref_slice %arg4[%dma_start3A_531, %dma_start3A_532] : memref<1048576x16xf32, #tpu.memory_space<hbm>> -> memref<1048576x16xf32, #tpu.memory_space<hbm>>
    tpu.enqueue_indirect_dma source(%dma_start3A_533 : memref<1048576x16xf32, #tpu.memory_space<hbm>>) target(%arg12 : memref<128x16xf32, #tpu.memory_space<vmem>>) offsets(%dma_start3A_530 : memref<128xi32, #tpu.memory_space<vmem>>) semaphore(%arg22 : memref<!tpu.dma_semaphore, #tpu.memory_space<semaphore_mem>>)
    %dma_start3A_534 = arith.constant 328 : i32
    %dma_start3A_535 = tpu.memref_slice %arg7[%dma_start3A_534] : memref<25600xi32, #tpu.memory_space<vmem>> -> memref<72xi32, #tpu.memory_space<vmem>>
    %dma_start3A_536 = arith.constant 0 : i32
    %dma_start3A_537 = arith.constant 0 : i32
    %dma_start3A_538 = tpu.memref_slice %arg4[%dma_start3A_536, %dma_start3A_537] : memref<1048576x16xf32, #tpu.memory_space<hbm>> -> memref<1048576x16xf32, #tpu.memory_space<hbm>>
    tpu.enqueue_indirect_dma source(%dma_start3A_538 : memref<1048576x16xf32, #tpu.memory_space<hbm>>) target(%arg16 : memref<72x16xf32, #tpu.memory_space<vmem>>) offsets(%dma_start3A_535 : memref<72xi32, #tpu.memory_space<vmem>>) semaphore(%arg22 : memref<!tpu.dma_semaphore, #tpu.memory_space<semaphore_mem>>)
    %dma_start3A_539 = arith.constant 400 : i32
    %dma_start3A_540 = tpu.memref_slice %arg7[%dma_start3A_539] : memref<25600xi32, #tpu.memory_space<vmem>> -> memref<128xi32, #tpu.memory_space<vmem>>
    %dma_start3A_541 = arith.constant 0 : i32
    %dma_start3A_542 = arith.constant 0 : i32
    %dma_start3A_543 = tpu.memref_slice %arg4[%dma_start3A_541, %dma_start3A_542] : memref<1048576x16xf32, #tpu.memory_space<hbm>> -> memref<1048576x16xf32, #tpu.memory_space<hbm>>
    tpu.enqueue_indirect_dma source(%dma_start3A_543 : memref<1048576x16xf32, #tpu.memory_space<hbm>>) target(%arg13 : memref<128x16xf32, #tpu.memory_space<vmem>>) offsets(%dma_start3A_540 : memref<128xi32, #tpu.memory_space<vmem>>) semaphore(%arg23 : memref<!tpu.dma_semaphore, #tpu.memory_space<semaphore_mem>>)
    %dma_start3A_544 = arith.constant 528 : i32
    %dma_start3A_545 = tpu.memref_slice %arg7[%dma_start3A_544] : memref<25600xi32, #tpu.memory_space<vmem>> -> memref<72xi32, #tpu.memory_space<vmem>>
    %dma_start3A_546 = arith.constant 0 : i32
    %dma_start3A_547 = arith.constant 0 : i32
    %dma_start3A_548 = tpu.memref_slice %arg4[%dma_start3A_546, %dma_start3A_547] : memref<1048576x16xf32, #tpu.memory_space<hbm>> -> memref<1048576x16xf32, #tpu.memory_space<hbm>>
    tpu.enqueue_indirect_dma source(%dma_start3A_548 : memref<1048576x16xf32, #tpu.memory_space<hbm>>) target(%arg17 : memref<72x16xf32, #tpu.memory_space<vmem>>) offsets(%dma_start3A_545 : memref<72xi32, #tpu.memory_space<vmem>>) semaphore(%arg23 : memref<!tpu.dma_semaphore, #tpu.memory_space<semaphore_mem>>)
    %dma_start3A_549 = arith.constant 600 : i32
    %dma_start3A_550 = tpu.memref_slice %arg7[%dma_start3A_549] : memref<25600xi32, #tpu.memory_space<vmem>> -> memref<128xi32, #tpu.memory_space<vmem>>
    %dma_start3A_551 = arith.constant 0 : i32
    %dma_start3A_552 = arith.constant 0 : i32
    %dma_start3A_553 = tpu.memref_slice %arg4[%dma_start3A_551, %dma_start3A_552] : memref<1048576x16xf32, #tpu.memory_space<hbm>> -> memref<1048576x16xf32, #tpu.memory_space<hbm>>
    tpu.enqueue_indirect_dma source(%dma_start3A_553 : memref<1048576x16xf32, #tpu.memory_space<hbm>>) target(%arg14 : memref<128x16xf32, #tpu.memory_space<vmem>>) offsets(%dma_start3A_550 : memref<128xi32, #tpu.memory_space<vmem>>) semaphore(%arg24 : memref<!tpu.dma_semaphore, #tpu.memory_space<semaphore_mem>>)
    %dma_start3A_554 = arith.constant 728 : i32
    %dma_start3A_555 = tpu.memref_slice %arg7[%dma_start3A_554] : memref<25600xi32, #tpu.memory_space<vmem>> -> memref<72xi32, #tpu.memory_space<vmem>>
    %dma_start3A_556 = arith.constant 0 : i32
    %dma_start3A_557 = arith.constant 0 : i32
    %dma_start3A_558 = tpu.memref_slice %arg4[%dma_start3A_556, %dma_start3A_557] : memref<1048576x16xf32, #tpu.memory_space<hbm>> -> memref<1048576x16xf32, #tpu.memory_space<hbm>>
    tpu.enqueue_indirect_dma source(%dma_start3A_558 : memref<1048576x16xf32, #tpu.memory_space<hbm>>) target(%arg18 : memref<72x16xf32, #tpu.memory_space<vmem>>) offsets(%dma_start3A_555 : memref<72xi32, #tpu.memory_space<vmem>>) semaphore(%arg24 : memref<!tpu.dma_semaphore, #tpu.memory_space<semaphore_mem>>)
    %scan3A = arith.constant 0 : i32
    %scan3A_559 = arith.constant 32 : i32
    %scan3A_560 = arith.addi %scan3A, %scan3A_559 : i32
    %scan3A_561 = arith.constant 1 : i32
    scf.for %scan3A_605 = %scan3A to %scan3A_560 step %scan3A_561  : i32 {
      %mul3A_606 = arith.constant 4 : i32
      %mul3A_607 = arith.muli %scan3A_605, %mul3A_606 : i32
      %add3A_608 = arith.constant 0 : i32
      %add3A_609 = arith.addi %add3A_608, %mul3A_607 : i32
      %add3A_610 = arith.constant 0 : i32
      %add3A_611 = arith.addi %add3A_609, %add3A_610 : i32
      %dma_wait3A_612 = arith.constant 0 : i32
      %dma_wait3A_613 = tpu.memref_slice %arg7[%dma_wait3A_612] : memref<25600xi32, #tpu.memory_space<vmem>> -> memref<128xi32, #tpu.memory_space<vmem>>
      %dma_wait3A_614 = arith.constant 0 : i32
      %dma_wait3A_615 = arith.constant 0 : i32
      %dma_wait3A_616 = tpu.memref_slice %arg4[%dma_wait3A_614, %dma_wait3A_615] : memref<1048576x16xf32, #tpu.memory_space<hbm>> -> memref<1048576x16xf32, #tpu.memory_space<hbm>>
      tpu.wait_indirect_dma semaphore(%arg21 : memref<!tpu.dma_semaphore, #tpu.memory_space<semaphore_mem>>) src(%dma_wait3A_616 : memref<1048576x16xf32, #tpu.memory_space<hbm>>) dst(%arg11 : memref<128x16xf32, #tpu.memory_space<vmem>>)
      %dma_wait3A_617 = arith.constant 0 : i32
      %dma_wait3A_618 = tpu.memref_slice %arg7[%dma_wait3A_617] : memref<25600xi32, #tpu.memory_space<vmem>> -> memref<72xi32, #tpu.memory_space<vmem>>
      %dma_wait3A_619 = arith.constant 0 : i32
      %dma_wait3A_620 = arith.constant 0 : i32
      %dma_wait3A_621 = tpu.memref_slice %arg4[%dma_wait3A_619, %dma_wait3A_620] : memref<1048576x16xf32, #tpu.memory_space<hbm>> -> memref<1048576x16xf32, #tpu.memory_space<hbm>>
      tpu.wait_indirect_dma semaphore(%arg21 : memref<!tpu.dma_semaphore, #tpu.memory_space<semaphore_mem>>) src(%dma_wait3A_621 : memref<1048576x16xf32, #tpu.memory_space<hbm>>) dst(%arg15 : memref<72x16xf32, #tpu.memory_space<vmem>>)
      %broadcast_in_dim3A = arith.constant 0.000000e+00 : f32
      %broadcast_in_dim3A_622 = vector.broadcast %broadcast_in_dim3A : f32 to vector<16xf32>
      %broadcast_in_dim3A_623 = arith.constant 0.000000e+00 : f32
      %broadcast_in_dim3A_624 = vector.broadcast %broadcast_in_dim3A_623 : f32 to vector<16xf32>
      %broadcast_in_dim3A_625 = arith.constant 0.000000e+00 : f32
      %broadcast_in_dim3A_626 = vector.broadcast %broadcast_in_dim3A_625 : f32 to vector<16xf32>
      %broadcast_in_dim3A_627 = arith.constant 0.000000e+00 : f32
      %broadcast_in_dim3A_628 = vector.broadcast %broadcast_in_dim3A_627 : f32 to vector<16xf32>
      %add3A_629 = arith.constant 0 : i32
      %add3A_630 = vector.broadcast %add3A_629 : i32 to vector<16xi32>
      %add3A_631 = arith.addi %shift_right_arithmetic3A_6, %add3A_630 : vector<16xi32>
      %gather3A_632 = tpu.vector_load_idx %arg11[%add3A_631, %and3A_8] : memref<128x16xf32, #tpu.memory_space<vmem>>[vector<16xi32>, vector<16xi32>], vector<16xf32>,
      %add3A_633 = arith.addf %broadcast_in_dim3A_622, %gather3A_632 : vector<16xf32>
      %add3A_634 = arith.constant 2 : i32
      %add3A_635 = vector.broadcast %add3A_634 : i32 to vector<16xi32>
      %add3A_636 = arith.addi %shift_right_arithmetic3A_6, %add3A_635 : vector<16xi32>
      %gather3A_637 = tpu.vector_load_idx %arg11[%add3A_636, %and3A_8] : memref<128x16xf32, #tpu.memory_space<vmem>>[vector<16xi32>, vector<16xi32>], vector<16xf32>,
      %add3A_638 = arith.addf %broadcast_in_dim3A_624, %gather3A_637 : vector<16xf32>
      %add3A_639 = arith.constant 4 : i32
      %add3A_640 = vector.broadcast %add3A_639 : i32 to vector<16xi32>
      %add3A_641 = arith.addi %shift_right_arithmetic3A_6, %add3A_640 : vector<16xi32>
      %gather3A_642 = tpu.vector_load_idx %arg11[%add3A_641, %and3A_8] : memref<128x16xf32, #tpu.memory_space<vmem>>[vector<16xi32>, vector<16xi32>], vector<16xf32>,
      %add3A_643 = arith.addf %broadcast_in_dim3A_626, %gather3A_642 : vector<16xf32>
      %add3A_644 = arith.constant 6 : i32
      %add3A_645 = vector.broadcast %add3A_644 : i32 to vector<16xi32>
      %add3A_646 = arith.addi %shift_right_arithmetic3A_6, %add3A_645 : vector<16xi32>
      %gather3A_647 = tpu.vector_load_idx %arg11[%add3A_646, %and3A_8] : memref<128x16xf32, #tpu.memory_space<vmem>>[vector<16xi32>, vector<16xi32>], vector<16xf32>,
      %add3A_648 = arith.addf %broadcast_in_dim3A_628, %gather3A_647 : vector<16xf32>
      %add3A_649 = arith.constant 8 : i32
      %add3A_650 = vector.broadcast %add3A_649 : i32 to vector<16xi32>
      %add3A_651 = arith.addi %shift_right_arithmetic3A_6, %add3A_650 : vector<16xi32>
      %gather3A_652 = tpu.vector_load_idx %arg11[%add3A_651, %and3A_8] : memref<128x16xf32, #tpu.memory_space<vmem>>[vector<16xi32>, vector<16xi32>], vector<16xf32>,
      %add3A_653 = arith.addf %add3A_633, %gather3A_652 : vector<16xf32>
      %add3A_654 = arith.constant 10 : i32
      %add3A_655 = vector.broadcast %add3A_654 : i32 to vector<16xi32>
      %add3A_656 = arith.addi %shift_right_arithmetic3A_6, %add3A_655 : vector<16xi32>
      %gather3A_657 = tpu.vector_load_idx %arg11[%add3A_656, %and3A_8] : memref<128x16xf32, #tpu.memory_space<vmem>>[vector<16xi32>, vector<16xi32>], vector<16xf32>,
      %add3A_658 = arith.addf %add3A_638, %gather3A_657 : vector<16xf32>
      %add3A_659 = arith.constant 12 : i32
      %add3A_660 = vector.broadcast %add3A_659 : i32 to vector<16xi32>
      %add3A_661 = arith.addi %shift_right_arithmetic3A_6, %add3A_660 : vector<16xi32>
      %gather3A_662 = tpu.vector_load_idx %arg11[%add3A_661, %and3A_8] : memref<128x16xf32, #tpu.memory_space<vmem>>[vector<16xi32>, vector<16xi32>], vector<16xf32>,
      %add3A_663 = arith.addf %add3A_643, %gather3A_662 : vector<16xf32>
      %add3A_664 = arith.constant 14 : i32
      %add3A_665 = vector.broadcast %add3A_664 : i32 to vector<16xi32>
      %add3A_666 = arith.addi %shift_right_arithmetic3A_6, %add3A_665 : vector<16xi32>
      %gather3A_667 = tpu.vector_load_idx %arg11[%add3A_666, %and3A_8] : memref<128x16xf32, #tpu.memory_space<vmem>>[vector<16xi32>, vector<16xi32>], vector<16xf32>,
      %add3A_668 = arith.addf %add3A_648, %gather3A_667 : vector<16xf32>
      %add3A_669 = arith.constant 16 : i32
      %add3A_670 = vector.broadcast %add3A_669 : i32 to vector<16xi32>
      %add3A_671 = arith.addi %shift_right_arithmetic3A_6, %add3A_670 : vector<16xi32>
      %gather3A_672 = tpu.vector_load_idx %arg11[%add3A_671, %and3A_8] : memref<128x16xf32, #tpu.memory_space<vmem>>[vector<16xi32>, vector<16xi32>], vector<16xf32>,
      %add3A_673 = arith.addf %add3A_653, %gather3A_672 : vector<16xf32>
      %add3A_674 = arith.constant 18 : i32
      %add3A_675 = vector.broadcast %add3A_674 : i32 to vector<16xi32>
      %add3A_676 = arith.addi %shift_right_arithmetic3A_6, %add3A_675 : vector<16xi32>
      %gather3A_677 = tpu.vector_load_idx %arg11[%add3A_676, %and3A_8] : memref<128x16xf32, #tpu.memory_space<vmem>>[vector<16xi32>, vector<16xi32>], vector<16xf32>,
      %add3A_678 = arith.addf %add3A_658, %gather3A_677 : vector<16xf32>
      %add3A_679 = arith.constant 20 : i32
      %add3A_680 = vector.broadcast %add3A_679 : i32 to vector<16xi32>
      %add3A_681 = arith.addi %shift_right_arithmetic3A_6, %add3A_680 : vector<16xi32>
      %gather3A_682 = tpu.vector_load_idx %arg11[%add3A_681, %and3A_8] : memref<128x16xf32, #tpu.memory_space<vmem>>[vector<16xi32>, vector<16xi32>], vector<16xf32>,
      %add3A_683 = arith.addf %add3A_663, %gather3A_682 : vector<16xf32>
      %add3A_684 = arith.constant 22 : i32
      %add3A_685 = vector.broadcast %add3A_684 : i32 to vector<16xi32>
      %add3A_686 = arith.addi %shift_right_arithmetic3A_6, %add3A_685 : vector<16xi32>
      %gather3A_687 = tpu.vector_load_idx %arg11[%add3A_686, %and3A_8] : memref<128x16xf32, #tpu.memory_space<vmem>>[vector<16xi32>, vector<16xi32>], vector<16xf32>,
      %add3A_688 = arith.addf %add3A_668, %gather3A_687 : vector<16xf32>
      %add3A_689 = arith.constant 24 : i32
      %add3A_690 = vector.broadcast %add3A_689 : i32 to vector<16xi32>
      %add3A_691 = arith.addi %shift_right_arithmetic3A_6, %add3A_690 : vector<16xi32>
      %gather3A_692 = tpu.vector_load_idx %arg11[%add3A_691, %and3A_8] : memref<128x16xf32, #tpu.memory_space<vmem>>[vector<16xi32>, vector<16xi32>], vector<16xf32>,
      %add3A_693 = arith.addf %add3A_673, %gather3A_692 : vector<16xf32>
      %add3A_694 = arith.constant 26 : i32
      %add3A_695 = vector.broadcast %add3A_694 : i32 to vector<16xi32>
      %add3A_696 = arith.addi %shift_right_arithmetic3A_6, %add3A_695 : vector<16xi32>
      %gather3A_697 = tpu.vector_load_idx %arg11[%add3A_696, %and3A_8] : memref<128x16xf32, #tpu.memory_space<vmem>>[vector<16xi32>, vector<16xi32>], vector<16xf32>,
      %add3A_698 = arith.addf %add3A_678, %gather3A_697 : vector<16xf32>
      %add3A_699 = arith.constant 28 : i32
      %add3A_700 = vector.broadcast %add3A_699 : i32 to vector<16xi32>
      %add3A_701 = arith.addi %shift_right_arithmetic3A_6, %add3A_700 : vector<16xi32>
      %gather3A_702 = tpu.vector_load_idx %arg11[%add3A_701, %and3A_8] : memref<128x16xf32, #tpu.memory_space<vmem>>[vector<16xi32>, vector<16xi32>], vector<16xf32>,
      %add3A_703 = arith.addf %add3A_683, %gather3A_702 : vector<16xf32>
      %add3A_704 = arith.constant 30 : i32
      %add3A_705 = vector.broadcast %add3A_704 : i32 to vector<16xi32>
      %add3A_706 = arith.addi %shift_right_arithmetic3A_6, %add3A_705 : vector<16xi32>
      %gather3A_707 = tpu.vector_load_idx %arg11[%add3A_706, %and3A_8] : memref<128x16xf32, #tpu.memory_space<vmem>>[vector<16xi32>, vector<16xi32>], vector<16xf32>,
      %add3A_708 = arith.addf %add3A_688, %gather3A_707 : vector<16xf32>
      %add3A_709 = arith.constant 32 : i32
      %add3A_710 = vector.broadcast %add3A_709 : i32 to vector<16xi32>
      %add3A_711 = arith.addi %shift_right_arithmetic3A_6, %add3A_710 : vector<16xi32>
      %gather3A_712 = tpu.vector_load_idx %arg11[%add3A_711, %and3A_8] : memref<128x16xf32, #tpu.memory_space<vmem>>[vector<16xi32>, vector<16xi32>], vector<16xf32>,
      %add3A_713 = arith.addf %add3A_693, %gather3A_712 : vector<16xf32>
      %add3A_714 = arith.constant 34 : i32
      %add3A_715 = vector.broadcast %add3A_714 : i32 to vector<16xi32>
      %add3A_716 = arith.addi %shift_right_arithmetic3A_6, %add3A_715 : vector<16xi32>
      %gather3A_717 = tpu.vector_load_idx %arg11[%add3A_716, %and3A_8] : memref<128x16xf32, #tpu.memory_space<vmem>>[vector<16xi32>, vector<16xi32>], vector<16xf32>,
      %add3A_718 = arith.addf %add3A_698, %gather3A_717 : vector<16xf32>
      %add3A_719 = arith.constant 36 : i32
      %add3A_720 = vector.broadcast %add3A_719 : i32 to vector<16xi32>
      %add3A_721 = arith.addi %shift_right_arithmetic3A_6, %add3A_720 : vector<16xi32>
      %gather3A_722 = tpu.vector_load_idx %arg11[%add3A_721, %and3A_8] : memref<128x16xf32, #tpu.memory_space<vmem>>[vector<16xi32>, vector<16xi32>], vector<16xf32>,
      %add3A_723 = arith.addf %add3A_703, %gather3A_722 : vector<16xf32>
      %add3A_724 = arith.constant 38 : i32
      %add3A_725 = vector.broadcast %add3A_724 : i32 to vector<16xi32>
      %add3A_726 = arith.addi %shift_right_arithmetic3A_6, %add3A_725 : vector<16xi32>
      %gather3A_727 = tpu.vector_load_idx %arg11[%add3A_726, %and3A_8] : memref<128x16xf32, #tpu.memory_space<vmem>>[vector<16xi32>, vector<16xi32>], vector<16xf32>,
      %add3A_728 = arith.addf %add3A_708, %gather3A_727 : vector<16xf32>
      %add3A_729 = arith.constant 40 : i32
      %add3A_730 = vector.broadcast %add3A_729 : i32 to vector<16xi32>
      %add3A_731 = arith.addi %shift_right_arithmetic3A_6, %add3A_730 : vector<16xi32>
      %gather3A_732 = tpu.vector_load_idx %arg11[%add3A_731, %and3A_8] : memref<128x16xf32, #tpu.memory_space<vmem>>[vector<16xi32>, vector<16xi32>], vector<16xf32>,
      %add3A_733 = arith.addf %add3A_713, %gather3A_732 : vector<16xf32>
      %add3A_734 = arith.constant 42 : i32
      %add3A_735 = vector.broadcast %add3A_734 : i32 to vector<16xi32>
      %add3A_736 = arith.addi %shift_right_arithmetic3A_6, %add3A_735 : vector<16xi32>
      %gather3A_737 = tpu.vector_load_idx %arg11[%add3A_736, %and3A_8] : memref<128x16xf32, #tpu.memory_space<vmem>>[vector<16xi32>, vector<16xi32>], vector<16xf32>,
      %add3A_738 = arith.addf %add3A_718, %gather3A_737 : vector<16xf32>
      %add3A_739 = arith.constant 44 : i32
      %add3A_740 = vector.broadcast %add3A_739 : i32 to vector<16xi32>
      %add3A_741 = arith.addi %shift_right_arithmetic3A_6, %add3A_740 : vector<16xi32>
      %gather3A_742 = tpu.vector_load_idx %arg11[%add3A_741, %and3A_8] : memref<128x16xf32, #tpu.memory_space<vmem>>[vector<16xi32>, vector<16xi32>], vector<16xf32>,
      %add3A_743 = arith.addf %add3A_723, %gather3A_742 : vector<16xf32>
      %add3A_744 = arith.constant 46 : i32
      %add3A_745 = vector.broadcast %add3A_744 : i32 to vector<16xi32>
      %add3A_746 = arith.addi %shift_right_arithmetic3A_6, %add3A_745 : vector<16xi32>
      %gather3A_747 = tpu.vector_load_idx %arg11[%add3A_746, %and3A_8] : memref<128x16xf32, #tpu.memory_space<vmem>>[vector<16xi32>, vector<16xi32>], vector<16xf32>,
      %add3A_748 = arith.addf %add3A_728, %gather3A_747 : vector<16xf32>
      %add3A_749 = arith.constant 48 : i32
      %add3A_750 = vector.broadcast %add3A_749 : i32 to vector<16xi32>
      %add3A_751 = arith.addi %shift_right_arithmetic3A_6, %add3A_750 : vector<16xi32>
      %gather3A_752 = tpu.vector_load_idx %arg11[%add3A_751, %and3A_8] : memref<128x16xf32, #tpu.memory_space<vmem>>[vector<16xi32>, vector<16xi32>], vector<16xf32>,
      %add3A_753 = arith.addf %add3A_733, %gather3A_752 : vector<16xf32>
      %add3A_754 = arith.constant 50 : i32
      %add3A_755 = vector.broadcast %add3A_754 : i32 to vector<16xi32>
      %add3A_756 = arith.addi %shift_right_arithmetic3A_6, %add3A_755 : vector<16xi32>
      %gather3A_757 = tpu.vector_load_idx %arg11[%add3A_756, %and3A_8] : memref<128x16xf32, #tpu.memory_space<vmem>>[vector<16xi32>, vector<16xi32>], vector<16xf32>,
      %add3A_758 = arith.addf %add3A_738, %gather3A_757 : vector<16xf32>
      %add3A_759 = arith.constant 52 : i32
      %add3A_760 = vector.broadcast %add3A_759 : i32 to vector<16xi32>
      %add3A_761 = arith.addi %shift_right_arithmetic3A_6, %add3A_760 : vector<16xi32>
      %gather3A_762 = tpu.vector_load_idx %arg11[%add3A_761, %and3A_8] : memref<128x16xf32, #tpu.memory_space<vmem>>[vector<16xi32>, vector<16xi32>], vector<16xf32>,
      %add3A_763 = arith.addf %add3A_743, %gather3A_762 : vector<16xf32>
      %add3A_764 = arith.constant 54 : i32
      %add3A_765 = vector.broadcast %add3A_764 : i32 to vector<16xi32>
      %add3A_766 = arith.addi %shift_right_arithmetic3A_6, %add3A_765 : vector<16xi32>
      %gather3A_767 = tpu.vector_load_idx %arg11[%add3A_766, %and3A_8] : memref<128x16xf32, #tpu.memory_space<vmem>>[vector<16xi32>, vector<16xi32>], vector<16xf32>,
      %add3A_768 = arith.addf %add3A_748, %gather3A_767 : vector<16xf32>
      %add3A_769 = arith.constant 56 : i32
      %add3A_770 = vector.broadcast %add3A_769 : i32 to vector<16xi32>
      %add3A_771 = arith.addi %shift_right_arithmetic3A_6, %add3A_770 : vector<16xi32>
      %gather3A_772 = tpu.vector_load_idx %arg11[%add3A_771, %and3A_8] : memref<128x16xf32, #tpu.memory_space<vmem>>[vector<16xi32>, vector<16xi32>], vector<16xf32>,
      %add3A_773 = arith.addf %add3A_753, %gather3A_772 : vector<16xf32>
      %add3A_774 = arith.constant 58 : i32
      %add3A_775 = vector.broadcast %add3A_774 : i32 to vector<16xi32>
      %add3A_776 = arith.addi %shift_right_arithmetic3A_6, %add3A_775 : vector<16xi32>
      %gather3A_777 = tpu.vector_load_idx %arg11[%add3A_776, %and3A_8] : memref<128x16xf32, #tpu.memory_space<vmem>>[vector<16xi32>, vector<16xi32>], vector<16xf32>,
      %add3A_778 = arith.addf %add3A_758, %gather3A_777 : vector<16xf32>
      %add3A_779 = arith.constant 60 : i32
      %add3A_780 = vector.broadcast %add3A_779 : i32 to vector<16xi32>
      %add3A_781 = arith.addi %shift_right_arithmetic3A_6, %add3A_780 : vector<16xi32>
      %gather3A_782 = tpu.vector_load_idx %arg11[%add3A_781, %and3A_8] : memref<128x16xf32, #tpu.memory_space<vmem>>[vector<16xi32>, vector<16xi32>], vector<16xf32>,
      %add3A_783 = arith.addf %add3A_763, %gather3A_782 : vector<16xf32>
      %add3A_784 = arith.constant 62 : i32
      %add3A_785 = vector.broadcast %add3A_784 : i32 to vector<16xi32>
      %add3A_786 = arith.addi %shift_right_arithmetic3A_6, %add3A_785 : vector<16xi32>
      %gather3A_787 = tpu.vector_load_idx %arg11[%add3A_786, %and3A_8] : memref<128x16xf32, #tpu.memory_space<vmem>>[vector<16xi32>, vector<16xi32>], vector<16xf32>,
      %add3A_788 = arith.addf %add3A_768, %gather3A_787 : vector<16xf32>
      %add3A_789 = arith.constant 64 : i32
      %add3A_790 = vector.broadcast %add3A_789 : i32 to vector<16xi32>
      %add3A_791 = arith.addi %shift_right_arithmetic3A_6, %add3A_790 : vector<16xi32>
      %gather3A_792 = tpu.vector_load_idx %arg11[%add3A_791, %and3A_8] : memref<128x16xf32, #tpu.memory_space<vmem>>[vector<16xi32>, vector<16xi32>], vector<16xf32>,
      %add3A_793 = arith.addf %add3A_773, %gather3A_792 : vector<16xf32>
      %add3A_794 = arith.constant 66 : i32
      %add3A_795 = vector.broadcast %add3A_794 : i32 to vector<16xi32>
      %add3A_796 = arith.addi %shift_right_arithmetic3A_6, %add3A_795 : vector<16xi32>
      %gather3A_797 = tpu.vector_load_idx %arg11[%add3A_796, %and3A_8] : memref<128x16xf32, #tpu.memory_space<vmem>>[vector<16xi32>, vector<16xi32>], vector<16xf32>,
      %add3A_798 = arith.addf %add3A_778, %gather3A_797 : vector<16xf32>
      %add3A_799 = arith.constant 68 : i32
      %add3A_800 = vector.broadcast %add3A_799 : i32 to vector<16xi32>
      %add3A_801 = arith.addi %shift_right_arithmetic3A_6, %add3A_800 : vector<16xi32>
      %gather3A_802 = tpu.vector_load_idx %arg11[%add3A_801, %and3A_8] : memref<128x16xf32, #tpu.memory_space<vmem>>[vector<16xi32>, vector<16xi32>], vector<16xf32>,
      %add3A_803 = arith.addf %add3A_783, %gather3A_802 : vector<16xf32>
      %add3A_804 = arith.constant 70 : i32
      %add3A_805 = vector.broadcast %add3A_804 : i32 to vector<16xi32>
      %add3A_806 = arith.addi %shift_right_arithmetic3A_6, %add3A_805 : vector<16xi32>
      %gather3A_807 = tpu.vector_load_idx %arg11[%add3A_806, %and3A_8] : memref<128x16xf32, #tpu.memory_space<vmem>>[vector<16xi32>, vector<16xi32>], vector<16xf32>,
      %add3A_808 = arith.addf %add3A_788, %gather3A_807 : vector<16xf32>
      %add3A_809 = arith.constant 72 : i32
      %add3A_810 = vector.broadcast %add3A_809 : i32 to vector<16xi32>
      %add3A_811 = arith.addi %shift_right_arithmetic3A_6, %add3A_810 : vector<16xi32>
      %gather3A_812 = tpu.vector_load_idx %arg11[%add3A_811, %and3A_8] : memref<128x16xf32, #tpu.memory_space<vmem>>[vector<16xi32>, vector<16xi32>], vector<16xf32>,
      %add3A_813 = arith.addf %add3A_793, %gather3A_812 : vector<16xf32>
      %add3A_814 = arith.constant 74 : i32
      %add3A_815 = vector.broadcast %add3A_814 : i32 to vector<16xi32>
      %add3A_816 = arith.addi %shift_right_arithmetic3A_6, %add3A_815 : vector<16xi32>
      %gather3A_817 = tpu.vector_load_idx %arg11[%add3A_816, %and3A_8] : memref<128x16xf32, #tpu.memory_space<vmem>>[vector<16xi32>, vector<16xi32>], vector<16xf32>,
      %add3A_818 = arith.addf %add3A_798, %gather3A_817 : vector<16xf32>
      %add3A_819 = arith.constant 76 : i32
      %add3A_820 = vector.broadcast %add3A_819 : i32 to vector<16xi32>
      %add3A_821 = arith.addi %shift_right_arithmetic3A_6, %add3A_820 : vector<16xi32>
      %gather3A_822 = tpu.vector_load_idx %arg11[%add3A_821, %and3A_8] : memref<128x16xf32, #tpu.memory_space<vmem>>[vector<16xi32>, vector<16xi32>], vector<16xf32>,
      %add3A_823 = arith.addf %add3A_803, %gather3A_822 : vector<16xf32>
      %add3A_824 = arith.constant 78 : i32
      %add3A_825 = vector.broadcast %add3A_824 : i32 to vector<16xi32>
      %add3A_826 = arith.addi %shift_right_arithmetic3A_6, %add3A_825 : vector<16xi32>
      %gather3A_827 = tpu.vector_load_idx %arg11[%add3A_826, %and3A_8] : memref<128x16xf32, #tpu.memory_space<vmem>>[vector<16xi32>, vector<16xi32>], vector<16xf32>,
      %add3A_828 = arith.addf %add3A_808, %gather3A_827 : vector<16xf32>
      %add3A_829 = arith.constant 80 : i32
      %add3A_830 = vector.broadcast %add3A_829 : i32 to vector<16xi32>
      %add3A_831 = arith.addi %shift_right_arithmetic3A_6, %add3A_830 : vector<16xi32>
      %gather3A_832 = tpu.vector_load_idx %arg11[%add3A_831, %and3A_8] : memref<128x16xf32, #tpu.memory_space<vmem>>[vector<16xi32>, vector<16xi32>], vector<16xf32>,
      %add3A_833 = arith.addf %add3A_813, %gather3A_832 : vector<16xf32>
      %add3A_834 = arith.constant 82 : i32
      %add3A_835 = vector.broadcast %add3A_834 : i32 to vector<16xi32>
      %add3A_836 = arith.addi %shift_right_arithmetic3A_6, %add3A_835 : vector<16xi32>
      %gather3A_837 = tpu.vector_load_idx %arg11[%add3A_836, %and3A_8] : memref<128x16xf32, #tpu.memory_space<vmem>>[vector<16xi32>, vector<16xi32>], vector<16xf32>,
      %add3A_838 = arith.addf %add3A_818, %gather3A_837 : vector<16xf32>
      %add3A_839 = arith.constant 84 : i32
      %add3A_840 = vector.broadcast %add3A_839 : i32 to vector<16xi32>
      %add3A_841 = arith.addi %shift_right_arithmetic3A_6, %add3A_840 : vector<16xi32>
      %gather3A_842 = tpu.vector_load_idx %arg11[%add3A_841, %and3A_8] : memref<128x16xf32, #tpu.memory_space<vmem>>[vector<16xi32>, vector<16xi32>], vector<16xf32>,
      %add3A_843 = arith.addf %add3A_823, %gather3A_842 : vector<16xf32>
      %add3A_844 = arith.constant 86 : i32
      %add3A_845 = vector.broadcast %add3A_844 : i32 to vector<16xi32>
      %add3A_846 = arith.addi %shift_right_arithmetic3A_6, %add3A_845 : vector<16xi32>
      %gather3A_847 = tpu.vector_load_idx %arg11[%add3A_846, %and3A_8] : memref<128x16xf32, #tpu.memory_space<vmem>>[vector<16xi32>, vector<16xi32>], vector<16xf32>,
      %add3A_848 = arith.addf %add3A_828, %gather3A_847 : vector<16xf32>
      %add3A_849 = arith.constant 88 : i32
      %add3A_850 = vector.broadcast %add3A_849 : i32 to vector<16xi32>
      %add3A_851 = arith.addi %shift_right_arithmetic3A_6, %add3A_850 : vector<16xi32>
      %gather3A_852 = tpu.vector_load_idx %arg11[%add3A_851, %and3A_8] : memref<128x16xf32, #tpu.memory_space<vmem>>[vector<16xi32>, vector<16xi32>], vector<16xf32>,
      %add3A_853 = arith.addf %add3A_833, %gather3A_852 : vector<16xf32>
      %add3A_854 = arith.constant 90 : i32
      %add3A_855 = vector.broadcast %add3A_854 : i32 to vector<16xi32>
      %add3A_856 = arith.addi %shift_right_arithmetic3A_6, %add3A_855 : vector<16xi32>
      %gather3A_857 = tpu.vector_load_idx %arg11[%add3A_856, %and3A_8] : memref<128x16xf32, #tpu.memory_space<vmem>>[vector<16xi32>, vector<16xi32>], vector<16xf32>,
      %add3A_858 = arith.addf %add3A_838, %gather3A_857 : vector<16xf32>
      %add3A_859 = arith.constant 92 : i32
      %add3A_860 = vector.broadcast %add3A_859 : i32 to vector<16xi32>
      %add3A_861 = arith.addi %shift_right_arithmetic3A_6, %add3A_860 : vector<16xi32>
      %gather3A_862 = tpu.vector_load_idx %arg11[%add3A_861, %and3A_8] : memref<128x16xf32, #tpu.memory_space<vmem>>[vector<16xi32>, vector<16xi32>], vector<16xf32>,
      %add3A_863 = arith.addf %add3A_843, %gather3A_862 : vector<16xf32>
      %add3A_864 = arith.constant 94 : i32
      %add3A_865 = vector.broadcast %add3A_864 : i32 to vector<16xi32>
      %add3A_866 = arith.addi %shift_right_arithmetic3A_6, %add3A_865 : vector<16xi32>
      %gather3A_867 = tpu.vector_load_idx %arg11[%add3A_866, %and3A_8] : memref<128x16xf32, #tpu.memory_space<vmem>>[vector<16xi32>, vector<16xi32>], vector<16xf32>,
      %add3A_868 = arith.addf %add3A_848, %gather3A_867 : vector<16xf32>
      %add3A_869 = arith.constant 96 : i32
      %add3A_870 = vector.broadcast %add3A_869 : i32 to vector<16xi32>
      %add3A_871 = arith.addi %shift_right_arithmetic3A_6, %add3A_870 : vector<16xi32>
      %gather3A_872 = tpu.vector_load_idx %arg11[%add3A_871, %and3A_8] : memref<128x16xf32, #tpu.memory_space<vmem>>[vector<16xi32>, vector<16xi32>], vector<16xf32>,
      %add3A_873 = arith.addf %add3A_853, %gather3A_872 : vector<16xf32>
      %add3A_874 = arith.constant 98 : i32
      %add3A_875 = vector.broadcast %add3A_874 : i32 to vector<16xi32>
      %add3A_876 = arith.addi %shift_right_arithmetic3A_6, %add3A_875 : vector<16xi32>
      %gather3A_877 = tpu.vector_load_idx %arg11[%add3A_876, %and3A_8] : memref<128x16xf32, #tpu.memory_space<vmem>>[vector<16xi32>, vector<16xi32>], vector<16xf32>,
      %add3A_878 = arith.addf %add3A_858, %gather3A_877 : vector<16xf32>
      %add3A_879 = arith.constant 100 : i32
      %add3A_880 = vector.broadcast %add3A_879 : i32 to vector<16xi32>
      %add3A_881 = arith.addi %shift_right_arithmetic3A_6, %add3A_880 : vector<16xi32>
      %gather3A_882 = tpu.vector_load_idx %arg11[%add3A_881, %and3A_8] : memref<128x16xf32, #tpu.memory_space<vmem>>[vector<16xi32>, vector<16xi32>], vector<16xf32>,
      %add3A_883 = arith.addf %add3A_863, %gather3A_882 : vector<16xf32>
      %add3A_884 = arith.constant 102 : i32
      %add3A_885 = vector.broadcast %add3A_884 : i32 to vector<16xi32>
      %add3A_886 = arith.addi %shift_right_arithmetic3A_6, %add3A_885 : vector<16xi32>
      %gather3A_887 = tpu.vector_load_idx %arg11[%add3A_886, %and3A_8] : memref<128x16xf32, #tpu.memory_space<vmem>>[vector<16xi32>, vector<16xi32>], vector<16xf32>,
      %add3A_888 = arith.addf %add3A_868, %gather3A_887 : vector<16xf32>
      %add3A_889 = arith.constant 104 : i32
      %add3A_890 = vector.broadcast %add3A_889 : i32 to vector<16xi32>
      %add3A_891 = arith.addi %shift_right_arithmetic3A_6, %add3A_890 : vector<16xi32>
      %gather3A_892 = tpu.vector_load_idx %arg11[%add3A_891, %and3A_8] : memref<128x16xf32, #tpu.memory_space<vmem>>[vector<16xi32>, vector<16xi32>], vector<16xf32>,
      %add3A_893 = arith.addf %add3A_873, %gather3A_892 : vector<16xf32>
      %add3A_894 = arith.constant 106 : i32
      %add3A_895 = vector.broadcast %add3A_894 : i32 to vector<16xi32>
      %add3A_896 = arith.addi %shift_right_arithmetic3A_6, %add3A_895 : vector<16xi32>
      %gather3A_897 = tpu.vector_load_idx %arg11[%add3A_896, %and3A_8] : memref<128x16xf32, #tpu.memory_space<vmem>>[vector<16xi32>, vector<16xi32>], vector<16xf32>,
      %add3A_898 = arith.addf %add3A_878, %gather3A_897 : vector<16xf32>
      %add3A_899 = arith.constant 108 : i32
      %add3A_900 = vector.broadcast %add3A_899 : i32 to vector<16xi32>
      %add3A_901 = arith.addi %shift_right_arithmetic3A_6, %add3A_900 : vector<16xi32>
      %gather3A_902 = tpu.vector_load_idx %arg11[%add3A_901, %and3A_8] : memref<128x16xf32, #tpu.memory_space<vmem>>[vector<16xi32>, vector<16xi32>], vector<16xf32>,
      %add3A_903 = arith.addf %add3A_883, %gather3A_902 : vector<16xf32>
      %add3A_904 = arith.constant 110 : i32
      %add3A_905 = vector.broadcast %add3A_904 : i32 to vector<16xi32>
      %add3A_906 = arith.addi %shift_right_arithmetic3A_6, %add3A_905 : vector<16xi32>
      %gather3A_907 = tpu.vector_load_idx %arg11[%add3A_906, %and3A_8] : memref<128x16xf32, #tpu.memory_space<vmem>>[vector<16xi32>, vector<16xi32>], vector<16xf32>,
      %add3A_908 = arith.addf %add3A_888, %gather3A_907 : vector<16xf32>
      %add3A_909 = arith.constant 112 : i32
      %add3A_910 = vector.broadcast %add3A_909 : i32 to vector<16xi32>
      %add3A_911 = arith.addi %shift_right_arithmetic3A_6, %add3A_910 : vector<16xi32>
      %gather3A_912 = tpu.vector_load_idx %arg11[%add3A_911, %and3A_8] : memref<128x16xf32, #tpu.memory_space<vmem>>[vector<16xi32>, vector<16xi32>], vector<16xf32>,
      %add3A_913 = arith.addf %add3A_893, %gather3A_912 : vector<16xf32>
      %add3A_914 = arith.constant 114 : i32
      %add3A_915 = vector.broadcast %add3A_914 : i32 to vector<16xi32>
      %add3A_916 = arith.addi %shift_right_arithmetic3A_6, %add3A_915 : vector<16xi32>
      %gather3A_917 = tpu.vector_load_idx %arg11[%add3A_916, %and3A_8] : memref<128x16xf32, #tpu.memory_space<vmem>>[vector<16xi32>, vector<16xi32>], vector<16xf32>,
      %add3A_918 = arith.addf %add3A_898, %gather3A_917 : vector<16xf32>
      %add3A_919 = arith.constant 116 : i32
      %add3A_920 = vector.broadcast %add3A_919 : i32 to vector<16xi32>
      %add3A_921 = arith.addi %shift_right_arithmetic3A_6, %add3A_920 : vector<16xi32>
      %gather3A_922 = tpu.vector_load_idx %arg11[%add3A_921, %and3A_8] : memref<128x16xf32, #tpu.memory_space<vmem>>[vector<16xi32>, vector<16xi32>], vector<16xf32>,
      %add3A_923 = arith.addf %add3A_903, %gather3A_922 : vector<16xf32>
      %add3A_924 = arith.constant 118 : i32
      %add3A_925 = vector.broadcast %add3A_924 : i32 to vector<16xi32>
      %add3A_926 = arith.addi %shift_right_arithmetic3A_6, %add3A_925 : vector<16xi32>
      %gather3A_927 = tpu.vector_load_idx %arg11[%add3A_926, %and3A_8] : memref<128x16xf32, #tpu.memory_space<vmem>>[vector<16xi32>, vector<16xi32>], vector<16xf32>,
      %add3A_928 = arith.addf %add3A_908, %gather3A_927 : vector<16xf32>
      %add3A_929 = arith.constant 120 : i32
      %add3A_930 = vector.broadcast %add3A_929 : i32 to vector<16xi32>
      %add3A_931 = arith.addi %shift_right_arithmetic3A_6, %add3A_930 : vector<16xi32>
      %gather3A_932 = tpu.vector_load_idx %arg11[%add3A_931, %and3A_8] : memref<128x16xf32, #tpu.memory_space<vmem>>[vector<16xi32>, vector<16xi32>], vector<16xf32>,
      %add3A_933 = arith.addf %add3A_913, %gather3A_932 : vector<16xf32>
      %add3A_934 = arith.constant 122 : i32
      %add3A_935 = vector.broadcast %add3A_934 : i32 to vector<16xi32>
      %add3A_936 = arith.addi %shift_right_arithmetic3A_6, %add3A_935 : vector<16xi32>
      %gather3A_937 = tpu.vector_load_idx %arg11[%add3A_936, %and3A_8] : memref<128x16xf32, #tpu.memory_space<vmem>>[vector<16xi32>, vector<16xi32>], vector<16xf32>,
      %add3A_938 = arith.addf %add3A_918, %gather3A_937 : vector<16xf32>
      %add3A_939 = arith.constant 124 : i32
      %add3A_940 = vector.broadcast %add3A_939 : i32 to vector<16xi32>
      %add3A_941 = arith.addi %shift_right_arithmetic3A_6, %add3A_940 : vector<16xi32>
      %gather3A_942 = tpu.vector_load_idx %arg11[%add3A_941, %and3A_8] : memref<128x16xf32, #tpu.memory_space<vmem>>[vector<16xi32>, vector<16xi32>], vector<16xf32>,
      %add3A_943 = arith.addf %add3A_923, %gather3A_942 : vector<16xf32>
      %add3A_944 = arith.constant 126 : i32
      %add3A_945 = vector.broadcast %add3A_944 : i32 to vector<16xi32>
      %add3A_946 = arith.addi %shift_right_arithmetic3A_6, %add3A_945 : vector<16xi32>
      %gather3A_947 = tpu.vector_load_idx %arg11[%add3A_946, %and3A_8] : memref<128x16xf32, #tpu.memory_space<vmem>>[vector<16xi32>, vector<16xi32>], vector<16xf32>,
      %add3A_948 = arith.addf %add3A_928, %gather3A_947 : vector<16xf32>
      %add3A_949 = arith.constant 0 : i32
      %add3A_950 = vector.broadcast %add3A_949 : i32 to vector<16xi32>
      %add3A_951 = arith.addi %shift_right_arithmetic3A_6, %add3A_950 : vector<16xi32>
      %gather3A_952 = tpu.vector_load_idx %arg15[%add3A_951, %and3A_8] : memref<72x16xf32, #tpu.memory_space<vmem>>[vector<16xi32>, vector<16xi32>], vector<16xf32>,
      %add3A_953 = arith.addf %add3A_933, %gather3A_952 : vector<16xf32>
      %add3A_954 = arith.constant 2 : i32
      %add3A_955 = vector.broadcast %add3A_954 : i32 to vector<16xi32>
      %add3A_956 = arith.addi %shift_right_arithmetic3A_6, %add3A_955 : vector<16xi32>
      %gather3A_957 = tpu.vector_load_idx %arg15[%add3A_956, %and3A_8] : memref<72x16xf32, #tpu.memory_space<vmem>>[vector<16xi32>, vector<16xi32>], vector<16xf32>,
      %add3A_958 = arith.addf %add3A_938, %gather3A_957 : vector<16xf32>
      %add3A_959 = arith.constant 4 : i32
      %add3A_960 = vector.broadcast %add3A_959 : i32 to vector<16xi32>
      %add3A_961 = arith.addi %shift_right_arithmetic3A_6, %add3A_960 : vector<16xi32>
      %gather3A_962 = tpu.vector_load_idx %arg15[%add3A_961, %and3A_8] : memref<72x16xf32, #tpu.memory_space<vmem>>[vector<16xi32>, vector<16xi32>], vector<16xf32>,
      %add3A_963 = arith.addf %add3A_943, %gather3A_962 : vector<16xf32>
      %add3A_964 = arith.constant 6 : i32
      %add3A_965 = vector.broadcast %add3A_964 : i32 to vector<16xi32>
      %add3A_966 = arith.addi %shift_right_arithmetic3A_6, %add3A_965 : vector<16xi32>
      %gather3A_967 = tpu.vector_load_idx %arg15[%add3A_966, %and3A_8] : memref<72x16xf32, #tpu.memory_space<vmem>>[vector<16xi32>, vector<16xi32>], vector<16xf32>,
      %add3A_968 = arith.addf %add3A_948, %gather3A_967 : vector<16xf32>
      %add3A_969 = arith.constant 8 : i32
      %add3A_970 = vector.broadcast %add3A_969 : i32 to vector<16xi32>
      %add3A_971 = arith.addi %shift_right_arithmetic3A_6, %add3A_970 : vector<16xi32>
      %gather3A_972 = tpu.vector_load_idx %arg15[%add3A_971, %and3A_8] : memref<72x16xf32, #tpu.memory_space<vmem>>[vector<16xi32>, vector<16xi32>], vector<16xf32>,
      %add3A_973 = arith.addf %add3A_953, %gather3A_972 : vector<16xf32>
      %add3A_974 = arith.constant 10 : i32
      %add3A_975 = vector.broadcast %add3A_974 : i32 to vector<16xi32>
      %add3A_976 = arith.addi %shift_right_arithmetic3A_6, %add3A_975 : vector<16xi32>
      %gather3A_977 = tpu.vector_load_idx %arg15[%add3A_976, %and3A_8] : memref<72x16xf32, #tpu.memory_space<vmem>>[vector<16xi32>, vector<16xi32>], vector<16xf32>,
      %add3A_978 = arith.addf %add3A_958, %gather3A_977 : vector<16xf32>
      %add3A_979 = arith.constant 12 : i32
      %add3A_980 = vector.broadcast %add3A_979 : i32 to vector<16xi32>
      %add3A_981 = arith.addi %shift_right_arithmetic3A_6, %add3A_980 : vector<16xi32>
      %gather3A_982 = tpu.vector_load_idx %arg15[%add3A_981, %and3A_8] : memref<72x16xf32, #tpu.memory_space<vmem>>[vector<16xi32>, vector<16xi32>], vector<16xf32>,
      %add3A_983 = arith.addf %add3A_963, %gather3A_982 : vector<16xf32>
      %add3A_984 = arith.constant 14 : i32
      %add3A_985 = vector.broadcast %add3A_984 : i32 to vector<16xi32>
      %add3A_986 = arith.addi %shift_right_arithmetic3A_6, %add3A_985 : vector<16xi32>
      %gather3A_987 = tpu.vector_load_idx %arg15[%add3A_986, %and3A_8] : memref<72x16xf32, #tpu.memory_space<vmem>>[vector<16xi32>, vector<16xi32>], vector<16xf32>,
      %add3A_988 = arith.addf %add3A_968, %gather3A_987 : vector<16xf32>
      %add3A_989 = arith.constant 16 : i32
      %add3A_990 = vector.broadcast %add3A_989 : i32 to vector<16xi32>
      %add3A_991 = arith.addi %shift_right_arithmetic3A_6, %add3A_990 : vector<16xi32>
      %gather3A_992 = tpu.vector_load_idx %arg15[%add3A_991, %and3A_8] : memref<72x16xf32, #tpu.memory_space<vmem>>[vector<16xi32>, vector<16xi32>], vector<16xf32>,
      %add3A_993 = arith.addf %add3A_973, %gather3A_992 : vector<16xf32>
      %add3A_994 = arith.constant 18 : i32
      %add3A_995 = vector.broadcast %add3A_994 : i32 to vector<16xi32>
      %add3A_996 = arith.addi %shift_right_arithmetic3A_6, %add3A_995 : vector<16xi32>
      %gather3A_997 = tpu.vector_load_idx %arg15[%add3A_996, %and3A_8] : memref<72x16xf32, #tpu.memory_space<vmem>>[vector<16xi32>, vector<16xi32>], vector<16xf32>,
      %add3A_998 = arith.addf %add3A_978, %gather3A_997 : vector<16xf32>
      %add3A_999 = arith.constant 20 : i32
      %add3A_1000 = vector.broadcast %add3A_999 : i32 to vector<16xi32>
      %add3A_1001 = arith.addi %shift_right_arithmetic3A_6, %add3A_1000 : vector<16xi32>
      %gather3A_1002 = tpu.vector_load_idx %arg15[%add3A_1001, %and3A_8] : memref<72x16xf32, #tpu.memory_space<vmem>>[vector<16xi32>, vector<16xi32>], vector<16xf32>,
      %add3A_1003 = arith.addf %add3A_983, %gather3A_1002 : vector<16xf32>
      %add3A_1004 = arith.constant 22 : i32
      %add3A_1005 = vector.broadcast %add3A_1004 : i32 to vector<16xi32>
      %add3A_1006 = arith.addi %shift_right_arithmetic3A_6, %add3A_1005 : vector<16xi32>
      %gather3A_1007 = tpu.vector_load_idx %arg15[%add3A_1006, %and3A_8] : memref<72x16xf32, #tpu.memory_space<vmem>>[vector<16xi32>, vector<16xi32>], vector<16xf32>,
      %add3A_1008 = arith.addf %add3A_988, %gather3A_1007 : vector<16xf32>
      %add3A_1009 = arith.constant 24 : i32
      %add3A_1010 = vector.broadcast %add3A_1009 : i32 to vector<16xi32>
      %add3A_1011 = arith.addi %shift_right_arithmetic3A_6, %add3A_1010 : vector<16xi32>
      %gather3A_1012 = tpu.vector_load_idx %arg15[%add3A_1011, %and3A_8] : memref<72x16xf32, #tpu.memory_space<vmem>>[vector<16xi32>, vector<16xi32>], vector<16xf32>,
      %add3A_1013 = arith.addf %add3A_993, %gather3A_1012 : vector<16xf32>
      %add3A_1014 = arith.constant 26 : i32
      %add3A_1015 = vector.broadcast %add3A_1014 : i32 to vector<16xi32>
      %add3A_1016 = arith.addi %shift_right_arithmetic3A_6, %add3A_1015 : vector<16xi32>
      %gather3A_1017 = tpu.vector_load_idx %arg15[%add3A_1016, %and3A_8] : memref<72x16xf32, #tpu.memory_space<vmem>>[vector<16xi32>, vector<16xi32>], vector<16xf32>,
      %add3A_1018 = arith.addf %add3A_998, %gather3A_1017 : vector<16xf32>
      %add3A_1019 = arith.constant 28 : i32
      %add3A_1020 = vector.broadcast %add3A_1019 : i32 to vector<16xi32>
      %add3A_1021 = arith.addi %shift_right_arithmetic3A_6, %add3A_1020 : vector<16xi32>
      %gather3A_1022 = tpu.vector_load_idx %arg15[%add3A_1021, %and3A_8] : memref<72x16xf32, #tpu.memory_space<vmem>>[vector<16xi32>, vector<16xi32>], vector<16xf32>,
      %add3A_1023 = arith.addf %add3A_1003, %gather3A_1022 : vector<16xf32>
      %add3A_1024 = arith.constant 30 : i32
      %add3A_1025 = vector.broadcast %add3A_1024 : i32 to vector<16xi32>
      %add3A_1026 = arith.addi %shift_right_arithmetic3A_6, %add3A_1025 : vector<16xi32>
      %gather3A_1027 = tpu.vector_load_idx %arg15[%add3A_1026, %and3A_8] : memref<72x16xf32, #tpu.memory_space<vmem>>[vector<16xi32>, vector<16xi32>], vector<16xf32>,
      %add3A_1028 = arith.addf %add3A_1008, %gather3A_1027 : vector<16xf32>
      %add3A_1029 = arith.constant 32 : i32
      %add3A_1030 = vector.broadcast %add3A_1029 : i32 to vector<16xi32>
      %add3A_1031 = arith.addi %shift_right_arithmetic3A_6, %add3A_1030 : vector<16xi32>
      %gather3A_1032 = tpu.vector_load_idx %arg15[%add3A_1031, %and3A_8] : memref<72x16xf32, #tpu.memory_space<vmem>>[vector<16xi32>, vector<16xi32>], vector<16xf32>,
      %add3A_1033 = arith.addf %add3A_1013, %gather3A_1032 : vector<16xf32>
      %add3A_1034 = arith.constant 34 : i32
      %add3A_1035 = vector.broadcast %add3A_1034 : i32 to vector<16xi32>
      %add3A_1036 = arith.addi %shift_right_arithmetic3A_6, %add3A_1035 : vector<16xi32>
      %gather3A_1037 = tpu.vector_load_idx %arg15[%add3A_1036, %and3A_8] : memref<72x16xf32, #tpu.memory_space<vmem>>[vector<16xi32>, vector<16xi32>], vector<16xf32>,
      %add3A_1038 = arith.addf %add3A_1018, %gather3A_1037 : vector<16xf32>
      %add3A_1039 = arith.constant 36 : i32
      %add3A_1040 = vector.broadcast %add3A_1039 : i32 to vector<16xi32>
      %add3A_1041 = arith.addi %shift_right_arithmetic3A_6, %add3A_1040 : vector<16xi32>
      %gather3A_1042 = tpu.vector_load_idx %arg15[%add3A_1041, %and3A_8] : memref<72x16xf32, #tpu.memory_space<vmem>>[vector<16xi32>, vector<16xi32>], vector<16xf32>,
      %add3A_1043 = arith.addf %add3A_1023, %gather3A_1042 : vector<16xf32>
      %add3A_1044 = arith.constant 38 : i32
      %add3A_1045 = vector.broadcast %add3A_1044 : i32 to vector<16xi32>
      %add3A_1046 = arith.addi %shift_right_arithmetic3A_6, %add3A_1045 : vector<16xi32>
      %gather3A_1047 = tpu.vector_load_idx %arg15[%add3A_1046, %and3A_8] : memref<72x16xf32, #tpu.memory_space<vmem>>[vector<16xi32>, vector<16xi32>], vector<16xf32>,
      %add3A_1048 = arith.addf %add3A_1028, %gather3A_1047 : vector<16xf32>
      %add3A_1049 = arith.constant 40 : i32
      %add3A_1050 = vector.broadcast %add3A_1049 : i32 to vector<16xi32>
      %add3A_1051 = arith.addi %shift_right_arithmetic3A_6, %add3A_1050 : vector<16xi32>
      %gather3A_1052 = tpu.vector_load_idx %arg15[%add3A_1051, %and3A_8] : memref<72x16xf32, #tpu.memory_space<vmem>>[vector<16xi32>, vector<16xi32>], vector<16xf32>,
      %add3A_1053 = arith.addf %add3A_1033, %gather3A_1052 : vector<16xf32>
      %add3A_1054 = arith.constant 42 : i32
      %add3A_1055 = vector.broadcast %add3A_1054 : i32 to vector<16xi32>
      %add3A_1056 = arith.addi %shift_right_arithmetic3A_6, %add3A_1055 : vector<16xi32>
      %gather3A_1057 = tpu.vector_load_idx %arg15[%add3A_1056, %and3A_8] : memref<72x16xf32, #tpu.memory_space<vmem>>[vector<16xi32>, vector<16xi32>], vector<16xf32>,
      %add3A_1058 = arith.addf %add3A_1038, %gather3A_1057 : vector<16xf32>
      %add3A_1059 = arith.constant 44 : i32
      %add3A_1060 = vector.broadcast %add3A_1059 : i32 to vector<16xi32>
      %add3A_1061 = arith.addi %shift_right_arithmetic3A_6, %add3A_1060 : vector<16xi32>
      %gather3A_1062 = tpu.vector_load_idx %arg15[%add3A_1061, %and3A_8] : memref<72x16xf32, #tpu.memory_space<vmem>>[vector<16xi32>, vector<16xi32>], vector<16xf32>,
      %add3A_1063 = arith.addf %add3A_1043, %gather3A_1062 : vector<16xf32>
      %add3A_1064 = arith.constant 46 : i32
      %add3A_1065 = vector.broadcast %add3A_1064 : i32 to vector<16xi32>
      %add3A_1066 = arith.addi %shift_right_arithmetic3A_6, %add3A_1065 : vector<16xi32>
      %gather3A_1067 = tpu.vector_load_idx %arg15[%add3A_1066, %and3A_8] : memref<72x16xf32, #tpu.memory_space<vmem>>[vector<16xi32>, vector<16xi32>], vector<16xf32>,
      %add3A_1068 = arith.addf %add3A_1048, %gather3A_1067 : vector<16xf32>
      %add3A_1069 = arith.constant 48 : i32
      %add3A_1070 = vector.broadcast %add3A_1069 : i32 to vector<16xi32>
      %add3A_1071 = arith.addi %shift_right_arithmetic3A_6, %add3A_1070 : vector<16xi32>
      %gather3A_1072 = tpu.vector_load_idx %arg15[%add3A_1071, %and3A_8] : memref<72x16xf32, #tpu.memory_space<vmem>>[vector<16xi32>, vector<16xi32>], vector<16xf32>,
      %add3A_1073 = arith.addf %add3A_1053, %gather3A_1072 : vector<16xf32>
      %add3A_1074 = arith.constant 50 : i32
      %add3A_1075 = vector.broadcast %add3A_1074 : i32 to vector<16xi32>
      %add3A_1076 = arith.addi %shift_right_arithmetic3A_6, %add3A_1075 : vector<16xi32>
      %gather3A_1077 = tpu.vector_load_idx %arg15[%add3A_1076, %and3A_8] : memref<72x16xf32, #tpu.memory_space<vmem>>[vector<16xi32>, vector<16xi32>], vector<16xf32>,
      %add3A_1078 = arith.addf %add3A_1058, %gather3A_1077 : vector<16xf32>
      %add3A_1079 = arith.constant 52 : i32
      %add3A_1080 = vector.broadcast %add3A_1079 : i32 to vector<16xi32>
      %add3A_1081 = arith.addi %shift_right_arithmetic3A_6, %add3A_1080 : vector<16xi32>
      %gather3A_1082 = tpu.vector_load_idx %arg15[%add3A_1081, %and3A_8] : memref<72x16xf32, #tpu.memory_space<vmem>>[vector<16xi32>, vector<16xi32>], vector<16xf32>,
      %add3A_1083 = arith.addf %add3A_1063, %gather3A_1082 : vector<16xf32>
      %add3A_1084 = arith.constant 54 : i32
      %add3A_1085 = vector.broadcast %add3A_1084 : i32 to vector<16xi32>
      %add3A_1086 = arith.addi %shift_right_arithmetic3A_6, %add3A_1085 : vector<16xi32>
      %gather3A_1087 = tpu.vector_load_idx %arg15[%add3A_1086, %and3A_8] : memref<72x16xf32, #tpu.memory_space<vmem>>[vector<16xi32>, vector<16xi32>], vector<16xf32>,
      %add3A_1088 = arith.addf %add3A_1068, %gather3A_1087 : vector<16xf32>
      %add3A_1089 = arith.constant 56 : i32
      %add3A_1090 = vector.broadcast %add3A_1089 : i32 to vector<16xi32>
      %add3A_1091 = arith.addi %shift_right_arithmetic3A_6, %add3A_1090 : vector<16xi32>
      %gather3A_1092 = tpu.vector_load_idx %arg15[%add3A_1091, %and3A_8] : memref<72x16xf32, #tpu.memory_space<vmem>>[vector<16xi32>, vector<16xi32>], vector<16xf32>,
      %add3A_1093 = arith.addf %add3A_1073, %gather3A_1092 : vector<16xf32>
      %add3A_1094 = arith.constant 58 : i32
      %add3A_1095 = vector.broadcast %add3A_1094 : i32 to vector<16xi32>
      %add3A_1096 = arith.addi %shift_right_arithmetic3A_6, %add3A_1095 : vector<16xi32>
      %gather3A_1097 = tpu.vector_load_idx %arg15[%add3A_1096, %and3A_8] : memref<72x16xf32, #tpu.memory_space<vmem>>[vector<16xi32>, vector<16xi32>], vector<16xf32>,
      %add3A_1098 = arith.addf %add3A_1078, %gather3A_1097 : vector<16xf32>
      %add3A_1099 = arith.constant 60 : i32
      %add3A_1100 = vector.broadcast %add3A_1099 : i32 to vector<16xi32>
      %add3A_1101 = arith.addi %shift_right_arithmetic3A_6, %add3A_1100 : vector<16xi32>
      %gather3A_1102 = tpu.vector_load_idx %arg15[%add3A_1101, %and3A_8] : memref<72x16xf32, #tpu.memory_space<vmem>>[vector<16xi32>, vector<16xi32>], vector<16xf32>,
      %add3A_1103 = arith.addf %add3A_1083, %gather3A_1102 : vector<16xf32>
      %add3A_1104 = arith.constant 62 : i32
      %add3A_1105 = vector.broadcast %add3A_1104 : i32 to vector<16xi32>
      %add3A_1106 = arith.addi %shift_right_arithmetic3A_6, %add3A_1105 : vector<16xi32>
      %gather3A_1107 = tpu.vector_load_idx %arg15[%add3A_1106, %and3A_8] : memref<72x16xf32, #tpu.memory_space<vmem>>[vector<16xi32>, vector<16xi32>], vector<16xf32>,
      %add3A_1108 = arith.addf %add3A_1088, %gather3A_1107 : vector<16xf32>
      %add3A_1109 = arith.constant 64 : i32
      %add3A_1110 = vector.broadcast %add3A_1109 : i32 to vector<16xi32>
      %add3A_1111 = arith.addi %shift_right_arithmetic3A_6, %add3A_1110 : vector<16xi32>
      %gather3A_1112 = tpu.vector_load_idx %arg15[%add3A_1111, %and3A_8] : memref<72x16xf32, #tpu.memory_space<vmem>>[vector<16xi32>, vector<16xi32>], vector<16xf32>,
      %add3A_1113 = arith.addf %add3A_1093, %gather3A_1112 : vector<16xf32>
      %add3A_1114 = arith.constant 66 : i32
      %add3A_1115 = vector.broadcast %add3A_1114 : i32 to vector<16xi32>
      %add3A_1116 = arith.addi %shift_right_arithmetic3A_6, %add3A_1115 : vector<16xi32>
      %gather3A_1117 = tpu.vector_load_idx %arg15[%add3A_1116, %and3A_8] : memref<72x16xf32, #tpu.memory_space<vmem>>[vector<16xi32>, vector<16xi32>], vector<16xf32>,
      %add3A_1118 = arith.addf %add3A_1098, %gather3A_1117 : vector<16xf32>
      %add3A_1119 = arith.constant 68 : i32
      %add3A_1120 = vector.broadcast %add3A_1119 : i32 to vector<16xi32>
      %add3A_1121 = arith.addi %shift_right_arithmetic3A_6, %add3A_1120 : vector<16xi32>
      %gather3A_1122 = tpu.vector_load_idx %arg15[%add3A_1121, %and3A_8] : memref<72x16xf32, #tpu.memory_space<vmem>>[vector<16xi32>, vector<16xi32>], vector<16xf32>,
      %add3A_1123 = arith.addf %add3A_1103, %gather3A_1122 : vector<16xf32>
      %add3A_1124 = arith.constant 70 : i32
      %add3A_1125 = vector.broadcast %add3A_1124 : i32 to vector<16xi32>
      %add3A_1126 = arith.addi %shift_right_arithmetic3A_6, %add3A_1125 : vector<16xi32>
      %gather3A_1127 = tpu.vector_load_idx %arg15[%add3A_1126, %and3A_8] : memref<72x16xf32, #tpu.memory_space<vmem>>[vector<16xi32>, vector<16xi32>], vector<16xf32>,
      %add3A_1128 = arith.addf %add3A_1108, %gather3A_1127 : vector<16xf32>
      %add3A_1129 = arith.addf %add3A_1113, %add3A_1118 : vector<16xf32>
      %add3A_1130 = arith.addf %add3A_1123, %add3A_1128 : vector<16xf32>
      %add3A_1131 = arith.addf %add3A_1129, %add3A_1130 : vector<16xf32>
      %mul3A_1132 = arith.constant 16 : i32
      %mul3A_1133 = arith.muli %add3A_611, %mul3A_1132 : i32
      %swap3A_1134 = arith.index_cast %mul3A_1133 : i32 to index
      %swap3A_1135 = tpu.vector_load %arg19[%swap3A_1134] {strides = array<i32>} : memref<2048xf32, #tpu.memory_space<vmem>>, vector<16xf32>,
      tpu.vector_store %arg19[%swap3A_1134], %add3A_1131 {strides = array<i32>} : memref<2048xf32, #tpu.memory_space<vmem>>, vector<16xf32>,
      %add3A_1136 = arith.constant 4 : i32
      %add3A_1137 = arith.addi %add3A_611, %add3A_1136 : i32
      %jit3A = arith.constant 128 : i32
      %eq3A = arith.constant 0 : i32
      %eq3A_1138 = arith.cmpi eq, %jit3A, %eq3A : i32
      %jit3A_1139 = arith.constant 1 : i32
      %select_n3A = arith.select %eq3A_1138, %jit3A_1139, %jit3A : i32
      %rem3A = arith.remsi %add3A_1137, %select_n3A : i32
      %ne3A = arith.constant 0 : i32
      %ne3A_1140 = arith.cmpi ne, %rem3A, %ne3A : i32
      %lt3A = arith.constant 0 : i32
      %lt3A_1141 = arith.cmpi slt, %rem3A, %lt3A : i32
      %lt3A_1142 = arith.constant 0 : i32
      %lt3A_1143 = arith.cmpi slt, %select_n3A, %lt3A_1142 : i32
      %ne3A_1144 = arith.xori %lt3A_1141, %lt3A_1143 : i1
      %and3A_1145 = arith.andi %ne3A_1144, %ne3A_1140 : i1
      %add3A_1146 = arith.addi %rem3A, %select_n3A : i32
      %select_n3A_1147 = arith.select %and3A_1145, %add3A_1146, %rem3A : i32
      %mul3A_1148 = arith.constant 200 : i32
      %mul3A_1149 = arith.muli %select_n3A_1147, %mul3A_1148 : i32
      %dma_start3A_1150 = tpu.memref_slice %arg7[%mul3A_1149] : memref<25600xi32, #tpu.memory_space<vmem>> -> memref<128xi32, #tpu.memory_space<vmem>>
      %dma_start3A_1151 = arith.constant 0 : i32
      %dma_start3A_1152 = arith.constant 0 : i32
      %dma_start3A_1153 = tpu.memref_slice %arg4[%dma_start3A_1151, %dma_start3A_1152] : memref<1048576x16xf32, #tpu.memory_space<hbm>> -> memref<1048576x16xf32, #tpu.memory_space<hbm>>
      tpu.enqueue_indirect_dma source(%dma_start3A_1153 : memref<1048576x16xf32, #tpu.memory_space<hbm>>) target(%arg11 : memref<128x16xf32, #tpu.memory_space<vmem>>) offsets(%dma_start3A_1150 : memref<128xi32, #tpu.memory_space<vmem>>) semaphore(%arg21 : memref<!tpu.dma_semaphore, #tpu.memory_space<semaphore_mem>>)
      %mul3A_1154 = arith.constant 200 : i32
      %mul3A_1155 = arith.muli %select_n3A_1147, %mul3A_1154 : i32
      %add3A_1156 = arith.constant 128 : i32
      %add3A_1157 = arith.addi %mul3A_1155, %add3A_1156 : i32
      %dma_start3A_1158 = tpu.memref_slice %arg7[%add3A_1157] : memref<25600xi32, #tpu.memory_space<vmem>> -> memref<72xi32, #tpu.memory_space<vmem>>
      %dma_start3A_1159 = arith.constant 0 : i32
      %dma_start3A_1160 = arith.constant 0 : i32
      %dma_start3A_1161 = tpu.memref_slice %arg4[%dma_start3A_1159, %dma_start3A_1160] : memref<1048576x16xf32, #tpu.memory_space<hbm>> -> memref<1048576x16xf32, #tpu.memory_space<hbm>>
      tpu.enqueue_indirect_dma source(%dma_start3A_1161 : memref<1048576x16xf32, #tpu.memory_space<hbm>>) target(%arg15 : memref<72x16xf32, #tpu.memory_space<vmem>>) offsets(%dma_start3A_1158 : memref<72xi32, #tpu.memory_space<vmem>>) semaphore(%arg21 : memref<!tpu.dma_semaphore, #tpu.memory_space<semaphore_mem>>)
      %add3A_1162 = arith.constant 1 : i32
      %add3A_1163 = arith.addi %add3A_609, %add3A_1162 : i32
      %dma_wait3A_1164 = arith.constant 0 : i32
      %dma_wait3A_1165 = tpu.memref_slice %arg7[%dma_wait3A_1164] : memref<25600xi32, #tpu.memory_space<vmem>> -> memref<128xi32, #tpu.memory_space<vmem>>
      %dma_wait3A_1166 = arith.constant 0 : i32
      %dma_wait3A_1167 = arith.constant 0 : i32
      %dma_wait3A_1168 = tpu.memref_slice %arg4[%dma_wait3A_1166, %dma_wait3A_1167] : memref<1048576x16xf32, #tpu.memory_space<hbm>> -> memref<1048576x16xf32, #tpu.memory_space<hbm>>
      tpu.wait_indirect_dma semaphore(%arg22 : memref<!tpu.dma_semaphore, #tpu.memory_space<semaphore_mem>>) src(%dma_wait3A_1168 : memref<1048576x16xf32, #tpu.memory_space<hbm>>) dst(%arg12 : memref<128x16xf32, #tpu.memory_space<vmem>>)
      %dma_wait3A_1169 = arith.constant 0 : i32
      %dma_wait3A_1170 = tpu.memref_slice %arg7[%dma_wait3A_1169] : memref<25600xi32, #tpu.memory_space<vmem>> -> memref<72xi32, #tpu.memory_space<vmem>>
      %dma_wait3A_1171 = arith.constant 0 : i32
      %dma_wait3A_1172 = arith.constant 0 : i32
      %dma_wait3A_1173 = tpu.memref_slice %arg4[%dma_wait3A_1171, %dma_wait3A_1172] : memref<1048576x16xf32, #tpu.memory_space<hbm>> -> memref<1048576x16xf32, #tpu.memory_space<hbm>>
      tpu.wait_indirect_dma semaphore(%arg22 : memref<!tpu.dma_semaphore, #tpu.memory_space<semaphore_mem>>) src(%dma_wait3A_1173 : memref<1048576x16xf32, #tpu.memory_space<hbm>>) dst(%arg16 : memref<72x16xf32, #tpu.memory_space<vmem>>)
      %broadcast_in_dim3A_1174 = arith.constant 0.000000e+00 : f32
      %broadcast_in_dim3A_1175 = vector.broadcast %broadcast_in_dim3A_1174 : f32 to vector<16xf32>
      %broadcast_in_dim3A_1176 = arith.constant 0.000000e+00 : f32
      %broadcast_in_dim3A_1177 = vector.broadcast %broadcast_in_dim3A_1176 : f32 to vector<16xf32>
      %broadcast_in_dim3A_1178 = arith.constant 0.000000e+00 : f32
      %broadcast_in_dim3A_1179 = vector.broadcast %broadcast_in_dim3A_1178 : f32 to vector<16xf32>
      %broadcast_in_dim3A_1180 = arith.constant 0.000000e+00 : f32
      %broadcast_in_dim3A_1181 = vector.broadcast %broadcast_in_dim3A_1180 : f32 to vector<16xf32>
      %add3A_1182 = arith.constant 0 : i32
      %add3A_1183 = vector.broadcast %add3A_1182 : i32 to vector<16xi32>
      %add3A_1184 = arith.addi %shift_right_arithmetic3A_6, %add3A_1183 : vector<16xi32>
      %gather3A_1185 = tpu.vector_load_idx %arg12[%add3A_1184, %and3A_8] : memref<128x16xf32, #tpu.memory_space<vmem>>[vector<16xi32>, vector<16xi32>], vector<16xf32>,
      %add3A_1186 = arith.addf %broadcast_in_dim3A_1175, %gather3A_1185 : vector<16xf32>
      %add3A_1187 = arith.constant 2 : i32
      %add3A_1188 = vector.broadcast %add3A_1187 : i32 to vector<16xi32>
      %add3A_1189 = arith.addi %shift_right_arithmetic3A_6, %add3A_1188 : vector<16xi32>
      %gather3A_1190 = tpu.vector_load_idx %arg12[%add3A_1189, %and3A_8] : memref<128x16xf32, #tpu.memory_space<vmem>>[vector<16xi32>, vector<16xi32>], vector<16xf32>,
      %add3A_1191 = arith.addf %broadcast_in_dim3A_1177, %gather3A_1190 : vector<16xf32>
      %add3A_1192 = arith.constant 4 : i32
      %add3A_1193 = vector.broadcast %add3A_1192 : i32 to vector<16xi32>
      %add3A_1194 = arith.addi %shift_right_arithmetic3A_6, %add3A_1193 : vector<16xi32>
      %gather3A_1195 = tpu.vector_load_idx %arg12[%add3A_1194, %and3A_8] : memref<128x16xf32, #tpu.memory_space<vmem>>[vector<16xi32>, vector<16xi32>], vector<16xf32>,
      %add3A_1196 = arith.addf %broadcast_in_dim3A_1179, %gather3A_1195 : vector<16xf32>
      %add3A_1197 = arith.constant 6 : i32
      %add3A_1198 = vector.broadcast %add3A_1197 : i32 to vector<16xi32>
      %add3A_1199 = arith.addi %shift_right_arithmetic3A_6, %add3A_1198 : vector<16xi32>
      %gather3A_1200 = tpu.vector_load_idx %arg12[%add3A_1199, %and3A_8] : memref<128x16xf32, #tpu.memory_space<vmem>>[vector<16xi32>, vector<16xi32>], vector<16xf32>,
      %add3A_1201 = arith.addf %broadcast_in_dim3A_1181, %gather3A_1200 : vector<16xf32>
      %add3A_1202 = arith.constant 8 : i32
      %add3A_1203 = vector.broadcast %add3A_1202 : i32 to vector<16xi32>
      %add3A_1204 = arith.addi %shift_right_arithmetic3A_6, %add3A_1203 : vector<16xi32>
      %gather3A_1205 = tpu.vector_load_idx %arg12[%add3A_1204, %and3A_8] : memref<128x16xf32, #tpu.memory_space<vmem>>[vector<16xi32>, vector<16xi32>], vector<16xf32>,
      %add3A_1206 = arith.addf %add3A_1186, %gather3A_1205 : vector<16xf32>
      %add3A_1207 = arith.constant 10 : i32
      %add3A_1208 = vector.broadcast %add3A_1207 : i32 to vector<16xi32>
      %add3A_1209 = arith.addi %shift_right_arithmetic3A_6, %add3A_1208 : vector<16xi32>
      %gather3A_1210 = tpu.vector_load_idx %arg12[%add3A_1209, %and3A_8] : memref<128x16xf32, #tpu.memory_space<vmem>>[vector<16xi32>, vector<16xi32>], vector<16xf32>,
      %add3A_1211 = arith.addf %add3A_1191, %gather3A_1210 : vector<16xf32>
      %add3A_1212 = arith.constant 12 : i32
      %add3A_1213 = vector.broadcast %add3A_1212 : i32 to vector<16xi32>
      %add3A_1214 = arith.addi %shift_right_arithmetic3A_6, %add3A_1213 : vector<16xi32>
      %gather3A_1215 = tpu.vector_load_idx %arg12[%add3A_1214, %and3A_8] : memref<128x16xf32, #tpu.memory_space<vmem>>[vector<16xi32>, vector<16xi32>], vector<16xf32>,
      %add3A_1216 = arith.addf %add3A_1196, %gather3A_1215 : vector<16xf32>
      %add3A_1217 = arith.constant 14 : i32
      %add3A_1218 = vector.broadcast %add3A_1217 : i32 to vector<16xi32>
      %add3A_1219 = arith.addi %shift_right_arithmetic3A_6, %add3A_1218 : vector<16xi32>
      %gather3A_1220 = tpu.vector_load_idx %arg12[%add3A_1219, %and3A_8] : memref<128x16xf32, #tpu.memory_space<vmem>>[vector<16xi32>, vector<16xi32>], vector<16xf32>,
      %add3A_1221 = arith.addf %add3A_1201, %gather3A_1220 : vector<16xf32>
      %add3A_1222 = arith.constant 16 : i32
      %add3A_1223 = vector.broadcast %add3A_1222 : i32 to vector<16xi32>
      %add3A_1224 = arith.addi %shift_right_arithmetic3A_6, %add3A_1223 : vector<16xi32>
      %gather3A_1225 = tpu.vector_load_idx %arg12[%add3A_1224, %and3A_8] : memref<128x16xf32, #tpu.memory_space<vmem>>[vector<16xi32>, vector<16xi32>], vector<16xf32>,
      %add3A_1226 = arith.addf %add3A_1206, %gather3A_1225 : vector<16xf32>
      %add3A_1227 = arith.constant 18 : i32
      %add3A_1228 = vector.broadcast %add3A_1227 : i32 to vector<16xi32>
      %add3A_1229 = arith.addi %shift_right_arithmetic3A_6, %add3A_1228 : vector<16xi32>
      %gather3A_1230 = tpu.vector_load_idx %arg12[%add3A_1229, %and3A_8] : memref<128x16xf32, #tpu.memory_space<vmem>>[vector<16xi32>, vector<16xi32>], vector<16xf32>,
      %add3A_1231 = arith.addf %add3A_1211, %gather3A_1230 : vector<16xf32>
      %add3A_1232 = arith.constant 20 : i32
      %add3A_1233 = vector.broadcast %add3A_1232 : i32 to vector<16xi32>
      %add3A_1234 = arith.addi %shift_right_arithmetic3A_6, %add3A_1233 : vector<16xi32>
      %gather3A_1235 = tpu.vector_load_idx %arg12[%add3A_1234, %and3A_8] : memref<128x16xf32, #tpu.memory_space<vmem>>[vector<16xi32>, vector<16xi32>], vector<16xf32>,
      %add3A_1236 = arith.addf %add3A_1216, %gather3A_1235 : vector<16xf32>
      %add3A_1237 = arith.constant 22 : i32
      %add3A_1238 = vector.broadcast %add3A_1237 : i32 to vector<16xi32>
      %add3A_1239 = arith.addi %shift_right_arithmetic3A_6, %add3A_1238 : vector<16xi32>
      %gather3A_1240 = tpu.vector_load_idx %arg12[%add3A_1239, %and3A_8] : memref<128x16xf32, #tpu.memory_space<vmem>>[vector<16xi32>, vector<16xi32>], vector<16xf32>,
      %add3A_1241 = arith.addf %add3A_1221, %gather3A_1240 : vector<16xf32>
      %add3A_1242 = arith.constant 24 : i32
      %add3A_1243 = vector.broadcast %add3A_1242 : i32 to vector<16xi32>
      %add3A_1244 = arith.addi %shift_right_arithmetic3A_6, %add3A_1243 : vector<16xi32>
      %gather3A_1245 = tpu.vector_load_idx %arg12[%add3A_1244, %and3A_8] : memref<128x16xf32, #tpu.memory_space<vmem>>[vector<16xi32>, vector<16xi32>], vector<16xf32>,
      %add3A_1246 = arith.addf %add3A_1226, %gather3A_1245 : vector<16xf32>
      %add3A_1247 = arith.constant 26 : i32
      %add3A_1248 = vector.broadcast %add3A_1247 : i32 to vector<16xi32>
      %add3A_1249 = arith.addi %shift_right_arithmetic3A_6, %add3A_1248 : vector<16xi32>
      %gather3A_1250 = tpu.vector_load_idx %arg12[%add3A_1249, %and3A_8] : memref<128x16xf32, #tpu.memory_space<vmem>>[vector<16xi32>, vector<16xi32>], vector<16xf32>,
      %add3A_1251 = arith.addf %add3A_1231, %gather3A_1250 : vector<16xf32>
      %add3A_1252 = arith.constant 28 : i32
      %add3A_1253 = vector.broadcast %add3A_1252 : i32 to vector<16xi32>
      %add3A_1254 = arith.addi %shift_right_arithmetic3A_6, %add3A_1253 : vector<16xi32>
      %gather3A_1255 = tpu.vector_load_idx %arg12[%add3A_1254, %and3A_8] : memref<128x16xf32, #tpu.memory_space<vmem>>[vector<16xi32>, vector<16xi32>], vector<16xf32>,
      %add3A_1256 = arith.addf %add3A_1236, %gather3A_1255 : vector<16xf32>
      %add3A_1257 = arith.constant 30 : i32
      %add3A_1258 = vector.broadcast %add3A_1257 : i32 to vector<16xi32>
      %add3A_1259 = arith.addi %shift_right_arithmetic3A_6, %add3A_1258 : vector<16xi32>
      %gather3A_1260 = tpu.vector_load_idx %arg12[%add3A_1259, %and3A_8] : memref<128x16xf32, #tpu.memory_space<vmem>>[vector<16xi32>, vector<16xi32>], vector<16xf32>,
      %add3A_1261 = arith.addf %add3A_1241, %gather3A_1260 : vector<16xf32>
      %add3A_1262 = arith.constant 32 : i32
      %add3A_1263 = vector.broadcast %add3A_1262 : i32 to vector<16xi32>
      %add3A_1264 = arith.addi %shift_right_arithmetic3A_6, %add3A_1263 : vector<16xi32>
      %gather3A_1265 = tpu.vector_load_idx %arg12[%add3A_1264, %and3A_8] : memref<128x16xf32, #tpu.memory_space<vmem>>[vector<16xi32>, vector<16xi32>], vector<16xf32>,
      %add3A_1266 = arith.addf %add3A_1246, %gather3A_1265 : vector<16xf32>
      %add3A_1267 = arith.constant 34 : i32
      %add3A_1268 = vector.broadcast %add3A_1267 : i32 to vector<16xi32>
      %add3A_1269 = arith.addi %shift_right_arithmetic3A_6, %add3A_1268 : vector<16xi32>
      %gather3A_1270 = tpu.vector_load_idx %arg12[%add3A_1269, %and3A_8] : memref<128x16xf32, #tpu.memory_space<vmem>>[vector<16xi32>, vector<16xi32>], vector<16xf32>,
      %add3A_1271 = arith.addf %add3A_1251, %gather3A_1270 : vector<16xf32>
      %add3A_1272 = arith.constant 36 : i32
      %add3A_1273 = vector.broadcast %add3A_1272 : i32 to vector<16xi32>
      %add3A_1274 = arith.addi %shift_right_arithmetic3A_6, %add3A_1273 : vector<16xi32>
      %gather3A_1275 = tpu.vector_load_idx %arg12[%add3A_1274, %and3A_8] : memref<128x16xf32, #tpu.memory_space<vmem>>[vector<16xi32>, vector<16xi32>], vector<16xf32>,
      %add3A_1276 = arith.addf %add3A_1256, %gather3A_1275 : vector<16xf32>
      %add3A_1277 = arith.constant 38 : i32
      %add3A_1278 = vector.broadcast %add3A_1277 : i32 to vector<16xi32>
      %add3A_1279 = arith.addi %shift_right_arithmetic3A_6, %add3A_1278 : vector<16xi32>
      %gather3A_1280 = tpu.vector_load_idx %arg12[%add3A_1279, %and3A_8] : memref<128x16xf32, #tpu.memory_space<vmem>>[vector<16xi32>, vector<16xi32>], vector<16xf32>,
      %add3A_1281 = arith.addf %add3A_1261, %gather3A_1280 : vector<16xf32>
      %add3A_1282 = arith.constant 40 : i32
      %add3A_1283 = vector.broadcast %add3A_1282 : i32 to vector<16xi32>
      %add3A_1284 = arith.addi %shift_right_arithmetic3A_6, %add3A_1283 : vector<16xi32>
      %gather3A_1285 = tpu.vector_load_idx %arg12[%add3A_1284, %and3A_8] : memref<128x16xf32, #tpu.memory_space<vmem>>[vector<16xi32>, vector<16xi32>], vector<16xf32>,
      %add3A_1286 = arith.addf %add3A_1266, %gather3A_1285 : vector<16xf32>
      %add3A_1287 = arith.constant 42 : i32
      %add3A_1288 = vector.broadcast %add3A_1287 : i32 to vector<16xi32>
      %add3A_1289 = arith.addi %shift_right_arithmetic3A_6, %add3A_1288 : vector<16xi32>
      %gather3A_1290 = tpu.vector_load_idx %arg12[%add3A_1289, %and3A_8] : memref<128x16xf32, #tpu.memory_space<vmem>>[vector<16xi32>, vector<16xi32>], vector<16xf32>,
      %add3A_1291 = arith.addf %add3A_1271, %gather3A_1290 : vector<16xf32>
      %add3A_1292 = arith.constant 44 : i32
      %add3A_1293 = vector.broadcast %add3A_1292 : i32 to vector<16xi32>
      %add3A_1294 = arith.addi %shift_right_arithmetic3A_6, %add3A_1293 : vector<16xi32>
      %gather3A_1295 = tpu.vector_load_idx %arg12[%add3A_1294, %and3A_8] : memref<128x16xf32, #tpu.memory_space<vmem>>[vector<16xi32>, vector<16xi32>], vector<16xf32>,
      %add3A_1296 = arith.addf %add3A_1276, %gather3A_1295 : vector<16xf32>
      %add3A_1297 = arith.constant 46 : i32
      %add3A_1298 = vector.broadcast %add3A_1297 : i32 to vector<16xi32>
      %add3A_1299 = arith.addi %shift_right_arithmetic3A_6, %add3A_1298 : vector<16xi32>
      %gather3A_1300 = tpu.vector_load_idx %arg12[%add3A_1299, %and3A_8] : memref<128x16xf32, #tpu.memory_space<vmem>>[vector<16xi32>, vector<16xi32>], vector<16xf32>,
      %add3A_1301 = arith.addf %add3A_1281, %gather3A_1300 : vector<16xf32>
      %add3A_1302 = arith.constant 48 : i32
      %add3A_1303 = vector.broadcast %add3A_1302 : i32 to vector<16xi32>
      %add3A_1304 = arith.addi %shift_right_arithmetic3A_6, %add3A_1303 : vector<16xi32>
      %gather3A_1305 = tpu.vector_load_idx %arg12[%add3A_1304, %and3A_8] : memref<128x16xf32, #tpu.memory_space<vmem>>[vector<16xi32>, vector<16xi32>], vector<16xf32>,
      %add3A_1306 = arith.addf %add3A_1286, %gather3A_1305 : vector<16xf32>
      %add3A_1307 = arith.constant 50 : i32
      %add3A_1308 = vector.broadcast %add3A_1307 : i32 to vector<16xi32>
      %add3A_1309 = arith.addi %shift_right_arithmetic3A_6, %add3A_1308 : vector<16xi32>
      %gather3A_1310 = tpu.vector_load_idx %arg12[%add3A_1309, %and3A_8] : memref<128x16xf32, #tpu.memory_space<vmem>>[vector<16xi32>, vector<16xi32>], vector<16xf32>,
      %add3A_1311 = arith.addf %add3A_1291, %gather3A_1310 : vector<16xf32>
      %add3A_1312 = arith.constant 52 : i32
      %add3A_1313 = vector.broadcast %add3A_1312 : i32 to vector<16xi32>
      %add3A_1314 = arith.addi %shift_right_arithmetic3A_6, %add3A_1313 : vector<16xi32>
      %gather3A_1315 = tpu.vector_load_idx %arg12[%add3A_1314, %and3A_8] : memref<128x16xf32, #tpu.memory_space<vmem>>[vector<16xi32>, vector<16xi32>], vector<16xf32>,
      %add3A_1316 = arith.addf %add3A_1296, %gather3A_1315 : vector<16xf32>
      %add3A_1317 = arith.constant 54 : i32
      %add3A_1318 = vector.broadcast %add3A_1317 : i32 to vector<16xi32>
      %add3A_1319 = arith.addi %shift_right_arithmetic3A_6, %add3A_1318 : vector<16xi32>
      %gather3A_1320 = tpu.vector_load_idx %arg12[%add3A_1319, %and3A_8] : memref<128x16xf32, #tpu.memory_space<vmem>>[vector<16xi32>, vector<16xi32>], vector<16xf32>,
      %add3A_1321 = arith.addf %add3A_1301, %gather3A_1320 : vector<16xf32>
      %add3A_1322 = arith.constant 56 : i32
      %add3A_1323 = vector.broadcast %add3A_1322 : i32 to vector<16xi32>
      %add3A_1324 = arith.addi %shift_right_arithmetic3A_6, %add3A_1323 : vector<16xi32>
      %gather3A_1325 = tpu.vector_load_idx %arg12[%add3A_1324, %and3A_8] : memref<128x16xf32, #tpu.memory_space<vmem>>[vector<16xi32>, vector<16xi32>], vector<16xf32>,
      %add3A_1326 = arith.addf %add3A_1306, %gather3A_1325 : vector<16xf32>
      %add3A_1327 = arith.constant 58 : i32
      %add3A_1328 = vector.broadcast %add3A_1327 : i32 to vector<16xi32>
      %add3A_1329 = arith.addi %shift_right_arithmetic3A_6, %add3A_1328 : vector<16xi32>
      %gather3A_1330 = tpu.vector_load_idx %arg12[%add3A_1329, %and3A_8] : memref<128x16xf32, #tpu.memory_space<vmem>>[vector<16xi32>, vector<16xi32>], vector<16xf32>,
      %add3A_1331 = arith.addf %add3A_1311, %gather3A_1330 : vector<16xf32>
      %add3A_1332 = arith.constant 60 : i32
      %add3A_1333 = vector.broadcast %add3A_1332 : i32 to vector<16xi32>
      %add3A_1334 = arith.addi %shift_right_arithmetic3A_6, %add3A_1333 : vector<16xi32>
      %gather3A_1335 = tpu.vector_load_idx %arg12[%add3A_1334, %and3A_8] : memref<128x16xf32, #tpu.memory_space<vmem>>[vector<16xi32>, vector<16xi32>], vector<16xf32>,
      %add3A_1336 = arith.addf %add3A_1316, %gather3A_1335 : vector<16xf32>
      %add3A_1337 = arith.constant 62 : i32
      %add3A_1338 = vector.broadcast %add3A_1337 : i32 to vector<16xi32>
      %add3A_1339 = arith.addi %shift_right_arithmetic3A_6, %add3A_1338 : vector<16xi32>
      %gather3A_1340 = tpu.vector_load_idx %arg12[%add3A_1339, %and3A_8] : memref<128x16xf32, #tpu.memory_space<vmem>>[vector<16xi32>, vector<16xi32>], vector<16xf32>,
      %add3A_1341 = arith.addf %add3A_1321, %gather3A_1340 : vector<16xf32>
      %add3A_1342 = arith.constant 64 : i32
      %add3A_1343 = vector.broadcast %add3A_1342 : i32 to vector<16xi32>
      %add3A_1344 = arith.addi %shift_right_arithmetic3A_6, %add3A_1343 : vector<16xi32>
      %gather3A_1345 = tpu.vector_load_idx %arg12[%add3A_1344, %and3A_8] : memref<128x16xf32, #tpu.memory_space<vmem>>[vector<16xi32>, vector<16xi32>], vector<16xf32>,
      %add3A_1346 = arith.addf %add3A_1326, %gather3A_1345 : vector<16xf32>
      %add3A_1347 = arith.constant 66 : i32
      %add3A_1348 = vector.broadcast %add3A_1347 : i32 to vector<16xi32>
      %add3A_1349 = arith.addi %shift_right_arithmetic3A_6, %add3A_1348 : vector<16xi32>
      %gather3A_1350 = tpu.vector_load_idx %arg12[%add3A_1349, %and3A_8] : memref<128x16xf32, #tpu.memory_space<vmem>>[vector<16xi32>, vector<16xi32>], vector<16xf32>,
      %add3A_1351 = arith.addf %add3A_1331, %gather3A_1350 : vector<16xf32>
      %add3A_1352 = arith.constant 68 : i32
      %add3A_1353 = vector.broadcast %add3A_1352 : i32 to vector<16xi32>
      %add3A_1354 = arith.addi %shift_right_arithmetic3A_6, %add3A_1353 : vector<16xi32>
      %gather3A_1355 = tpu.vector_load_idx %arg12[%add3A_1354, %and3A_8] : memref<128x16xf32, #tpu.memory_space<vmem>>[vector<16xi32>, vector<16xi32>], vector<16xf32>,
      %add3A_1356 = arith.addf %add3A_1336, %gather3A_1355 : vector<16xf32>
      %add3A_1357 = arith.constant 70 : i32
      %add3A_1358 = vector.broadcast %add3A_1357 : i32 to vector<16xi32>
      %add3A_1359 = arith.addi %shift_right_arithmetic3A_6, %add3A_1358 : vector<16xi32>
      %gather3A_1360 = tpu.vector_load_idx %arg12[%add3A_1359, %and3A_8] : memref<128x16xf32, #tpu.memory_space<vmem>>[vector<16xi32>, vector<16xi32>], vector<16xf32>,
      %add3A_1361 = arith.addf %add3A_1341, %gather3A_1360 : vector<16xf32>
      %add3A_1362 = arith.constant 72 : i32
      %add3A_1363 = vector.broadcast %add3A_1362 : i32 to vector<16xi32>
      %add3A_1364 = arith.addi %shift_right_arithmetic3A_6, %add3A_1363 : vector<16xi32>
      %gather3A_1365 = tpu.vector_load_idx %arg12[%add3A_1364, %and3A_8] : memref<128x16xf32, #tpu.memory_space<vmem>>[vector<16xi32>, vector<16xi32>], vector<16xf32>,
      %add3A_1366 = arith.addf %add3A_1346, %gather3A_1365 : vector<16xf32>
      %add3A_1367 = arith.constant 74 : i32
      %add3A_1368 = vector.broadcast %add3A_1367 : i32 to vector<16xi32>
      %add3A_1369 = arith.addi %shift_right_arithmetic3A_6, %add3A_1368 : vector<16xi32>
      %gather3A_1370 = tpu.vector_load_idx %arg12[%add3A_1369, %and3A_8] : memref<128x16xf32, #tpu.memory_space<vmem>>[vector<16xi32>, vector<16xi32>], vector<16xf32>,
      %add3A_1371 = arith.addf %add3A_1351, %gather3A_1370 : vector<16xf32>
      %add3A_1372 = arith.constant 76 : i32
      %add3A_1373 = vector.broadcast %add3A_1372 : i32 to vector<16xi32>
      %add3A_1374 = arith.addi %shift_right_arithmetic3A_6, %add3A_1373 : vector<16xi32>
      %gather3A_1375 = tpu.vector_load_idx %arg12[%add3A_1374, %and3A_8] : memref<128x16xf32, #tpu.memory_space<vmem>>[vector<16xi32>, vector<16xi32>], vector<16xf32>,
      %add3A_1376 = arith.addf %add3A_1356, %gather3A_1375 : vector<16xf32>
      %add3A_1377 = arith.constant 78 : i32
      %add3A_1378 = vector.broadcast %add3A_1377 : i32 to vector<16xi32>
      %add3A_1379 = arith.addi %shift_right_arithmetic3A_6, %add3A_1378 : vector<16xi32>
      %gather3A_1380 = tpu.vector_load_idx %arg12[%add3A_1379, %and3A_8] : memref<128x16xf32, #tpu.memory_space<vmem>>[vector<16xi32>, vector<16xi32>], vector<16xf32>,
      %add3A_1381 = arith.addf %add3A_1361, %gather3A_1380 : vector<16xf32>
      %add3A_1382 = arith.constant 80 : i32
      %add3A_1383 = vector.broadcast %add3A_1382 : i32 to vector<16xi32>
      %add3A_1384 = arith.addi %shift_right_arithmetic3A_6, %add3A_1383 : vector<16xi32>
      %gather3A_1385 = tpu.vector_load_idx %arg12[%add3A_1384, %and3A_8] : memref<128x16xf32, #tpu.memory_space<vmem>>[vector<16xi32>, vector<16xi32>], vector<16xf32>,
      %add3A_1386 = arith.addf %add3A_1366, %gather3A_1385 : vector<16xf32>
      %add3A_1387 = arith.constant 82 : i32
      %add3A_1388 = vector.broadcast %add3A_1387 : i32 to vector<16xi32>
      %add3A_1389 = arith.addi %shift_right_arithmetic3A_6, %add3A_1388 : vector<16xi32>
      %gather3A_1390 = tpu.vector_load_idx %arg12[%add3A_1389, %and3A_8] : memref<128x16xf32, #tpu.memory_space<vmem>>[vector<16xi32>, vector<16xi32>], vector<16xf32>,
      %add3A_1391 = arith.addf %add3A_1371, %gather3A_1390 : vector<16xf32>
      %add3A_1392 = arith.constant 84 : i32
      %add3A_1393 = vector.broadcast %add3A_1392 : i32 to vector<16xi32>
      %add3A_1394 = arith.addi %shift_right_arithmetic3A_6, %add3A_1393 : vector<16xi32>
      %gather3A_1395 = tpu.vector_load_idx %arg12[%add3A_1394, %and3A_8] : memref<128x16xf32, #tpu.memory_space<vmem>>[vector<16xi32>, vector<16xi32>], vector<16xf32>,
      %add3A_1396 = arith.addf %add3A_1376, %gather3A_1395 : vector<16xf32>
      %add3A_1397 = arith.constant 86 : i32
      %add3A_1398 = vector.broadcast %add3A_1397 : i32 to vector<16xi32>
      %add3A_1399 = arith.addi %shift_right_arithmetic3A_6, %add3A_1398 : vector<16xi32>
      %gather3A_1400 = tpu.vector_load_idx %arg12[%add3A_1399, %and3A_8] : memref<128x16xf32, #tpu.memory_space<vmem>>[vector<16xi32>, vector<16xi32>], vector<16xf32>,
      %add3A_1401 = arith.addf %add3A_1381, %gather3A_1400 : vector<16xf32>
      %add3A_1402 = arith.constant 88 : i32
      %add3A_1403 = vector.broadcast %add3A_1402 : i32 to vector<16xi32>
      %add3A_1404 = arith.addi %shift_right_arithmetic3A_6, %add3A_1403 : vector<16xi32>
      %gather3A_1405 = tpu.vector_load_idx %arg12[%add3A_1404, %and3A_8] : memref<128x16xf32, #tpu.memory_space<vmem>>[vector<16xi32>, vector<16xi32>], vector<16xf32>,
      %add3A_1406 = arith.addf %add3A_1386, %gather3A_1405 : vector<16xf32>
      %add3A_1407 = arith.constant 90 : i32
      %add3A_1408 = vector.broadcast %add3A_1407 : i32 to vector<16xi32>
      %add3A_1409 = arith.addi %shift_right_arithmetic3A_6, %add3A_1408 : vector<16xi32>
      %gather3A_1410 = tpu.vector_load_idx %arg12[%add3A_1409, %and3A_8] : memref<128x16xf32, #tpu.memory_space<vmem>>[vector<16xi32>, vector<16xi32>], vector<16xf32>,
      %add3A_1411 = arith.addf %add3A_1391, %gather3A_1410 : vector<16xf32>
      %add3A_1412 = arith.constant 92 : i32
      %add3A_1413 = vector.broadcast %add3A_1412 : i32 to vector<16xi32>
      %add3A_1414 = arith.addi %shift_right_arithmetic3A_6, %add3A_1413 : vector<16xi32>
      %gather3A_1415 = tpu.vector_load_idx %arg12[%add3A_1414, %and3A_8] : memref<128x16xf32, #tpu.memory_space<vmem>>[vector<16xi32>, vector<16xi32>], vector<16xf32>,
      %add3A_1416 = arith.addf %add3A_1396, %gather3A_1415 : vector<16xf32>
      %add3A_1417 = arith.constant 94 : i32
      %add3A_1418 = vector.broadcast %add3A_1417 : i32 to vector<16xi32>
      %add3A_1419 = arith.addi %shift_right_arithmetic3A_6, %add3A_1418 : vector<16xi32>
      %gather3A_1420 = tpu.vector_load_idx %arg12[%add3A_1419, %and3A_8] : memref<128x16xf32, #tpu.memory_space<vmem>>[vector<16xi32>, vector<16xi32>], vector<16xf32>,
      %add3A_1421 = arith.addf %add3A_1401, %gather3A_1420 : vector<16xf32>
      %add3A_1422 = arith.constant 96 : i32
      %add3A_1423 = vector.broadcast %add3A_1422 : i32 to vector<16xi32>
      %add3A_1424 = arith.addi %shift_right_arithmetic3A_6, %add3A_1423 : vector<16xi32>
      %gather3A_1425 = tpu.vector_load_idx %arg12[%add3A_1424, %and3A_8] : memref<128x16xf32, #tpu.memory_space<vmem>>[vector<16xi32>, vector<16xi32>], vector<16xf32>,
      %add3A_1426 = arith.addf %add3A_1406, %gather3A_1425 : vector<16xf32>
      %add3A_1427 = arith.constant 98 : i32
      %add3A_1428 = vector.broadcast %add3A_1427 : i32 to vector<16xi32>
      %add3A_1429 = arith.addi %shift_right_arithmetic3A_6, %add3A_1428 : vector<16xi32>
      %gather3A_1430 = tpu.vector_load_idx %arg12[%add3A_1429, %and3A_8] : memref<128x16xf32, #tpu.memory_space<vmem>>[vector<16xi32>, vector<16xi32>], vector<16xf32>,
      %add3A_1431 = arith.addf %add3A_1411, %gather3A_1430 : vector<16xf32>
      %add3A_1432 = arith.constant 100 : i32
      %add3A_1433 = vector.broadcast %add3A_1432 : i32 to vector<16xi32>
      %add3A_1434 = arith.addi %shift_right_arithmetic3A_6, %add3A_1433 : vector<16xi32>
      %gather3A_1435 = tpu.vector_load_idx %arg12[%add3A_1434, %and3A_8] : memref<128x16xf32, #tpu.memory_space<vmem>>[vector<16xi32>, vector<16xi32>], vector<16xf32>,
      %add3A_1436 = arith.addf %add3A_1416, %gather3A_1435 : vector<16xf32>
      %add3A_1437 = arith.constant 102 : i32
      %add3A_1438 = vector.broadcast %add3A_1437 : i32 to vector<16xi32>
      %add3A_1439 = arith.addi %shift_right_arithmetic3A_6, %add3A_1438 : vector<16xi32>
      %gather3A_1440 = tpu.vector_load_idx %arg12[%add3A_1439, %and3A_8] : memref<128x16xf32, #tpu.memory_space<vmem>>[vector<16xi32>, vector<16xi32>], vector<16xf32>,
      %add3A_1441 = arith.addf %add3A_1421, %gather3A_1440 : vector<16xf32>
      %add3A_1442 = arith.constant 104 : i32
      %add3A_1443 = vector.broadcast %add3A_1442 : i32 to vector<16xi32>
      %add3A_1444 = arith.addi %shift_right_arithmetic3A_6, %add3A_1443 : vector<16xi32>
      %gather3A_1445 = tpu.vector_load_idx %arg12[%add3A_1444, %and3A_8] : memref<128x16xf32, #tpu.memory_space<vmem>>[vector<16xi32>, vector<16xi32>], vector<16xf32>,
      %add3A_1446 = arith.addf %add3A_1426, %gather3A_1445 : vector<16xf32>
      %add3A_1447 = arith.constant 106 : i32
      %add3A_1448 = vector.broadcast %add3A_1447 : i32 to vector<16xi32>
      %add3A_1449 = arith.addi %shift_right_arithmetic3A_6, %add3A_1448 : vector<16xi32>
      %gather3A_1450 = tpu.vector_load_idx %arg12[%add3A_1449, %and3A_8] : memref<128x16xf32, #tpu.memory_space<vmem>>[vector<16xi32>, vector<16xi32>], vector<16xf32>,
      %add3A_1451 = arith.addf %add3A_1431, %gather3A_1450 : vector<16xf32>
      %add3A_1452 = arith.constant 108 : i32
      %add3A_1453 = vector.broadcast %add3A_1452 : i32 to vector<16xi32>
      %add3A_1454 = arith.addi %shift_right_arithmetic3A_6, %add3A_1453 : vector<16xi32>
      %gather3A_1455 = tpu.vector_load_idx %arg12[%add3A_1454, %and3A_8] : memref<128x16xf32, #tpu.memory_space<vmem>>[vector<16xi32>, vector<16xi32>], vector<16xf32>,
      %add3A_1456 = arith.addf %add3A_1436, %gather3A_1455 : vector<16xf32>
      %add3A_1457 = arith.constant 110 : i32
      %add3A_1458 = vector.broadcast %add3A_1457 : i32 to vector<16xi32>
      %add3A_1459 = arith.addi %shift_right_arithmetic3A_6, %add3A_1458 : vector<16xi32>
      %gather3A_1460 = tpu.vector_load_idx %arg12[%add3A_1459, %and3A_8] : memref<128x16xf32, #tpu.memory_space<vmem>>[vector<16xi32>, vector<16xi32>], vector<16xf32>,
      %add3A_1461 = arith.addf %add3A_1441, %gather3A_1460 : vector<16xf32>
      %add3A_1462 = arith.constant 112 : i32
      %add3A_1463 = vector.broadcast %add3A_1462 : i32 to vector<16xi32>
      %add3A_1464 = arith.addi %shift_right_arithmetic3A_6, %add3A_1463 : vector<16xi32>
      %gather3A_1465 = tpu.vector_load_idx %arg12[%add3A_1464, %and3A_8] : memref<128x16xf32, #tpu.memory_space<vmem>>[vector<16xi32>, vector<16xi32>], vector<16xf32>,
      %add3A_1466 = arith.addf %add3A_1446, %gather3A_1465 : vector<16xf32>
      %add3A_1467 = arith.constant 114 : i32
      %add3A_1468 = vector.broadcast %add3A_1467 : i32 to vector<16xi32>
      %add3A_1469 = arith.addi %shift_right_arithmetic3A_6, %add3A_1468 : vector<16xi32>
      %gather3A_1470 = tpu.vector_load_idx %arg12[%add3A_1469, %and3A_8] : memref<128x16xf32, #tpu.memory_space<vmem>>[vector<16xi32>, vector<16xi32>], vector<16xf32>,
      %add3A_1471 = arith.addf %add3A_1451, %gather3A_1470 : vector<16xf32>
      %add3A_1472 = arith.constant 116 : i32
      %add3A_1473 = vector.broadcast %add3A_1472 : i32 to vector<16xi32>
      %add3A_1474 = arith.addi %shift_right_arithmetic3A_6, %add3A_1473 : vector<16xi32>
      %gather3A_1475 = tpu.vector_load_idx %arg12[%add3A_1474, %and3A_8] : memref<128x16xf32, #tpu.memory_space<vmem>>[vector<16xi32>, vector<16xi32>], vector<16xf32>,
      %add3A_1476 = arith.addf %add3A_1456, %gather3A_1475 : vector<16xf32>
      %add3A_1477 = arith.constant 118 : i32
      %add3A_1478 = vector.broadcast %add3A_1477 : i32 to vector<16xi32>
      %add3A_1479 = arith.addi %shift_right_arithmetic3A_6, %add3A_1478 : vector<16xi32>
      %gather3A_1480 = tpu.vector_load_idx %arg12[%add3A_1479, %and3A_8] : memref<128x16xf32, #tpu.memory_space<vmem>>[vector<16xi32>, vector<16xi32>], vector<16xf32>,
      %add3A_1481 = arith.addf %add3A_1461, %gather3A_1480 : vector<16xf32>
      %add3A_1482 = arith.constant 120 : i32
      %add3A_1483 = vector.broadcast %add3A_1482 : i32 to vector<16xi32>
      %add3A_1484 = arith.addi %shift_right_arithmetic3A_6, %add3A_1483 : vector<16xi32>
      %gather3A_1485 = tpu.vector_load_idx %arg12[%add3A_1484, %and3A_8] : memref<128x16xf32, #tpu.memory_space<vmem>>[vector<16xi32>, vector<16xi32>], vector<16xf32>,
      %add3A_1486 = arith.addf %add3A_1466, %gather3A_1485 : vector<16xf32>
      %add3A_1487 = arith.constant 122 : i32
      %add3A_1488 = vector.broadcast %add3A_1487 : i32 to vector<16xi32>
      %add3A_1489 = arith.addi %shift_right_arithmetic3A_6, %add3A_1488 : vector<16xi32>
      %gather3A_1490 = tpu.vector_load_idx %arg12[%add3A_1489, %and3A_8] : memref<128x16xf32, #tpu.memory_space<vmem>>[vector<16xi32>, vector<16xi32>], vector<16xf32>,
      %add3A_1491 = arith.addf %add3A_1471, %gather3A_1490 : vector<16xf32>
      %add3A_1492 = arith.constant 124 : i32
      %add3A_1493 = vector.broadcast %add3A_1492 : i32 to vector<16xi32>
      %add3A_1494 = arith.addi %shift_right_arithmetic3A_6, %add3A_1493 : vector<16xi32>
      %gather3A_1495 = tpu.vector_load_idx %arg12[%add3A_1494, %and3A_8] : memref<128x16xf32, #tpu.memory_space<vmem>>[vector<16xi32>, vector<16xi32>], vector<16xf32>,
      %add3A_1496 = arith.addf %add3A_1476, %gather3A_1495 : vector<16xf32>
      %add3A_1497 = arith.constant 126 : i32
      %add3A_1498 = vector.broadcast %add3A_1497 : i32 to vector<16xi32>
      %add3A_1499 = arith.addi %shift_right_arithmetic3A_6, %add3A_1498 : vector<16xi32>
      %gather3A_1500 = tpu.vector_load_idx %arg12[%add3A_1499, %and3A_8] : memref<128x16xf32, #tpu.memory_space<vmem>>[vector<16xi32>, vector<16xi32>], vector<16xf32>,
      %add3A_1501 = arith.addf %add3A_1481, %gather3A_1500 : vector<16xf32>
      %add3A_1502 = arith.constant 0 : i32
      %add3A_1503 = vector.broadcast %add3A_1502 : i32 to vector<16xi32>
      %add3A_1504 = arith.addi %shift_right_arithmetic3A_6, %add3A_1503 : vector<16xi32>
      %gather3A_1505 = tpu.vector_load_idx %arg16[%add3A_1504, %and3A_8] : memref<72x16xf32, #tpu.memory_space<vmem>>[vector<16xi32>, vector<16xi32>], vector<16xf32>,
      %add3A_1506 = arith.addf %add3A_1486, %gather3A_1505 : vector<16xf32>
      %add3A_1507 = arith.constant 2 : i32
      %add3A_1508 = vector.broadcast %add3A_1507 : i32 to vector<16xi32>
      %add3A_1509 = arith.addi %shift_right_arithmetic3A_6, %add3A_1508 : vector<16xi32>
      %gather3A_1510 = tpu.vector_load_idx %arg16[%add3A_1509, %and3A_8] : memref<72x16xf32, #tpu.memory_space<vmem>>[vector<16xi32>, vector<16xi32>], vector<16xf32>,
      %add3A_1511 = arith.addf %add3A_1491, %gather3A_1510 : vector<16xf32>
      %add3A_1512 = arith.constant 4 : i32
      %add3A_1513 = vector.broadcast %add3A_1512 : i32 to vector<16xi32>
      %add3A_1514 = arith.addi %shift_right_arithmetic3A_6, %add3A_1513 : vector<16xi32>
      %gather3A_1515 = tpu.vector_load_idx %arg16[%add3A_1514, %and3A_8] : memref<72x16xf32, #tpu.memory_space<vmem>>[vector<16xi32>, vector<16xi32>], vector<16xf32>,
      %add3A_1516 = arith.addf %add3A_1496, %gather3A_1515 : vector<16xf32>
      %add3A_1517 = arith.constant 6 : i32
      %add3A_1518 = vector.broadcast %add3A_1517 : i32 to vector<16xi32>
      %add3A_1519 = arith.addi %shift_right_arithmetic3A_6, %add3A_1518 : vector<16xi32>
      %gather3A_1520 = tpu.vector_load_idx %arg16[%add3A_1519, %and3A_8] : memref<72x16xf32, #tpu.memory_space<vmem>>[vector<16xi32>, vector<16xi32>], vector<16xf32>,
      %add3A_1521 = arith.addf %add3A_1501, %gather3A_1520 : vector<16xf32>
      %add3A_1522 = arith.constant 8 : i32
      %add3A_1523 = vector.broadcast %add3A_1522 : i32 to vector<16xi32>
      %add3A_1524 = arith.addi %shift_right_arithmetic3A_6, %add3A_1523 : vector<16xi32>
      %gather3A_1525 = tpu.vector_load_idx %arg16[%add3A_1524, %and3A_8] : memref<72x16xf32, #tpu.memory_space<vmem>>[vector<16xi32>, vector<16xi32>], vector<16xf32>,
      %add3A_1526 = arith.addf %add3A_1506, %gather3A_1525 : vector<16xf32>
      %add3A_1527 = arith.constant 10 : i32
      %add3A_1528 = vector.broadcast %add3A_1527 : i32 to vector<16xi32>
      %add3A_1529 = arith.addi %shift_right_arithmetic3A_6, %add3A_1528 : vector<16xi32>
      %gather3A_1530 = tpu.vector_load_idx %arg16[%add3A_1529, %and3A_8] : memref<72x16xf32, #tpu.memory_space<vmem>>[vector<16xi32>, vector<16xi32>], vector<16xf32>,
      %add3A_1531 = arith.addf %add3A_1511, %gather3A_1530 : vector<16xf32>
      %add3A_1532 = arith.constant 12 : i32
      %add3A_1533 = vector.broadcast %add3A_1532 : i32 to vector<16xi32>
      %add3A_1534 = arith.addi %shift_right_arithmetic3A_6, %add3A_1533 : vector<16xi32>
      %gather3A_1535 = tpu.vector_load_idx %arg16[%add3A_1534, %and3A_8] : memref<72x16xf32, #tpu.memory_space<vmem>>[vector<16xi32>, vector<16xi32>], vector<16xf32>,
      %add3A_1536 = arith.addf %add3A_1516, %gather3A_1535 : vector<16xf32>
      %add3A_1537 = arith.constant 14 : i32
      %add3A_1538 = vector.broadcast %add3A_1537 : i32 to vector<16xi32>
      %add3A_1539 = arith.addi %shift_right_arithmetic3A_6, %add3A_1538 : vector<16xi32>
      %gather3A_1540 = tpu.vector_load_idx %arg16[%add3A_1539, %and3A_8] : memref<72x16xf32, #tpu.memory_space<vmem>>[vector<16xi32>, vector<16xi32>], vector<16xf32>,
      %add3A_1541 = arith.addf %add3A_1521, %gather3A_1540 : vector<16xf32>
      %add3A_1542 = arith.constant 16 : i32
      %add3A_1543 = vector.broadcast %add3A_1542 : i32 to vector<16xi32>
      %add3A_1544 = arith.addi %shift_right_arithmetic3A_6, %add3A_1543 : vector<16xi32>
      %gather3A_1545 = tpu.vector_load_idx %arg16[%add3A_1544, %and3A_8] : memref<72x16xf32, #tpu.memory_space<vmem>>[vector<16xi32>, vector<16xi32>], vector<16xf32>,
      %add3A_1546 = arith.addf %add3A_1526, %gather3A_1545 : vector<16xf32>
      %add3A_1547 = arith.constant 18 : i32
      %add3A_1548 = vector.broadcast %add3A_1547 : i32 to vector<16xi32>
      %add3A_1549 = arith.addi %shift_right_arithmetic3A_6, %add3A_1548 : vector<16xi32>
      %gather3A_1550 = tpu.vector_load_idx %arg16[%add3A_1549, %and3A_8] : memref<72x16xf32, #tpu.memory_space<vmem>>[vector<16xi32>, vector<16xi32>], vector<16xf32>,
      %add3A_1551 = arith.addf %add3A_1531, %gather3A_1550 : vector<16xf32>
      %add3A_1552 = arith.constant 20 : i32
      %add3A_1553 = vector.broadcast %add3A_1552 : i32 to vector<16xi32>
      %add3A_1554 = arith.addi %shift_right_arithmetic3A_6, %add3A_1553 : vector<16xi32>
      %gather3A_1555 = tpu.vector_load_idx %arg16[%add3A_1554, %and3A_8] : memref<72x16xf32, #tpu.memory_space<vmem>>[vector<16xi32>, vector<16xi32>], vector<16xf32>,
      %add3A_1556 = arith.addf %add3A_1536, %gather3A_1555 : vector<16xf32>
      %add3A_1557 = arith.constant 22 : i32
      %add3A_1558 = vector.broadcast %add3A_1557 : i32 to vector<16xi32>
      %add3A_1559 = arith.addi %shift_right_arithmetic3A_6, %add3A_1558 : vector<16xi32>
      %gather3A_1560 = tpu.vector_load_idx %arg16[%add3A_1559, %and3A_8] : memref<72x16xf32, #tpu.memory_space<vmem>>[vector<16xi32>, vector<16xi32>], vector<16xf32>,
      %add3A_1561 = arith.addf %add3A_1541, %gather3A_1560 : vector<16xf32>
      %add3A_1562 = arith.constant 24 : i32
      %add3A_1563 = vector.broadcast %add3A_1562 : i32 to vector<16xi32>
      %add3A_1564 = arith.addi %shift_right_arithmetic3A_6, %add3A_1563 : vector<16xi32>
      %gather3A_1565 = tpu.vector_load_idx %arg16[%add3A_1564, %and3A_8] : memref<72x16xf32, #tpu.memory_space<vmem>>[vector<16xi32>, vector<16xi32>], vector<16xf32>,
      %add3A_1566 = arith.addf %add3A_1546, %gather3A_1565 : vector<16xf32>
      %add3A_1567 = arith.constant 26 : i32
      %add3A_1568 = vector.broadcast %add3A_1567 : i32 to vector<16xi32>
      %add3A_1569 = arith.addi %shift_right_arithmetic3A_6, %add3A_1568 : vector<16xi32>
      %gather3A_1570 = tpu.vector_load_idx %arg16[%add3A_1569, %and3A_8] : memref<72x16xf32, #tpu.memory_space<vmem>>[vector<16xi32>, vector<16xi32>], vector<16xf32>,
      %add3A_1571 = arith.addf %add3A_1551, %gather3A_1570 : vector<16xf32>
      %add3A_1572 = arith.constant 28 : i32
      %add3A_1573 = vector.broadcast %add3A_1572 : i32 to vector<16xi32>
      %add3A_1574 = arith.addi %shift_right_arithmetic3A_6, %add3A_1573 : vector<16xi32>
      %gather3A_1575 = tpu.vector_load_idx %arg16[%add3A_1574, %and3A_8] : memref<72x16xf32, #tpu.memory_space<vmem>>[vector<16xi32>, vector<16xi32>], vector<16xf32>,
      %add3A_1576 = arith.addf %add3A_1556, %gather3A_1575 : vector<16xf32>
      %add3A_1577 = arith.constant 30 : i32
      %add3A_1578 = vector.broadcast %add3A_1577 : i32 to vector<16xi32>
      %add3A_1579 = arith.addi %shift_right_arithmetic3A_6, %add3A_1578 : vector<16xi32>
      %gather3A_1580 = tpu.vector_load_idx %arg16[%add3A_1579, %and3A_8] : memref<72x16xf32, #tpu.memory_space<vmem>>[vector<16xi32>, vector<16xi32>], vector<16xf32>,
      %add3A_1581 = arith.addf %add3A_1561, %gather3A_1580 : vector<16xf32>
      %add3A_1582 = arith.constant 32 : i32
      %add3A_1583 = vector.broadcast %add3A_1582 : i32 to vector<16xi32>
      %add3A_1584 = arith.addi %shift_right_arithmetic3A_6, %add3A_1583 : vector<16xi32>
      %gather3A_1585 = tpu.vector_load_idx %arg16[%add3A_1584, %and3A_8] : memref<72x16xf32, #tpu.memory_space<vmem>>[vector<16xi32>, vector<16xi32>], vector<16xf32>,
      %add3A_1586 = arith.addf %add3A_1566, %gather3A_1585 : vector<16xf32>
      %add3A_1587 = arith.constant 34 : i32
      %add3A_1588 = vector.broadcast %add3A_1587 : i32 to vector<16xi32>
      %add3A_1589 = arith.addi %shift_right_arithmetic3A_6, %add3A_1588 : vector<16xi32>
      %gather3A_1590 = tpu.vector_load_idx %arg16[%add3A_1589, %and3A_8] : memref<72x16xf32, #tpu.memory_space<vmem>>[vector<16xi32>, vector<16xi32>], vector<16xf32>,
      %add3A_1591 = arith.addf %add3A_1571, %gather3A_1590 : vector<16xf32>
      %add3A_1592 = arith.constant 36 : i32
      %add3A_1593 = vector.broadcast %add3A_1592 : i32 to vector<16xi32>
      %add3A_1594 = arith.addi %shift_right_arithmetic3A_6, %add3A_1593 : vector<16xi32>
      %gather3A_1595 = tpu.vector_load_idx %arg16[%add3A_1594, %and3A_8] : memref<72x16xf32, #tpu.memory_space<vmem>>[vector<16xi32>, vector<16xi32>], vector<16xf32>,
      %add3A_1596 = arith.addf %add3A_1576, %gather3A_1595 : vector<16xf32>
      %add3A_1597 = arith.constant 38 : i32
      %add3A_1598 = vector.broadcast %add3A_1597 : i32 to vector<16xi32>
      %add3A_1599 = arith.addi %shift_right_arithmetic3A_6, %add3A_1598 : vector<16xi32>
      %gather3A_1600 = tpu.vector_load_idx %arg16[%add3A_1599, %and3A_8] : memref<72x16xf32, #tpu.memory_space<vmem>>[vector<16xi32>, vector<16xi32>], vector<16xf32>,
      %add3A_1601 = arith.addf %add3A_1581, %gather3A_1600 : vector<16xf32>
      %add3A_1602 = arith.constant 40 : i32
      %add3A_1603 = vector.broadcast %add3A_1602 : i32 to vector<16xi32>
      %add3A_1604 = arith.addi %shift_right_arithmetic3A_6, %add3A_1603 : vector<16xi32>
      %gather3A_1605 = tpu.vector_load_idx %arg16[%add3A_1604, %and3A_8] : memref<72x16xf32, #tpu.memory_space<vmem>>[vector<16xi32>, vector<16xi32>], vector<16xf32>,
      %add3A_1606 = arith.addf %add3A_1586, %gather3A_1605 : vector<16xf32>
      %add3A_1607 = arith.constant 42 : i32
      %add3A_1608 = vector.broadcast %add3A_1607 : i32 to vector<16xi32>
      %add3A_1609 = arith.addi %shift_right_arithmetic3A_6, %add3A_1608 : vector<16xi32>
      %gather3A_1610 = tpu.vector_load_idx %arg16[%add3A_1609, %and3A_8] : memref<72x16xf32, #tpu.memory_space<vmem>>[vector<16xi32>, vector<16xi32>], vector<16xf32>,
      %add3A_1611 = arith.addf %add3A_1591, %gather3A_1610 : vector<16xf32>
      %add3A_1612 = arith.constant 44 : i32
      %add3A_1613 = vector.broadcast %add3A_1612 : i32 to vector<16xi32>
      %add3A_1614 = arith.addi %shift_right_arithmetic3A_6, %add3A_1613 : vector<16xi32>
      %gather3A_1615 = tpu.vector_load_idx %arg16[%add3A_1614, %and3A_8] : memref<72x16xf32, #tpu.memory_space<vmem>>[vector<16xi32>, vector<16xi32>], vector<16xf32>,
      %add3A_1616 = arith.addf %add3A_1596, %gather3A_1615 : vector<16xf32>
      %add3A_1617 = arith.constant 46 : i32
      %add3A_1618 = vector.broadcast %add3A_1617 : i32 to vector<16xi32>
      %add3A_1619 = arith.addi %shift_right_arithmetic3A_6, %add3A_1618 : vector<16xi32>
      %gather3A_1620 = tpu.vector_load_idx %arg16[%add3A_1619, %and3A_8] : memref<72x16xf32, #tpu.memory_space<vmem>>[vector<16xi32>, vector<16xi32>], vector<16xf32>,
      %add3A_1621 = arith.addf %add3A_1601, %gather3A_1620 : vector<16xf32>
      %add3A_1622 = arith.constant 48 : i32
      %add3A_1623 = vector.broadcast %add3A_1622 : i32 to vector<16xi32>
      %add3A_1624 = arith.addi %shift_right_arithmetic3A_6, %add3A_1623 : vector<16xi32>
      %gather3A_1625 = tpu.vector_load_idx %arg16[%add3A_1624, %and3A_8] : memref<72x16xf32, #tpu.memory_space<vmem>>[vector<16xi32>, vector<16xi32>], vector<16xf32>,
      %add3A_1626 = arith.addf %add3A_1606, %gather3A_1625 : vector<16xf32>
      %add3A_1627 = arith.constant 50 : i32
      %add3A_1628 = vector.broadcast %add3A_1627 : i32 to vector<16xi32>
      %add3A_1629 = arith.addi %shift_right_arithmetic3A_6, %add3A_1628 : vector<16xi32>
      %gather3A_1630 = tpu.vector_load_idx %arg16[%add3A_1629, %and3A_8] : memref<72x16xf32, #tpu.memory_space<vmem>>[vector<16xi32>, vector<16xi32>], vector<16xf32>,
      %add3A_1631 = arith.addf %add3A_1611, %gather3A_1630 : vector<16xf32>
      %add3A_1632 = arith.constant 52 : i32
      %add3A_1633 = vector.broadcast %add3A_1632 : i32 to vector<16xi32>
      %add3A_1634 = arith.addi %shift_right_arithmetic3A_6, %add3A_1633 : vector<16xi32>
      %gather3A_1635 = tpu.vector_load_idx %arg16[%add3A_1634, %and3A_8] : memref<72x16xf32, #tpu.memory_space<vmem>>[vector<16xi32>, vector<16xi32>], vector<16xf32>,
      %add3A_1636 = arith.addf %add3A_1616, %gather3A_1635 : vector<16xf32>
      %add3A_1637 = arith.constant 54 : i32
      %add3A_1638 = vector.broadcast %add3A_1637 : i32 to vector<16xi32>
      %add3A_1639 = arith.addi %shift_right_arithmetic3A_6, %add3A_1638 : vector<16xi32>
      %gather3A_1640 = tpu.vector_load_idx %arg16[%add3A_1639, %and3A_8] : memref<72x16xf32, #tpu.memory_space<vmem>>[vector<16xi32>, vector<16xi32>], vector<16xf32>,
      %add3A_1641 = arith.addf %add3A_1621, %gather3A_1640 : vector<16xf32>
      %add3A_1642 = arith.constant 56 : i32
      %add3A_1643 = vector.broadcast %add3A_1642 : i32 to vector<16xi32>
      %add3A_1644 = arith.addi %shift_right_arithmetic3A_6, %add3A_1643 : vector<16xi32>
      %gather3A_1645 = tpu.vector_load_idx %arg16[%add3A_1644, %and3A_8] : memref<72x16xf32, #tpu.memory_space<vmem>>[vector<16xi32>, vector<16xi32>], vector<16xf32>,
      %add3A_1646 = arith.addf %add3A_1626, %gather3A_1645 : vector<16xf32>
      %add3A_1647 = arith.constant 58 : i32
      %add3A_1648 = vector.broadcast %add3A_1647 : i32 to vector<16xi32>
      %add3A_1649 = arith.addi %shift_right_arithmetic3A_6, %add3A_1648 : vector<16xi32>
      %gather3A_1650 = tpu.vector_load_idx %arg16[%add3A_1649, %and3A_8] : memref<72x16xf32, #tpu.memory_space<vmem>>[vector<16xi32>, vector<16xi32>], vector<16xf32>,
      %add3A_1651 = arith.addf %add3A_1631, %gather3A_1650 : vector<16xf32>
      %add3A_1652 = arith.constant 60 : i32
      %add3A_1653 = vector.broadcast %add3A_1652 : i32 to vector<16xi32>
      %add3A_1654 = arith.addi %shift_right_arithmetic3A_6, %add3A_1653 : vector<16xi32>
      %gather3A_1655 = tpu.vector_load_idx %arg16[%add3A_1654, %and3A_8] : memref<72x16xf32, #tpu.memory_space<vmem>>[vector<16xi32>, vector<16xi32>], vector<16xf32>,
      %add3A_1656 = arith.addf %add3A_1636, %gather3A_1655 : vector<16xf32>
      %add3A_1657 = arith.constant 62 : i32
      %add3A_1658 = vector.broadcast %add3A_1657 : i32 to vector<16xi32>
      %add3A_1659 = arith.addi %shift_right_arithmetic3A_6, %add3A_1658 : vector<16xi32>
      %gather3A_1660 = tpu.vector_load_idx %arg16[%add3A_1659, %and3A_8] : memref<72x16xf32, #tpu.memory_space<vmem>>[vector<16xi32>, vector<16xi32>], vector<16xf32>,
      %add3A_1661 = arith.addf %add3A_1641, %gather3A_1660 : vector<16xf32>
      %add3A_1662 = arith.constant 64 : i32
      %add3A_1663 = vector.broadcast %add3A_1662 : i32 to vector<16xi32>
      %add3A_1664 = arith.addi %shift_right_arithmetic3A_6, %add3A_1663 : vector<16xi32>
      %gather3A_1665 = tpu.vector_load_idx %arg16[%add3A_1664, %and3A_8] : memref<72x16xf32, #tpu.memory_space<vmem>>[vector<16xi32>, vector<16xi32>], vector<16xf32>,
      %add3A_1666 = arith.addf %add3A_1646, %gather3A_1665 : vector<16xf32>
      %add3A_1667 = arith.constant 66 : i32
      %add3A_1668 = vector.broadcast %add3A_1667 : i32 to vector<16xi32>
      %add3A_1669 = arith.addi %shift_right_arithmetic3A_6, %add3A_1668 : vector<16xi32>
      %gather3A_1670 = tpu.vector_load_idx %arg16[%add3A_1669, %and3A_8] : memref<72x16xf32, #tpu.memory_space<vmem>>[vector<16xi32>, vector<16xi32>], vector<16xf32>,
      %add3A_1671 = arith.addf %add3A_1651, %gather3A_1670 : vector<16xf32>
      %add3A_1672 = arith.constant 68 : i32
      %add3A_1673 = vector.broadcast %add3A_1672 : i32 to vector<16xi32>
      %add3A_1674 = arith.addi %shift_right_arithmetic3A_6, %add3A_1673 : vector<16xi32>
      %gather3A_1675 = tpu.vector_load_idx %arg16[%add3A_1674, %and3A_8] : memref<72x16xf32, #tpu.memory_space<vmem>>[vector<16xi32>, vector<16xi32>], vector<16xf32>,
      %add3A_1676 = arith.addf %add3A_1656, %gather3A_1675 : vector<16xf32>
      %add3A_1677 = arith.constant 70 : i32
      %add3A_1678 = vector.broadcast %add3A_1677 : i32 to vector<16xi32>
      %add3A_1679 = arith.addi %shift_right_arithmetic3A_6, %add3A_1678 : vector<16xi32>
      %gather3A_1680 = tpu.vector_load_idx %arg16[%add3A_1679, %and3A_8] : memref<72x16xf32, #tpu.memory_space<vmem>>[vector<16xi32>, vector<16xi32>], vector<16xf32>,
      %add3A_1681 = arith.addf %add3A_1661, %gather3A_1680 : vector<16xf32>
      %add3A_1682 = arith.addf %add3A_1666, %add3A_1671 : vector<16xf32>
      %add3A_1683 = arith.addf %add3A_1676, %add3A_1681 : vector<16xf32>
      %add3A_1684 = arith.addf %add3A_1682, %add3A_1683 : vector<16xf32>
      %mul3A_1685 = arith.constant 16 : i32
      %mul3A_1686 = arith.muli %add3A_1163, %mul3A_1685 : i32
      %swap3A_1687 = arith.index_cast %mul3A_1686 : i32 to index
      %swap3A_1688 = tpu.vector_load %arg19[%swap3A_1687] {strides = array<i32>} : memref<2048xf32, #tpu.memory_space<vmem>>, vector<16xf32>,
      tpu.vector_store %arg19[%swap3A_1687], %add3A_1684 {strides = array<i32>} : memref<2048xf32, #tpu.memory_space<vmem>>, vector<16xf32>,
      %add3A_1689 = arith.constant 4 : i32
      %add3A_1690 = arith.addi %add3A_1163, %add3A_1689 : i32
      %jit3A_1691 = arith.constant 128 : i32
      %eq3A_1692 = arith.constant 0 : i32
      %eq3A_1693 = arith.cmpi eq, %jit3A_1691, %eq3A_1692 : i32
      %jit3A_1694 = arith.constant 1 : i32
      %select_n3A_1695 = arith.select %eq3A_1693, %jit3A_1694, %jit3A_1691 : i32
      %rem3A_1696 = arith.remsi %add3A_1690, %select_n3A_1695 : i32
      %ne3A_1697 = arith.constant 0 : i32
      %ne3A_1698 = arith.cmpi ne, %rem3A_1696, %ne3A_1697 : i32
      %lt3A_1699 = arith.constant 0 : i32
      %lt3A_1700 = arith.cmpi slt, %rem3A_1696, %lt3A_1699 : i32
      %lt3A_1701 = arith.constant 0 : i32
      %lt3A_1702 = arith.cmpi slt, %select_n3A_1695, %lt3A_1701 : i32
      %ne3A_1703 = arith.xori %lt3A_1700, %lt3A_1702 : i1
      %and3A_1704 = arith.andi %ne3A_1703, %ne3A_1698 : i1
      %add3A_1705 = arith.addi %rem3A_1696, %select_n3A_1695 : i32
      %select_n3A_1706 = arith.select %and3A_1704, %add3A_1705, %rem3A_1696 : i32
      %mul3A_1707 = arith.constant 200 : i32
      %mul3A_1708 = arith.muli %select_n3A_1706, %mul3A_1707 : i32
      %dma_start3A_1709 = tpu.memref_slice %arg7[%mul3A_1708] : memref<25600xi32, #tpu.memory_space<vmem>> -> memref<128xi32, #tpu.memory_space<vmem>>
      %dma_start3A_1710 = arith.constant 0 : i32
      %dma_start3A_1711 = arith.constant 0 : i32
      %dma_start3A_1712 = tpu.memref_slice %arg4[%dma_start3A_1710, %dma_start3A_1711] : memref<1048576x16xf32, #tpu.memory_space<hbm>> -> memref<1048576x16xf32, #tpu.memory_space<hbm>>
      tpu.enqueue_indirect_dma source(%dma_start3A_1712 : memref<1048576x16xf32, #tpu.memory_space<hbm>>) target(%arg12 : memref<128x16xf32, #tpu.memory_space<vmem>>) offsets(%dma_start3A_1709 : memref<128xi32, #tpu.memory_space<vmem>>) semaphore(%arg22 : memref<!tpu.dma_semaphore, #tpu.memory_space<semaphore_mem>>)
      %mul3A_1713 = arith.constant 200 : i32
      %mul3A_1714 = arith.muli %select_n3A_1706, %mul3A_1713 : i32
      %add3A_1715 = arith.constant 128 : i32
      %add3A_1716 = arith.addi %mul3A_1714, %add3A_1715 : i32
      %dma_start3A_1717 = tpu.memref_slice %arg7[%add3A_1716] : memref<25600xi32, #tpu.memory_space<vmem>> -> memref<72xi32, #tpu.memory_space<vmem>>
      %dma_start3A_1718 = arith.constant 0 : i32
      %dma_start3A_1719 = arith.constant 0 : i32
      %dma_start3A_1720 = tpu.memref_slice %arg4[%dma_start3A_1718, %dma_start3A_1719] : memref<1048576x16xf32, #tpu.memory_space<hbm>> -> memref<1048576x16xf32, #tpu.memory_space<hbm>>
      tpu.enqueue_indirect_dma source(%dma_start3A_1720 : memref<1048576x16xf32, #tpu.memory_space<hbm>>) target(%arg16 : memref<72x16xf32, #tpu.memory_space<vmem>>) offsets(%dma_start3A_1717 : memref<72xi32, #tpu.memory_space<vmem>>) semaphore(%arg22 : memref<!tpu.dma_semaphore, #tpu.memory_space<semaphore_mem>>)
      %add3A_1721 = arith.constant 2 : i32
      %add3A_1722 = arith.addi %add3A_609, %add3A_1721 : i32
      %dma_wait3A_1723 = arith.constant 0 : i32
      %dma_wait3A_1724 = tpu.memref_slice %arg7[%dma_wait3A_1723] : memref<25600xi32, #tpu.memory_space<vmem>> -> memref<128xi32, #tpu.memory_space<vmem>>
      %dma_wait3A_1725 = arith.constant 0 : i32
      %dma_wait3A_1726 = arith.constant 0 : i32
      %dma_wait3A_1727 = tpu.memref_slice %arg4[%dma_wait3A_1725, %dma_wait3A_1726] : memref<1048576x16xf32, #tpu.memory_space<hbm>> -> memref<1048576x16xf32, #tpu.memory_space<hbm>>
      tpu.wait_indirect_dma semaphore(%arg23 : memref<!tpu.dma_semaphore, #tpu.memory_space<semaphore_mem>>) src(%dma_wait3A_1727 : memref<1048576x16xf32, #tpu.memory_space<hbm>>) dst(%arg13 : memref<128x16xf32, #tpu.memory_space<vmem>>)
      %dma_wait3A_1728 = arith.constant 0 : i32
      %dma_wait3A_1729 = tpu.memref_slice %arg7[%dma_wait3A_1728] : memref<25600xi32, #tpu.memory_space<vmem>> -> memref<72xi32, #tpu.memory_space<vmem>>
      %dma_wait3A_1730 = arith.constant 0 : i32
      %dma_wait3A_1731 = arith.constant 0 : i32
      %dma_wait3A_1732 = tpu.memref_slice %arg4[%dma_wait3A_1730, %dma_wait3A_1731] : memref<1048576x16xf32, #tpu.memory_space<hbm>> -> memref<1048576x16xf32, #tpu.memory_space<hbm>>
      tpu.wait_indirect_dma semaphore(%arg23 : memref<!tpu.dma_semaphore, #tpu.memory_space<semaphore_mem>>) src(%dma_wait3A_1732 : memref<1048576x16xf32, #tpu.memory_space<hbm>>) dst(%arg17 : memref<72x16xf32, #tpu.memory_space<vmem>>)
      %broadcast_in_dim3A_1733 = arith.constant 0.000000e+00 : f32
      %broadcast_in_dim3A_1734 = vector.broadcast %broadcast_in_dim3A_1733 : f32 to vector<16xf32>
      %broadcast_in_dim3A_1735 = arith.constant 0.000000e+00 : f32
      %broadcast_in_dim3A_1736 = vector.broadcast %broadcast_in_dim3A_1735 : f32 to vector<16xf32>
      %broadcast_in_dim3A_1737 = arith.constant 0.000000e+00 : f32
      %broadcast_in_dim3A_1738 = vector.broadcast %broadcast_in_dim3A_1737 : f32 to vector<16xf32>
      %broadcast_in_dim3A_1739 = arith.constant 0.000000e+00 : f32
      %broadcast_in_dim3A_1740 = vector.broadcast %broadcast_in_dim3A_1739 : f32 to vector<16xf32>
      %add3A_1741 = arith.constant 0 : i32
      %add3A_1742 = vector.broadcast %add3A_1741 : i32 to vector<16xi32>
      %add3A_1743 = arith.addi %shift_right_arithmetic3A_6, %add3A_1742 : vector<16xi32>
      %gather3A_1744 = tpu.vector_load_idx %arg13[%add3A_1743, %and3A_8] : memref<128x16xf32, #tpu.memory_space<vmem>>[vector<16xi32>, vector<16xi32>], vector<16xf32>,
      %add3A_1745 = arith.addf %broadcast_in_dim3A_1734, %gather3A_1744 : vector<16xf32>
      %add3A_1746 = arith.constant 2 : i32
      %add3A_1747 = vector.broadcast %add3A_1746 : i32 to vector<16xi32>
      %add3A_1748 = arith.addi %shift_right_arithmetic3A_6, %add3A_1747 : vector<16xi32>
      %gather3A_1749 = tpu.vector_load_idx %arg13[%add3A_1748, %and3A_8] : memref<128x16xf32, #tpu.memory_space<vmem>>[vector<16xi32>, vector<16xi32>], vector<16xf32>,
      %add3A_1750 = arith.addf %broadcast_in_dim3A_1736, %gather3A_1749 : vector<16xf32>
      %add3A_1751 = arith.constant 4 : i32
      %add3A_1752 = vector.broadcast %add3A_1751 : i32 to vector<16xi32>
      %add3A_1753 = arith.addi %shift_right_arithmetic3A_6, %add3A_1752 : vector<16xi32>
      %gather3A_1754 = tpu.vector_load_idx %arg13[%add3A_1753, %and3A_8] : memref<128x16xf32, #tpu.memory_space<vmem>>[vector<16xi32>, vector<16xi32>], vector<16xf32>,
      %add3A_1755 = arith.addf %broadcast_in_dim3A_1738, %gather3A_1754 : vector<16xf32>
      %add3A_1756 = arith.constant 6 : i32
      %add3A_1757 = vector.broadcast %add3A_1756 : i32 to vector<16xi32>
      %add3A_1758 = arith.addi %shift_right_arithmetic3A_6, %add3A_1757 : vector<16xi32>
      %gather3A_1759 = tpu.vector_load_idx %arg13[%add3A_1758, %and3A_8] : memref<128x16xf32, #tpu.memory_space<vmem>>[vector<16xi32>, vector<16xi32>], vector<16xf32>,
      %add3A_1760 = arith.addf %broadcast_in_dim3A_1740, %gather3A_1759 : vector<16xf32>
      %add3A_1761 = arith.constant 8 : i32
      %add3A_1762 = vector.broadcast %add3A_1761 : i32 to vector<16xi32>
      %add3A_1763 = arith.addi %shift_right_arithmetic3A_6, %add3A_1762 : vector<16xi32>
      %gather3A_1764 = tpu.vector_load_idx %arg13[%add3A_1763, %and3A_8] : memref<128x16xf32, #tpu.memory_space<vmem>>[vector<16xi32>, vector<16xi32>], vector<16xf32>,
      %add3A_1765 = arith.addf %add3A_1745, %gather3A_1764 : vector<16xf32>
      %add3A_1766 = arith.constant 10 : i32
      %add3A_1767 = vector.broadcast %add3A_1766 : i32 to vector<16xi32>
      %add3A_1768 = arith.addi %shift_right_arithmetic3A_6, %add3A_1767 : vector<16xi32>
      %gather3A_1769 = tpu.vector_load_idx %arg13[%add3A_1768, %and3A_8] : memref<128x16xf32, #tpu.memory_space<vmem>>[vector<16xi32>, vector<16xi32>], vector<16xf32>,
      %add3A_1770 = arith.addf %add3A_1750, %gather3A_1769 : vector<16xf32>
      %add3A_1771 = arith.constant 12 : i32
      %add3A_1772 = vector.broadcast %add3A_1771 : i32 to vector<16xi32>
      %add3A_1773 = arith.addi %shift_right_arithmetic3A_6, %add3A_1772 : vector<16xi32>
      %gather3A_1774 = tpu.vector_load_idx %arg13[%add3A_1773, %and3A_8] : memref<128x16xf32, #tpu.memory_space<vmem>>[vector<16xi32>, vector<16xi32>], vector<16xf32>,
      %add3A_1775 = arith.addf %add3A_1755, %gather3A_1774 : vector<16xf32>
      %add3A_1776 = arith.constant 14 : i32
      %add3A_1777 = vector.broadcast %add3A_1776 : i32 to vector<16xi32>
      %add3A_1778 = arith.addi %shift_right_arithmetic3A_6, %add3A_1777 : vector<16xi32>
      %gather3A_1779 = tpu.vector_load_idx %arg13[%add3A_1778, %and3A_8] : memref<128x16xf32, #tpu.memory_space<vmem>>[vector<16xi32>, vector<16xi32>], vector<16xf32>,
      %add3A_1780 = arith.addf %add3A_1760, %gather3A_1779 : vector<16xf32>
      %add3A_1781 = arith.constant 16 : i32
      %add3A_1782 = vector.broadcast %add3A_1781 : i32 to vector<16xi32>
      %add3A_1783 = arith.addi %shift_right_arithmetic3A_6, %add3A_1782 : vector<16xi32>
      %gather3A_1784 = tpu.vector_load_idx %arg13[%add3A_1783, %and3A_8] : memref<128x16xf32, #tpu.memory_space<vmem>>[vector<16xi32>, vector<16xi32>], vector<16xf32>,
      %add3A_1785 = arith.addf %add3A_1765, %gather3A_1784 : vector<16xf32>
      %add3A_1786 = arith.constant 18 : i32
      %add3A_1787 = vector.broadcast %add3A_1786 : i32 to vector<16xi32>
      %add3A_1788 = arith.addi %shift_right_arithmetic3A_6, %add3A_1787 : vector<16xi32>
      %gather3A_1789 = tpu.vector_load_idx %arg13[%add3A_1788, %and3A_8] : memref<128x16xf32, #tpu.memory_space<vmem>>[vector<16xi32>, vector<16xi32>], vector<16xf32>,
      %add3A_1790 = arith.addf %add3A_1770, %gather3A_1789 : vector<16xf32>
      %add3A_1791 = arith.constant 20 : i32
      %add3A_1792 = vector.broadcast %add3A_1791 : i32 to vector<16xi32>
      %add3A_1793 = arith.addi %shift_right_arithmetic3A_6, %add3A_1792 : vector<16xi32>
      %gather3A_1794 = tpu.vector_load_idx %arg13[%add3A_1793, %and3A_8] : memref<128x16xf32, #tpu.memory_space<vmem>>[vector<16xi32>, vector<16xi32>], vector<16xf32>,
      %add3A_1795 = arith.addf %add3A_1775, %gather3A_1794 : vector<16xf32>
      %add3A_1796 = arith.constant 22 : i32
      %add3A_1797 = vector.broadcast %add3A_1796 : i32 to vector<16xi32>
      %add3A_1798 = arith.addi %shift_right_arithmetic3A_6, %add3A_1797 : vector<16xi32>
      %gather3A_1799 = tpu.vector_load_idx %arg13[%add3A_1798, %and3A_8] : memref<128x16xf32, #tpu.memory_space<vmem>>[vector<16xi32>, vector<16xi32>], vector<16xf32>,
      %add3A_1800 = arith.addf %add3A_1780, %gather3A_1799 : vector<16xf32>
      %add3A_1801 = arith.constant 24 : i32
      %add3A_1802 = vector.broadcast %add3A_1801 : i32 to vector<16xi32>
      %add3A_1803 = arith.addi %shift_right_arithmetic3A_6, %add3A_1802 : vector<16xi32>
      %gather3A_1804 = tpu.vector_load_idx %arg13[%add3A_1803, %and3A_8] : memref<128x16xf32, #tpu.memory_space<vmem>>[vector<16xi32>, vector<16xi32>], vector<16xf32>,
      %add3A_1805 = arith.addf %add3A_1785, %gather3A_1804 : vector<16xf32>
      %add3A_1806 = arith.constant 26 : i32
      %add3A_1807 = vector.broadcast %add3A_1806 : i32 to vector<16xi32>
      %add3A_1808 = arith.addi %shift_right_arithmetic3A_6, %add3A_1807 : vector<16xi32>
      %gather3A_1809 = tpu.vector_load_idx %arg13[%add3A_1808, %and3A_8] : memref<128x16xf32, #tpu.memory_space<vmem>>[vector<16xi32>, vector<16xi32>], vector<16xf32>,
      %add3A_1810 = arith.addf %add3A_1790, %gather3A_1809 : vector<16xf32>
      %add3A_1811 = arith.constant 28 : i32
      %add3A_1812 = vector.broadcast %add3A_1811 : i32 to vector<16xi32>
      %add3A_1813 = arith.addi %shift_right_arithmetic3A_6, %add3A_1812 : vector<16xi32>
      %gather3A_1814 = tpu.vector_load_idx %arg13[%add3A_1813, %and3A_8] : memref<128x16xf32, #tpu.memory_space<vmem>>[vector<16xi32>, vector<16xi32>], vector<16xf32>,
      %add3A_1815 = arith.addf %add3A_1795, %gather3A_1814 : vector<16xf32>
      %add3A_1816 = arith.constant 30 : i32
      %add3A_1817 = vector.broadcast %add3A_1816 : i32 to vector<16xi32>
      %add3A_1818 = arith.addi %shift_right_arithmetic3A_6, %add3A_1817 : vector<16xi32>
      %gather3A_1819 = tpu.vector_load_idx %arg13[%add3A_1818, %and3A_8] : memref<128x16xf32, #tpu.memory_space<vmem>>[vector<16xi32>, vector<16xi32>], vector<16xf32>,
      %add3A_1820 = arith.addf %add3A_1800, %gather3A_1819 : vector<16xf32>
      %add3A_1821 = arith.constant 32 : i32
      %add3A_1822 = vector.broadcast %add3A_1821 : i32 to vector<16xi32>
      %add3A_1823 = arith.addi %shift_right_arithmetic3A_6, %add3A_1822 : vector<16xi32>
      %gather3A_1824 = tpu.vector_load_idx %arg13[%add3A_1823, %and3A_8] : memref<128x16xf32, #tpu.memory_space<vmem>>[vector<16xi32>, vector<16xi32>], vector<16xf32>,
      %add3A_1825 = arith.addf %add3A_1805, %gather3A_1824 : vector<16xf32>
      %add3A_1826 = arith.constant 34 : i32
      %add3A_1827 = vector.broadcast %add3A_1826 : i32 to vector<16xi32>
      %add3A_1828 = arith.addi %shift_right_arithmetic3A_6, %add3A_1827 : vector<16xi32>
      %gather3A_1829 = tpu.vector_load_idx %arg13[%add3A_1828, %and3A_8] : memref<128x16xf32, #tpu.memory_space<vmem>>[vector<16xi32>, vector<16xi32>], vector<16xf32>,
      %add3A_1830 = arith.addf %add3A_1810, %gather3A_1829 : vector<16xf32>
      %add3A_1831 = arith.constant 36 : i32
      %add3A_1832 = vector.broadcast %add3A_1831 : i32 to vector<16xi32>
      %add3A_1833 = arith.addi %shift_right_arithmetic3A_6, %add3A_1832 : vector<16xi32>
      %gather3A_1834 = tpu.vector_load_idx %arg13[%add3A_1833, %and3A_8] : memref<128x16xf32, #tpu.memory_space<vmem>>[vector<16xi32>, vector<16xi32>], vector<16xf32>,
      %add3A_1835 = arith.addf %add3A_1815, %gather3A_1834 : vector<16xf32>
      %add3A_1836 = arith.constant 38 : i32
      %add3A_1837 = vector.broadcast %add3A_1836 : i32 to vector<16xi32>
      %add3A_1838 = arith.addi %shift_right_arithmetic3A_6, %add3A_1837 : vector<16xi32>
      %gather3A_1839 = tpu.vector_load_idx %arg13[%add3A_1838, %and3A_8] : memref<128x16xf32, #tpu.memory_space<vmem>>[vector<16xi32>, vector<16xi32>], vector<16xf32>,
      %add3A_1840 = arith.addf %add3A_1820, %gather3A_1839 : vector<16xf32>
      %add3A_1841 = arith.constant 40 : i32
      %add3A_1842 = vector.broadcast %add3A_1841 : i32 to vector<16xi32>
      %add3A_1843 = arith.addi %shift_right_arithmetic3A_6, %add3A_1842 : vector<16xi32>
      %gather3A_1844 = tpu.vector_load_idx %arg13[%add3A_1843, %and3A_8] : memref<128x16xf32, #tpu.memory_space<vmem>>[vector<16xi32>, vector<16xi32>], vector<16xf32>,
      %add3A_1845 = arith.addf %add3A_1825, %gather3A_1844 : vector<16xf32>
      %add3A_1846 = arith.constant 42 : i32
      %add3A_1847 = vector.broadcast %add3A_1846 : i32 to vector<16xi32>
      %add3A_1848 = arith.addi %shift_right_arithmetic3A_6, %add3A_1847 : vector<16xi32>
      %gather3A_1849 = tpu.vector_load_idx %arg13[%add3A_1848, %and3A_8] : memref<128x16xf32, #tpu.memory_space<vmem>>[vector<16xi32>, vector<16xi32>], vector<16xf32>,
      %add3A_1850 = arith.addf %add3A_1830, %gather3A_1849 : vector<16xf32>
      %add3A_1851 = arith.constant 44 : i32
      %add3A_1852 = vector.broadcast %add3A_1851 : i32 to vector<16xi32>
      %add3A_1853 = arith.addi %shift_right_arithmetic3A_6, %add3A_1852 : vector<16xi32>
      %gather3A_1854 = tpu.vector_load_idx %arg13[%add3A_1853, %and3A_8] : memref<128x16xf32, #tpu.memory_space<vmem>>[vector<16xi32>, vector<16xi32>], vector<16xf32>,
      %add3A_1855 = arith.addf %add3A_1835, %gather3A_1854 : vector<16xf32>
      %add3A_1856 = arith.constant 46 : i32
      %add3A_1857 = vector.broadcast %add3A_1856 : i32 to vector<16xi32>
      %add3A_1858 = arith.addi %shift_right_arithmetic3A_6, %add3A_1857 : vector<16xi32>
      %gather3A_1859 = tpu.vector_load_idx %arg13[%add3A_1858, %and3A_8] : memref<128x16xf32, #tpu.memory_space<vmem>>[vector<16xi32>, vector<16xi32>], vector<16xf32>,
      %add3A_1860 = arith.addf %add3A_1840, %gather3A_1859 : vector<16xf32>
      %add3A_1861 = arith.constant 48 : i32
      %add3A_1862 = vector.broadcast %add3A_1861 : i32 to vector<16xi32>
      %add3A_1863 = arith.addi %shift_right_arithmetic3A_6, %add3A_1862 : vector<16xi32>
      %gather3A_1864 = tpu.vector_load_idx %arg13[%add3A_1863, %and3A_8] : memref<128x16xf32, #tpu.memory_space<vmem>>[vector<16xi32>, vector<16xi32>], vector<16xf32>,
      %add3A_1865 = arith.addf %add3A_1845, %gather3A_1864 : vector<16xf32>
      %add3A_1866 = arith.constant 50 : i32
      %add3A_1867 = vector.broadcast %add3A_1866 : i32 to vector<16xi32>
      %add3A_1868 = arith.addi %shift_right_arithmetic3A_6, %add3A_1867 : vector<16xi32>
      %gather3A_1869 = tpu.vector_load_idx %arg13[%add3A_1868, %and3A_8] : memref<128x16xf32, #tpu.memory_space<vmem>>[vector<16xi32>, vector<16xi32>], vector<16xf32>,
      %add3A_1870 = arith.addf %add3A_1850, %gather3A_1869 : vector<16xf32>
      %add3A_1871 = arith.constant 52 : i32
      %add3A_1872 = vector.broadcast %add3A_1871 : i32 to vector<16xi32>
      %add3A_1873 = arith.addi %shift_right_arithmetic3A_6, %add3A_1872 : vector<16xi32>
      %gather3A_1874 = tpu.vector_load_idx %arg13[%add3A_1873, %and3A_8] : memref<128x16xf32, #tpu.memory_space<vmem>>[vector<16xi32>, vector<16xi32>], vector<16xf32>,
      %add3A_1875 = arith.addf %add3A_1855, %gather3A_1874 : vector<16xf32>
      %add3A_1876 = arith.constant 54 : i32
      %add3A_1877 = vector.broadcast %add3A_1876 : i32 to vector<16xi32>
      %add3A_1878 = arith.addi %shift_right_arithmetic3A_6, %add3A_1877 : vector<16xi32>
      %gather3A_1879 = tpu.vector_load_idx %arg13[%add3A_1878, %and3A_8] : memref<128x16xf32, #tpu.memory_space<vmem>>[vector<16xi32>, vector<16xi32>], vector<16xf32>,
      %add3A_1880 = arith.addf %add3A_1860, %gather3A_1879 : vector<16xf32>
      %add3A_1881 = arith.constant 56 : i32
      %add3A_1882 = vector.broadcast %add3A_1881 : i32 to vector<16xi32>
      %add3A_1883 = arith.addi %shift_right_arithmetic3A_6, %add3A_1882 : vector<16xi32>
      %gather3A_1884 = tpu.vector_load_idx %arg13[%add3A_1883, %and3A_8] : memref<128x16xf32, #tpu.memory_space<vmem>>[vector<16xi32>, vector<16xi32>], vector<16xf32>,
      %add3A_1885 = arith.addf %add3A_1865, %gather3A_1884 : vector<16xf32>
      %add3A_1886 = arith.constant 58 : i32
      %add3A_1887 = vector.broadcast %add3A_1886 : i32 to vector<16xi32>
      %add3A_1888 = arith.addi %shift_right_arithmetic3A_6, %add3A_1887 : vector<16xi32>
      %gather3A_1889 = tpu.vector_load_idx %arg13[%add3A_1888, %and3A_8] : memref<128x16xf32, #tpu.memory_space<vmem>>[vector<16xi32>, vector<16xi32>], vector<16xf32>,
      %add3A_1890 = arith.addf %add3A_1870, %gather3A_1889 : vector<16xf32>
      %add3A_1891 = arith.constant 60 : i32
      %add3A_1892 = vector.broadcast %add3A_1891 : i32 to vector<16xi32>
      %add3A_1893 = arith.addi %shift_right_arithmetic3A_6, %add3A_1892 : vector<16xi32>
      %gather3A_1894 = tpu.vector_load_idx %arg13[%add3A_1893, %and3A_8] : memref<128x16xf32, #tpu.memory_space<vmem>>[vector<16xi32>, vector<16xi32>], vector<16xf32>,
      %add3A_1895 = arith.addf %add3A_1875, %gather3A_1894 : vector<16xf32>
      %add3A_1896 = arith.constant 62 : i32
      %add3A_1897 = vector.broadcast %add3A_1896 : i32 to vector<16xi32>
      %add3A_1898 = arith.addi %shift_right_arithmetic3A_6, %add3A_1897 : vector<16xi32>
      %gather3A_1899 = tpu.vector_load_idx %arg13[%add3A_1898, %and3A_8] : memref<128x16xf32, #tpu.memory_space<vmem>>[vector<16xi32>, vector<16xi32>], vector<16xf32>,
      %add3A_1900 = arith.addf %add3A_1880, %gather3A_1899 : vector<16xf32>
      %add3A_1901 = arith.constant 64 : i32
      %add3A_1902 = vector.broadcast %add3A_1901 : i32 to vector<16xi32>
      %add3A_1903 = arith.addi %shift_right_arithmetic3A_6, %add3A_1902 : vector<16xi32>
      %gather3A_1904 = tpu.vector_load_idx %arg13[%add3A_1903, %and3A_8] : memref<128x16xf32, #tpu.memory_space<vmem>>[vector<16xi32>, vector<16xi32>], vector<16xf32>,
      %add3A_1905 = arith.addf %add3A_1885, %gather3A_1904 : vector<16xf32>
      %add3A_1906 = arith.constant 66 : i32
      %add3A_1907 = vector.broadcast %add3A_1906 : i32 to vector<16xi32>
      %add3A_1908 = arith.addi %shift_right_arithmetic3A_6, %add3A_1907 : vector<16xi32>
      %gather3A_1909 = tpu.vector_load_idx %arg13[%add3A_1908, %and3A_8] : memref<128x16xf32, #tpu.memory_space<vmem>>[vector<16xi32>, vector<16xi32>], vector<16xf32>,
      %add3A_1910 = arith.addf %add3A_1890, %gather3A_1909 : vector<16xf32>
      %add3A_1911 = arith.constant 68 : i32
      %add3A_1912 = vector.broadcast %add3A_1911 : i32 to vector<16xi32>
      %add3A_1913 = arith.addi %shift_right_arithmetic3A_6, %add3A_1912 : vector<16xi32>
      %gather3A_1914 = tpu.vector_load_idx %arg13[%add3A_1913, %and3A_8] : memref<128x16xf32, #tpu.memory_space<vmem>>[vector<16xi32>, vector<16xi32>], vector<16xf32>,
      %add3A_1915 = arith.addf %add3A_1895, %gather3A_1914 : vector<16xf32>
      %add3A_1916 = arith.constant 70 : i32
      %add3A_1917 = vector.broadcast %add3A_1916 : i32 to vector<16xi32>
      %add3A_1918 = arith.addi %shift_right_arithmetic3A_6, %add3A_1917 : vector<16xi32>
      %gather3A_1919 = tpu.vector_load_idx %arg13[%add3A_1918, %and3A_8] : memref<128x16xf32, #tpu.memory_space<vmem>>[vector<16xi32>, vector<16xi32>], vector<16xf32>,
      %add3A_1920 = arith.addf %add3A_1900, %gather3A_1919 : vector<16xf32>
      %add3A_1921 = arith.constant 72 : i32
      %add3A_1922 = vector.broadcast %add3A_1921 : i32 to vector<16xi32>
      %add3A_1923 = arith.addi %shift_right_arithmetic3A_6, %add3A_1922 : vector<16xi32>
      %gather3A_1924 = tpu.vector_load_idx %arg13[%add3A_1923, %and3A_8] : memref<128x16xf32, #tpu.memory_space<vmem>>[vector<16xi32>, vector<16xi32>], vector<16xf32>,
      %add3A_1925 = arith.addf %add3A_1905, %gather3A_1924 : vector<16xf32>
      %add3A_1926 = arith.constant 74 : i32
      %add3A_1927 = vector.broadcast %add3A_1926 : i32 to vector<16xi32>
      %add3A_1928 = arith.addi %shift_right_arithmetic3A_6, %add3A_1927 : vector<16xi32>
      %gather3A_1929 = tpu.vector_load_idx %arg13[%add3A_1928, %and3A_8] : memref<128x16xf32, #tpu.memory_space<vmem>>[vector<16xi32>, vector<16xi32>], vector<16xf32>,
      %add3A_1930 = arith.addf %add3A_1910, %gather3A_1929 : vector<16xf32>
      %add3A_1931 = arith.constant 76 : i32
      %add3A_1932 = vector.broadcast %add3A_1931 : i32 to vector<16xi32>
      %add3A_1933 = arith.addi %shift_right_arithmetic3A_6, %add3A_1932 : vector<16xi32>
      %gather3A_1934 = tpu.vector_load_idx %arg13[%add3A_1933, %and3A_8] : memref<128x16xf32, #tpu.memory_space<vmem>>[vector<16xi32>, vector<16xi32>], vector<16xf32>,
      %add3A_1935 = arith.addf %add3A_1915, %gather3A_1934 : vector<16xf32>
      %add3A_1936 = arith.constant 78 : i32
      %add3A_1937 = vector.broadcast %add3A_1936 : i32 to vector<16xi32>
      %add3A_1938 = arith.addi %shift_right_arithmetic3A_6, %add3A_1937 : vector<16xi32>
      %gather3A_1939 = tpu.vector_load_idx %arg13[%add3A_1938, %and3A_8] : memref<128x16xf32, #tpu.memory_space<vmem>>[vector<16xi32>, vector<16xi32>], vector<16xf32>,
      %add3A_1940 = arith.addf %add3A_1920, %gather3A_1939 : vector<16xf32>
      %add3A_1941 = arith.constant 80 : i32
      %add3A_1942 = vector.broadcast %add3A_1941 : i32 to vector<16xi32>
      %add3A_1943 = arith.addi %shift_right_arithmetic3A_6, %add3A_1942 : vector<16xi32>
      %gather3A_1944 = tpu.vector_load_idx %arg13[%add3A_1943, %and3A_8] : memref<128x16xf32, #tpu.memory_space<vmem>>[vector<16xi32>, vector<16xi32>], vector<16xf32>,
      %add3A_1945 = arith.addf %add3A_1925, %gather3A_1944 : vector<16xf32>
      %add3A_1946 = arith.constant 82 : i32
      %add3A_1947 = vector.broadcast %add3A_1946 : i32 to vector<16xi32>
      %add3A_1948 = arith.addi %shift_right_arithmetic3A_6, %add3A_1947 : vector<16xi32>
      %gather3A_1949 = tpu.vector_load_idx %arg13[%add3A_1948, %and3A_8] : memref<128x16xf32, #tpu.memory_space<vmem>>[vector<16xi32>, vector<16xi32>], vector<16xf32>,
      %add3A_1950 = arith.addf %add3A_1930, %gather3A_1949 : vector<16xf32>
      %add3A_1951 = arith.constant 84 : i32
      %add3A_1952 = vector.broadcast %add3A_1951 : i32 to vector<16xi32>
      %add3A_1953 = arith.addi %shift_right_arithmetic3A_6, %add3A_1952 : vector<16xi32>
      %gather3A_1954 = tpu.vector_load_idx %arg13[%add3A_1953, %and3A_8] : memref<128x16xf32, #tpu.memory_space<vmem>>[vector<16xi32>, vector<16xi32>], vector<16xf32>,
      %add3A_1955 = arith.addf %add3A_1935, %gather3A_1954 : vector<16xf32>
      %add3A_1956 = arith.constant 86 : i32
      %add3A_1957 = vector.broadcast %add3A_1956 : i32 to vector<16xi32>
      %add3A_1958 = arith.addi %shift_right_arithmetic3A_6, %add3A_1957 : vector<16xi32>
      %gather3A_1959 = tpu.vector_load_idx %arg13[%add3A_1958, %and3A_8] : memref<128x16xf32, #tpu.memory_space<vmem>>[vector<16xi32>, vector<16xi32>], vector<16xf32>,
      %add3A_1960 = arith.addf %add3A_1940, %gather3A_1959 : vector<16xf32>
      %add3A_1961 = arith.constant 88 : i32
      %add3A_1962 = vector.broadcast %add3A_1961 : i32 to vector<16xi32>
      %add3A_1963 = arith.addi %shift_right_arithmetic3A_6, %add3A_1962 : vector<16xi32>
      %gather3A_1964 = tpu.vector_load_idx %arg13[%add3A_1963, %and3A_8] : memref<128x16xf32, #tpu.memory_space<vmem>>[vector<16xi32>, vector<16xi32>], vector<16xf32>,
      %add3A_1965 = arith.addf %add3A_1945, %gather3A_1964 : vector<16xf32>
      %add3A_1966 = arith.constant 90 : i32
      %add3A_1967 = vector.broadcast %add3A_1966 : i32 to vector<16xi32>
      %add3A_1968 = arith.addi %shift_right_arithmetic3A_6, %add3A_1967 : vector<16xi32>
      %gather3A_1969 = tpu.vector_load_idx %arg13[%add3A_1968, %and3A_8] : memref<128x16xf32, #tpu.memory_space<vmem>>[vector<16xi32>, vector<16xi32>], vector<16xf32>,
      %add3A_1970 = arith.addf %add3A_1950, %gather3A_1969 : vector<16xf32>
      %add3A_1971 = arith.constant 92 : i32
      %add3A_1972 = vector.broadcast %add3A_1971 : i32 to vector<16xi32>
      %add3A_1973 = arith.addi %shift_right_arithmetic3A_6, %add3A_1972 : vector<16xi32>
      %gather3A_1974 = tpu.vector_load_idx %arg13[%add3A_1973, %and3A_8] : memref<128x16xf32, #tpu.memory_space<vmem>>[vector<16xi32>, vector<16xi32>], vector<16xf32>,
      %add3A_1975 = arith.addf %add3A_1955, %gather3A_1974 : vector<16xf32>
      %add3A_1976 = arith.constant 94 : i32
      %add3A_1977 = vector.broadcast %add3A_1976 : i32 to vector<16xi32>
      %add3A_1978 = arith.addi %shift_right_arithmetic3A_6, %add3A_1977 : vector<16xi32>
      %gather3A_1979 = tpu.vector_load_idx %arg13[%add3A_1978, %and3A_8] : memref<128x16xf32, #tpu.memory_space<vmem>>[vector<16xi32>, vector<16xi32>], vector<16xf32>,
      %add3A_1980 = arith.addf %add3A_1960, %gather3A_1979 : vector<16xf32>
      %add3A_1981 = arith.constant 96 : i32
      %add3A_1982 = vector.broadcast %add3A_1981 : i32 to vector<16xi32>
      %add3A_1983 = arith.addi %shift_right_arithmetic3A_6, %add3A_1982 : vector<16xi32>
      %gather3A_1984 = tpu.vector_load_idx %arg13[%add3A_1983, %and3A_8] : memref<128x16xf32, #tpu.memory_space<vmem>>[vector<16xi32>, vector<16xi32>], vector<16xf32>,
      %add3A_1985 = arith.addf %add3A_1965, %gather3A_1984 : vector<16xf32>
      %add3A_1986 = arith.constant 98 : i32
      %add3A_1987 = vector.broadcast %add3A_1986 : i32 to vector<16xi32>
      %add3A_1988 = arith.addi %shift_right_arithmetic3A_6, %add3A_1987 : vector<16xi32>
      %gather3A_1989 = tpu.vector_load_idx %arg13[%add3A_1988, %and3A_8] : memref<128x16xf32, #tpu.memory_space<vmem>>[vector<16xi32>, vector<16xi32>], vector<16xf32>,
      %add3A_1990 = arith.addf %add3A_1970, %gather3A_1989 : vector<16xf32>
      %add3A_1991 = arith.constant 100 : i32
      %add3A_1992 = vector.broadcast %add3A_1991 : i32 to vector<16xi32>
      %add3A_1993 = arith.addi %shift_right_arithmetic3A_6, %add3A_1992 : vector<16xi32>
      %gather3A_1994 = tpu.vector_load_idx %arg13[%add3A_1993, %and3A_8] : memref<128x16xf32, #tpu.memory_space<vmem>>[vector<16xi32>, vector<16xi32>], vector<16xf32>,
      %add3A_1995 = arith.addf %add3A_1975, %gather3A_1994 : vector<16xf32>
      %add3A_1996 = arith.constant 102 : i32
      %add3A_1997 = vector.broadcast %add3A_1996 : i32 to vector<16xi32>
      %add3A_1998 = arith.addi %shift_right_arithmetic3A_6, %add3A_1997 : vector<16xi32>
      %gather3A_1999 = tpu.vector_load_idx %arg13[%add3A_1998, %and3A_8] : memref<128x16xf32, #tpu.memory_space<vmem>>[vector<16xi32>, vector<16xi32>], vector<16xf32>,
      %add3A_2000 = arith.addf %add3A_1980, %gather3A_1999 : vector<16xf32>
      %add3A_2001 = arith.constant 104 : i32
      %add3A_2002 = vector.broadcast %add3A_2001 : i32 to vector<16xi32>
      %add3A_2003 = arith.addi %shift_right_arithmetic3A_6, %add3A_2002 : vector<16xi32>
      %gather3A_2004 = tpu.vector_load_idx %arg13[%add3A_2003, %and3A_8] : memref<128x16xf32, #tpu.memory_space<vmem>>[vector<16xi32>, vector<16xi32>], vector<16xf32>,
      %add3A_2005 = arith.addf %add3A_1985, %gather3A_2004 : vector<16xf32>
      %add3A_2006 = arith.constant 106 : i32
      %add3A_2007 = vector.broadcast %add3A_2006 : i32 to vector<16xi32>
      %add3A_2008 = arith.addi %shift_right_arithmetic3A_6, %add3A_2007 : vector<16xi32>
      %gather3A_2009 = tpu.vector_load_idx %arg13[%add3A_2008, %and3A_8] : memref<128x16xf32, #tpu.memory_space<vmem>>[vector<16xi32>, vector<16xi32>], vector<16xf32>,
      %add3A_2010 = arith.addf %add3A_1990, %gather3A_2009 : vector<16xf32>
      %add3A_2011 = arith.constant 108 : i32
      %add3A_2012 = vector.broadcast %add3A_2011 : i32 to vector<16xi32>
      %add3A_2013 = arith.addi %shift_right_arithmetic3A_6, %add3A_2012 : vector<16xi32>
      %gather3A_2014 = tpu.vector_load_idx %arg13[%add3A_2013, %and3A_8] : memref<128x16xf32, #tpu.memory_space<vmem>>[vector<16xi32>, vector<16xi32>], vector<16xf32>,
      %add3A_2015 = arith.addf %add3A_1995, %gather3A_2014 : vector<16xf32>
      %add3A_2016 = arith.constant 110 : i32
      %add3A_2017 = vector.broadcast %add3A_2016 : i32 to vector<16xi32>
      %add3A_2018 = arith.addi %shift_right_arithmetic3A_6, %add3A_2017 : vector<16xi32>
      %gather3A_2019 = tpu.vector_load_idx %arg13[%add3A_2018, %and3A_8] : memref<128x16xf32, #tpu.memory_space<vmem>>[vector<16xi32>, vector<16xi32>], vector<16xf32>,
      %add3A_2020 = arith.addf %add3A_2000, %gather3A_2019 : vector<16xf32>
      %add3A_2021 = arith.constant 112 : i32
      %add3A_2022 = vector.broadcast %add3A_2021 : i32 to vector<16xi32>
      %add3A_2023 = arith.addi %shift_right_arithmetic3A_6, %add3A_2022 : vector<16xi32>
      %gather3A_2024 = tpu.vector_load_idx %arg13[%add3A_2023, %and3A_8] : memref<128x16xf32, #tpu.memory_space<vmem>>[vector<16xi32>, vector<16xi32>], vector<16xf32>,
      %add3A_2025 = arith.addf %add3A_2005, %gather3A_2024 : vector<16xf32>
      %add3A_2026 = arith.constant 114 : i32
      %add3A_2027 = vector.broadcast %add3A_2026 : i32 to vector<16xi32>
      %add3A_2028 = arith.addi %shift_right_arithmetic3A_6, %add3A_2027 : vector<16xi32>
      %gather3A_2029 = tpu.vector_load_idx %arg13[%add3A_2028, %and3A_8] : memref<128x16xf32, #tpu.memory_space<vmem>>[vector<16xi32>, vector<16xi32>], vector<16xf32>,
      %add3A_2030 = arith.addf %add3A_2010, %gather3A_2029 : vector<16xf32>
      %add3A_2031 = arith.constant 116 : i32
      %add3A_2032 = vector.broadcast %add3A_2031 : i32 to vector<16xi32>
      %add3A_2033 = arith.addi %shift_right_arithmetic3A_6, %add3A_2032 : vector<16xi32>
      %gather3A_2034 = tpu.vector_load_idx %arg13[%add3A_2033, %and3A_8] : memref<128x16xf32, #tpu.memory_space<vmem>>[vector<16xi32>, vector<16xi32>], vector<16xf32>,
      %add3A_2035 = arith.addf %add3A_2015, %gather3A_2034 : vector<16xf32>
      %add3A_2036 = arith.constant 118 : i32
      %add3A_2037 = vector.broadcast %add3A_2036 : i32 to vector<16xi32>
      %add3A_2038 = arith.addi %shift_right_arithmetic3A_6, %add3A_2037 : vector<16xi32>
      %gather3A_2039 = tpu.vector_load_idx %arg13[%add3A_2038, %and3A_8] : memref<128x16xf32, #tpu.memory_space<vmem>>[vector<16xi32>, vector<16xi32>], vector<16xf32>,
      %add3A_2040 = arith.addf %add3A_2020, %gather3A_2039 : vector<16xf32>
      %add3A_2041 = arith.constant 120 : i32
      %add3A_2042 = vector.broadcast %add3A_2041 : i32 to vector<16xi32>
      %add3A_2043 = arith.addi %shift_right_arithmetic3A_6, %add3A_2042 : vector<16xi32>
      %gather3A_2044 = tpu.vector_load_idx %arg13[%add3A_2043, %and3A_8] : memref<128x16xf32, #tpu.memory_space<vmem>>[vector<16xi32>, vector<16xi32>], vector<16xf32>,
      %add3A_2045 = arith.addf %add3A_2025, %gather3A_2044 : vector<16xf32>
      %add3A_2046 = arith.constant 122 : i32
      %add3A_2047 = vector.broadcast %add3A_2046 : i32 to vector<16xi32>
      %add3A_2048 = arith.addi %shift_right_arithmetic3A_6, %add3A_2047 : vector<16xi32>
      %gather3A_2049 = tpu.vector_load_idx %arg13[%add3A_2048, %and3A_8] : memref<128x16xf32, #tpu.memory_space<vmem>>[vector<16xi32>, vector<16xi32>], vector<16xf32>,
      %add3A_2050 = arith.addf %add3A_2030, %gather3A_2049 : vector<16xf32>
      %add3A_2051 = arith.constant 124 : i32
      %add3A_2052 = vector.broadcast %add3A_2051 : i32 to vector<16xi32>
      %add3A_2053 = arith.addi %shift_right_arithmetic3A_6, %add3A_2052 : vector<16xi32>
      %gather3A_2054 = tpu.vector_load_idx %arg13[%add3A_2053, %and3A_8] : memref<128x16xf32, #tpu.memory_space<vmem>>[vector<16xi32>, vector<16xi32>], vector<16xf32>,
      %add3A_2055 = arith.addf %add3A_2035, %gather3A_2054 : vector<16xf32>
      %add3A_2056 = arith.constant 126 : i32
      %add3A_2057 = vector.broadcast %add3A_2056 : i32 to vector<16xi32>
      %add3A_2058 = arith.addi %shift_right_arithmetic3A_6, %add3A_2057 : vector<16xi32>
      %gather3A_2059 = tpu.vector_load_idx %arg13[%add3A_2058, %and3A_8] : memref<128x16xf32, #tpu.memory_space<vmem>>[vector<16xi32>, vector<16xi32>], vector<16xf32>,
      %add3A_2060 = arith.addf %add3A_2040, %gather3A_2059 : vector<16xf32>
      %add3A_2061 = arith.constant 0 : i32
      %add3A_2062 = vector.broadcast %add3A_2061 : i32 to vector<16xi32>
      %add3A_2063 = arith.addi %shift_right_arithmetic3A_6, %add3A_2062 : vector<16xi32>
      %gather3A_2064 = tpu.vector_load_idx %arg17[%add3A_2063, %and3A_8] : memref<72x16xf32, #tpu.memory_space<vmem>>[vector<16xi32>, vector<16xi32>], vector<16xf32>,
      %add3A_2065 = arith.addf %add3A_2045, %gather3A_2064 : vector<16xf32>
      %add3A_2066 = arith.constant 2 : i32
      %add3A_2067 = vector.broadcast %add3A_2066 : i32 to vector<16xi32>
      %add3A_2068 = arith.addi %shift_right_arithmetic3A_6, %add3A_2067 : vector<16xi32>
      %gather3A_2069 = tpu.vector_load_idx %arg17[%add3A_2068, %and3A_8] : memref<72x16xf32, #tpu.memory_space<vmem>>[vector<16xi32>, vector<16xi32>], vector<16xf32>,
      %add3A_2070 = arith.addf %add3A_2050, %gather3A_2069 : vector<16xf32>
      %add3A_2071 = arith.constant 4 : i32
      %add3A_2072 = vector.broadcast %add3A_2071 : i32 to vector<16xi32>
      %add3A_2073 = arith.addi %shift_right_arithmetic3A_6, %add3A_2072 : vector<16xi32>
      %gather3A_2074 = tpu.vector_load_idx %arg17[%add3A_2073, %and3A_8] : memref<72x16xf32, #tpu.memory_space<vmem>>[vector<16xi32>, vector<16xi32>], vector<16xf32>,
      %add3A_2075 = arith.addf %add3A_2055, %gather3A_2074 : vector<16xf32>
      %add3A_2076 = arith.constant 6 : i32
      %add3A_2077 = vector.broadcast %add3A_2076 : i32 to vector<16xi32>
      %add3A_2078 = arith.addi %shift_right_arithmetic3A_6, %add3A_2077 : vector<16xi32>
      %gather3A_2079 = tpu.vector_load_idx %arg17[%add3A_2078, %and3A_8] : memref<72x16xf32, #tpu.memory_space<vmem>>[vector<16xi32>, vector<16xi32>], vector<16xf32>,
      %add3A_2080 = arith.addf %add3A_2060, %gather3A_2079 : vector<16xf32>
      %add3A_2081 = arith.constant 8 : i32
      %add3A_2082 = vector.broadcast %add3A_2081 : i32 to vector<16xi32>
      %add3A_2083 = arith.addi %shift_right_arithmetic3A_6, %add3A_2082 : vector<16xi32>
      %gather3A_2084 = tpu.vector_load_idx %arg17[%add3A_2083, %and3A_8] : memref<72x16xf32, #tpu.memory_space<vmem>>[vector<16xi32>, vector<16xi32>], vector<16xf32>,
      %add3A_2085 = arith.addf %add3A_2065, %gather3A_2084 : vector<16xf32>
      %add3A_2086 = arith.constant 10 : i32
      %add3A_2087 = vector.broadcast %add3A_2086 : i32 to vector<16xi32>
      %add3A_2088 = arith.addi %shift_right_arithmetic3A_6, %add3A_2087 : vector<16xi32>
      %gather3A_2089 = tpu.vector_load_idx %arg17[%add3A_2088, %and3A_8] : memref<72x16xf32, #tpu.memory_space<vmem>>[vector<16xi32>, vector<16xi32>], vector<16xf32>,
      %add3A_2090 = arith.addf %add3A_2070, %gather3A_2089 : vector<16xf32>
      %add3A_2091 = arith.constant 12 : i32
      %add3A_2092 = vector.broadcast %add3A_2091 : i32 to vector<16xi32>
      %add3A_2093 = arith.addi %shift_right_arithmetic3A_6, %add3A_2092 : vector<16xi32>
      %gather3A_2094 = tpu.vector_load_idx %arg17[%add3A_2093, %and3A_8] : memref<72x16xf32, #tpu.memory_space<vmem>>[vector<16xi32>, vector<16xi32>], vector<16xf32>,
      %add3A_2095 = arith.addf %add3A_2075, %gather3A_2094 : vector<16xf32>
      %add3A_2096 = arith.constant 14 : i32
      %add3A_2097 = vector.broadcast %add3A_2096 : i32 to vector<16xi32>
      %add3A_2098 = arith.addi %shift_right_arithmetic3A_6, %add3A_2097 : vector<16xi32>
      %gather3A_2099 = tpu.vector_load_idx %arg17[%add3A_2098, %and3A_8] : memref<72x16xf32, #tpu.memory_space<vmem>>[vector<16xi32>, vector<16xi32>], vector<16xf32>,
      %add3A_2100 = arith.addf %add3A_2080, %gather3A_2099 : vector<16xf32>
      %add3A_2101 = arith.constant 16 : i32
      %add3A_2102 = vector.broadcast %add3A_2101 : i32 to vector<16xi32>
      %add3A_2103 = arith.addi %shift_right_arithmetic3A_6, %add3A_2102 : vector<16xi32>
      %gather3A_2104 = tpu.vector_load_idx %arg17[%add3A_2103, %and3A_8] : memref<72x16xf32, #tpu.memory_space<vmem>>[vector<16xi32>, vector<16xi32>], vector<16xf32>,
      %add3A_2105 = arith.addf %add3A_2085, %gather3A_2104 : vector<16xf32>
      %add3A_2106 = arith.constant 18 : i32
      %add3A_2107 = vector.broadcast %add3A_2106 : i32 to vector<16xi32>
      %add3A_2108 = arith.addi %shift_right_arithmetic3A_6, %add3A_2107 : vector<16xi32>
      %gather3A_2109 = tpu.vector_load_idx %arg17[%add3A_2108, %and3A_8] : memref<72x16xf32, #tpu.memory_space<vmem>>[vector<16xi32>, vector<16xi32>], vector<16xf32>,
      %add3A_2110 = arith.addf %add3A_2090, %gather3A_2109 : vector<16xf32>
      %add3A_2111 = arith.constant 20 : i32
      %add3A_2112 = vector.broadcast %add3A_2111 : i32 to vector<16xi32>
      %add3A_2113 = arith.addi %shift_right_arithmetic3A_6, %add3A_2112 : vector<16xi32>
      %gather3A_2114 = tpu.vector_load_idx %arg17[%add3A_2113, %and3A_8] : memref<72x16xf32, #tpu.memory_space<vmem>>[vector<16xi32>, vector<16xi32>], vector<16xf32>,
      %add3A_2115 = arith.addf %add3A_2095, %gather3A_2114 : vector<16xf32>
      %add3A_2116 = arith.constant 22 : i32
      %add3A_2117 = vector.broadcast %add3A_2116 : i32 to vector<16xi32>
      %add3A_2118 = arith.addi %shift_right_arithmetic3A_6, %add3A_2117 : vector<16xi32>
      %gather3A_2119 = tpu.vector_load_idx %arg17[%add3A_2118, %and3A_8] : memref<72x16xf32, #tpu.memory_space<vmem>>[vector<16xi32>, vector<16xi32>], vector<16xf32>,
      %add3A_2120 = arith.addf %add3A_2100, %gather3A_2119 : vector<16xf32>
      %add3A_2121 = arith.constant 24 : i32
      %add3A_2122 = vector.broadcast %add3A_2121 : i32 to vector<16xi32>
      %add3A_2123 = arith.addi %shift_right_arithmetic3A_6, %add3A_2122 : vector<16xi32>
      %gather3A_2124 = tpu.vector_load_idx %arg17[%add3A_2123, %and3A_8] : memref<72x16xf32, #tpu.memory_space<vmem>>[vector<16xi32>, vector<16xi32>], vector<16xf32>,
      %add3A_2125 = arith.addf %add3A_2105, %gather3A_2124 : vector<16xf32>
      %add3A_2126 = arith.constant 26 : i32
      %add3A_2127 = vector.broadcast %add3A_2126 : i32 to vector<16xi32>
      %add3A_2128 = arith.addi %shift_right_arithmetic3A_6, %add3A_2127 : vector<16xi32>
      %gather3A_2129 = tpu.vector_load_idx %arg17[%add3A_2128, %and3A_8] : memref<72x16xf32, #tpu.memory_space<vmem>>[vector<16xi32>, vector<16xi32>], vector<16xf32>,
      %add3A_2130 = arith.addf %add3A_2110, %gather3A_2129 : vector<16xf32>
      %add3A_2131 = arith.constant 28 : i32
      %add3A_2132 = vector.broadcast %add3A_2131 : i32 to vector<16xi32>
      %add3A_2133 = arith.addi %shift_right_arithmetic3A_6, %add3A_2132 : vector<16xi32>
      %gather3A_2134 = tpu.vector_load_idx %arg17[%add3A_2133, %and3A_8] : memref<72x16xf32, #tpu.memory_space<vmem>>[vector<16xi32>, vector<16xi32>], vector<16xf32>,
      %add3A_2135 = arith.addf %add3A_2115, %gather3A_2134 : vector<16xf32>
      %add3A_2136 = arith.constant 30 : i32
      %add3A_2137 = vector.broadcast %add3A_2136 : i32 to vector<16xi32>
      %add3A_2138 = arith.addi %shift_right_arithmetic3A_6, %add3A_2137 : vector<16xi32>
      %gather3A_2139 = tpu.vector_load_idx %arg17[%add3A_2138, %and3A_8] : memref<72x16xf32, #tpu.memory_space<vmem>>[vector<16xi32>, vector<16xi32>], vector<16xf32>,
      %add3A_2140 = arith.addf %add3A_2120, %gather3A_2139 : vector<16xf32>
      %add3A_2141 = arith.constant 32 : i32
      %add3A_2142 = vector.broadcast %add3A_2141 : i32 to vector<16xi32>
      %add3A_2143 = arith.addi %shift_right_arithmetic3A_6, %add3A_2142 : vector<16xi32>
      %gather3A_2144 = tpu.vector_load_idx %arg17[%add3A_2143, %and3A_8] : memref<72x16xf32, #tpu.memory_space<vmem>>[vector<16xi32>, vector<16xi32>], vector<16xf32>,
      %add3A_2145 = arith.addf %add3A_2125, %gather3A_2144 : vector<16xf32>
      %add3A_2146 = arith.constant 34 : i32
      %add3A_2147 = vector.broadcast %add3A_2146 : i32 to vector<16xi32>
      %add3A_2148 = arith.addi %shift_right_arithmetic3A_6, %add3A_2147 : vector<16xi32>
      %gather3A_2149 = tpu.vector_load_idx %arg17[%add3A_2148, %and3A_8] : memref<72x16xf32, #tpu.memory_space<vmem>>[vector<16xi32>, vector<16xi32>], vector<16xf32>,
      %add3A_2150 = arith.addf %add3A_2130, %gather3A_2149 : vector<16xf32>
      %add3A_2151 = arith.constant 36 : i32
      %add3A_2152 = vector.broadcast %add3A_2151 : i32 to vector<16xi32>
      %add3A_2153 = arith.addi %shift_right_arithmetic3A_6, %add3A_2152 : vector<16xi32>
      %gather3A_2154 = tpu.vector_load_idx %arg17[%add3A_2153, %and3A_8] : memref<72x16xf32, #tpu.memory_space<vmem>>[vector<16xi32>, vector<16xi32>], vector<16xf32>,
      %add3A_2155 = arith.addf %add3A_2135, %gather3A_2154 : vector<16xf32>
      %add3A_2156 = arith.constant 38 : i32
      %add3A_2157 = vector.broadcast %add3A_2156 : i32 to vector<16xi32>
      %add3A_2158 = arith.addi %shift_right_arithmetic3A_6, %add3A_2157 : vector<16xi32>
      %gather3A_2159 = tpu.vector_load_idx %arg17[%add3A_2158, %and3A_8] : memref<72x16xf32, #tpu.memory_space<vmem>>[vector<16xi32>, vector<16xi32>], vector<16xf32>,
      %add3A_2160 = arith.addf %add3A_2140, %gather3A_2159 : vector<16xf32>
      %add3A_2161 = arith.constant 40 : i32
      %add3A_2162 = vector.broadcast %add3A_2161 : i32 to vector<16xi32>
      %add3A_2163 = arith.addi %shift_right_arithmetic3A_6, %add3A_2162 : vector<16xi32>
      %gather3A_2164 = tpu.vector_load_idx %arg17[%add3A_2163, %and3A_8] : memref<72x16xf32, #tpu.memory_space<vmem>>[vector<16xi32>, vector<16xi32>], vector<16xf32>,
      %add3A_2165 = arith.addf %add3A_2145, %gather3A_2164 : vector<16xf32>
      %add3A_2166 = arith.constant 42 : i32
      %add3A_2167 = vector.broadcast %add3A_2166 : i32 to vector<16xi32>
      %add3A_2168 = arith.addi %shift_right_arithmetic3A_6, %add3A_2167 : vector<16xi32>
      %gather3A_2169 = tpu.vector_load_idx %arg17[%add3A_2168, %and3A_8] : memref<72x16xf32, #tpu.memory_space<vmem>>[vector<16xi32>, vector<16xi32>], vector<16xf32>,
      %add3A_2170 = arith.addf %add3A_2150, %gather3A_2169 : vector<16xf32>
      %add3A_2171 = arith.constant 44 : i32
      %add3A_2172 = vector.broadcast %add3A_2171 : i32 to vector<16xi32>
      %add3A_2173 = arith.addi %shift_right_arithmetic3A_6, %add3A_2172 : vector<16xi32>
      %gather3A_2174 = tpu.vector_load_idx %arg17[%add3A_2173, %and3A_8] : memref<72x16xf32, #tpu.memory_space<vmem>>[vector<16xi32>, vector<16xi32>], vector<16xf32>,
      %add3A_2175 = arith.addf %add3A_2155, %gather3A_2174 : vector<16xf32>
      %add3A_2176 = arith.constant 46 : i32
      %add3A_2177 = vector.broadcast %add3A_2176 : i32 to vector<16xi32>
      %add3A_2178 = arith.addi %shift_right_arithmetic3A_6, %add3A_2177 : vector<16xi32>
      %gather3A_2179 = tpu.vector_load_idx %arg17[%add3A_2178, %and3A_8] : memref<72x16xf32, #tpu.memory_space<vmem>>[vector<16xi32>, vector<16xi32>], vector<16xf32>,
      %add3A_2180 = arith.addf %add3A_2160, %gather3A_2179 : vector<16xf32>
      %add3A_2181 = arith.constant 48 : i32
      %add3A_2182 = vector.broadcast %add3A_2181 : i32 to vector<16xi32>
      %add3A_2183 = arith.addi %shift_right_arithmetic3A_6, %add3A_2182 : vector<16xi32>
      %gather3A_2184 = tpu.vector_load_idx %arg17[%add3A_2183, %and3A_8] : memref<72x16xf32, #tpu.memory_space<vmem>>[vector<16xi32>, vector<16xi32>], vector<16xf32>,
      %add3A_2185 = arith.addf %add3A_2165, %gather3A_2184 : vector<16xf32>
      %add3A_2186 = arith.constant 50 : i32
      %add3A_2187 = vector.broadcast %add3A_2186 : i32 to vector<16xi32>
      %add3A_2188 = arith.addi %shift_right_arithmetic3A_6, %add3A_2187 : vector<16xi32>
      %gather3A_2189 = tpu.vector_load_idx %arg17[%add3A_2188, %and3A_8] : memref<72x16xf32, #tpu.memory_space<vmem>>[vector<16xi32>, vector<16xi32>], vector<16xf32>,
      %add3A_2190 = arith.addf %add3A_2170, %gather3A_2189 : vector<16xf32>
      %add3A_2191 = arith.constant 52 : i32
      %add3A_2192 = vector.broadcast %add3A_2191 : i32 to vector<16xi32>
      %add3A_2193 = arith.addi %shift_right_arithmetic3A_6, %add3A_2192 : vector<16xi32>
      %gather3A_2194 = tpu.vector_load_idx %arg17[%add3A_2193, %and3A_8] : memref<72x16xf32, #tpu.memory_space<vmem>>[vector<16xi32>, vector<16xi32>], vector<16xf32>,
      %add3A_2195 = arith.addf %add3A_2175, %gather3A_2194 : vector<16xf32>
      %add3A_2196 = arith.constant 54 : i32
      %add3A_2197 = vector.broadcast %add3A_2196 : i32 to vector<16xi32>
      %add3A_2198 = arith.addi %shift_right_arithmetic3A_6, %add3A_2197 : vector<16xi32>
      %gather3A_2199 = tpu.vector_load_idx %arg17[%add3A_2198, %and3A_8] : memref<72x16xf32, #tpu.memory_space<vmem>>[vector<16xi32>, vector<16xi32>], vector<16xf32>,
      %add3A_2200 = arith.addf %add3A_2180, %gather3A_2199 : vector<16xf32>
      %add3A_2201 = arith.constant 56 : i32
      %add3A_2202 = vector.broadcast %add3A_2201 : i32 to vector<16xi32>
      %add3A_2203 = arith.addi %shift_right_arithmetic3A_6, %add3A_2202 : vector<16xi32>
      %gather3A_2204 = tpu.vector_load_idx %arg17[%add3A_2203, %and3A_8] : memref<72x16xf32, #tpu.memory_space<vmem>>[vector<16xi32>, vector<16xi32>], vector<16xf32>,
      %add3A_2205 = arith.addf %add3A_2185, %gather3A_2204 : vector<16xf32>
      %add3A_2206 = arith.constant 58 : i32
      %add3A_2207 = vector.broadcast %add3A_2206 : i32 to vector<16xi32>
      %add3A_2208 = arith.addi %shift_right_arithmetic3A_6, %add3A_2207 : vector<16xi32>
      %gather3A_2209 = tpu.vector_load_idx %arg17[%add3A_2208, %and3A_8] : memref<72x16xf32, #tpu.memory_space<vmem>>[vector<16xi32>, vector<16xi32>], vector<16xf32>,
      %add3A_2210 = arith.addf %add3A_2190, %gather3A_2209 : vector<16xf32>
      %add3A_2211 = arith.constant 60 : i32
      %add3A_2212 = vector.broadcast %add3A_2211 : i32 to vector<16xi32>
      %add3A_2213 = arith.addi %shift_right_arithmetic3A_6, %add3A_2212 : vector<16xi32>
      %gather3A_2214 = tpu.vector_load_idx %arg17[%add3A_2213, %and3A_8] : memref<72x16xf32, #tpu.memory_space<vmem>>[vector<16xi32>, vector<16xi32>], vector<16xf32>,
      %add3A_2215 = arith.addf %add3A_2195, %gather3A_2214 : vector<16xf32>
      %add3A_2216 = arith.constant 62 : i32
      %add3A_2217 = vector.broadcast %add3A_2216 : i32 to vector<16xi32>
      %add3A_2218 = arith.addi %shift_right_arithmetic3A_6, %add3A_2217 : vector<16xi32>
      %gather3A_2219 = tpu.vector_load_idx %arg17[%add3A_2218, %and3A_8] : memref<72x16xf32, #tpu.memory_space<vmem>>[vector<16xi32>, vector<16xi32>], vector<16xf32>,
      %add3A_2220 = arith.addf %add3A_2200, %gather3A_2219 : vector<16xf32>
      %add3A_2221 = arith.constant 64 : i32
      %add3A_2222 = vector.broadcast %add3A_2221 : i32 to vector<16xi32>
      %add3A_2223 = arith.addi %shift_right_arithmetic3A_6, %add3A_2222 : vector<16xi32>
      %gather3A_2224 = tpu.vector_load_idx %arg17[%add3A_2223, %and3A_8] : memref<72x16xf32, #tpu.memory_space<vmem>>[vector<16xi32>, vector<16xi32>], vector<16xf32>,
      %add3A_2225 = arith.addf %add3A_2205, %gather3A_2224 : vector<16xf32>
      %add3A_2226 = arith.constant 66 : i32
      %add3A_2227 = vector.broadcast %add3A_2226 : i32 to vector<16xi32>
      %add3A_2228 = arith.addi %shift_right_arithmetic3A_6, %add3A_2227 : vector<16xi32>
      %gather3A_2229 = tpu.vector_load_idx %arg17[%add3A_2228, %and3A_8] : memref<72x16xf32, #tpu.memory_space<vmem>>[vector<16xi32>, vector<16xi32>], vector<16xf32>,
      %add3A_2230 = arith.addf %add3A_2210, %gather3A_2229 : vector<16xf32>
      %add3A_2231 = arith.constant 68 : i32
      %add3A_2232 = vector.broadcast %add3A_2231 : i32 to vector<16xi32>
      %add3A_2233 = arith.addi %shift_right_arithmetic3A_6, %add3A_2232 : vector<16xi32>
      %gather3A_2234 = tpu.vector_load_idx %arg17[%add3A_2233, %and3A_8] : memref<72x16xf32, #tpu.memory_space<vmem>>[vector<16xi32>, vector<16xi32>], vector<16xf32>,
      %add3A_2235 = arith.addf %add3A_2215, %gather3A_2234 : vector<16xf32>
      %add3A_2236 = arith.constant 70 : i32
      %add3A_2237 = vector.broadcast %add3A_2236 : i32 to vector<16xi32>
      %add3A_2238 = arith.addi %shift_right_arithmetic3A_6, %add3A_2237 : vector<16xi32>
      %gather3A_2239 = tpu.vector_load_idx %arg17[%add3A_2238, %and3A_8] : memref<72x16xf32, #tpu.memory_space<vmem>>[vector<16xi32>, vector<16xi32>], vector<16xf32>,
      %add3A_2240 = arith.addf %add3A_2220, %gather3A_2239 : vector<16xf32>
      %add3A_2241 = arith.addf %add3A_2225, %add3A_2230 : vector<16xf32>
      %add3A_2242 = arith.addf %add3A_2235, %add3A_2240 : vector<16xf32>
      %add3A_2243 = arith.addf %add3A_2241, %add3A_2242 : vector<16xf32>
      %mul3A_2244 = arith.constant 16 : i32
      %mul3A_2245 = arith.muli %add3A_1722, %mul3A_2244 : i32
      %swap3A_2246 = arith.index_cast %mul3A_2245 : i32 to index
      %swap3A_2247 = tpu.vector_load %arg19[%swap3A_2246] {strides = array<i32>} : memref<2048xf32, #tpu.memory_space<vmem>>, vector<16xf32>,
      tpu.vector_store %arg19[%swap3A_2246], %add3A_2243 {strides = array<i32>} : memref<2048xf32, #tpu.memory_space<vmem>>, vector<16xf32>,
      %add3A_2248 = arith.constant 4 : i32
      %add3A_2249 = arith.addi %add3A_1722, %add3A_2248 : i32
      %jit3A_2250 = arith.constant 128 : i32
      %eq3A_2251 = arith.constant 0 : i32
      %eq3A_2252 = arith.cmpi eq, %jit3A_2250, %eq3A_2251 : i32
      %jit3A_2253 = arith.constant 1 : i32
      %select_n3A_2254 = arith.select %eq3A_2252, %jit3A_2253, %jit3A_2250 : i32
      %rem3A_2255 = arith.remsi %add3A_2249, %select_n3A_2254 : i32
      %ne3A_2256 = arith.constant 0 : i32
      %ne3A_2257 = arith.cmpi ne, %rem3A_2255, %ne3A_2256 : i32
      %lt3A_2258 = arith.constant 0 : i32
      %lt3A_2259 = arith.cmpi slt, %rem3A_2255, %lt3A_2258 : i32
      %lt3A_2260 = arith.constant 0 : i32
      %lt3A_2261 = arith.cmpi slt, %select_n3A_2254, %lt3A_2260 : i32
      %ne3A_2262 = arith.xori %lt3A_2259, %lt3A_2261 : i1
      %and3A_2263 = arith.andi %ne3A_2262, %ne3A_2257 : i1
      %add3A_2264 = arith.addi %rem3A_2255, %select_n3A_2254 : i32
      %select_n3A_2265 = arith.select %and3A_2263, %add3A_2264, %rem3A_2255 : i32
      %mul3A_2266 = arith.constant 200 : i32
      %mul3A_2267 = arith.muli %select_n3A_2265, %mul3A_2266 : i32
      %dma_start3A_2268 = tpu.memref_slice %arg7[%mul3A_2267] : memref<25600xi32, #tpu.memory_space<vmem>> -> memref<128xi32, #tpu.memory_space<vmem>>
      %dma_start3A_2269 = arith.constant 0 : i32
      %dma_start3A_2270 = arith.constant 0 : i32
      %dma_start3A_2271 = tpu.memref_slice %arg4[%dma_start3A_2269, %dma_start3A_2270] : memref<1048576x16xf32, #tpu.memory_space<hbm>> -> memref<1048576x16xf32, #tpu.memory_space<hbm>>
      tpu.enqueue_indirect_dma source(%dma_start3A_2271 : memref<1048576x16xf32, #tpu.memory_space<hbm>>) target(%arg13 : memref<128x16xf32, #tpu.memory_space<vmem>>) offsets(%dma_start3A_2268 : memref<128xi32, #tpu.memory_space<vmem>>) semaphore(%arg23 : memref<!tpu.dma_semaphore, #tpu.memory_space<semaphore_mem>>)
      %mul3A_2272 = arith.constant 200 : i32
      %mul3A_2273 = arith.muli %select_n3A_2265, %mul3A_2272 : i32
      %add3A_2274 = arith.constant 128 : i32
      %add3A_2275 = arith.addi %mul3A_2273, %add3A_2274 : i32
      %dma_start3A_2276 = tpu.memref_slice %arg7[%add3A_2275] : memref<25600xi32, #tpu.memory_space<vmem>> -> memref<72xi32, #tpu.memory_space<vmem>>
      %dma_start3A_2277 = arith.constant 0 : i32
      %dma_start3A_2278 = arith.constant 0 : i32
      %dma_start3A_2279 = tpu.memref_slice %arg4[%dma_start3A_2277, %dma_start3A_2278] : memref<1048576x16xf32, #tpu.memory_space<hbm>> -> memref<1048576x16xf32, #tpu.memory_space<hbm>>
      tpu.enqueue_indirect_dma source(%dma_start3A_2279 : memref<1048576x16xf32, #tpu.memory_space<hbm>>) target(%arg17 : memref<72x16xf32, #tpu.memory_space<vmem>>) offsets(%dma_start3A_2276 : memref<72xi32, #tpu.memory_space<vmem>>) semaphore(%arg23 : memref<!tpu.dma_semaphore, #tpu.memory_space<semaphore_mem>>)
      %add3A_2280 = arith.constant 3 : i32
      %add3A_2281 = arith.addi %add3A_609, %add3A_2280 : i32
      %dma_wait3A_2282 = arith.constant 0 : i32
      %dma_wait3A_2283 = tpu.memref_slice %arg7[%dma_wait3A_2282] : memref<25600xi32, #tpu.memory_space<vmem>> -> memref<128xi32, #tpu.memory_space<vmem>>
      %dma_wait3A_2284 = arith.constant 0 : i32
      %dma_wait3A_2285 = arith.constant 0 : i32
      %dma_wait3A_2286 = tpu.memref_slice %arg4[%dma_wait3A_2284, %dma_wait3A_2285] : memref<1048576x16xf32, #tpu.memory_space<hbm>> -> memref<1048576x16xf32, #tpu.memory_space<hbm>>
      tpu.wait_indirect_dma semaphore(%arg24 : memref<!tpu.dma_semaphore, #tpu.memory_space<semaphore_mem>>) src(%dma_wait3A_2286 : memref<1048576x16xf32, #tpu.memory_space<hbm>>) dst(%arg14 : memref<128x16xf32, #tpu.memory_space<vmem>>)
      %dma_wait3A_2287 = arith.constant 0 : i32
      %dma_wait3A_2288 = tpu.memref_slice %arg7[%dma_wait3A_2287] : memref<25600xi32, #tpu.memory_space<vmem>> -> memref<72xi32, #tpu.memory_space<vmem>>
      %dma_wait3A_2289 = arith.constant 0 : i32
      %dma_wait3A_2290 = arith.constant 0 : i32
      %dma_wait3A_2291 = tpu.memref_slice %arg4[%dma_wait3A_2289, %dma_wait3A_2290] : memref<1048576x16xf32, #tpu.memory_space<hbm>> -> memref<1048576x16xf32, #tpu.memory_space<hbm>>
      tpu.wait_indirect_dma semaphore(%arg24 : memref<!tpu.dma_semaphore, #tpu.memory_space<semaphore_mem>>) src(%dma_wait3A_2291 : memref<1048576x16xf32, #tpu.memory_space<hbm>>) dst(%arg18 : memref<72x16xf32, #tpu.memory_space<vmem>>)
      %broadcast_in_dim3A_2292 = arith.constant 0.000000e+00 : f32
      %broadcast_in_dim3A_2293 = vector.broadcast %broadcast_in_dim3A_2292 : f32 to vector<16xf32>
      %broadcast_in_dim3A_2294 = arith.constant 0.000000e+00 : f32
      %broadcast_in_dim3A_2295 = vector.broadcast %broadcast_in_dim3A_2294 : f32 to vector<16xf32>
      %broadcast_in_dim3A_2296 = arith.constant 0.000000e+00 : f32
      %broadcast_in_dim3A_2297 = vector.broadcast %broadcast_in_dim3A_2296 : f32 to vector<16xf32>
      %broadcast_in_dim3A_2298 = arith.constant 0.000000e+00 : f32
      %broadcast_in_dim3A_2299 = vector.broadcast %broadcast_in_dim3A_2298 : f32 to vector<16xf32>
      %add3A_2300 = arith.constant 0 : i32
      %add3A_2301 = vector.broadcast %add3A_2300 : i32 to vector<16xi32>
      %add3A_2302 = arith.addi %shift_right_arithmetic3A_6, %add3A_2301 : vector<16xi32>
      %gather3A_2303 = tpu.vector_load_idx %arg14[%add3A_2302, %and3A_8] : memref<128x16xf32, #tpu.memory_space<vmem>>[vector<16xi32>, vector<16xi32>], vector<16xf32>,
      %add3A_2304 = arith.addf %broadcast_in_dim3A_2293, %gather3A_2303 : vector<16xf32>
      %add3A_2305 = arith.constant 2 : i32
      %add3A_2306 = vector.broadcast %add3A_2305 : i32 to vector<16xi32>
      %add3A_2307 = arith.addi %shift_right_arithmetic3A_6, %add3A_2306 : vector<16xi32>
      %gather3A_2308 = tpu.vector_load_idx %arg14[%add3A_2307, %and3A_8] : memref<128x16xf32, #tpu.memory_space<vmem>>[vector<16xi32>, vector<16xi32>], vector<16xf32>,
      %add3A_2309 = arith.addf %broadcast_in_dim3A_2295, %gather3A_2308 : vector<16xf32>
      %add3A_2310 = arith.constant 4 : i32
      %add3A_2311 = vector.broadcast %add3A_2310 : i32 to vector<16xi32>
      %add3A_2312 = arith.addi %shift_right_arithmetic3A_6, %add3A_2311 : vector<16xi32>
      %gather3A_2313 = tpu.vector_load_idx %arg14[%add3A_2312, %and3A_8] : memref<128x16xf32, #tpu.memory_space<vmem>>[vector<16xi32>, vector<16xi32>], vector<16xf32>,
      %add3A_2314 = arith.addf %broadcast_in_dim3A_2297, %gather3A_2313 : vector<16xf32>
      %add3A_2315 = arith.constant 6 : i32
      %add3A_2316 = vector.broadcast %add3A_2315 : i32 to vector<16xi32>
      %add3A_2317 = arith.addi %shift_right_arithmetic3A_6, %add3A_2316 : vector<16xi32>
      %gather3A_2318 = tpu.vector_load_idx %arg14[%add3A_2317, %and3A_8] : memref<128x16xf32, #tpu.memory_space<vmem>>[vector<16xi32>, vector<16xi32>], vector<16xf32>,
      %add3A_2319 = arith.addf %broadcast_in_dim3A_2299, %gather3A_2318 : vector<16xf32>
      %add3A_2320 = arith.constant 8 : i32
      %add3A_2321 = vector.broadcast %add3A_2320 : i32 to vector<16xi32>
      %add3A_2322 = arith.addi %shift_right_arithmetic3A_6, %add3A_2321 : vector<16xi32>
      %gather3A_2323 = tpu.vector_load_idx %arg14[%add3A_2322, %and3A_8] : memref<128x16xf32, #tpu.memory_space<vmem>>[vector<16xi32>, vector<16xi32>], vector<16xf32>,
      %add3A_2324 = arith.addf %add3A_2304, %gather3A_2323 : vector<16xf32>
      %add3A_2325 = arith.constant 10 : i32
      %add3A_2326 = vector.broadcast %add3A_2325 : i32 to vector<16xi32>
      %add3A_2327 = arith.addi %shift_right_arithmetic3A_6, %add3A_2326 : vector<16xi32>
      %gather3A_2328 = tpu.vector_load_idx %arg14[%add3A_2327, %and3A_8] : memref<128x16xf32, #tpu.memory_space<vmem>>[vector<16xi32>, vector<16xi32>], vector<16xf32>,
      %add3A_2329 = arith.addf %add3A_2309, %gather3A_2328 : vector<16xf32>
      %add3A_2330 = arith.constant 12 : i32
      %add3A_2331 = vector.broadcast %add3A_2330 : i32 to vector<16xi32>
      %add3A_2332 = arith.addi %shift_right_arithmetic3A_6, %add3A_2331 : vector<16xi32>
      %gather3A_2333 = tpu.vector_load_idx %arg14[%add3A_2332, %and3A_8] : memref<128x16xf32, #tpu.memory_space<vmem>>[vector<16xi32>, vector<16xi32>], vector<16xf32>,
      %add3A_2334 = arith.addf %add3A_2314, %gather3A_2333 : vector<16xf32>
      %add3A_2335 = arith.constant 14 : i32
      %add3A_2336 = vector.broadcast %add3A_2335 : i32 to vector<16xi32>
      %add3A_2337 = arith.addi %shift_right_arithmetic3A_6, %add3A_2336 : vector<16xi32>
      %gather3A_2338 = tpu.vector_load_idx %arg14[%add3A_2337, %and3A_8] : memref<128x16xf32, #tpu.memory_space<vmem>>[vector<16xi32>, vector<16xi32>], vector<16xf32>,
      %add3A_2339 = arith.addf %add3A_2319, %gather3A_2338 : vector<16xf32>
      %add3A_2340 = arith.constant 16 : i32
      %add3A_2341 = vector.broadcast %add3A_2340 : i32 to vector<16xi32>
      %add3A_2342 = arith.addi %shift_right_arithmetic3A_6, %add3A_2341 : vector<16xi32>
      %gather3A_2343 = tpu.vector_load_idx %arg14[%add3A_2342, %and3A_8] : memref<128x16xf32, #tpu.memory_space<vmem>>[vector<16xi32>, vector<16xi32>], vector<16xf32>,
      %add3A_2344 = arith.addf %add3A_2324, %gather3A_2343 : vector<16xf32>
      %add3A_2345 = arith.constant 18 : i32
      %add3A_2346 = vector.broadcast %add3A_2345 : i32 to vector<16xi32>
      %add3A_2347 = arith.addi %shift_right_arithmetic3A_6, %add3A_2346 : vector<16xi32>
      %gather3A_2348 = tpu.vector_load_idx %arg14[%add3A_2347, %and3A_8] : memref<128x16xf32, #tpu.memory_space<vmem>>[vector<16xi32>, vector<16xi32>], vector<16xf32>,
      %add3A_2349 = arith.addf %add3A_2329, %gather3A_2348 : vector<16xf32>
      %add3A_2350 = arith.constant 20 : i32
      %add3A_2351 = vector.broadcast %add3A_2350 : i32 to vector<16xi32>
      %add3A_2352 = arith.addi %shift_right_arithmetic3A_6, %add3A_2351 : vector<16xi32>
      %gather3A_2353 = tpu.vector_load_idx %arg14[%add3A_2352, %and3A_8] : memref<128x16xf32, #tpu.memory_space<vmem>>[vector<16xi32>, vector<16xi32>], vector<16xf32>,
      %add3A_2354 = arith.addf %add3A_2334, %gather3A_2353 : vector<16xf32>
      %add3A_2355 = arith.constant 22 : i32
      %add3A_2356 = vector.broadcast %add3A_2355 : i32 to vector<16xi32>
      %add3A_2357 = arith.addi %shift_right_arithmetic3A_6, %add3A_2356 : vector<16xi32>
      %gather3A_2358 = tpu.vector_load_idx %arg14[%add3A_2357, %and3A_8] : memref<128x16xf32, #tpu.memory_space<vmem>>[vector<16xi32>, vector<16xi32>], vector<16xf32>,
      %add3A_2359 = arith.addf %add3A_2339, %gather3A_2358 : vector<16xf32>
      %add3A_2360 = arith.constant 24 : i32
      %add3A_2361 = vector.broadcast %add3A_2360 : i32 to vector<16xi32>
      %add3A_2362 = arith.addi %shift_right_arithmetic3A_6, %add3A_2361 : vector<16xi32>
      %gather3A_2363 = tpu.vector_load_idx %arg14[%add3A_2362, %and3A_8] : memref<128x16xf32, #tpu.memory_space<vmem>>[vector<16xi32>, vector<16xi32>], vector<16xf32>,
      %add3A_2364 = arith.addf %add3A_2344, %gather3A_2363 : vector<16xf32>
      %add3A_2365 = arith.constant 26 : i32
      %add3A_2366 = vector.broadcast %add3A_2365 : i32 to vector<16xi32>
      %add3A_2367 = arith.addi %shift_right_arithmetic3A_6, %add3A_2366 : vector<16xi32>
      %gather3A_2368 = tpu.vector_load_idx %arg14[%add3A_2367, %and3A_8] : memref<128x16xf32, #tpu.memory_space<vmem>>[vector<16xi32>, vector<16xi32>], vector<16xf32>,
      %add3A_2369 = arith.addf %add3A_2349, %gather3A_2368 : vector<16xf32>
      %add3A_2370 = arith.constant 28 : i32
      %add3A_2371 = vector.broadcast %add3A_2370 : i32 to vector<16xi32>
      %add3A_2372 = arith.addi %shift_right_arithmetic3A_6, %add3A_2371 : vector<16xi32>
      %gather3A_2373 = tpu.vector_load_idx %arg14[%add3A_2372, %and3A_8] : memref<128x16xf32, #tpu.memory_space<vmem>>[vector<16xi32>, vector<16xi32>], vector<16xf32>,
      %add3A_2374 = arith.addf %add3A_2354, %gather3A_2373 : vector<16xf32>
      %add3A_2375 = arith.constant 30 : i32
      %add3A_2376 = vector.broadcast %add3A_2375 : i32 to vector<16xi32>
      %add3A_2377 = arith.addi %shift_right_arithmetic3A_6, %add3A_2376 : vector<16xi32>
      %gather3A_2378 = tpu.vector_load_idx %arg14[%add3A_2377, %and3A_8] : memref<128x16xf32, #tpu.memory_space<vmem>>[vector<16xi32>, vector<16xi32>], vector<16xf32>,
      %add3A_2379 = arith.addf %add3A_2359, %gather3A_2378 : vector<16xf32>
      %add3A_2380 = arith.constant 32 : i32
      %add3A_2381 = vector.broadcast %add3A_2380 : i32 to vector<16xi32>
      %add3A_2382 = arith.addi %shift_right_arithmetic3A_6, %add3A_2381 : vector<16xi32>
      %gather3A_2383 = tpu.vector_load_idx %arg14[%add3A_2382, %and3A_8] : memref<128x16xf32, #tpu.memory_space<vmem>>[vector<16xi32>, vector<16xi32>], vector<16xf32>,
      %add3A_2384 = arith.addf %add3A_2364, %gather3A_2383 : vector<16xf32>
      %add3A_2385 = arith.constant 34 : i32
      %add3A_2386 = vector.broadcast %add3A_2385 : i32 to vector<16xi32>
      %add3A_2387 = arith.addi %shift_right_arithmetic3A_6, %add3A_2386 : vector<16xi32>
      %gather3A_2388 = tpu.vector_load_idx %arg14[%add3A_2387, %and3A_8] : memref<128x16xf32, #tpu.memory_space<vmem>>[vector<16xi32>, vector<16xi32>], vector<16xf32>,
      %add3A_2389 = arith.addf %add3A_2369, %gather3A_2388 : vector<16xf32>
      %add3A_2390 = arith.constant 36 : i32
      %add3A_2391 = vector.broadcast %add3A_2390 : i32 to vector<16xi32>
      %add3A_2392 = arith.addi %shift_right_arithmetic3A_6, %add3A_2391 : vector<16xi32>
      %gather3A_2393 = tpu.vector_load_idx %arg14[%add3A_2392, %and3A_8] : memref<128x16xf32, #tpu.memory_space<vmem>>[vector<16xi32>, vector<16xi32>], vector<16xf32>,
      %add3A_2394 = arith.addf %add3A_2374, %gather3A_2393 : vector<16xf32>
      %add3A_2395 = arith.constant 38 : i32
      %add3A_2396 = vector.broadcast %add3A_2395 : i32 to vector<16xi32>
      %add3A_2397 = arith.addi %shift_right_arithmetic3A_6, %add3A_2396 : vector<16xi32>
      %gather3A_2398 = tpu.vector_load_idx %arg14[%add3A_2397, %and3A_8] : memref<128x16xf32, #tpu.memory_space<vmem>>[vector<16xi32>, vector<16xi32>], vector<16xf32>,
      %add3A_2399 = arith.addf %add3A_2379, %gather3A_2398 : vector<16xf32>
      %add3A_2400 = arith.constant 40 : i32
      %add3A_2401 = vector.broadcast %add3A_2400 : i32 to vector<16xi32>
      %add3A_2402 = arith.addi %shift_right_arithmetic3A_6, %add3A_2401 : vector<16xi32>
      %gather3A_2403 = tpu.vector_load_idx %arg14[%add3A_2402, %and3A_8] : memref<128x16xf32, #tpu.memory_space<vmem>>[vector<16xi32>, vector<16xi32>], vector<16xf32>,
      %add3A_2404 = arith.addf %add3A_2384, %gather3A_2403 : vector<16xf32>
      %add3A_2405 = arith.constant 42 : i32
      %add3A_2406 = vector.broadcast %add3A_2405 : i32 to vector<16xi32>
      %add3A_2407 = arith.addi %shift_right_arithmetic3A_6, %add3A_2406 : vector<16xi32>
      %gather3A_2408 = tpu.vector_load_idx %arg14[%add3A_2407, %and3A_8] : memref<128x16xf32, #tpu.memory_space<vmem>>[vector<16xi32>, vector<16xi32>], vector<16xf32>,
      %add3A_2409 = arith.addf %add3A_2389, %gather3A_2408 : vector<16xf32>
      %add3A_2410 = arith.constant 44 : i32
      %add3A_2411 = vector.broadcast %add3A_2410 : i32 to vector<16xi32>
      %add3A_2412 = arith.addi %shift_right_arithmetic3A_6, %add3A_2411 : vector<16xi32>
      %gather3A_2413 = tpu.vector_load_idx %arg14[%add3A_2412, %and3A_8] : memref<128x16xf32, #tpu.memory_space<vmem>>[vector<16xi32>, vector<16xi32>], vector<16xf32>,
      %add3A_2414 = arith.addf %add3A_2394, %gather3A_2413 : vector<16xf32>
      %add3A_2415 = arith.constant 46 : i32
      %add3A_2416 = vector.broadcast %add3A_2415 : i32 to vector<16xi32>
      %add3A_2417 = arith.addi %shift_right_arithmetic3A_6, %add3A_2416 : vector<16xi32>
      %gather3A_2418 = tpu.vector_load_idx %arg14[%add3A_2417, %and3A_8] : memref<128x16xf32, #tpu.memory_space<vmem>>[vector<16xi32>, vector<16xi32>], vector<16xf32>,
      %add3A_2419 = arith.addf %add3A_2399, %gather3A_2418 : vector<16xf32>
      %add3A_2420 = arith.constant 48 : i32
      %add3A_2421 = vector.broadcast %add3A_2420 : i32 to vector<16xi32>
      %add3A_2422 = arith.addi %shift_right_arithmetic3A_6, %add3A_2421 : vector<16xi32>
      %gather3A_2423 = tpu.vector_load_idx %arg14[%add3A_2422, %and3A_8] : memref<128x16xf32, #tpu.memory_space<vmem>>[vector<16xi32>, vector<16xi32>], vector<16xf32>,
      %add3A_2424 = arith.addf %add3A_2404, %gather3A_2423 : vector<16xf32>
      %add3A_2425 = arith.constant 50 : i32
      %add3A_2426 = vector.broadcast %add3A_2425 : i32 to vector<16xi32>
      %add3A_2427 = arith.addi %shift_right_arithmetic3A_6, %add3A_2426 : vector<16xi32>
      %gather3A_2428 = tpu.vector_load_idx %arg14[%add3A_2427, %and3A_8] : memref<128x16xf32, #tpu.memory_space<vmem>>[vector<16xi32>, vector<16xi32>], vector<16xf32>,
      %add3A_2429 = arith.addf %add3A_2409, %gather3A_2428 : vector<16xf32>
      %add3A_2430 = arith.constant 52 : i32
      %add3A_2431 = vector.broadcast %add3A_2430 : i32 to vector<16xi32>
      %add3A_2432 = arith.addi %shift_right_arithmetic3A_6, %add3A_2431 : vector<16xi32>
      %gather3A_2433 = tpu.vector_load_idx %arg14[%add3A_2432, %and3A_8] : memref<128x16xf32, #tpu.memory_space<vmem>>[vector<16xi32>, vector<16xi32>], vector<16xf32>,
      %add3A_2434 = arith.addf %add3A_2414, %gather3A_2433 : vector<16xf32>
      %add3A_2435 = arith.constant 54 : i32
      %add3A_2436 = vector.broadcast %add3A_2435 : i32 to vector<16xi32>
      %add3A_2437 = arith.addi %shift_right_arithmetic3A_6, %add3A_2436 : vector<16xi32>
      %gather3A_2438 = tpu.vector_load_idx %arg14[%add3A_2437, %and3A_8] : memref<128x16xf32, #tpu.memory_space<vmem>>[vector<16xi32>, vector<16xi32>], vector<16xf32>,
      %add3A_2439 = arith.addf %add3A_2419, %gather3A_2438 : vector<16xf32>
      %add3A_2440 = arith.constant 56 : i32
      %add3A_2441 = vector.broadcast %add3A_2440 : i32 to vector<16xi32>
      %add3A_2442 = arith.addi %shift_right_arithmetic3A_6, %add3A_2441 : vector<16xi32>
      %gather3A_2443 = tpu.vector_load_idx %arg14[%add3A_2442, %and3A_8] : memref<128x16xf32, #tpu.memory_space<vmem>>[vector<16xi32>, vector<16xi32>], vector<16xf32>,
      %add3A_2444 = arith.addf %add3A_2424, %gather3A_2443 : vector<16xf32>
      %add3A_2445 = arith.constant 58 : i32
      %add3A_2446 = vector.broadcast %add3A_2445 : i32 to vector<16xi32>
      %add3A_2447 = arith.addi %shift_right_arithmetic3A_6, %add3A_2446 : vector<16xi32>
      %gather3A_2448 = tpu.vector_load_idx %arg14[%add3A_2447, %and3A_8] : memref<128x16xf32, #tpu.memory_space<vmem>>[vector<16xi32>, vector<16xi32>], vector<16xf32>,
      %add3A_2449 = arith.addf %add3A_2429, %gather3A_2448 : vector<16xf32>
      %add3A_2450 = arith.constant 60 : i32
      %add3A_2451 = vector.broadcast %add3A_2450 : i32 to vector<16xi32>
      %add3A_2452 = arith.addi %shift_right_arithmetic3A_6, %add3A_2451 : vector<16xi32>
      %gather3A_2453 = tpu.vector_load_idx %arg14[%add3A_2452, %and3A_8] : memref<128x16xf32, #tpu.memory_space<vmem>>[vector<16xi32>, vector<16xi32>], vector<16xf32>,
      %add3A_2454 = arith.addf %add3A_2434, %gather3A_2453 : vector<16xf32>
      %add3A_2455 = arith.constant 62 : i32
      %add3A_2456 = vector.broadcast %add3A_2455 : i32 to vector<16xi32>
      %add3A_2457 = arith.addi %shift_right_arithmetic3A_6, %add3A_2456 : vector<16xi32>
      %gather3A_2458 = tpu.vector_load_idx %arg14[%add3A_2457, %and3A_8] : memref<128x16xf32, #tpu.memory_space<vmem>>[vector<16xi32>, vector<16xi32>], vector<16xf32>,
      %add3A_2459 = arith.addf %add3A_2439, %gather3A_2458 : vector<16xf32>
      %add3A_2460 = arith.constant 64 : i32
      %add3A_2461 = vector.broadcast %add3A_2460 : i32 to vector<16xi32>
      %add3A_2462 = arith.addi %shift_right_arithmetic3A_6, %add3A_2461 : vector<16xi32>
      %gather3A_2463 = tpu.vector_load_idx %arg14[%add3A_2462, %and3A_8] : memref<128x16xf32, #tpu.memory_space<vmem>>[vector<16xi32>, vector<16xi32>], vector<16xf32>,
      %add3A_2464 = arith.addf %add3A_2444, %gather3A_2463 : vector<16xf32>
      %add3A_2465 = arith.constant 66 : i32
      %add3A_2466 = vector.broadcast %add3A_2465 : i32 to vector<16xi32>
      %add3A_2467 = arith.addi %shift_right_arithmetic3A_6, %add3A_2466 : vector<16xi32>
      %gather3A_2468 = tpu.vector_load_idx %arg14[%add3A_2467, %and3A_8] : memref<128x16xf32, #tpu.memory_space<vmem>>[vector<16xi32>, vector<16xi32>], vector<16xf32>,
      %add3A_2469 = arith.addf %add3A_2449, %gather3A_2468 : vector<16xf32>
      %add3A_2470 = arith.constant 68 : i32
      %add3A_2471 = vector.broadcast %add3A_2470 : i32 to vector<16xi32>
      %add3A_2472 = arith.addi %shift_right_arithmetic3A_6, %add3A_2471 : vector<16xi32>
      %gather3A_2473 = tpu.vector_load_idx %arg14[%add3A_2472, %and3A_8] : memref<128x16xf32, #tpu.memory_space<vmem>>[vector<16xi32>, vector<16xi32>], vector<16xf32>,
      %add3A_2474 = arith.addf %add3A_2454, %gather3A_2473 : vector<16xf32>
      %add3A_2475 = arith.constant 70 : i32
      %add3A_2476 = vector.broadcast %add3A_2475 : i32 to vector<16xi32>
      %add3A_2477 = arith.addi %shift_right_arithmetic3A_6, %add3A_2476 : vector<16xi32>
      %gather3A_2478 = tpu.vector_load_idx %arg14[%add3A_2477, %and3A_8] : memref<128x16xf32, #tpu.memory_space<vmem>>[vector<16xi32>, vector<16xi32>], vector<16xf32>,
      %add3A_2479 = arith.addf %add3A_2459, %gather3A_2478 : vector<16xf32>
      %add3A_2480 = arith.constant 72 : i32
      %add3A_2481 = vector.broadcast %add3A_2480 : i32 to vector<16xi32>
      %add3A_2482 = arith.addi %shift_right_arithmetic3A_6, %add3A_2481 : vector<16xi32>
      %gather3A_2483 = tpu.vector_load_idx %arg14[%add3A_2482, %and3A_8] : memref<128x16xf32, #tpu.memory_space<vmem>>[vector<16xi32>, vector<16xi32>], vector<16xf32>,
      %add3A_2484 = arith.addf %add3A_2464, %gather3A_2483 : vector<16xf32>
      %add3A_2485 = arith.constant 74 : i32
      %add3A_2486 = vector.broadcast %add3A_2485 : i32 to vector<16xi32>
      %add3A_2487 = arith.addi %shift_right_arithmetic3A_6, %add3A_2486 : vector<16xi32>
      %gather3A_2488 = tpu.vector_load_idx %arg14[%add3A_2487, %and3A_8] : memref<128x16xf32, #tpu.memory_space<vmem>>[vector<16xi32>, vector<16xi32>], vector<16xf32>,
      %add3A_2489 = arith.addf %add3A_2469, %gather3A_2488 : vector<16xf32>
      %add3A_2490 = arith.constant 76 : i32
      %add3A_2491 = vector.broadcast %add3A_2490 : i32 to vector<16xi32>
      %add3A_2492 = arith.addi %shift_right_arithmetic3A_6, %add3A_2491 : vector<16xi32>
      %gather3A_2493 = tpu.vector_load_idx %arg14[%add3A_2492, %and3A_8] : memref<128x16xf32, #tpu.memory_space<vmem>>[vector<16xi32>, vector<16xi32>], vector<16xf32>,
      %add3A_2494 = arith.addf %add3A_2474, %gather3A_2493 : vector<16xf32>
      %add3A_2495 = arith.constant 78 : i32
      %add3A_2496 = vector.broadcast %add3A_2495 : i32 to vector<16xi32>
      %add3A_2497 = arith.addi %shift_right_arithmetic3A_6, %add3A_2496 : vector<16xi32>
      %gather3A_2498 = tpu.vector_load_idx %arg14[%add3A_2497, %and3A_8] : memref<128x16xf32, #tpu.memory_space<vmem>>[vector<16xi32>, vector<16xi32>], vector<16xf32>,
      %add3A_2499 = arith.addf %add3A_2479, %gather3A_2498 : vector<16xf32>
      %add3A_2500 = arith.constant 80 : i32
      %add3A_2501 = vector.broadcast %add3A_2500 : i32 to vector<16xi32>
      %add3A_2502 = arith.addi %shift_right_arithmetic3A_6, %add3A_2501 : vector<16xi32>
      %gather3A_2503 = tpu.vector_load_idx %arg14[%add3A_2502, %and3A_8] : memref<128x16xf32, #tpu.memory_space<vmem>>[vector<16xi32>, vector<16xi32>], vector<16xf32>,
      %add3A_2504 = arith.addf %add3A_2484, %gather3A_2503 : vector<16xf32>
      %add3A_2505 = arith.constant 82 : i32
      %add3A_2506 = vector.broadcast %add3A_2505 : i32 to vector<16xi32>
      %add3A_2507 = arith.addi %shift_right_arithmetic3A_6, %add3A_2506 : vector<16xi32>
      %gather3A_2508 = tpu.vector_load_idx %arg14[%add3A_2507, %and3A_8] : memref<128x16xf32, #tpu.memory_space<vmem>>[vector<16xi32>, vector<16xi32>], vector<16xf32>,
      %add3A_2509 = arith.addf %add3A_2489, %gather3A_2508 : vector<16xf32>
      %add3A_2510 = arith.constant 84 : i32
      %add3A_2511 = vector.broadcast %add3A_2510 : i32 to vector<16xi32>
      %add3A_2512 = arith.addi %shift_right_arithmetic3A_6, %add3A_2511 : vector<16xi32>
      %gather3A_2513 = tpu.vector_load_idx %arg14[%add3A_2512, %and3A_8] : memref<128x16xf32, #tpu.memory_space<vmem>>[vector<16xi32>, vector<16xi32>], vector<16xf32>,
      %add3A_2514 = arith.addf %add3A_2494, %gather3A_2513 : vector<16xf32>
      %add3A_2515 = arith.constant 86 : i32
      %add3A_2516 = vector.broadcast %add3A_2515 : i32 to vector<16xi32>
      %add3A_2517 = arith.addi %shift_right_arithmetic3A_6, %add3A_2516 : vector<16xi32>
      %gather3A_2518 = tpu.vector_load_idx %arg14[%add3A_2517, %and3A_8] : memref<128x16xf32, #tpu.memory_space<vmem>>[vector<16xi32>, vector<16xi32>], vector<16xf32>,
      %add3A_2519 = arith.addf %add3A_2499, %gather3A_2518 : vector<16xf32>
      %add3A_2520 = arith.constant 88 : i32
      %add3A_2521 = vector.broadcast %add3A_2520 : i32 to vector<16xi32>
      %add3A_2522 = arith.addi %shift_right_arithmetic3A_6, %add3A_2521 : vector<16xi32>
      %gather3A_2523 = tpu.vector_load_idx %arg14[%add3A_2522, %and3A_8] : memref<128x16xf32, #tpu.memory_space<vmem>>[vector<16xi32>, vector<16xi32>], vector<16xf32>,
      %add3A_2524 = arith.addf %add3A_2504, %gather3A_2523 : vector<16xf32>
      %add3A_2525 = arith.constant 90 : i32
      %add3A_2526 = vector.broadcast %add3A_2525 : i32 to vector<16xi32>
      %add3A_2527 = arith.addi %shift_right_arithmetic3A_6, %add3A_2526 : vector<16xi32>
      %gather3A_2528 = tpu.vector_load_idx %arg14[%add3A_2527, %and3A_8] : memref<128x16xf32, #tpu.memory_space<vmem>>[vector<16xi32>, vector<16xi32>], vector<16xf32>,
      %add3A_2529 = arith.addf %add3A_2509, %gather3A_2528 : vector<16xf32>
      %add3A_2530 = arith.constant 92 : i32
      %add3A_2531 = vector.broadcast %add3A_2530 : i32 to vector<16xi32>
      %add3A_2532 = arith.addi %shift_right_arithmetic3A_6, %add3A_2531 : vector<16xi32>
      %gather3A_2533 = tpu.vector_load_idx %arg14[%add3A_2532, %and3A_8] : memref<128x16xf32, #tpu.memory_space<vmem>>[vector<16xi32>, vector<16xi32>], vector<16xf32>,
      %add3A_2534 = arith.addf %add3A_2514, %gather3A_2533 : vector<16xf32>
      %add3A_2535 = arith.constant 94 : i32
      %add3A_2536 = vector.broadcast %add3A_2535 : i32 to vector<16xi32>
      %add3A_2537 = arith.addi %shift_right_arithmetic3A_6, %add3A_2536 : vector<16xi32>
      %gather3A_2538 = tpu.vector_load_idx %arg14[%add3A_2537, %and3A_8] : memref<128x16xf32, #tpu.memory_space<vmem>>[vector<16xi32>, vector<16xi32>], vector<16xf32>,
      %add3A_2539 = arith.addf %add3A_2519, %gather3A_2538 : vector<16xf32>
      %add3A_2540 = arith.constant 96 : i32
      %add3A_2541 = vector.broadcast %add3A_2540 : i32 to vector<16xi32>
      %add3A_2542 = arith.addi %shift_right_arithmetic3A_6, %add3A_2541 : vector<16xi32>
      %gather3A_2543 = tpu.vector_load_idx %arg14[%add3A_2542, %and3A_8] : memref<128x16xf32, #tpu.memory_space<vmem>>[vector<16xi32>, vector<16xi32>], vector<16xf32>,
      %add3A_2544 = arith.addf %add3A_2524, %gather3A_2543 : vector<16xf32>
      %add3A_2545 = arith.constant 98 : i32
      %add3A_2546 = vector.broadcast %add3A_2545 : i32 to vector<16xi32>
      %add3A_2547 = arith.addi %shift_right_arithmetic3A_6, %add3A_2546 : vector<16xi32>
      %gather3A_2548 = tpu.vector_load_idx %arg14[%add3A_2547, %and3A_8] : memref<128x16xf32, #tpu.memory_space<vmem>>[vector<16xi32>, vector<16xi32>], vector<16xf32>,
      %add3A_2549 = arith.addf %add3A_2529, %gather3A_2548 : vector<16xf32>
      %add3A_2550 = arith.constant 100 : i32
      %add3A_2551 = vector.broadcast %add3A_2550 : i32 to vector<16xi32>
      %add3A_2552 = arith.addi %shift_right_arithmetic3A_6, %add3A_2551 : vector<16xi32>
      %gather3A_2553 = tpu.vector_load_idx %arg14[%add3A_2552, %and3A_8] : memref<128x16xf32, #tpu.memory_space<vmem>>[vector<16xi32>, vector<16xi32>], vector<16xf32>,
      %add3A_2554 = arith.addf %add3A_2534, %gather3A_2553 : vector<16xf32>
      %add3A_2555 = arith.constant 102 : i32
      %add3A_2556 = vector.broadcast %add3A_2555 : i32 to vector<16xi32>
      %add3A_2557 = arith.addi %shift_right_arithmetic3A_6, %add3A_2556 : vector<16xi32>
      %gather3A_2558 = tpu.vector_load_idx %arg14[%add3A_2557, %and3A_8] : memref<128x16xf32, #tpu.memory_space<vmem>>[vector<16xi32>, vector<16xi32>], vector<16xf32>,
      %add3A_2559 = arith.addf %add3A_2539, %gather3A_2558 : vector<16xf32>
      %add3A_2560 = arith.constant 104 : i32
      %add3A_2561 = vector.broadcast %add3A_2560 : i32 to vector<16xi32>
      %add3A_2562 = arith.addi %shift_right_arithmetic3A_6, %add3A_2561 : vector<16xi32>
      %gather3A_2563 = tpu.vector_load_idx %arg14[%add3A_2562, %and3A_8] : memref<128x16xf32, #tpu.memory_space<vmem>>[vector<16xi32>, vector<16xi32>], vector<16xf32>,
      %add3A_2564 = arith.addf %add3A_2544, %gather3A_2563 : vector<16xf32>
      %add3A_2565 = arith.constant 106 : i32
      %add3A_2566 = vector.broadcast %add3A_2565 : i32 to vector<16xi32>
      %add3A_2567 = arith.addi %shift_right_arithmetic3A_6, %add3A_2566 : vector<16xi32>
      %gather3A_2568 = tpu.vector_load_idx %arg14[%add3A_2567, %and3A_8] : memref<128x16xf32, #tpu.memory_space<vmem>>[vector<16xi32>, vector<16xi32>], vector<16xf32>,
      %add3A_2569 = arith.addf %add3A_2549, %gather3A_2568 : vector<16xf32>
      %add3A_2570 = arith.constant 108 : i32
      %add3A_2571 = vector.broadcast %add3A_2570 : i32 to vector<16xi32>
      %add3A_2572 = arith.addi %shift_right_arithmetic3A_6, %add3A_2571 : vector<16xi32>
      %gather3A_2573 = tpu.vector_load_idx %arg14[%add3A_2572, %and3A_8] : memref<128x16xf32, #tpu.memory_space<vmem>>[vector<16xi32>, vector<16xi32>], vector<16xf32>,
      %add3A_2574 = arith.addf %add3A_2554, %gather3A_2573 : vector<16xf32>
      %add3A_2575 = arith.constant 110 : i32
      %add3A_2576 = vector.broadcast %add3A_2575 : i32 to vector<16xi32>
      %add3A_2577 = arith.addi %shift_right_arithmetic3A_6, %add3A_2576 : vector<16xi32>
      %gather3A_2578 = tpu.vector_load_idx %arg14[%add3A_2577, %and3A_8] : memref<128x16xf32, #tpu.memory_space<vmem>>[vector<16xi32>, vector<16xi32>], vector<16xf32>,
      %add3A_2579 = arith.addf %add3A_2559, %gather3A_2578 : vector<16xf32>
      %add3A_2580 = arith.constant 112 : i32
      %add3A_2581 = vector.broadcast %add3A_2580 : i32 to vector<16xi32>
      %add3A_2582 = arith.addi %shift_right_arithmetic3A_6, %add3A_2581 : vector<16xi32>
      %gather3A_2583 = tpu.vector_load_idx %arg14[%add3A_2582, %and3A_8] : memref<128x16xf32, #tpu.memory_space<vmem>>[vector<16xi32>, vector<16xi32>], vector<16xf32>,
      %add3A_2584 = arith.addf %add3A_2564, %gather3A_2583 : vector<16xf32>
      %add3A_2585 = arith.constant 114 : i32
      %add3A_2586 = vector.broadcast %add3A_2585 : i32 to vector<16xi32>
      %add3A_2587 = arith.addi %shift_right_arithmetic3A_6, %add3A_2586 : vector<16xi32>
      %gather3A_2588 = tpu.vector_load_idx %arg14[%add3A_2587, %and3A_8] : memref<128x16xf32, #tpu.memory_space<vmem>>[vector<16xi32>, vector<16xi32>], vector<16xf32>,
      %add3A_2589 = arith.addf %add3A_2569, %gather3A_2588 : vector<16xf32>
      %add3A_2590 = arith.constant 116 : i32
      %add3A_2591 = vector.broadcast %add3A_2590 : i32 to vector<16xi32>
      %add3A_2592 = arith.addi %shift_right_arithmetic3A_6, %add3A_2591 : vector<16xi32>
      %gather3A_2593 = tpu.vector_load_idx %arg14[%add3A_2592, %and3A_8] : memref<128x16xf32, #tpu.memory_space<vmem>>[vector<16xi32>, vector<16xi32>], vector<16xf32>,
      %add3A_2594 = arith.addf %add3A_2574, %gather3A_2593 : vector<16xf32>
      %add3A_2595 = arith.constant 118 : i32
      %add3A_2596 = vector.broadcast %add3A_2595 : i32 to vector<16xi32>
      %add3A_2597 = arith.addi %shift_right_arithmetic3A_6, %add3A_2596 : vector<16xi32>
      %gather3A_2598 = tpu.vector_load_idx %arg14[%add3A_2597, %and3A_8] : memref<128x16xf32, #tpu.memory_space<vmem>>[vector<16xi32>, vector<16xi32>], vector<16xf32>,
      %add3A_2599 = arith.addf %add3A_2579, %gather3A_2598 : vector<16xf32>
      %add3A_2600 = arith.constant 120 : i32
      %add3A_2601 = vector.broadcast %add3A_2600 : i32 to vector<16xi32>
      %add3A_2602 = arith.addi %shift_right_arithmetic3A_6, %add3A_2601 : vector<16xi32>
      %gather3A_2603 = tpu.vector_load_idx %arg14[%add3A_2602, %and3A_8] : memref<128x16xf32, #tpu.memory_space<vmem>>[vector<16xi32>, vector<16xi32>], vector<16xf32>,
      %add3A_2604 = arith.addf %add3A_2584, %gather3A_2603 : vector<16xf32>
      %add3A_2605 = arith.constant 122 : i32
      %add3A_2606 = vector.broadcast %add3A_2605 : i32 to vector<16xi32>
      %add3A_2607 = arith.addi %shift_right_arithmetic3A_6, %add3A_2606 : vector<16xi32>
      %gather3A_2608 = tpu.vector_load_idx %arg14[%add3A_2607, %and3A_8] : memref<128x16xf32, #tpu.memory_space<vmem>>[vector<16xi32>, vector<16xi32>], vector<16xf32>,
      %add3A_2609 = arith.addf %add3A_2589, %gather3A_2608 : vector<16xf32>
      %add3A_2610 = arith.constant 124 : i32
      %add3A_2611 = vector.broadcast %add3A_2610 : i32 to vector<16xi32>
      %add3A_2612 = arith.addi %shift_right_arithmetic3A_6, %add3A_2611 : vector<16xi32>
      %gather3A_2613 = tpu.vector_load_idx %arg14[%add3A_2612, %and3A_8] : memref<128x16xf32, #tpu.memory_space<vmem>>[vector<16xi32>, vector<16xi32>], vector<16xf32>,
      %add3A_2614 = arith.addf %add3A_2594, %gather3A_2613 : vector<16xf32>
      %add3A_2615 = arith.constant 126 : i32
      %add3A_2616 = vector.broadcast %add3A_2615 : i32 to vector<16xi32>
      %add3A_2617 = arith.addi %shift_right_arithmetic3A_6, %add3A_2616 : vector<16xi32>
      %gather3A_2618 = tpu.vector_load_idx %arg14[%add3A_2617, %and3A_8] : memref<128x16xf32, #tpu.memory_space<vmem>>[vector<16xi32>, vector<16xi32>], vector<16xf32>,
      %add3A_2619 = arith.addf %add3A_2599, %gather3A_2618 : vector<16xf32>
      %add3A_2620 = arith.constant 0 : i32
      %add3A_2621 = vector.broadcast %add3A_2620 : i32 to vector<16xi32>
      %add3A_2622 = arith.addi %shift_right_arithmetic3A_6, %add3A_2621 : vector<16xi32>
      %gather3A_2623 = tpu.vector_load_idx %arg18[%add3A_2622, %and3A_8] : memref<72x16xf32, #tpu.memory_space<vmem>>[vector<16xi32>, vector<16xi32>], vector<16xf32>,
      %add3A_2624 = arith.addf %add3A_2604, %gather3A_2623 : vector<16xf32>
      %add3A_2625 = arith.constant 2 : i32
      %add3A_2626 = vector.broadcast %add3A_2625 : i32 to vector<16xi32>
      %add3A_2627 = arith.addi %shift_right_arithmetic3A_6, %add3A_2626 : vector<16xi32>
      %gather3A_2628 = tpu.vector_load_idx %arg18[%add3A_2627, %and3A_8] : memref<72x16xf32, #tpu.memory_space<vmem>>[vector<16xi32>, vector<16xi32>], vector<16xf32>,
      %add3A_2629 = arith.addf %add3A_2609, %gather3A_2628 : vector<16xf32>
      %add3A_2630 = arith.constant 4 : i32
      %add3A_2631 = vector.broadcast %add3A_2630 : i32 to vector<16xi32>
      %add3A_2632 = arith.addi %shift_right_arithmetic3A_6, %add3A_2631 : vector<16xi32>
      %gather3A_2633 = tpu.vector_load_idx %arg18[%add3A_2632, %and3A_8] : memref<72x16xf32, #tpu.memory_space<vmem>>[vector<16xi32>, vector<16xi32>], vector<16xf32>,
      %add3A_2634 = arith.addf %add3A_2614, %gather3A_2633 : vector<16xf32>
      %add3A_2635 = arith.constant 6 : i32
      %add3A_2636 = vector.broadcast %add3A_2635 : i32 to vector<16xi32>
      %add3A_2637 = arith.addi %shift_right_arithmetic3A_6, %add3A_2636 : vector<16xi32>
      %gather3A_2638 = tpu.vector_load_idx %arg18[%add3A_2637, %and3A_8] : memref<72x16xf32, #tpu.memory_space<vmem>>[vector<16xi32>, vector<16xi32>], vector<16xf32>,
      %add3A_2639 = arith.addf %add3A_2619, %gather3A_2638 : vector<16xf32>
      %add3A_2640 = arith.constant 8 : i32
      %add3A_2641 = vector.broadcast %add3A_2640 : i32 to vector<16xi32>
      %add3A_2642 = arith.addi %shift_right_arithmetic3A_6, %add3A_2641 : vector<16xi32>
      %gather3A_2643 = tpu.vector_load_idx %arg18[%add3A_2642, %and3A_8] : memref<72x16xf32, #tpu.memory_space<vmem>>[vector<16xi32>, vector<16xi32>], vector<16xf32>,
      %add3A_2644 = arith.addf %add3A_2624, %gather3A_2643 : vector<16xf32>
      %add3A_2645 = arith.constant 10 : i32
      %add3A_2646 = vector.broadcast %add3A_2645 : i32 to vector<16xi32>
      %add3A_2647 = arith.addi %shift_right_arithmetic3A_6, %add3A_2646 : vector<16xi32>
      %gather3A_2648 = tpu.vector_load_idx %arg18[%add3A_2647, %and3A_8] : memref<72x16xf32, #tpu.memory_space<vmem>>[vector<16xi32>, vector<16xi32>], vector<16xf32>,
      %add3A_2649 = arith.addf %add3A_2629, %gather3A_2648 : vector<16xf32>
      %add3A_2650 = arith.constant 12 : i32
      %add3A_2651 = vector.broadcast %add3A_2650 : i32 to vector<16xi32>
      %add3A_2652 = arith.addi %shift_right_arithmetic3A_6, %add3A_2651 : vector<16xi32>
      %gather3A_2653 = tpu.vector_load_idx %arg18[%add3A_2652, %and3A_8] : memref<72x16xf32, #tpu.memory_space<vmem>>[vector<16xi32>, vector<16xi32>], vector<16xf32>,
      %add3A_2654 = arith.addf %add3A_2634, %gather3A_2653 : vector<16xf32>
      %add3A_2655 = arith.constant 14 : i32
      %add3A_2656 = vector.broadcast %add3A_2655 : i32 to vector<16xi32>
      %add3A_2657 = arith.addi %shift_right_arithmetic3A_6, %add3A_2656 : vector<16xi32>
      %gather3A_2658 = tpu.vector_load_idx %arg18[%add3A_2657, %and3A_8] : memref<72x16xf32, #tpu.memory_space<vmem>>[vector<16xi32>, vector<16xi32>], vector<16xf32>,
      %add3A_2659 = arith.addf %add3A_2639, %gather3A_2658 : vector<16xf32>
      %add3A_2660 = arith.constant 16 : i32
      %add3A_2661 = vector.broadcast %add3A_2660 : i32 to vector<16xi32>
      %add3A_2662 = arith.addi %shift_right_arithmetic3A_6, %add3A_2661 : vector<16xi32>
      %gather3A_2663 = tpu.vector_load_idx %arg18[%add3A_2662, %and3A_8] : memref<72x16xf32, #tpu.memory_space<vmem>>[vector<16xi32>, vector<16xi32>], vector<16xf32>,
      %add3A_2664 = arith.addf %add3A_2644, %gather3A_2663 : vector<16xf32>
      %add3A_2665 = arith.constant 18 : i32
      %add3A_2666 = vector.broadcast %add3A_2665 : i32 to vector<16xi32>
      %add3A_2667 = arith.addi %shift_right_arithmetic3A_6, %add3A_2666 : vector<16xi32>
      %gather3A_2668 = tpu.vector_load_idx %arg18[%add3A_2667, %and3A_8] : memref<72x16xf32, #tpu.memory_space<vmem>>[vector<16xi32>, vector<16xi32>], vector<16xf32>,
      %add3A_2669 = arith.addf %add3A_2649, %gather3A_2668 : vector<16xf32>
      %add3A_2670 = arith.constant 20 : i32
      %add3A_2671 = vector.broadcast %add3A_2670 : i32 to vector<16xi32>
      %add3A_2672 = arith.addi %shift_right_arithmetic3A_6, %add3A_2671 : vector<16xi32>
      %gather3A_2673 = tpu.vector_load_idx %arg18[%add3A_2672, %and3A_8] : memref<72x16xf32, #tpu.memory_space<vmem>>[vector<16xi32>, vector<16xi32>], vector<16xf32>,
      %add3A_2674 = arith.addf %add3A_2654, %gather3A_2673 : vector<16xf32>
      %add3A_2675 = arith.constant 22 : i32
      %add3A_2676 = vector.broadcast %add3A_2675 : i32 to vector<16xi32>
      %add3A_2677 = arith.addi %shift_right_arithmetic3A_6, %add3A_2676 : vector<16xi32>
      %gather3A_2678 = tpu.vector_load_idx %arg18[%add3A_2677, %and3A_8] : memref<72x16xf32, #tpu.memory_space<vmem>>[vector<16xi32>, vector<16xi32>], vector<16xf32>,
      %add3A_2679 = arith.addf %add3A_2659, %gather3A_2678 : vector<16xf32>
      %add3A_2680 = arith.constant 24 : i32
      %add3A_2681 = vector.broadcast %add3A_2680 : i32 to vector<16xi32>
      %add3A_2682 = arith.addi %shift_right_arithmetic3A_6, %add3A_2681 : vector<16xi32>
      %gather3A_2683 = tpu.vector_load_idx %arg18[%add3A_2682, %and3A_8] : memref<72x16xf32, #tpu.memory_space<vmem>>[vector<16xi32>, vector<16xi32>], vector<16xf32>,
      %add3A_2684 = arith.addf %add3A_2664, %gather3A_2683 : vector<16xf32>
      %add3A_2685 = arith.constant 26 : i32
      %add3A_2686 = vector.broadcast %add3A_2685 : i32 to vector<16xi32>
      %add3A_2687 = arith.addi %shift_right_arithmetic3A_6, %add3A_2686 : vector<16xi32>
      %gather3A_2688 = tpu.vector_load_idx %arg18[%add3A_2687, %and3A_8] : memref<72x16xf32, #tpu.memory_space<vmem>>[vector<16xi32>, vector<16xi32>], vector<16xf32>,
      %add3A_2689 = arith.addf %add3A_2669, %gather3A_2688 : vector<16xf32>
      %add3A_2690 = arith.constant 28 : i32
      %add3A_2691 = vector.broadcast %add3A_2690 : i32 to vector<16xi32>
      %add3A_2692 = arith.addi %shift_right_arithmetic3A_6, %add3A_2691 : vector<16xi32>
      %gather3A_2693 = tpu.vector_load_idx %arg18[%add3A_2692, %and3A_8] : memref<72x16xf32, #tpu.memory_space<vmem>>[vector<16xi32>, vector<16xi32>], vector<16xf32>,
      %add3A_2694 = arith.addf %add3A_2674, %gather3A_2693 : vector<16xf32>
      %add3A_2695 = arith.constant 30 : i32
      %add3A_2696 = vector.broadcast %add3A_2695 : i32 to vector<16xi32>
      %add3A_2697 = arith.addi %shift_right_arithmetic3A_6, %add3A_2696 : vector<16xi32>
      %gather3A_2698 = tpu.vector_load_idx %arg18[%add3A_2697, %and3A_8] : memref<72x16xf32, #tpu.memory_space<vmem>>[vector<16xi32>, vector<16xi32>], vector<16xf32>,
      %add3A_2699 = arith.addf %add3A_2679, %gather3A_2698 : vector<16xf32>
      %add3A_2700 = arith.constant 32 : i32
      %add3A_2701 = vector.broadcast %add3A_2700 : i32 to vector<16xi32>
      %add3A_2702 = arith.addi %shift_right_arithmetic3A_6, %add3A_2701 : vector<16xi32>
      %gather3A_2703 = tpu.vector_load_idx %arg18[%add3A_2702, %and3A_8] : memref<72x16xf32, #tpu.memory_space<vmem>>[vector<16xi32>, vector<16xi32>], vector<16xf32>,
      %add3A_2704 = arith.addf %add3A_2684, %gather3A_2703 : vector<16xf32>
      %add3A_2705 = arith.constant 34 : i32
      %add3A_2706 = vector.broadcast %add3A_2705 : i32 to vector<16xi32>
      %add3A_2707 = arith.addi %shift_right_arithmetic3A_6, %add3A_2706 : vector<16xi32>
      %gather3A_2708 = tpu.vector_load_idx %arg18[%add3A_2707, %and3A_8] : memref<72x16xf32, #tpu.memory_space<vmem>>[vector<16xi32>, vector<16xi32>], vector<16xf32>,
      %add3A_2709 = arith.addf %add3A_2689, %gather3A_2708 : vector<16xf32>
      %add3A_2710 = arith.constant 36 : i32
      %add3A_2711 = vector.broadcast %add3A_2710 : i32 to vector<16xi32>
      %add3A_2712 = arith.addi %shift_right_arithmetic3A_6, %add3A_2711 : vector<16xi32>
      %gather3A_2713 = tpu.vector_load_idx %arg18[%add3A_2712, %and3A_8] : memref<72x16xf32, #tpu.memory_space<vmem>>[vector<16xi32>, vector<16xi32>], vector<16xf32>,
      %add3A_2714 = arith.addf %add3A_2694, %gather3A_2713 : vector<16xf32>
      %add3A_2715 = arith.constant 38 : i32
      %add3A_2716 = vector.broadcast %add3A_2715 : i32 to vector<16xi32>
      %add3A_2717 = arith.addi %shift_right_arithmetic3A_6, %add3A_2716 : vector<16xi32>
      %gather3A_2718 = tpu.vector_load_idx %arg18[%add3A_2717, %and3A_8] : memref<72x16xf32, #tpu.memory_space<vmem>>[vector<16xi32>, vector<16xi32>], vector<16xf32>,
      %add3A_2719 = arith.addf %add3A_2699, %gather3A_2718 : vector<16xf32>
      %add3A_2720 = arith.constant 40 : i32
      %add3A_2721 = vector.broadcast %add3A_2720 : i32 to vector<16xi32>
      %add3A_2722 = arith.addi %shift_right_arithmetic3A_6, %add3A_2721 : vector<16xi32>
      %gather3A_2723 = tpu.vector_load_idx %arg18[%add3A_2722, %and3A_8] : memref<72x16xf32, #tpu.memory_space<vmem>>[vector<16xi32>, vector<16xi32>], vector<16xf32>,
      %add3A_2724 = arith.addf %add3A_2704, %gather3A_2723 : vector<16xf32>
      %add3A_2725 = arith.constant 42 : i32
      %add3A_2726 = vector.broadcast %add3A_2725 : i32 to vector<16xi32>
      %add3A_2727 = arith.addi %shift_right_arithmetic3A_6, %add3A_2726 : vector<16xi32>
      %gather3A_2728 = tpu.vector_load_idx %arg18[%add3A_2727, %and3A_8] : memref<72x16xf32, #tpu.memory_space<vmem>>[vector<16xi32>, vector<16xi32>], vector<16xf32>,
      %add3A_2729 = arith.addf %add3A_2709, %gather3A_2728 : vector<16xf32>
      %add3A_2730 = arith.constant 44 : i32
      %add3A_2731 = vector.broadcast %add3A_2730 : i32 to vector<16xi32>
      %add3A_2732 = arith.addi %shift_right_arithmetic3A_6, %add3A_2731 : vector<16xi32>
      %gather3A_2733 = tpu.vector_load_idx %arg18[%add3A_2732, %and3A_8] : memref<72x16xf32, #tpu.memory_space<vmem>>[vector<16xi32>, vector<16xi32>], vector<16xf32>,
      %add3A_2734 = arith.addf %add3A_2714, %gather3A_2733 : vector<16xf32>
      %add3A_2735 = arith.constant 46 : i32
      %add3A_2736 = vector.broadcast %add3A_2735 : i32 to vector<16xi32>
      %add3A_2737 = arith.addi %shift_right_arithmetic3A_6, %add3A_2736 : vector<16xi32>
      %gather3A_2738 = tpu.vector_load_idx %arg18[%add3A_2737, %and3A_8] : memref<72x16xf32, #tpu.memory_space<vmem>>[vector<16xi32>, vector<16xi32>], vector<16xf32>,
      %add3A_2739 = arith.addf %add3A_2719, %gather3A_2738 : vector<16xf32>
      %add3A_2740 = arith.constant 48 : i32
      %add3A_2741 = vector.broadcast %add3A_2740 : i32 to vector<16xi32>
      %add3A_2742 = arith.addi %shift_right_arithmetic3A_6, %add3A_2741 : vector<16xi32>
      %gather3A_2743 = tpu.vector_load_idx %arg18[%add3A_2742, %and3A_8] : memref<72x16xf32, #tpu.memory_space<vmem>>[vector<16xi32>, vector<16xi32>], vector<16xf32>,
      %add3A_2744 = arith.addf %add3A_2724, %gather3A_2743 : vector<16xf32>
      %add3A_2745 = arith.constant 50 : i32
      %add3A_2746 = vector.broadcast %add3A_2745 : i32 to vector<16xi32>
      %add3A_2747 = arith.addi %shift_right_arithmetic3A_6, %add3A_2746 : vector<16xi32>
      %gather3A_2748 = tpu.vector_load_idx %arg18[%add3A_2747, %and3A_8] : memref<72x16xf32, #tpu.memory_space<vmem>>[vector<16xi32>, vector<16xi32>], vector<16xf32>,
      %add3A_2749 = arith.addf %add3A_2729, %gather3A_2748 : vector<16xf32>
      %add3A_2750 = arith.constant 52 : i32
      %add3A_2751 = vector.broadcast %add3A_2750 : i32 to vector<16xi32>
      %add3A_2752 = arith.addi %shift_right_arithmetic3A_6, %add3A_2751 : vector<16xi32>
      %gather3A_2753 = tpu.vector_load_idx %arg18[%add3A_2752, %and3A_8] : memref<72x16xf32, #tpu.memory_space<vmem>>[vector<16xi32>, vector<16xi32>], vector<16xf32>,
      %add3A_2754 = arith.addf %add3A_2734, %gather3A_2753 : vector<16xf32>
      %add3A_2755 = arith.constant 54 : i32
      %add3A_2756 = vector.broadcast %add3A_2755 : i32 to vector<16xi32>
      %add3A_2757 = arith.addi %shift_right_arithmetic3A_6, %add3A_2756 : vector<16xi32>
      %gather3A_2758 = tpu.vector_load_idx %arg18[%add3A_2757, %and3A_8] : memref<72x16xf32, #tpu.memory_space<vmem>>[vector<16xi32>, vector<16xi32>], vector<16xf32>,
      %add3A_2759 = arith.addf %add3A_2739, %gather3A_2758 : vector<16xf32>
      %add3A_2760 = arith.constant 56 : i32
      %add3A_2761 = vector.broadcast %add3A_2760 : i32 to vector<16xi32>
      %add3A_2762 = arith.addi %shift_right_arithmetic3A_6, %add3A_2761 : vector<16xi32>
      %gather3A_2763 = tpu.vector_load_idx %arg18[%add3A_2762, %and3A_8] : memref<72x16xf32, #tpu.memory_space<vmem>>[vector<16xi32>, vector<16xi32>], vector<16xf32>,
      %add3A_2764 = arith.addf %add3A_2744, %gather3A_2763 : vector<16xf32>
      %add3A_2765 = arith.constant 58 : i32
      %add3A_2766 = vector.broadcast %add3A_2765 : i32 to vector<16xi32>
      %add3A_2767 = arith.addi %shift_right_arithmetic3A_6, %add3A_2766 : vector<16xi32>
      %gather3A_2768 = tpu.vector_load_idx %arg18[%add3A_2767, %and3A_8] : memref<72x16xf32, #tpu.memory_space<vmem>>[vector<16xi32>, vector<16xi32>], vector<16xf32>,
      %add3A_2769 = arith.addf %add3A_2749, %gather3A_2768 : vector<16xf32>
      %add3A_2770 = arith.constant 60 : i32
      %add3A_2771 = vector.broadcast %add3A_2770 : i32 to vector<16xi32>
      %add3A_2772 = arith.addi %shift_right_arithmetic3A_6, %add3A_2771 : vector<16xi32>
      %gather3A_2773 = tpu.vector_load_idx %arg18[%add3A_2772, %and3A_8] : memref<72x16xf32, #tpu.memory_space<vmem>>[vector<16xi32>, vector<16xi32>], vector<16xf32>,
      %add3A_2774 = arith.addf %add3A_2754, %gather3A_2773 : vector<16xf32>
      %add3A_2775 = arith.constant 62 : i32
      %add3A_2776 = vector.broadcast %add3A_2775 : i32 to vector<16xi32>
      %add3A_2777 = arith.addi %shift_right_arithmetic3A_6, %add3A_2776 : vector<16xi32>
      %gather3A_2778 = tpu.vector_load_idx %arg18[%add3A_2777, %and3A_8] : memref<72x16xf32, #tpu.memory_space<vmem>>[vector<16xi32>, vector<16xi32>], vector<16xf32>,
      %add3A_2779 = arith.addf %add3A_2759, %gather3A_2778 : vector<16xf32>
      %add3A_2780 = arith.constant 64 : i32
      %add3A_2781 = vector.broadcast %add3A_2780 : i32 to vector<16xi32>
      %add3A_2782 = arith.addi %shift_right_arithmetic3A_6, %add3A_2781 : vector<16xi32>
      %gather3A_2783 = tpu.vector_load_idx %arg18[%add3A_2782, %and3A_8] : memref<72x16xf32, #tpu.memory_space<vmem>>[vector<16xi32>, vector<16xi32>], vector<16xf32>,
      %add3A_2784 = arith.addf %add3A_2764, %gather3A_2783 : vector<16xf32>
      %add3A_2785 = arith.constant 66 : i32
      %add3A_2786 = vector.broadcast %add3A_2785 : i32 to vector<16xi32>
      %add3A_2787 = arith.addi %shift_right_arithmetic3A_6, %add3A_2786 : vector<16xi32>
      %gather3A_2788 = tpu.vector_load_idx %arg18[%add3A_2787, %and3A_8] : memref<72x16xf32, #tpu.memory_space<vmem>>[vector<16xi32>, vector<16xi32>], vector<16xf32>,
      %add3A_2789 = arith.addf %add3A_2769, %gather3A_2788 : vector<16xf32>
      %add3A_2790 = arith.constant 68 : i32
      %add3A_2791 = vector.broadcast %add3A_2790 : i32 to vector<16xi32>
      %add3A_2792 = arith.addi %shift_right_arithmetic3A_6, %add3A_2791 : vector<16xi32>
      %gather3A_2793 = tpu.vector_load_idx %arg18[%add3A_2792, %and3A_8] : memref<72x16xf32, #tpu.memory_space<vmem>>[vector<16xi32>, vector<16xi32>], vector<16xf32>,
      %add3A_2794 = arith.addf %add3A_2774, %gather3A_2793 : vector<16xf32>
      %add3A_2795 = arith.constant 70 : i32
      %add3A_2796 = vector.broadcast %add3A_2795 : i32 to vector<16xi32>
      %add3A_2797 = arith.addi %shift_right_arithmetic3A_6, %add3A_2796 : vector<16xi32>
      %gather3A_2798 = tpu.vector_load_idx %arg18[%add3A_2797, %and3A_8] : memref<72x16xf32, #tpu.memory_space<vmem>>[vector<16xi32>, vector<16xi32>], vector<16xf32>,
      %add3A_2799 = arith.addf %add3A_2779, %gather3A_2798 : vector<16xf32>
      %add3A_2800 = arith.addf %add3A_2784, %add3A_2789 : vector<16xf32>
      %add3A_2801 = arith.addf %add3A_2794, %add3A_2799 : vector<16xf32>
      %add3A_2802 = arith.addf %add3A_2800, %add3A_2801 : vector<16xf32>
      %mul3A_2803 = arith.constant 16 : i32
      %mul3A_2804 = arith.muli %add3A_2281, %mul3A_2803 : i32
      %swap3A_2805 = arith.index_cast %mul3A_2804 : i32 to index
      %swap3A_2806 = tpu.vector_load %arg19[%swap3A_2805] {strides = array<i32>} : memref<2048xf32, #tpu.memory_space<vmem>>, vector<16xf32>,
      tpu.vector_store %arg19[%swap3A_2805], %add3A_2802 {strides = array<i32>} : memref<2048xf32, #tpu.memory_space<vmem>>, vector<16xf32>,
      %add3A_2807 = arith.constant 4 : i32
      %add3A_2808 = arith.addi %add3A_2281, %add3A_2807 : i32
      %jit3A_2809 = arith.constant 128 : i32
      %eq3A_2810 = arith.constant 0 : i32
      %eq3A_2811 = arith.cmpi eq, %jit3A_2809, %eq3A_2810 : i32
      %jit3A_2812 = arith.constant 1 : i32
      %select_n3A_2813 = arith.select %eq3A_2811, %jit3A_2812, %jit3A_2809 : i32
      %rem3A_2814 = arith.remsi %add3A_2808, %select_n3A_2813 : i32
      %ne3A_2815 = arith.constant 0 : i32
      %ne3A_2816 = arith.cmpi ne, %rem3A_2814, %ne3A_2815 : i32
      %lt3A_2817 = arith.constant 0 : i32
      %lt3A_2818 = arith.cmpi slt, %rem3A_2814, %lt3A_2817 : i32
      %lt3A_2819 = arith.constant 0 : i32
      %lt3A_2820 = arith.cmpi slt, %select_n3A_2813, %lt3A_2819 : i32
      %ne3A_2821 = arith.xori %lt3A_2818, %lt3A_2820 : i1
      %and3A_2822 = arith.andi %ne3A_2821, %ne3A_2816 : i1
      %add3A_2823 = arith.addi %rem3A_2814, %select_n3A_2813 : i32
      %select_n3A_2824 = arith.select %and3A_2822, %add3A_2823, %rem3A_2814 : i32
      %mul3A_2825 = arith.constant 200 : i32
      %mul3A_2826 = arith.muli %select_n3A_2824, %mul3A_2825 : i32
      %dma_start3A_2827 = tpu.memref_slice %arg7[%mul3A_2826] : memref<25600xi32, #tpu.memory_space<vmem>> -> memref<128xi32, #tpu.memory_space<vmem>>
      %dma_start3A_2828 = arith.constant 0 : i32
      %dma_start3A_2829 = arith.constant 0 : i32
      %dma_start3A_2830 = tpu.memref_slice %arg4[%dma_start3A_2828, %dma_start3A_2829] : memref<1048576x16xf32, #tpu.memory_space<hbm>> -> memref<1048576x16xf32, #tpu.memory_space<hbm>>
      tpu.enqueue_indirect_dma source(%dma_start3A_2830 : memref<1048576x16xf32, #tpu.memory_space<hbm>>) target(%arg14 : memref<128x16xf32, #tpu.memory_space<vmem>>) offsets(%dma_start3A_2827 : memref<128xi32, #tpu.memory_space<vmem>>) semaphore(%arg24 : memref<!tpu.dma_semaphore, #tpu.memory_space<semaphore_mem>>)
      %mul3A_2831 = arith.constant 200 : i32
      %mul3A_2832 = arith.muli %select_n3A_2824, %mul3A_2831 : i32
      %add3A_2833 = arith.constant 128 : i32
      %add3A_2834 = arith.addi %mul3A_2832, %add3A_2833 : i32
      %dma_start3A_2835 = tpu.memref_slice %arg7[%add3A_2834] : memref<25600xi32, #tpu.memory_space<vmem>> -> memref<72xi32, #tpu.memory_space<vmem>>
      %dma_start3A_2836 = arith.constant 0 : i32
      %dma_start3A_2837 = arith.constant 0 : i32
      %dma_start3A_2838 = tpu.memref_slice %arg4[%dma_start3A_2836, %dma_start3A_2837] : memref<1048576x16xf32, #tpu.memory_space<hbm>> -> memref<1048576x16xf32, #tpu.memory_space<hbm>>
      tpu.enqueue_indirect_dma source(%dma_start3A_2838 : memref<1048576x16xf32, #tpu.memory_space<hbm>>) target(%arg18 : memref<72x16xf32, #tpu.memory_space<vmem>>) offsets(%dma_start3A_2835 : memref<72xi32, #tpu.memory_space<vmem>>) semaphore(%arg24 : memref<!tpu.dma_semaphore, #tpu.memory_space<semaphore_mem>>)
    }
    %scan3A_562 = arith.constant 32 : i32
    %dma_wait3A_563 = arith.constant 0 : i32
    %dma_wait3A_564 = tpu.memref_slice %arg7[%dma_wait3A_563] : memref<25600xi32, #tpu.memory_space<vmem>> -> memref<128xi32, #tpu.memory_space<vmem>>
    %dma_wait3A_565 = arith.constant 0 : i32
    %dma_wait3A_566 = arith.constant 0 : i32
    %dma_wait3A_567 = tpu.memref_slice %arg4[%dma_wait3A_565, %dma_wait3A_566] : memref<1048576x16xf32, #tpu.memory_space<hbm>> -> memref<1048576x16xf32, #tpu.memory_space<hbm>>
    tpu.wait_indirect_dma semaphore(%arg21 : memref<!tpu.dma_semaphore, #tpu.memory_space<semaphore_mem>>) src(%dma_wait3A_567 : memref<1048576x16xf32, #tpu.memory_space<hbm>>) dst(%arg11 : memref<128x16xf32, #tpu.memory_space<vmem>>)
    %dma_wait3A_568 = arith.constant 0 : i32
    %dma_wait3A_569 = tpu.memref_slice %arg7[%dma_wait3A_568] : memref<25600xi32, #tpu.memory_space<vmem>> -> memref<72xi32, #tpu.memory_space<vmem>>
    %dma_wait3A_570 = arith.constant 0 : i32
    %dma_wait3A_571 = arith.constant 0 : i32
    %dma_wait3A_572 = tpu.memref_slice %arg4[%dma_wait3A_570, %dma_wait3A_571] : memref<1048576x16xf32, #tpu.memory_space<hbm>> -> memref<1048576x16xf32, #tpu.memory_space<hbm>>
    tpu.wait_indirect_dma semaphore(%arg21 : memref<!tpu.dma_semaphore, #tpu.memory_space<semaphore_mem>>) src(%dma_wait3A_572 : memref<1048576x16xf32, #tpu.memory_space<hbm>>) dst(%arg15 : memref<72x16xf32, #tpu.memory_space<vmem>>)
    %dma_wait3A_573 = arith.constant 0 : i32
    %dma_wait3A_574 = tpu.memref_slice %arg7[%dma_wait3A_573] : memref<25600xi32, #tpu.memory_space<vmem>> -> memref<128xi32, #tpu.memory_space<vmem>>
    %dma_wait3A_575 = arith.constant 0 : i32
    %dma_wait3A_576 = arith.constant 0 : i32
    %dma_wait3A_577 = tpu.memref_slice %arg4[%dma_wait3A_575, %dma_wait3A_576] : memref<1048576x16xf32, #tpu.memory_space<hbm>> -> memref<1048576x16xf32, #tpu.memory_space<hbm>>
    tpu.wait_indirect_dma semaphore(%arg22 : memref<!tpu.dma_semaphore, #tpu.memory_space<semaphore_mem>>) src(%dma_wait3A_577 : memref<1048576x16xf32, #tpu.memory_space<hbm>>) dst(%arg12 : memref<128x16xf32, #tpu.memory_space<vmem>>)
    %dma_wait3A_578 = arith.constant 0 : i32
    %dma_wait3A_579 = tpu.memref_slice %arg7[%dma_wait3A_578] : memref<25600xi32, #tpu.memory_space<vmem>> -> memref<72xi32, #tpu.memory_space<vmem>>
    %dma_wait3A_580 = arith.constant 0 : i32
    %dma_wait3A_581 = arith.constant 0 : i32
    %dma_wait3A_582 = tpu.memref_slice %arg4[%dma_wait3A_580, %dma_wait3A_581] : memref<1048576x16xf32, #tpu.memory_space<hbm>> -> memref<1048576x16xf32, #tpu.memory_space<hbm>>
    tpu.wait_indirect_dma semaphore(%arg22 : memref<!tpu.dma_semaphore, #tpu.memory_space<semaphore_mem>>) src(%dma_wait3A_582 : memref<1048576x16xf32, #tpu.memory_space<hbm>>) dst(%arg16 : memref<72x16xf32, #tpu.memory_space<vmem>>)
    %dma_wait3A_583 = arith.constant 0 : i32
    %dma_wait3A_584 = tpu.memref_slice %arg7[%dma_wait3A_583] : memref<25600xi32, #tpu.memory_space<vmem>> -> memref<128xi32, #tpu.memory_space<vmem>>
    %dma_wait3A_585 = arith.constant 0 : i32
    %dma_wait3A_586 = arith.constant 0 : i32
    %dma_wait3A_587 = tpu.memref_slice %arg4[%dma_wait3A_585, %dma_wait3A_586] : memref<1048576x16xf32, #tpu.memory_space<hbm>> -> memref<1048576x16xf32, #tpu.memory_space<hbm>>
    tpu.wait_indirect_dma semaphore(%arg23 : memref<!tpu.dma_semaphore, #tpu.memory_space<semaphore_mem>>) src(%dma_wait3A_587 : memref<1048576x16xf32, #tpu.memory_space<hbm>>) dst(%arg13 : memref<128x16xf32, #tpu.memory_space<vmem>>)
    %dma_wait3A_588 = arith.constant 0 : i32
    %dma_wait3A_589 = tpu.memref_slice %arg7[%dma_wait3A_588] : memref<25600xi32, #tpu.memory_space<vmem>> -> memref<72xi32, #tpu.memory_space<vmem>>
    %dma_wait3A_590 = arith.constant 0 : i32
    %dma_wait3A_591 = arith.constant 0 : i32
    %dma_wait3A_592 = tpu.memref_slice %arg4[%dma_wait3A_590, %dma_wait3A_591] : memref<1048576x16xf32, #tpu.memory_space<hbm>> -> memref<1048576x16xf32, #tpu.memory_space<hbm>>
    tpu.wait_indirect_dma semaphore(%arg23 : memref<!tpu.dma_semaphore, #tpu.memory_space<semaphore_mem>>) src(%dma_wait3A_592 : memref<1048576x16xf32, #tpu.memory_space<hbm>>) dst(%arg17 : memref<72x16xf32, #tpu.memory_space<vmem>>)
    %dma_wait3A_593 = arith.constant 0 : i32
    %dma_wait3A_594 = tpu.memref_slice %arg7[%dma_wait3A_593] : memref<25600xi32, #tpu.memory_space<vmem>> -> memref<128xi32, #tpu.memory_space<vmem>>
    %dma_wait3A_595 = arith.constant 0 : i32
    %dma_wait3A_596 = arith.constant 0 : i32
    %dma_wait3A_597 = tpu.memref_slice %arg4[%dma_wait3A_595, %dma_wait3A_596] : memref<1048576x16xf32, #tpu.memory_space<hbm>> -> memref<1048576x16xf32, #tpu.memory_space<hbm>>
    tpu.wait_indirect_dma semaphore(%arg24 : memref<!tpu.dma_semaphore, #tpu.memory_space<semaphore_mem>>) src(%dma_wait3A_597 : memref<1048576x16xf32, #tpu.memory_space<hbm>>) dst(%arg14 : memref<128x16xf32, #tpu.memory_space<vmem>>)
    %dma_wait3A_598 = arith.constant 0 : i32
    %dma_wait3A_599 = tpu.memref_slice %arg7[%dma_wait3A_598] : memref<25600xi32, #tpu.memory_space<vmem>> -> memref<72xi32, #tpu.memory_space<vmem>>
    %dma_wait3A_600 = arith.constant 0 : i32
    %dma_wait3A_601 = arith.constant 0 : i32
    %dma_wait3A_602 = tpu.memref_slice %arg4[%dma_wait3A_600, %dma_wait3A_601] : memref<1048576x16xf32, #tpu.memory_space<hbm>> -> memref<1048576x16xf32, #tpu.memory_space<hbm>>
    tpu.wait_indirect_dma semaphore(%arg24 : memref<!tpu.dma_semaphore, #tpu.memory_space<semaphore_mem>>) src(%dma_wait3A_602 : memref<1048576x16xf32, #tpu.memory_space<hbm>>) dst(%arg18 : memref<72x16xf32, #tpu.memory_space<vmem>>)
    %mul3A_603 = arith.constant 16 : i32
    %mul3A_604 = arith.muli %mul3A_2, %mul3A_603 : i32
    "tpu.region"() ({
      %run_scoped3A = tpu.sem_alloc : memref<!tpu.dma_semaphore, #tpu.memory_space<semaphore_mem>>
      %dma_start3A_605 = tpu.memref_slice %arg5[%mul3A_604] : memref<65536xf32, #tpu.memory_space<hbm>> -> memref<2048xf32, #tpu.memory_space<hbm>>
      %dma_start3A_606 = tpu.memref_slice %arg5[%mul3A_604] : memref<65536xf32, #tpu.memory_space<hbm>> -> memref<2048xf32, #tpu.memory_space<hbm>>
      tpu.enqueue_dma source(%arg19 : memref<2048xf32, #tpu.memory_space<vmem>>) target(%dma_start3A_606 : memref<2048xf32, #tpu.memory_space<hbm>>) target_semaphore(%run_scoped3A : memref<!tpu.dma_semaphore, #tpu.memory_space<semaphore_mem>>)
      %dma_wait3A_607 = tpu.memref_slice %arg5[%mul3A_604] : memref<65536xf32, #tpu.memory_space<hbm>> -> memref<2048xf32, #tpu.memory_space<hbm>>
      %dma_wait3A_608 = tpu.memref_slice %arg5[%mul3A_604] : memref<65536xf32, #tpu.memory_space<hbm>> -> memref<2048xf32, #tpu.memory_space<hbm>>
      tpu.wait_dma2 semaphore(%run_scoped3A : memref<!tpu.dma_semaphore, #tpu.memory_space<semaphore_mem>>) src(%arg19 : memref<2048xf32, #tpu.memory_space<vmem>>) dst(%dma_wait3A_608 : memref<2048xf32, #tpu.memory_space<hbm>>)
      tpu.yield
    }) : () -> ()
    return
  }
}

#map = affine_map<(d0, d1) -> (0)>
module attributes {stable_mosaic.version = 14 : i64} {
  func.func @_sc_interleave(%arg0: i32, %arg1: i32, %arg2: memref<1048576xf32, #tpu.memory_space<hbm>>, %arg3: memref<1048576xf32, #tpu.memory_space<hbm>>, %arg4: memref<1048576xf32, #tpu.memory_space<hbm>>, %arg5: memref<1048576xf32, #tpu.memory_space<hbm>>, %arg6: memref<1048576xf32, #tpu.memory_space<hbm>>, %arg7: memref<1048576xf32, #tpu.memory_space<hbm>>, %arg8: memref<1048576xf32, #tpu.memory_space<hbm>>, %arg9: memref<1048576xf32, #tpu.memory_space<hbm>>, %arg10: memref<16777216xf32, #tpu.memory_space<hbm>>, %arg11: memref<2048xf32, #tpu.memory_space<vmem>>, %arg12: memref<2048xf32, #tpu.memory_space<vmem>>, %arg13: memref<2048xf32, #tpu.memory_space<vmem>>, %arg14: memref<2048xf32, #tpu.memory_space<vmem>>, %arg15: memref<2048xf32, #tpu.memory_space<vmem>>, %arg16: memref<2048xf32, #tpu.memory_space<vmem>>, %arg17: memref<2048xf32, #tpu.memory_space<vmem>>, %arg18: memref<2048xf32, #tpu.memory_space<vmem>>, %arg19: memref<32768xf32, #tpu.memory_space<vmem>>, %arg20: memref<!tpu.dma_semaphore, #tpu.memory_space<semaphore_mem>>) attributes {dimension_semantics = [#tpu.dimension_semantics<core_parallel>, #tpu.dimension_semantics<subcore_parallel>], iteration_bounds = array<i64: 2, 16>, scalar_prefetch = 0 : i64, scratch_operands = 10 : i64, tpu.core_type = #tpu.core_type<sc_vector_subcore>, window_params = [{transform_indices = #map}, {transform_indices = #map}, {transform_indices = #map}, {transform_indices = #map}, {transform_indices = #map}, {transform_indices = #map}, {transform_indices = #map}, {transform_indices = #map}, {transform_indices = #map}]} {
    %mul3A = arith.constant 2 : i32
    %mul3A_0 = arith.muli %arg1, %mul3A : i32
    %add3A = arith.addi %mul3A_0, %arg0 : i32
    %mul3A_1 = arith.constant 32768 : i32
    %mul3A_2 = arith.muli %add3A, %mul3A_1 : i32
    %iota3A = tpu.iota {dimensions = array<i32: 0>} : vector<16xi32>
    %scan3A = arith.constant 0 : i32
    %scan3A_3 = arith.constant 16 : i32
    %scan3A_4 = arith.addi %scan3A, %scan3A_3 : i32
    %scan3A_5 = arith.constant 1 : i32
    scf.for %scan3A_7 = %scan3A to %scan3A_4 step %scan3A_5  : i32 {
      %mul3A_8 = arith.constant 1 : i32
      %mul3A_9 = arith.muli %scan3A_7, %mul3A_8 : i32
      %add3A_10 = arith.constant 0 : i32
      %add3A_11 = arith.addi %add3A_10, %mul3A_9 : i32
      %mul3A_12 = arith.constant 2048 : i32
      %mul3A_13 = arith.muli %mul3A_12, %add3A_11 : i32
      %add3A_14 = arith.addi %mul3A_2, %mul3A_13 : i32
      %dma_start3A = tpu.memref_slice %arg2[%add3A_14] : memref<1048576xf32, #tpu.memory_space<hbm>> -> memref<2048xf32, #tpu.memory_space<hbm>>
      %dma_start3A_15 = tpu.memref_slice %arg2[%add3A_14] : memref<1048576xf32, #tpu.memory_space<hbm>> -> memref<2048xf32, #tpu.memory_space<hbm>>
      tpu.enqueue_dma source(%dma_start3A_15 : memref<2048xf32, #tpu.memory_space<hbm>>) target(%arg11 : memref<2048xf32, #tpu.memory_space<vmem>>) target_semaphore(%arg20 : memref<!tpu.dma_semaphore, #tpu.memory_space<semaphore_mem>>)
      %dma_start3A_16 = tpu.memref_slice %arg3[%add3A_14] : memref<1048576xf32, #tpu.memory_space<hbm>> -> memref<2048xf32, #tpu.memory_space<hbm>>
      %dma_start3A_17 = tpu.memref_slice %arg3[%add3A_14] : memref<1048576xf32, #tpu.memory_space<hbm>> -> memref<2048xf32, #tpu.memory_space<hbm>>
      tpu.enqueue_dma source(%dma_start3A_17 : memref<2048xf32, #tpu.memory_space<hbm>>) target(%arg12 : memref<2048xf32, #tpu.memory_space<vmem>>) target_semaphore(%arg20 : memref<!tpu.dma_semaphore, #tpu.memory_space<semaphore_mem>>)
      %dma_start3A_18 = tpu.memref_slice %arg4[%add3A_14] : memref<1048576xf32, #tpu.memory_space<hbm>> -> memref<2048xf32, #tpu.memory_space<hbm>>
      %dma_start3A_19 = tpu.memref_slice %arg4[%add3A_14] : memref<1048576xf32, #tpu.memory_space<hbm>> -> memref<2048xf32, #tpu.memory_space<hbm>>
      tpu.enqueue_dma source(%dma_start3A_19 : memref<2048xf32, #tpu.memory_space<hbm>>) target(%arg13 : memref<2048xf32, #tpu.memory_space<vmem>>) target_semaphore(%arg20 : memref<!tpu.dma_semaphore, #tpu.memory_space<semaphore_mem>>)
      %dma_start3A_20 = tpu.memref_slice %arg5[%add3A_14] : memref<1048576xf32, #tpu.memory_space<hbm>> -> memref<2048xf32, #tpu.memory_space<hbm>>
      %dma_start3A_21 = tpu.memref_slice %arg5[%add3A_14] : memref<1048576xf32, #tpu.memory_space<hbm>> -> memref<2048xf32, #tpu.memory_space<hbm>>
      tpu.enqueue_dma source(%dma_start3A_21 : memref<2048xf32, #tpu.memory_space<hbm>>) target(%arg14 : memref<2048xf32, #tpu.memory_space<vmem>>) target_semaphore(%arg20 : memref<!tpu.dma_semaphore, #tpu.memory_space<semaphore_mem>>)
      %dma_start3A_22 = tpu.memref_slice %arg6[%add3A_14] : memref<1048576xf32, #tpu.memory_space<hbm>> -> memref<2048xf32, #tpu.memory_space<hbm>>
      %dma_start3A_23 = tpu.memref_slice %arg6[%add3A_14] : memref<1048576xf32, #tpu.memory_space<hbm>> -> memref<2048xf32, #tpu.memory_space<hbm>>
      tpu.enqueue_dma source(%dma_start3A_23 : memref<2048xf32, #tpu.memory_space<hbm>>) target(%arg15 : memref<2048xf32, #tpu.memory_space<vmem>>) target_semaphore(%arg20 : memref<!tpu.dma_semaphore, #tpu.memory_space<semaphore_mem>>)
      %dma_start3A_24 = tpu.memref_slice %arg7[%add3A_14] : memref<1048576xf32, #tpu.memory_space<hbm>> -> memref<2048xf32, #tpu.memory_space<hbm>>
      %dma_start3A_25 = tpu.memref_slice %arg7[%add3A_14] : memref<1048576xf32, #tpu.memory_space<hbm>> -> memref<2048xf32, #tpu.memory_space<hbm>>
      tpu.enqueue_dma source(%dma_start3A_25 : memref<2048xf32, #tpu.memory_space<hbm>>) target(%arg16 : memref<2048xf32, #tpu.memory_space<vmem>>) target_semaphore(%arg20 : memref<!tpu.dma_semaphore, #tpu.memory_space<semaphore_mem>>)
      %dma_start3A_26 = tpu.memref_slice %arg8[%add3A_14] : memref<1048576xf32, #tpu.memory_space<hbm>> -> memref<2048xf32, #tpu.memory_space<hbm>>
      %dma_start3A_27 = tpu.memref_slice %arg8[%add3A_14] : memref<1048576xf32, #tpu.memory_space<hbm>> -> memref<2048xf32, #tpu.memory_space<hbm>>
      tpu.enqueue_dma source(%dma_start3A_27 : memref<2048xf32, #tpu.memory_space<hbm>>) target(%arg17 : memref<2048xf32, #tpu.memory_space<vmem>>) target_semaphore(%arg20 : memref<!tpu.dma_semaphore, #tpu.memory_space<semaphore_mem>>)
      %dma_start3A_28 = tpu.memref_slice %arg9[%add3A_14] : memref<1048576xf32, #tpu.memory_space<hbm>> -> memref<2048xf32, #tpu.memory_space<hbm>>
      %dma_start3A_29 = tpu.memref_slice %arg9[%add3A_14] : memref<1048576xf32, #tpu.memory_space<hbm>> -> memref<2048xf32, #tpu.memory_space<hbm>>
      tpu.enqueue_dma source(%dma_start3A_29 : memref<2048xf32, #tpu.memory_space<hbm>>) target(%arg18 : memref<2048xf32, #tpu.memory_space<vmem>>) target_semaphore(%arg20 : memref<!tpu.dma_semaphore, #tpu.memory_space<semaphore_mem>>)
      %dma_wait3A = tpu.memref_slice %arg2[%add3A_14] : memref<1048576xf32, #tpu.memory_space<hbm>> -> memref<2048xf32, #tpu.memory_space<hbm>>
      %dma_wait3A_30 = tpu.memref_slice %arg2[%add3A_14] : memref<1048576xf32, #tpu.memory_space<hbm>> -> memref<2048xf32, #tpu.memory_space<hbm>>
      tpu.wait_dma2 semaphore(%arg20 : memref<!tpu.dma_semaphore, #tpu.memory_space<semaphore_mem>>) src(%dma_wait3A_30 : memref<2048xf32, #tpu.memory_space<hbm>>) dst(%arg11 : memref<2048xf32, #tpu.memory_space<vmem>>)
      %dma_wait3A_31 = tpu.memref_slice %arg3[%add3A_14] : memref<1048576xf32, #tpu.memory_space<hbm>> -> memref<2048xf32, #tpu.memory_space<hbm>>
      %dma_wait3A_32 = tpu.memref_slice %arg3[%add3A_14] : memref<1048576xf32, #tpu.memory_space<hbm>> -> memref<2048xf32, #tpu.memory_space<hbm>>
      tpu.wait_dma2 semaphore(%arg20 : memref<!tpu.dma_semaphore, #tpu.memory_space<semaphore_mem>>) src(%dma_wait3A_32 : memref<2048xf32, #tpu.memory_space<hbm>>) dst(%arg12 : memref<2048xf32, #tpu.memory_space<vmem>>)
      %dma_wait3A_33 = tpu.memref_slice %arg4[%add3A_14] : memref<1048576xf32, #tpu.memory_space<hbm>> -> memref<2048xf32, #tpu.memory_space<hbm>>
      %dma_wait3A_34 = tpu.memref_slice %arg4[%add3A_14] : memref<1048576xf32, #tpu.memory_space<hbm>> -> memref<2048xf32, #tpu.memory_space<hbm>>
      tpu.wait_dma2 semaphore(%arg20 : memref<!tpu.dma_semaphore, #tpu.memory_space<semaphore_mem>>) src(%dma_wait3A_34 : memref<2048xf32, #tpu.memory_space<hbm>>) dst(%arg13 : memref<2048xf32, #tpu.memory_space<vmem>>)
      %dma_wait3A_35 = tpu.memref_slice %arg5[%add3A_14] : memref<1048576xf32, #tpu.memory_space<hbm>> -> memref<2048xf32, #tpu.memory_space<hbm>>
      %dma_wait3A_36 = tpu.memref_slice %arg5[%add3A_14] : memref<1048576xf32, #tpu.memory_space<hbm>> -> memref<2048xf32, #tpu.memory_space<hbm>>
      tpu.wait_dma2 semaphore(%arg20 : memref<!tpu.dma_semaphore, #tpu.memory_space<semaphore_mem>>) src(%dma_wait3A_36 : memref<2048xf32, #tpu.memory_space<hbm>>) dst(%arg14 : memref<2048xf32, #tpu.memory_space<vmem>>)
      %dma_wait3A_37 = tpu.memref_slice %arg6[%add3A_14] : memref<1048576xf32, #tpu.memory_space<hbm>> -> memref<2048xf32, #tpu.memory_space<hbm>>
      %dma_wait3A_38 = tpu.memref_slice %arg6[%add3A_14] : memref<1048576xf32, #tpu.memory_space<hbm>> -> memref<2048xf32, #tpu.memory_space<hbm>>
      tpu.wait_dma2 semaphore(%arg20 : memref<!tpu.dma_semaphore, #tpu.memory_space<semaphore_mem>>) src(%dma_wait3A_38 : memref<2048xf32, #tpu.memory_space<hbm>>) dst(%arg15 : memref<2048xf32, #tpu.memory_space<vmem>>)
      %dma_wait3A_39 = tpu.memref_slice %arg7[%add3A_14] : memref<1048576xf32, #tpu.memory_space<hbm>> -> memref<2048xf32, #tpu.memory_space<hbm>>
      %dma_wait3A_40 = tpu.memref_slice %arg7[%add3A_14] : memref<1048576xf32, #tpu.memory_space<hbm>> -> memref<2048xf32, #tpu.memory_space<hbm>>
      tpu.wait_dma2 semaphore(%arg20 : memref<!tpu.dma_semaphore, #tpu.memory_space<semaphore_mem>>) src(%dma_wait3A_40 : memref<2048xf32, #tpu.memory_space<hbm>>) dst(%arg16 : memref<2048xf32, #tpu.memory_space<vmem>>)
      %dma_wait3A_41 = tpu.memref_slice %arg8[%add3A_14] : memref<1048576xf32, #tpu.memory_space<hbm>> -> memref<2048xf32, #tpu.memory_space<hbm>>
      %dma_wait3A_42 = tpu.memref_slice %arg8[%add3A_14] : memref<1048576xf32, #tpu.memory_space<hbm>> -> memref<2048xf32, #tpu.memory_space<hbm>>
      tpu.wait_dma2 semaphore(%arg20 : memref<!tpu.dma_semaphore, #tpu.memory_space<semaphore_mem>>) src(%dma_wait3A_42 : memref<2048xf32, #tpu.memory_space<hbm>>) dst(%arg17 : memref<2048xf32, #tpu.memory_space<vmem>>)
      %dma_wait3A_43 = tpu.memref_slice %arg9[%add3A_14] : memref<1048576xf32, #tpu.memory_space<hbm>> -> memref<2048xf32, #tpu.memory_space<hbm>>
      %dma_wait3A_44 = tpu.memref_slice %arg9[%add3A_14] : memref<1048576xf32, #tpu.memory_space<hbm>> -> memref<2048xf32, #tpu.memory_space<hbm>>
      tpu.wait_dma2 semaphore(%arg20 : memref<!tpu.dma_semaphore, #tpu.memory_space<semaphore_mem>>) src(%dma_wait3A_44 : memref<2048xf32, #tpu.memory_space<hbm>>) dst(%arg18 : memref<2048xf32, #tpu.memory_space<vmem>>)
      %scan3A_45 = arith.constant 0 : i32
      %scan3A_46 = arith.constant 128 : i32
      %scan3A_47 = arith.addi %scan3A_45, %scan3A_46 : i32
      %scan3A_48 = arith.constant 1 : i32
      scf.for %scan3A_52 = %scan3A_45 to %scan3A_47 step %scan3A_48  : i32 {
        %mul3A_53 = arith.constant 1 : i32
        %mul3A_54 = arith.muli %scan3A_52, %mul3A_53 : i32
        %add3A_55 = arith.constant 0 : i32
        %add3A_56 = arith.addi %add3A_55, %mul3A_54 : i32
        %mul3A_57 = arith.constant 16 : i32
        %mul3A_58 = arith.muli %add3A_56, %mul3A_57 : i32
        %add3A_59 = vector.broadcast %mul3A_58 : i32 to vector<16xi32>
        %add3A_60 = arith.addi %add3A_59, %iota3A : vector<16xi32>
        %mul3A_61 = arith.constant 16 : i32
        %mul3A_62 = vector.broadcast %mul3A_61 : i32 to vector<16xi32>
        %mul3A_63 = arith.muli %add3A_60, %mul3A_62 : vector<16xi32>
        %mul3A_64 = arith.constant 16 : i32
        %mul3A_65 = arith.muli %add3A_56, %mul3A_64 : i32
        %get3A = arith.index_cast %mul3A_65 : i32 to index
        %get3A_66 = tpu.vector_load %arg11[%get3A] {strides = array<i32>} : memref<2048xf32, #tpu.memory_space<vmem>>, vector<16xf32>,
        %add3A_67 = arith.constant 0 : i32
        %add3A_68 = vector.broadcast %add3A_67 : i32 to vector<16xi32>
        %add3A_69 = arith.addi %mul3A_63, %add3A_68 : vector<16xi32>
        tpu.vector_store_idx %arg19[%add3A_69], %get3A_66 : memref<32768xf32, #tpu.memory_space<vmem>>[vector<16xi32>], vector<16xf32>,
        %mul3A_70 = arith.constant 16 : i32
        %mul3A_71 = arith.muli %add3A_56, %mul3A_70 : i32
        %get3A_72 = arith.index_cast %mul3A_71 : i32 to index
        %get3A_73 = tpu.vector_load %arg12[%get3A_72] {strides = array<i32>} : memref<2048xf32, #tpu.memory_space<vmem>>, vector<16xf32>,
        %add3A_74 = arith.constant 1 : i32
        %add3A_75 = vector.broadcast %add3A_74 : i32 to vector<16xi32>
        %add3A_76 = arith.addi %mul3A_63, %add3A_75 : vector<16xi32>
        tpu.vector_store_idx %arg19[%add3A_76], %get3A_73 : memref<32768xf32, #tpu.memory_space<vmem>>[vector<16xi32>], vector<16xf32>,
        %mul3A_77 = arith.constant 16 : i32
        %mul3A_78 = arith.muli %add3A_56, %mul3A_77 : i32
        %get3A_79 = arith.index_cast %mul3A_78 : i32 to index
        %get3A_80 = tpu.vector_load %arg13[%get3A_79] {strides = array<i32>} : memref<2048xf32, #tpu.memory_space<vmem>>, vector<16xf32>,
        %add3A_81 = arith.constant 2 : i32
        %add3A_82 = vector.broadcast %add3A_81 : i32 to vector<16xi32>
        %add3A_83 = arith.addi %mul3A_63, %add3A_82 : vector<16xi32>
        tpu.vector_store_idx %arg19[%add3A_83], %get3A_80 : memref<32768xf32, #tpu.memory_space<vmem>>[vector<16xi32>], vector<16xf32>,
        %mul3A_84 = arith.constant 16 : i32
        %mul3A_85 = arith.muli %add3A_56, %mul3A_84 : i32
        %get3A_86 = arith.index_cast %mul3A_85 : i32 to index
        %get3A_87 = tpu.vector_load %arg14[%get3A_86] {strides = array<i32>} : memref<2048xf32, #tpu.memory_space<vmem>>, vector<16xf32>,
        %add3A_88 = arith.constant 3 : i32
        %add3A_89 = vector.broadcast %add3A_88 : i32 to vector<16xi32>
        %add3A_90 = arith.addi %mul3A_63, %add3A_89 : vector<16xi32>
        tpu.vector_store_idx %arg19[%add3A_90], %get3A_87 : memref<32768xf32, #tpu.memory_space<vmem>>[vector<16xi32>], vector<16xf32>,
        %mul3A_91 = arith.constant 16 : i32
        %mul3A_92 = arith.muli %add3A_56, %mul3A_91 : i32
        %get3A_93 = arith.index_cast %mul3A_92 : i32 to index
        %get3A_94 = tpu.vector_load %arg15[%get3A_93] {strides = array<i32>} : memref<2048xf32, #tpu.memory_space<vmem>>, vector<16xf32>,
        %add3A_95 = arith.constant 4 : i32
        %add3A_96 = vector.broadcast %add3A_95 : i32 to vector<16xi32>
        %add3A_97 = arith.addi %mul3A_63, %add3A_96 : vector<16xi32>
        tpu.vector_store_idx %arg19[%add3A_97], %get3A_94 : memref<32768xf32, #tpu.memory_space<vmem>>[vector<16xi32>], vector<16xf32>,
        %mul3A_98 = arith.constant 16 : i32
        %mul3A_99 = arith.muli %add3A_56, %mul3A_98 : i32
        %get3A_100 = arith.index_cast %mul3A_99 : i32 to index
        %get3A_101 = tpu.vector_load %arg16[%get3A_100] {strides = array<i32>} : memref<2048xf32, #tpu.memory_space<vmem>>, vector<16xf32>,
        %add3A_102 = arith.constant 5 : i32
        %add3A_103 = vector.broadcast %add3A_102 : i32 to vector<16xi32>
        %add3A_104 = arith.addi %mul3A_63, %add3A_103 : vector<16xi32>
        tpu.vector_store_idx %arg19[%add3A_104], %get3A_101 : memref<32768xf32, #tpu.memory_space<vmem>>[vector<16xi32>], vector<16xf32>,
        %mul3A_105 = arith.constant 16 : i32
        %mul3A_106 = arith.muli %add3A_56, %mul3A_105 : i32
        %get3A_107 = arith.index_cast %mul3A_106 : i32 to index
        %get3A_108 = tpu.vector_load %arg17[%get3A_107] {strides = array<i32>} : memref<2048xf32, #tpu.memory_space<vmem>>, vector<16xf32>,
        %add3A_109 = arith.constant 6 : i32
        %add3A_110 = vector.broadcast %add3A_109 : i32 to vector<16xi32>
        %add3A_111 = arith.addi %mul3A_63, %add3A_110 : vector<16xi32>
        tpu.vector_store_idx %arg19[%add3A_111], %get3A_108 : memref<32768xf32, #tpu.memory_space<vmem>>[vector<16xi32>], vector<16xf32>,
        %mul3A_112 = arith.constant 16 : i32
        %mul3A_113 = arith.muli %add3A_56, %mul3A_112 : i32
        %get3A_114 = arith.index_cast %mul3A_113 : i32 to index
        %get3A_115 = tpu.vector_load %arg18[%get3A_114] {strides = array<i32>} : memref<2048xf32, #tpu.memory_space<vmem>>, vector<16xf32>,
        %add3A_116 = arith.constant 7 : i32
        %add3A_117 = vector.broadcast %add3A_116 : i32 to vector<16xi32>
        %add3A_118 = arith.addi %mul3A_63, %add3A_117 : vector<16xi32>
        tpu.vector_store_idx %arg19[%add3A_118], %get3A_115 : memref<32768xf32, #tpu.memory_space<vmem>>[vector<16xi32>], vector<16xf32>,
      }
      %scan3A_49 = arith.constant 128 : i32
      %mul3A_50 = arith.constant 16 : i32
      %mul3A_51 = arith.muli %add3A_14, %mul3A_50 : i32
      "tpu.region"() ({
        %run_scoped3A = tpu.sem_alloc : memref<!tpu.dma_semaphore, #tpu.memory_space<semaphore_mem>>
        %dma_start3A_52 = tpu.memref_slice %arg10[%mul3A_51] : memref<16777216xf32, #tpu.memory_space<hbm>> -> memref<32768xf32, #tpu.memory_space<hbm>>
        %dma_start3A_53 = tpu.memref_slice %arg10[%mul3A_51] : memref<16777216xf32, #tpu.memory_space<hbm>> -> memref<32768xf32, #tpu.memory_space<hbm>>
        tpu.enqueue_dma source(%arg19 : memref<32768xf32, #tpu.memory_space<vmem>>) target(%dma_start3A_53 : memref<32768xf32, #tpu.memory_space<hbm>>) target_semaphore(%run_scoped3A : memref<!tpu.dma_semaphore, #tpu.memory_space<semaphore_mem>>)
        %dma_wait3A_54 = tpu.memref_slice %arg10[%mul3A_51] : memref<16777216xf32, #tpu.memory_space<hbm>> -> memref<32768xf32, #tpu.memory_space<hbm>>
        %dma_wait3A_55 = tpu.memref_slice %arg10[%mul3A_51] : memref<16777216xf32, #tpu.memory_space<hbm>> -> memref<32768xf32, #tpu.memory_space<hbm>>
        tpu.wait_dma2 semaphore(%run_scoped3A : memref<!tpu.dma_semaphore, #tpu.memory_space<semaphore_mem>>) src(%arg19 : memref<32768xf32, #tpu.memory_space<vmem>>) dst(%dma_wait3A_55 : memref<32768xf32, #tpu.memory_space<hbm>>)
        tpu.yield
      }) : () -> ()
    }
    %scan3A_6 = arith.constant 16 : i32
    return
  }
}

module attributes {stable_mosaic.version = 14 : i64} {
  func.func @_tc_linearize(%arg0: i32, %arg1: memref<8x65536xf32, #tpu.memory_space<vmem>>, %arg2: memref<65536xf32, #tpu.memory_space<vmem>>, %arg3: memref<65536xf32, #tpu.memory_space<vmem>>, %arg4: memref<65536xf32, #tpu.memory_space<vmem>>, %arg5: memref<65536xf32, #tpu.memory_space<vmem>>, %arg6: memref<65536xf32, #tpu.memory_space<vmem>>, %arg7: memref<65536xf32, #tpu.memory_space<vmem>>, %arg8: memref<65536xf32, #tpu.memory_space<vmem>>, %arg9: memref<65536xf32, #tpu.memory_space<vmem>>) attributes {dimension_semantics = [#tpu.dimension_semantics<arbitrary>], iteration_bounds = array<i64: 16>, scalar_prefetch = 0 : i64, scratch_operands = 0 : i64, tpu.core_type = #tpu.core_type<tc>, window_params = [{transform_indices = @transform_0, window_bounds = array<i64: 8, 65536>}, {transform_indices = @transform_1, window_bounds = array<i64: 65536>}, {transform_indices = @transform_2, window_bounds = array<i64: 65536>}, {transform_indices = @transform_3, window_bounds = array<i64: 65536>}, {transform_indices = @transform_4, window_bounds = array<i64: 65536>}, {transform_indices = @transform_5, window_bounds = array<i64: 65536>}, {transform_indices = @transform_6, window_bounds = array<i64: 65536>}, {transform_indices = @transform_7, window_bounds = array<i64: 65536>}, {transform_indices = @transform_8, window_bounds = array<i64: 65536>}]} {
    %get3A = arith.constant 0 : index
    %get3A_0 = arith.constant 0 : index
    %get3A_1 = vector.load %arg1[%get3A, %get3A_0] : memref<8x65536xf32, #tpu.memory_space<vmem>>, vector<8x65536xf32>
    %slice3A = vector.extract_strided_slice %get3A_1 {offsets = [0, 0], sizes = [1, 65536], strides = [1, 1]} : vector<8x65536xf32> to vector<1x65536xf32>
    %squeeze3A = vector.shape_cast %slice3A : vector<1x65536xf32> to vector<65536xf32>
    %swap3A = arith.constant 0 : index
    %swap3A_2 = vector.load %arg2[%swap3A] : memref<65536xf32, #tpu.memory_space<vmem>>, vector<65536xf32>
    tpu.vector_store %arg2[%swap3A], %squeeze3A {strides = array<i32>} : memref<65536xf32, #tpu.memory_space<vmem>>, vector<65536xf32>,
    %slice3A_3 = vector.extract_strided_slice %get3A_1 {offsets = [1, 0], sizes = [1, 65536], strides = [1, 1]} : vector<8x65536xf32> to vector<1x65536xf32>
    %squeeze3A_4 = vector.shape_cast %slice3A_3 : vector<1x65536xf32> to vector<65536xf32>
    %swap3A_5 = arith.constant 0 : index
    %swap3A_6 = vector.load %arg3[%swap3A_5] : memref<65536xf32, #tpu.memory_space<vmem>>, vector<65536xf32>
    tpu.vector_store %arg3[%swap3A_5], %squeeze3A_4 {strides = array<i32>} : memref<65536xf32, #tpu.memory_space<vmem>>, vector<65536xf32>,
    %slice3A_7 = vector.extract_strided_slice %get3A_1 {offsets = [2, 0], sizes = [1, 65536], strides = [1, 1]} : vector<8x65536xf32> to vector<1x65536xf32>
    %squeeze3A_8 = vector.shape_cast %slice3A_7 : vector<1x65536xf32> to vector<65536xf32>
    %swap3A_9 = arith.constant 0 : index
    %swap3A_10 = vector.load %arg4[%swap3A_9] : memref<65536xf32, #tpu.memory_space<vmem>>, vector<65536xf32>
    tpu.vector_store %arg4[%swap3A_9], %squeeze3A_8 {strides = array<i32>} : memref<65536xf32, #tpu.memory_space<vmem>>, vector<65536xf32>,
    %slice3A_11 = vector.extract_strided_slice %get3A_1 {offsets = [3, 0], sizes = [1, 65536], strides = [1, 1]} : vector<8x65536xf32> to vector<1x65536xf32>
    %squeeze3A_12 = vector.shape_cast %slice3A_11 : vector<1x65536xf32> to vector<65536xf32>
    %swap3A_13 = arith.constant 0 : index
    %swap3A_14 = vector.load %arg5[%swap3A_13] : memref<65536xf32, #tpu.memory_space<vmem>>, vector<65536xf32>
    tpu.vector_store %arg5[%swap3A_13], %squeeze3A_12 {strides = array<i32>} : memref<65536xf32, #tpu.memory_space<vmem>>, vector<65536xf32>,
    %slice3A_15 = vector.extract_strided_slice %get3A_1 {offsets = [4, 0], sizes = [1, 65536], strides = [1, 1]} : vector<8x65536xf32> to vector<1x65536xf32>
    %squeeze3A_16 = vector.shape_cast %slice3A_15 : vector<1x65536xf32> to vector<65536xf32>
    %swap3A_17 = arith.constant 0 : index
    %swap3A_18 = vector.load %arg6[%swap3A_17] : memref<65536xf32, #tpu.memory_space<vmem>>, vector<65536xf32>
    tpu.vector_store %arg6[%swap3A_17], %squeeze3A_16 {strides = array<i32>} : memref<65536xf32, #tpu.memory_space<vmem>>, vector<65536xf32>,
    %slice3A_19 = vector.extract_strided_slice %get3A_1 {offsets = [5, 0], sizes = [1, 65536], strides = [1, 1]} : vector<8x65536xf32> to vector<1x65536xf32>
    %squeeze3A_20 = vector.shape_cast %slice3A_19 : vector<1x65536xf32> to vector<65536xf32>
    %swap3A_21 = arith.constant 0 : index
    %swap3A_22 = vector.load %arg7[%swap3A_21] : memref<65536xf32, #tpu.memory_space<vmem>>, vector<65536xf32>
    tpu.vector_store %arg7[%swap3A_21], %squeeze3A_20 {strides = array<i32>} : memref<65536xf32, #tpu.memory_space<vmem>>, vector<65536xf32>,
    %slice3A_23 = vector.extract_strided_slice %get3A_1 {offsets = [6, 0], sizes = [1, 65536], strides = [1, 1]} : vector<8x65536xf32> to vector<1x65536xf32>
    %squeeze3A_24 = vector.shape_cast %slice3A_23 : vector<1x65536xf32> to vector<65536xf32>
    %swap3A_25 = arith.constant 0 : index
    %swap3A_26 = vector.load %arg8[%swap3A_25] : memref<65536xf32, #tpu.memory_space<vmem>>, vector<65536xf32>
    tpu.vector_store %arg8[%swap3A_25], %squeeze3A_24 {strides = array<i32>} : memref<65536xf32, #tpu.memory_space<vmem>>, vector<65536xf32>,
    %slice3A_27 = vector.extract_strided_slice %get3A_1 {offsets = [7, 0], sizes = [1, 65536], strides = [1, 1]} : vector<8x65536xf32> to vector<1x65536xf32>
    %squeeze3A_28 = vector.shape_cast %slice3A_27 : vector<1x65536xf32> to vector<65536xf32>
    %swap3A_29 = arith.constant 0 : index
    %swap3A_30 = vector.load %arg9[%swap3A_29] : memref<65536xf32, #tpu.memory_space<vmem>>, vector<65536xf32>
    tpu.vector_store %arg9[%swap3A_29], %squeeze3A_28 {strides = array<i32>} : memref<65536xf32, #tpu.memory_space<vmem>>, vector<65536xf32>,
    return
  }
  func.func @transform_0(%arg0: i32) -> (i32, i32) {
    %c0_i32 = arith.constant 0 : i32
    %c0_i32_0 = arith.constant 0 : i32
    return %c0_i32, %arg0 : i32, i32
  }
  func.func @transform_1(%arg0: i32) -> i32 {
    %c0_i32 = arith.constant 0 : i32
    return %arg0 : i32
  }
  func.func @transform_2(%arg0: i32) -> i32 {
    %c0_i32 = arith.constant 0 : i32
    return %arg0 : i32
  }
  func.func @transform_3(%arg0: i32) -> i32 {
    %c0_i32 = arith.constant 0 : i32
    return %arg0 : i32
  }
  func.func @transform_4(%arg0: i32) -> i32 {
    %c0_i32 = arith.constant 0 : i32
    return %arg0 : i32
  }
  func.func @transform_5(%arg0: i32) -> i32 {
    %c0_i32 = arith.constant 0 : i32
    return %arg0 : i32
  }
  func.func @transform_6(%arg0: i32) -> i32 {
    %c0_i32 = arith.constant 0 : i32
    return %arg0 : i32
  }
  func.func @transform_7(%arg0: i32) -> i32 {
    %c0_i32 = arith.constant 0 : i32
    return %arg0 : i32
  }
  func.func @transform_8(%arg0: i32) -> i32 {
    %c0_i32 = arith.constant 0 : i32
    return %arg0 : i32
  }
}

module attributes {stable_mosaic.version = 14 : i64} {
  func.func @_tc_tail(%arg0: memref<4096x16xf32, #tpu.memory_space<vmem>>, %arg1: memref<4096x1xf32, #tpu.memory_space<vmem>>, %arg2: memref<4096x8xf32, #tpu.memory_space<vmem>>, %arg3: memref<8x8xf32, #tpu.memory_space<vmem>>, %arg4: memref<1x8xf32, #tpu.memory_space<vmem>>, %arg5: memref<8x8xf32, #tpu.memory_space<vmem>>, %arg6: memref<1x8xf32, #tpu.memory_space<vmem>>, %arg7: memref<4096x8xf32, #tpu.memory_space<vmem>>) attributes {dimension_semantics = [], scalar_prefetch = 0 : i64, scratch_operands = 0 : i64, tpu.core_type = #tpu.core_type<tc>} {
    %get3A = arith.constant 0 : index
    %get3A_0 = arith.constant 0 : index
    %get3A_1 = vector.load %arg0[%get3A, %get3A_0] : memref<4096x16xf32, #tpu.memory_space<vmem>>, vector<4096x16xf32>
    %slice3A = vector.extract_strided_slice %get3A_1 {offsets = [0, 0], sizes = [4096, 8], strides = [1, 1]} : vector<4096x16xf32> to vector<4096x8xf32>
    %slice3A_2 = vector.extract_strided_slice %get3A_1 {offsets = [0, 8], sizes = [4096, 8], strides = [1, 1]} : vector<4096x16xf32> to vector<4096x8xf32>
    %add3A = arith.addf %slice3A, %slice3A_2 : vector<4096x8xf32>
    %get3A_3 = arith.constant 0 : index
    %get3A_4 = arith.constant 0 : index
    %get3A_5 = vector.load %arg1[%get3A_3, %get3A_4] : memref<4096x1xf32, #tpu.memory_space<vmem>>, vector<4096x1xf32>
    %div3A = vector.broadcast %get3A_5 : vector<4096x1xf32> to vector<4096x8xf32>
    %div3A_6 = arith.divf %add3A, %div3A : vector<4096x8xf32>
    %get3A_7 = arith.constant 0 : index
    %get3A_8 = arith.constant 0 : index
    %get3A_9 = vector.load %arg3[%get3A_7, %get3A_8] : memref<8x8xf32, #tpu.memory_space<vmem>>, vector<8x8xf32>
    %dot_general3A = arith.constant dense<0.000000e+00> : vector<4096x8xf32>
    %dot_general3A_10 = tpu.matmul %div3A_6, %get3A_9, %dot_general3A {dimension_numbers = #tpu.dot_dimension_numbers<[1], [0], [0], [1], [0, 0, 1, 1], [], []>, transpose_lhs_hint = false} : vector<4096x8xf32>, vector<8x8xf32>, vector<4096x8xf32> -> vector<4096x8xf32>
    %get3A_11 = arith.constant 0 : index
    %get3A_12 = arith.constant 0 : index
    %get3A_13 = vector.load %arg4[%get3A_11, %get3A_12] : memref<1x8xf32, #tpu.memory_space<vmem>>, vector<1x8xf32>
    %add3A_14 = vector.broadcast %get3A_13 : vector<1x8xf32> to vector<4096x8xf32>
    %add3A_15 = arith.addf %dot_general3A_10, %add3A_14 : vector<4096x8xf32>
    %tanh3A = math.tanh %add3A_15 : vector<4096x8xf32>
    %get3A_16 = arith.constant 0 : index
    %get3A_17 = arith.constant 0 : index
    %get3A_18 = vector.load %arg2[%get3A_16, %get3A_17] : memref<4096x8xf32, #tpu.memory_space<vmem>>, vector<4096x8xf32>
    %get3A_19 = arith.constant 0 : index
    %get3A_20 = arith.constant 0 : index
    %get3A_21 = vector.load %arg5[%get3A_19, %get3A_20] : memref<8x8xf32, #tpu.memory_space<vmem>>, vector<8x8xf32>
    %dot_general3A_22 = arith.constant dense<0.000000e+00> : vector<4096x8xf32>
    %dot_general3A_23 = tpu.matmul %get3A_18, %get3A_21, %dot_general3A_22 {dimension_numbers = #tpu.dot_dimension_numbers<[1], [0], [0], [1], [0, 0, 1, 1], [], []>, transpose_lhs_hint = false} : vector<4096x8xf32>, vector<8x8xf32>, vector<4096x8xf32> -> vector<4096x8xf32>
    %get3A_24 = arith.constant 0 : index
    %get3A_25 = arith.constant 0 : index
    %get3A_26 = vector.load %arg6[%get3A_24, %get3A_25] : memref<1x8xf32, #tpu.memory_space<vmem>>, vector<1x8xf32>
    %add3A_27 = vector.broadcast %get3A_26 : vector<1x8xf32> to vector<4096x8xf32>
    %add3A_28 = arith.addf %dot_general3A_23, %add3A_27 : vector<4096x8xf32>
    %tanh3A_29 = math.tanh %add3A_28 : vector<4096x8xf32>
    %mul3A = arith.mulf %tanh3A, %tanh3A_29 : vector<4096x8xf32>
    %swap3A = arith.constant 0 : index
    %swap3A_30 = arith.constant 0 : index
    %swap3A_31 = vector.load %arg7[%swap3A, %swap3A_30] : memref<4096x8xf32, #tpu.memory_space<vmem>>, vector<4096x8xf32>
    tpu.vector_store %arg7[%swap3A, %swap3A_30], %mul3A {strides = array<i32>} : memref<4096x8xf32, #tpu.memory_space<vmem>>, vector<4096x8xf32>,
    return
  }
}

</mosaic_0001>

<sc_bundles>
// kernel: kernel.6.cloned.1.call-start
scs
__scs_entry_jumppad:
0x0: {  	(pc) =	sbr.rel $0x88, $3  }
0x1: {  	(tag) =	ssettag $0x0;
	lr =	simm.s32 $0x1  }
0x2: {  	[smem:$0x3F9A] =	sst lr;
	_ =	strace $0xD0000000  }
0x3: {  	_ = 	snop  }
0x4: {  	_ = 	snop  }
0x5: {  	_ = 	snop  }
0x6: {  	_ = 	snop  }
0x7: {  	_ = 	snop  }
__scs_overlays_trampoline_lowered:
0x8: {  	[smem:$0x3FA9] =	sst s0  }
0x9: {  	[smem:$0x3FAA] =	sst s1  }
0xa: {  	[smem:$0x3FAB] =	sst s2  }
0xb: {  	[smem:$0x3FAC] =	sst s3  }
0xc: {  	[smem:$0x3FAD] =	sst s4  }
0xd: {  	[smem:$0x3FAE] =	sst s5  }
0xe: {  	[smem:$0x3FAF] =	sst s6  }
0xf: {  	[smem:$0x3FB0] =	sst s7  }
0x10: {  	[smem:$0x3FB1] =	sst s8  }
0x11: {  	[smem:$0x3FB2] =	sst s9;
	s0 =	simm.s32 @!p0 $0x0  }
0x12: {  	s1 =	sld [smem:$0x3F98];
	s0 =	simm.s32 @p0 $0x1  }
0x13: {  	[smem:$0x3FB3] =	sst s0;
	s0 =	simm.s32 @!p1 $0x0  }
0x14: {  	s2 =	sld [smem:$0x3F97];
	s0 =	simm.s32 @p1 $0x1  }
0x15: {  	[smem:$0x3FB4] =	sst s0;
	s0 =	simm.s32 @!p2 $0x0  }
0x16: {  	s3 =	sld [smem:$0x3FDB];
	s0 =	simm.s32 @p2 $0x1  }
0x17: {  	s4 =	simm.s32 $0x1BF5;
	[smem:$0x3FB6] =	sst s0  }
0x18: {  	s0 =	sld [smem:$0x3F99];
	_ =	swait.ge [sflag:s4], $0x0  }
0x19: {  	s7 =	sld [smem:$0x3F9A]  }
0x1a: {  	s8 =	sadd.s32 $0xFFFFE003, lr  }
0x1b: {  	s9 =	sadd.s32 $0xFFFFFEF7, lr;
	s5 =	simm.s32 $0xFFFFFFFF;
	p2 =	slt.u32 s8, $0xFFFFF086  }
0x1c: {  	p1 =	slt.u32 s9, $0xF7A;
	s5 =	simm.s32 @!p2 $0x0  }
0x1d: {  	s5 =	simm.s32 @p1 $0x1;
	p0 =	seq.s32 s7, s2  }
0x1e: {  	s7 =	smul.u32 @!p0 $0xF7A, s2;
	p2 =	seq.s32 @!p0 s5, $0x0  }
0x1f: {  	s9 =	smul.u32 $0xF7A, s1;
	s8 =	simm.s32 @!p0 $0x1BF5;
	p2 =	por !p2, p0  }
0x20: {  	[sflag:s8] =	ssyncset.s32 @!p0 $0xFFFFF086;
	s6 =	sadd.s32 @!p0 s3, s7;
	s7 =	simm.s32 @!p0 $0x108  }
0x21: {  	s3 =	sadd.s32 s3, s9;
	s6 =	sadd.s32 @!p0 $0x88, s6;
	s7 =	simm.s32 @p2 $0x1082  }
0x22: {  	[simem:s7], [sflag:s8] =	dma.local @!p0 [hbm:s6], $0xF7A  }
0x23: {  	s9 =	sor.u32 $0xD0000000, s2;
	s6 =	simm.s32 $0x108;
	_ =	swait.ge @!p0 [sflag:s8], $0x0  }
0x24: {  	s3 =	sadd.s32 $0x88, s3;
	s6 =	simm.s32 @!p1 $0x1082;
	[sflag:s4] =	ssyncset.s32 $0xFFFFF086  }
0x25: {  	[simem:s6], [sflag:s4] =	dma.local [hbm:s3], $0xF7A  }
0x26: {  	[smem:$0x3F9A] =	sst s1;
	(tag) =	ssettag s2;
	_ =	strace s9  }
0x27: {  	s1 =	sld [smem:$0x3FAA]  }
0x28: {  	s2 =	sld [smem:$0x3FAB]  }
0x29: {  	s4 =	sld [smem:$0x3FAD]  }
0x2a: {  	p0 =	seq.s32 s5, $0x0;
	s5 =	sld [smem:$0x3FAE]  }
0x2b: {  	s6 =	sld [smem:$0x3FAF]  }
0x2c: {  	s7 =	sld [smem:$0x3FB0]  }
0x2d: {  	s3 =	simm.s32 $0x108;
	s8 =	sld [smem:$0x3FB1]  }
0x2e: {  	s3 =	simm.s32 @!p0 $0x1082;
	s9 =	sld [smem:$0x3FB2]  }
0x2f: {  	lr =	sadd.s32 s0, s3;
	s0 =	sld [smem:$0x3FA9]  }
0x30: {  	s3 =	sld [smem:$0x3FAC]  }
0x31: {  	[smem:$0x3FB5] =	sst s10  }
0x32: {  	s10 =	sld [smem:$0x3FB3];
	_ =	sdelay $0x3  }
0x33: {  	p0 =	seq.s32 s10, $0x1;
	s10 =	sld [smem:$0x3FB5];
	_ =	sdelay $0x3  }
0x34: {  	[smem:$0x3FB5] =	sst s10  }
0x35: {  	s10 =	sld [smem:$0x3FB4];
	_ =	sdelay $0x3  }
0x36: {  	p1 =	seq.s32 s10, $0x1;
	s10 =	sld [smem:$0x3FB5];
	_ =	sdelay $0x3  }
0x37: {  	[smem:$0x3FB5] =	sst s10  }
0x38: {  	s10 =	sld [smem:$0x3FB6]  }
0x39: {  	_ = 	snop;
	(pc) =	sbr.ind lr, $3  }
0x3a: {  	_ = 	snop  }
0x3b: {  	_ = 	snop  }
0x3c: {  	p2 =	seq.s32 s10, $0x1;
	s10 =	sld [smem:$0x3FB5]  }
0x3d: {  	_ =	shalt  }
0x3e: {  	_ =	shalt  }
0x3f: {  	_ =	shalt  }
0x40: {  	_ =	shalt  }
0x41: {  	_ =	shalt  }
0x42: {  	_ =	shalt  }
0x43: {  	_ =	shalt  }
0x44: {  	_ =	shalt  }
0x45: {  	_ =	shalt  }
0x46: {  	_ =	shalt  }
0x47: {  	_ =	shalt  }
0x48: {  	_ =	shalt  }
0x49: {  	_ =	shalt  }
0x4a: {  	_ =	shalt  }
0x4b: {  	_ =	shalt  }
0x4c: {  	_ =	shalt  }
0x4d: {  	_ =	shalt  }
0x4e: {  	_ =	shalt  }
0x4f: {  	_ =	shalt  }
0x50: {  	_ =	shalt  }
0x51: {  	_ =	shalt  }
0x52: {  	_ =	shalt  }
0x53: {  	_ =	shalt  }
0x54: {  	_ =	shalt  }
0x55: {  	_ =	shalt  }
0x56: {  	_ =	shalt  }
0x57: {  	_ =	shalt  }
0x58: {  	_ =	shalt  }
0x59: {  	_ =	shalt  }
0x5a: {  	_ =	shalt  }
0x5b: {  	_ =	shalt  }
0x5c: {  	_ =	shalt  }
0x5d: {  	_ =	shalt  }
0x5e: {  	_ =	shalt  }
0x5f: {  	_ =	shalt  }
0x60: {  	_ =	shalt  }
0x61: {  	_ =	shalt  }
0x62: {  	_ =	shalt  }
0x63: {  	_ =	shalt  }
0x64: {  	_ =	shalt  }
0x65: {  	_ =	shalt  }
0x66: {  	_ =	shalt  }
0x67: {  	_ =	shalt  }
0x68: {  	_ =	shalt  }
0x69: {  	_ =	shalt  }
0x6a: {  	_ =	shalt  }
0x6b: {  	_ =	shalt  }
0x6c: {  	_ =	shalt  }
0x6d: {  	_ =	shalt  }
0x6e: {  	_ =	shalt  }
0x6f: {  	_ =	shalt  }
0x70: {  	_ =	shalt  }
0x71: {  	_ =	shalt  }
0x72: {  	_ =	shalt  }
0x73: {  	_ =	shalt  }
0x74: {  	_ =	shalt  }
0x75: {  	_ =	shalt  }
0x76: {  	_ =	shalt  }
0x77: {  	_ =	shalt  }
0x78: {  	_ =	shalt  }
0x79: {  	_ =	shalt  }
0x7a: {  	_ =	shalt  }
0x7b: {  	_ =	shalt  }
0x7c: {  	_ =	shalt  }
0x7d: {  	_ =	shalt  }
0x7e: {  	_ =	shalt  }
0x7f: {  	_ =	shalt  }
0x80: {  	_ =	shalt  }
0x81: {  	_ =	shalt  }
0x82: {  	_ =	shalt  }
0x83: {  	_ =	shalt  }
0x84: {  	_ =	shalt  }
0x85: {  	_ =	shalt  }
0x86: {  	_ =	shalt  }
0x87: {  	_ =	shalt  }
.Lfunc_end0:
.L_simem_size_0:
called_computation_lowered:
.L_overlay_start_0:
0x88: {  	s2 =	sld [smem:$0x3FD9]  }
0x89: {  	s3 =	sld [smem:$0x3FFE];
	_ =	sdelay $0x1  }
0x8a: {  	s1 =	srdreg.scid  }
0x8b: {  	s0 =	sand.u32 $0x1, s1  }
0x8c: {  	s16 =	sshll.u32 s0, $0xA;
	s2 =	sadd.s32 s3, s2  }
0x8d: {  	s2 =	sadd.s32 s2, s16  }
0x8e: {  	[smem:$0x3FC1] =	sst s2  }
0x8f: {  	_ = 	snop  }
0x90: {  	(tm) =	ssettm $0x1  }
0x91: {  	s17 =	sld [smem:$0x3FFB];
	_ =	sdelay $0x3  }
0x92: {  	_ =	strace s17  }
0x93: {  	s2 =	sld [smem:$0x3FFC];
	_ =	sdelay $0x3  }
0x94: {  	_ =	strace s2  }
0x95: {  	s2 =	sld [smem:$0x3FFD];
	_ =	sdelay $0x3  }
0x96: {  	_ =	strace s2  }
0x97: {  	_ =	strace $0x8FFFFFFF  }
0x98: {  	s18 =	sld [smem:$0x3FDB];
	_ =	sdelay $0x1  }
0x99: {  	s19 =	simm.s32 $_scs_section_size  }
0x9a: {  	s4 =	simm.s32 $_size__tile_overlayer_lowered;
	s5 =	simm.s32 $_tile_overlayer_lowered  }
0x9b: {  	s22 =	simm.s32 $0x1BFF;
	s21 =	sshll.u32 s5, $0x1;
	s2 =	sadd.s32 s19, s18  }
0x9c: {  	s6 =	simm.s32 $0x0;
	s20 =	sshll.u32 s4, $0x1;
	s4 =	sadd.s32 s21, s2  }
0x9d: {  	[timem:s6], [sflag:s22] =	dma.local [hbm:s4], s20  }
0x9e: {  	_ =	swait.ge [sflag:s22], s20  }
0x9f: {  	s3 =	ssub.s32 $0x0, s20;
	[sflag:s22] =	ssyncset.done $0x0  }
0xa0: {  	[sflag:s22] =	ssyncadd.s32 s3;
	_ =	sdelay $0x1  }
0xa1: {  	s23 =	simm.s32 $0x1B8B  }
0xa2: {  	_ =	swait.ge [sflag:s23], $0x1  }
0xa3: {  	[sflag:s23] =	ssyncset.done $0x0  }
0xa4: {  	s25 =	simm.s32 $0x1B8E;
	s24 =	sld [smem:$0x3FFE];
	[sflag:s23] =	ssyncadd.s32 $0xFFFFFFFF  }
0xa5: {  	s26 =	simm.s32 $execute0_lowered;
	[smem:$0x3FD2] =	sst s25  }
0xa6: {  	s4 =	sshll.u32 s26, $0x1;
	_ =	strace $0x80000046;
	[dreg:$0x1] =	wrdreg $0xFFFFFFFF  }
0xa7: {  	s28 =	simm.s32 $_size_execute0_lowered;
	s2 =	sadd.s32 s2, s4;
	[dreg:$0x0] =	wrdreg $0x0  }
0xa8: {  	s4 =	sshll.u32 s28, $0x1;
	[dreg:$0x2] =	wrdreg s2  }
0xa9: {  	[dreg:$0x3] =	wrdreg s4  }
0xaa: {  	[dreg:$0x4] =	wrdreg $0xC0  }
0xab: {  	_ =	task [dreg:s6], $0x5FFFF  }
0xac: {  	[dreg:$0x1] =	wrdreg $0xFFFFFFFF  }
0xad: {  	[dreg:$0x0] =	wrdreg $0x60  }
0xae: {  	[dreg:$0x2] =	wrdreg s24  }
0xaf: {  	[dreg:$0x3] =	wrdreg $0x9  }
0xb0: {  	_ =	task.clear_ibuf [dreg:s6], $0x4FFFF;
	_ =	strace $0x90000046  }
0xb1: {  	s29 =	simm.s32 $0x9;
	_ =	strace $0x80000048  }
0xb2: {  	_ =	swait.ge [sflag:s29], $0x1  }
0xb3: {  	[sflag:s29] =	ssyncadd.s32 $0xFFFFFFFF  }
0xb4: {  	_ =	strace $0x90000048  }
0xb5: {  	_ =	sfence  }
0xb6: {  	s30 =	sld [smem:$0x0];
	_ =	sdelay $0x2  }
0xb7: {  	s31 =	sshll.u32 s1, $0xD;
	s1 =	sshrl.u32 s1, $0x2  }
0xb8: {  	s3 =	sand.u32 $0x4000, s31;
	s1 =	sadd.s32 s1, s30  }
0xb9: {  	s0 =	sor.u32 s3, s0;
	s1 =	sshll.u32 s1, $0x11  }
0xba: {  	s0 =	sor.u32 s1, s0  }
0xbb: {  	s0 =	sadd.s32 $0x8F2B, s0  }
0xbc: {  	[sflag:s0] =	ssyncadd.remote.s32 $0x1  }
0xbd: {  	_ =	sfence.sel $0xFFFF  }
0xbe: {  	[dreg:$0x0] =	wrdreg $0xFFFFFFFF;
	(pc) =	sbr.abs _section_cstart, $3  }
0xbf: {  	[dreg:$0x1] =	wrdreg $0xFFFFFFFF  }
0xc0: {  	_ =	task.clear_ibuf [dreg:s6], $0x2FFFF;
	_ =	strace $0x9FFFFFFF  }
0xc1: {  	(tm) =	ssettm $0x7FFFFFFF  }
tec
execute0_lowered:
.L_overlay_start_1:
0x0: {  	(tag) =	ssettag $0x1  }
0x1: {  	s11 =	rddreg [dreg:$0x0]  }
0x2: {  	s0 =	rddreg [dreg:$0x1]  }
0x3: {  	s1 =	simm.s32 $0x0;
	s7 =	srdreg.scid;
	s16 =	simm.s32 $0x1800  }
0x4: {  	s17 =	simm.s32 $0x2000;
	s18 =	simm.s32 $0x2800;
	s19 =	simm.s32 $0x3000  }
0x5: {  	s20 =	simm.s32 $0x3800;
	s21 =	simm.s32 $0x1;
	s22 =	simm.s32 $0x4000  }
0x6: {  	s23 =	simm.s32 $0x2;
	s24 =	simm.s32 $0x0;
	[smem:$0x7FF] =	sst s1  }
0x7: {  	s2 =	sadd.s32 $0x62400, s11;
	s3 =	sadd.s32 $0x82400, s11;
	s4 =	sadd.s32 $0xA2400, s11  }
0x8: {  	s5 =	sadd.s32 $0xC2400, s11;
	s6 =	sadd.s32 $0xE2400, s11;
	s8 =	sadd.s32 $0x2400, s11  }
0x9: {  	s9 =	sadd.s32 $0x22400, s11;
	s12 =	sand.u32 $0x1, s7;
	s10 =	sadd.s32 $0x42400, s11  }
0xa: {  	s7 =	stileid.u32;
	s11 =	sadd.s32 $0x102400, s11;
	s13 =	ssub.s32 $0x2, s12  }
0xb: {  	s15 =	sshll.u32 s7, $0x10;
	s12 =	sshll.u32 s12, $0xF;
	s14 =	sshrl.u32 s13, $0x1  }
0xc: {  	v0 =	vlaneseq.u32;
	_ =	strace $0x80000047;
	s12 =	sor.u32 s12, s15;
	s13 =	ssub.s32 s13, s14  }
0xd: {  	v0 =	vmul.u32 $0x10, v0;
	s15 =	simm.s32 $0x1000;
	s14 =	simm.s32 $0x800;
	s13 =	smax.u32 s13, $0x1  }
.LBB2_1:
0xe: {  	s25 =	simm.s32 $0x0  }
.LBB2_2:
0xf: {  	s26 =	sshll.u32 s25, $0xB  }
0x10: {  	s26 =	sadd.s32 s12, s26  }
0x11: {  	s28 =	sshrl.u32 s26, $0x3  }
0x12: {  	s30 =	simm.s32 $0x0;
	s29 =	sadd.s32 s2, s28  }
0x13: {  	[tilespmem:s30], [sflag:$0x1] =	stream.linear.gather [hbm4b:s29+s30], $0x800, $0x38;
	[tilespmem:$0xC000] =	vst v63  }
0x14: {  	s29 =	sadd.s32 s3, s28  }
0x15: {  	[tilespmem:s14], [sflag:$0x1] =	stream.linear.gather [hbm4b:s29+s30], $0x800, $0x38;
	[tilespmem:$0xC000] =	vst v63  }
0x16: {  	s29 =	sadd.s32 s4, s28  }
0x17: {  	[tilespmem:s15], [sflag:$0x1] =	stream.linear.gather [hbm4b:s29+s30], $0x800, $0x38;
	[tilespmem:$0xC000] =	vst v63  }
0x18: {  	s29 =	sadd.s32 s5, s28  }
0x19: {  	[tilespmem:s16], [sflag:$0x1] =	stream.linear.gather [hbm4b:s29+s30], $0x800, $0x38;
	[tilespmem:$0xC000] =	vst v63  }
0x1a: {  	s29 =	sadd.s32 s6, s28  }
0x1b: {  	[tilespmem:s17], [sflag:$0x1] =	stream.linear.gather [hbm4b:s29+s30], $0x800, $0x38;
	[tilespmem:$0xC000] =	vst v63  }
0x1c: {  	s29 =	sadd.s32 s8, s28  }
0x1d: {  	[tilespmem:s18], [sflag:$0x1] =	stream.linear.gather [hbm4b:s29+s30], $0x800, $0x38;
	[tilespmem:$0xC000] =	vst v63  }
0x1e: {  	s29 =	sadd.s32 s9, s28  }
0x1f: {  	[tilespmem:s19], [sflag:$0x1] =	stream.linear.gather [hbm4b:s29+s30], $0x800, $0x38;
	[tilespmem:$0xC000] =	vst v63  }
0x20: {  	s28 =	sadd.s32 s10, s28  }
0x21: {  	[tilespmem:s20], [sflag:$0x1] =	stream.linear.gather [hbm4b:s28+s30], $0x800, $0x38;
	[tilespmem:$0xC000] =	vst v63  }
0x22: {  	_ =	swait.ge [sflag:s21], $0x800  }
0x23: {  	[sflag:s21] =	ssyncset.done $0x0  }
0x24: {  	[sflag:s21] =	ssyncadd.s32 $0xFFFFF800  }
0x25: {  	_ =	swait.ge [sflag:s21], $0x800  }
0x26: {  	[sflag:s21] =	ssyncset.done $0x0  }
0x27: {  	[sflag:s21] =	ssyncadd.s32 $0xFFFFF800  }
0x28: {  	_ =	swait.ge [sflag:s21], $0x800  }
0x29: {  	[sflag:s21] =	ssyncset.done $0x0  }
0x2a: {  	[sflag:s21] =	ssyncadd.s32 $0xFFFFF800  }
0x2b: {  	_ =	swait.ge [sflag:s21], $0x800  }
0x2c: {  	[sflag:s21] =	ssyncset.done $0x0  }
0x2d: {  	[sflag:s21] =	ssyncadd.s32 $0xFFFFF800  }
0x2e: {  	_ =	swait.ge [sflag:s21], $0x800  }
0x2f: {  	[sflag:s21] =	ssyncset.done $0x0  }
0x30: {  	[sflag:s21] =	ssyncadd.s32 $0xFFFFF800  }
0x31: {  	_ =	swait.ge [sflag:s21], $0x800  }
0x32: {  	[sflag:s21] =	ssyncset.done $0x0  }
0x33: {  	[sflag:s21] =	ssyncadd.s32 $0xFFFFF800  }
0x34: {  	_ =	swait.ge [sflag:s21], $0x800  }
0x35: {  	[sflag:s21] =	ssyncset.done $0x0  }
0x36: {  	[sflag:s21] =	ssyncadd.s32 $0xFFFFF800  }
0x37: {  	_ =	swait.ge [sflag:s21], $0x800  }
0x38: {  	v1 =	vmov s30;
	[sflag:s21] =	ssyncset.done $0x0  }
0x39: {  	v1 =	vshll.u32 v1, $0x4;
	s30 =	simm.s32 $0x0;
	[sflag:s21] =	ssyncadd.s32 $0xFFFFF800  }
0x3a: {  	v2 =	vor.u32 v0, v1;
	v1 =	vld [tilespmem:s30+$0x0];
	_ =	sdelay $0x4  }
0x3b: {  	[tilespmem:v2+s22+$0x0] =	vst.idx.msk $0xffff, v1  }
0x3c: {  	v3 =	vor.u32 $0x1, v2;
	v1 =	vld [tilespmem:s30+$0x800];
	_ =	sdelay $0x4  }
0x3d: {  	[tilespmem:v3+s22+$0x0] =	vst.idx.msk $0xffff, v1  }
0x3e: {  	v3 =	vor.u32 $0x2, v2;
	v1 =	vld [tilespmem:s30+$0x1000];
	_ =	sdelay $0x4  }
0x3f: {  	[tilespmem:v3+s22+$0x0] =	vst.idx.msk $0xffff, v1  }
0x40: {  	v3 =	vor.u32 $0x3, v2;
	v1 =	vld [tilespmem:s30+$0x1800];
	_ =	sdelay $0x4  }
0x41: {  	[tilespmem:v3+s22+$0x0] =	vst.idx.msk $0xffff, v1  }
0x42: {  	v3 =	vor.u32 $0x4, v2;
	v1 =	vld [tilespmem:s30+$0x2000];
	_ =	sdelay $0x4  }
0x43: {  	[tilespmem:v3+s22+$0x0] =	vst.idx.msk $0xffff, v1  }
0x44: {  	v3 =	vor.u32 $0x5, v2;
	v1 =	vld [tilespmem:s30+$0x2800];
	_ =	sdelay $0x4  }
0x45: {  	[tilespmem:v3+s22+$0x0] =	vst.idx.msk $0xffff, v1  }
0x46: {  	v3 =	vor.u32 $0x6, v2;
	v1 =	vld [tilespmem:s30+$0x3000];
	_ =	sdelay $0x4  }
0x47: {  	[tilespmem:v3+s22+$0x0] =	vst.idx.msk $0xffff, v1  }
0x48: {  	v2 =	vor.u32 $0x7, v2;
	v1 =	vld [tilespmem:s30+$0x3800];
	_ =	sdelay $0x2  }
0x49: {  	s28 =	simm.s32 $0x10  }
0x4a: {  	s29 =	simm.s32 $0x40;
	v3 =	vmov s28;
	s30 =	simm.s32 $0x80  }
.LBB2_3:
0x4b: {  	p0 =	sne.s32 s30, $0x1FC0;
	v3 =	vshll.u32 v3, $0x4;
	s31 =	sshra.s32 s29, $0x2;
	[tilespmem:v2+s22+$0x0] =	vst.idx.msk $0xffff, v1;
	s29 =	smov.u32 s30  }
0x4c: {  	v2 =	vor.u32 v0, v3;
	v1 =	vld [tilespmem:s31+$0x0];
	_ =	sdelay $0x4  }
0x4d: {  	[tilespmem:v2+s22+$0x0] =	vst.idx.msk $0xffff, v1  }
0x4e: {  	v3 =	vor.u32 $0x1, v2;
	v1 =	vld [tilespmem:s31+$0x800];
	_ =	sdelay $0x4  }
0x4f: {  	[tilespmem:v3+s22+$0x0] =	vst.idx.msk $0xffff, v1  }
0x50: {  	v3 =	vor.u32 $0x2, v2;
	v1 =	vld [tilespmem:s31+$0x1000];
	_ =	sdelay $0x4  }
0x51: {  	[tilespmem:v3+s22+$0x0] =	vst.idx.msk $0xffff, v1  }
0x52: {  	v3 =	vor.u32 $0x3, v2;
	v1 =	vld [tilespmem:s31+$0x1800];
	_ =	sdelay $0x4  }
0x53: {  	[tilespmem:v3+s22+$0x0] =	vst.idx.msk $0xffff, v1  }
0x54: {  	v3 =	vor.u32 $0x4, v2;
	v1 =	vld [tilespmem:s31+$0x2000];
	_ =	sdelay $0x4  }
0x55: {  	[tilespmem:v3+s22+$0x0] =	vst.idx.msk $0xffff, v1  }
0x56: {  	v3 =	vor.u32 $0x5, v2;
	v1 =	vld [tilespmem:s31+$0x2800];
	_ =	sdelay $0x4  }
0x57: {  	[tilespmem:v3+s22+$0x0] =	vst.idx.msk $0xffff, v1  }
0x58: {  	v3 =	vor.u32 $0x6, v2;
	v1 =	vld [tilespmem:s31+$0x3000];
	_ =	sdelay $0x4  }
0x59: {  	[tilespmem:v3+s22+$0x0] =	vst.idx.msk $0xffff, v1  }
.Ltmp0:
0x5a: {  	v2 =	vor.u32 $0x7, v2;
	v1 =	vld [tilespmem:s31+$0x3800];
	(pc) =	sbr.rel @p0 .LBB2_3-.Ltmp0, $3  }
0x5b: {  	_ =	sdelay $0x1  }
0x5c: {  	s28 =	sadd.s32 $0x10, s28  }
0x5d: {  	s30 =	sadd.s32 $0x40, s30;
	v3 =	vmov s28  }
0x5e: {  	_ =	sdelay $0x3  }
0x5f: {  	v3 =	vshll.u32 v3, $0x4;
	s28 =	sshra.s32 s29, $0x2;
	[tilespmem:v2+s22+$0x0] =	vst.idx.msk $0xffff, v1  }
0x60: {  	v1 =	vor.u32 v0, v3;
	v2 =	vld [tilespmem:s28+$0x0];
	_ =	sdelay $0x4  }
0x61: {  	[tilespmem:v1+s22+$0x0] =	vst.idx.msk $0xffff, v2  }
0x62: {  	v3 =	vor.u32 $0x1, v1;
	v2 =	vld [tilespmem:s28+$0x800];
	_ =	sdelay $0x4  }
0x63: {  	[tilespmem:v3+s22+$0x0] =	vst.idx.msk $0xffff, v2  }
0x64: {  	v3 =	vor.u32 $0x2, v1;
	v2 =	vld [tilespmem:s28+$0x1000];
	_ =	sdelay $0x4  }
0x65: {  	[tilespmem:v3+s22+$0x0] =	vst.idx.msk $0xffff, v2  }
0x66: {  	v3 =	vor.u32 $0x3, v1;
	v2 =	vld [tilespmem:s28+$0x1800];
	_ =	sdelay $0x4  }
0x67: {  	[tilespmem:v3+s22+$0x0] =	vst.idx.msk $0xffff, v2  }
0x68: {  	v3 =	vor.u32 $0x4, v1;
	v2 =	vld [tilespmem:s28+$0x2000];
	_ =	sdelay $0x4  }
0x69: {  	[tilespmem:v3+s22+$0x0] =	vst.idx.msk $0xffff, v2  }
0x6a: {  	v3 =	vor.u32 $0x5, v1;
	v2 =	vld [tilespmem:s28+$0x2800];
	_ =	sdelay $0x4  }
0x6b: {  	[tilespmem:v3+s22+$0x0] =	vst.idx.msk $0xffff, v2  }
0x6c: {  	v3 =	vor.u32 $0x6, v1;
	v2 =	vld [tilespmem:s28+$0x3000];
	_ =	sdelay $0x4  }
0x6d: {  	[tilespmem:v3+s22+$0x0] =	vst.idx.msk $0xffff, v2  }
0x6e: {  	v1 =	vor.u32 $0x7, v1;
	v2 =	vld [tilespmem:s28+$0x3800];
	_ =	sdelay $0x2  }
0x6f: {  	s25 =	sadd.s32 $0x1, s25  }
0x70: {  	s26 =	sshll.u32 s26, $0x1;
	p0 =	sne.s32 s25, $0x10  }
.Ltmp1:
0x71: {  	s26 =	sadd.s32 s11, s26;
	[tilespmem:v1+s22+$0x0] =	vst.idx.msk $0xffff, v2;
	(pc) =	sbr.rel @p0 .LBB2_2-.Ltmp1, $4  }
0x72: {  	[hbm4b:s26+s1] =	stream.linear.scatter [tilespmem:s22], [sflag:$0x2], $0x8000, $0x38;
	[tilespmem:$0xC000] =	vst v63  }
0x73: {  	_ =	swait.ge [sflag:s23], $0x8000  }
0x74: {  	[sflag:s23] =	ssyncset.done $0x0  }
0x75: {  	[sflag:s23] =	ssyncadd.s32 $0xFFFF8000  }
0x76: {  	s24 =	sadd.s32 $0x1, s24  }
0x77: {  	p0 =	sne.s32 s24, s13  }
.Ltmp2:
0x78: {  	_ = 	snop;
	(pc) =	sbr.rel @p0 .LBB2_1-.Ltmp2, $1  }
0x79: {  	_ =	sdelay $0x3  }
0x7a: {  	_ =	sfence.sel $0x180000  }
0x7b: {  	[bflag:$0x0] =	sbarrier.arrive $0xFFFF  }
0x7c: {  	p0 =	sne.s32 s7, $0x0;
	_ =	strace $0x90000047  }
0x7d: {  	s0 =	sadd.s32 @!p0 $0x100000, s0;
	[bflag:$0x2] =	sbarrier.arrive $0xFFFF  }
0x7e: {  	[sflag:s0] =	ssyncadd.tile.s32 @!p0 $0x1;
	_ =	shalt  }
.Lfunc_end2:
_tile_overlayer_lowered:
.L_overlay_start_2:
0x7f: {  	(tag) =	ssettag $0x2  }
0x80: {  	s0 =	rddreg [dreg:$0x0];
	s2 =	stileid.u32  }
0x81: {  	s1 =	rddreg [dreg:$0x1];
	p0 =	sne.s32 s2, $0x0  }
0x82: {  	s3 =	rddreg [dreg:$0x2];
	[bflag:$0x3] =	sbarrier.arrive $0xFFFF;
	s2 =	simm.s32 @!p0 $0x1C02  }
0x83: {  	[timem:s3], [sflag:s2] =	dma.local @!p0 [hbm:s0], s1  }
0x84: {  	s0 =	simm.s32 @!p0 $0x2  }
0x85: {  	_ =	swait.ge @!p0 [sflag:s0], s1  }
0x86: {  	s1 =	ssub.s32 @!p0 $0x0, s1;
	[sflag:s0] =	ssyncset.done @!p0 $0x0  }
0x87: {  	[sflag:s0] =	ssyncadd.s32 @!p0 s1  }
0x88: {  	[bflag:$0x3] =	sbarrier.arrive $0xFFFF  }
0x89: {  	_ =	shalt  }

// kernel: kernel.9.cloned.1.call-start
scs
__scs_entry_jumppad:
0x0: {  	(pc) =	sbr.rel $0x88, $3  }
0x1: {  	(tag) =	ssettag $0x0;
	lr =	simm.s32 $0x1  }
0x2: {  	[smem:$0x3F9A] =	sst lr;
	_ =	strace $0xD0000000  }
0x3: {  	_ = 	snop  }
0x4: {  	_ = 	snop  }
0x5: {  	_ = 	snop  }
0x6: {  	_ = 	snop  }
0x7: {  	_ = 	snop  }
__scs_overlays_trampoline_lowered:
0x8: {  	[smem:$0x3FA9] =	sst s0  }
0x9: {  	[smem:$0x3FAA] =	sst s1  }
0xa: {  	[smem:$0x3FAB] =	sst s2  }
0xb: {  	[smem:$0x3FAC] =	sst s3  }
0xc: {  	[smem:$0x3FAD] =	sst s4  }
0xd: {  	[smem:$0x3FAE] =	sst s5  }
0xe: {  	[smem:$0x3FAF] =	sst s6  }
0xf: {  	[smem:$0x3FB0] =	sst s7  }
0x10: {  	[smem:$0x3FB1] =	sst s8  }
0x11: {  	[smem:$0x3FB2] =	sst s9;
	s0 =	simm.s32 @!p0 $0x0  }
0x12: {  	s1 =	sld [smem:$0x3F98];
	s0 =	simm.s32 @p0 $0x1  }
0x13: {  	[smem:$0x3FB3] =	sst s0;
	s0 =	simm.s32 @!p1 $0x0  }
0x14: {  	s2 =	sld [smem:$0x3F97];
	s0 =	simm.s32 @p1 $0x1  }
0x15: {  	[smem:$0x3FB4] =	sst s0;
	s0 =	simm.s32 @!p2 $0x0  }
0x16: {  	s3 =	sld [smem:$0x3FDB];
	s0 =	simm.s32 @p2 $0x1  }
0x17: {  	s4 =	simm.s32 $0x1BF5;
	[smem:$0x3FB6] =	sst s0  }
0x18: {  	s0 =	sld [smem:$0x3F99];
	_ =	swait.ge [sflag:s4], $0x0  }
0x19: {  	s7 =	sld [smem:$0x3F9A]  }
0x1a: {  	s8 =	sadd.s32 $0xFFFFE003, lr  }
0x1b: {  	s9 =	sadd.s32 $0xFFFFFEF7, lr;
	s5 =	simm.s32 $0xFFFFFFFF;
	p2 =	slt.u32 s8, $0xFFFFF086  }
0x1c: {  	p1 =	slt.u32 s9, $0xF7A;
	s5 =	simm.s32 @!p2 $0x0  }
0x1d: {  	s5 =	simm.s32 @p1 $0x1;
	p0 =	seq.s32 s7, s2  }
0x1e: {  	s7 =	smul.u32 @!p0 $0xF7A, s2;
	p2 =	seq.s32 @!p0 s5, $0x0  }
0x1f: {  	s9 =	smul.u32 $0xF7A, s1;
	s8 =	simm.s32 @!p0 $0x1BF5;
	p2 =	por !p2, p0  }
0x20: {  	[sflag:s8] =	ssyncset.s32 @!p0 $0xFFFFF086;
	s6 =	sadd.s32 @!p0 s3, s7;
	s7 =	simm.s32 @!p0 $0x108  }
0x21: {  	s3 =	sadd.s32 s3, s9;
	s6 =	sadd.s32 @!p0 $0x88, s6;
	s7 =	simm.s32 @p2 $0x1082  }
0x22: {  	[simem:s7], [sflag:s8] =	dma.local @!p0 [hbm:s6], $0xF7A  }
0x23: {  	s9 =	sor.u32 $0xD0000000, s2;
	s6 =	simm.s32 $0x108;
	_ =	swait.ge @!p0 [sflag:s8], $0x0  }
0x24: {  	s3 =	sadd.s32 $0x88, s3;
	s6 =	simm.s32 @!p1 $0x1082;
	[sflag:s4] =	ssyncset.s32 $0xFFFFF086  }
0x25: {  	[simem:s6], [sflag:s4] =	dma.local [hbm:s3], $0xF7A  }
0x26: {  	[smem:$0x3F9A] =	sst s1;
	(tag) =	ssettag s2;
	_ =	strace s9  }
0x27: {  	s1 =	sld [smem:$0x3FAA]  }
0x28: {  	s2 =	sld [smem:$0x3FAB]  }
0x29: {  	s4 =	sld [smem:$0x3FAD]  }
0x2a: {  	p0 =	seq.s32 s5, $0x0;
	s5 =	sld [smem:$0x3FAE]  }
0x2b: {  	s6 =	sld [smem:$0x3FAF]  }
0x2c: {  	s7 =	sld [smem:$0x3FB0]  }
0x2d: {  	s3 =	simm.s32 $0x108;
	s8 =	sld [smem:$0x3FB1]  }
0x2e: {  	s3 =	simm.s32 @!p0 $0x1082;
	s9 =	sld [smem:$0x3FB2]  }
0x2f: {  	lr =	sadd.s32 s0, s3;
	s0 =	sld [smem:$0x3FA9]  }
0x30: {  	s3 =	sld [smem:$0x3FAC]  }
0x31: {  	[smem:$0x3FB5] =	sst s10  }
0x32: {  	s10 =	sld [smem:$0x3FB3];
	_ =	sdelay $0x3  }
0x33: {  	p0 =	seq.s32 s10, $0x1;
	s10 =	sld [smem:$0x3FB5];
	_ =	sdelay $0x3  }
0x34: {  	[smem:$0x3FB5] =	sst s10  }
0x35: {  	s10 =	sld [smem:$0x3FB4];
	_ =	sdelay $0x3  }
0x36: {  	p1 =	seq.s32 s10, $0x1;
	s10 =	sld [smem:$0x3FB5];
	_ =	sdelay $0x3  }
0x37: {  	[smem:$0x3FB5] =	sst s10  }
0x38: {  	s10 =	sld [smem:$0x3FB6]  }
0x39: {  	_ = 	snop;
	(pc) =	sbr.ind lr, $3  }
0x3a: {  	_ = 	snop  }
0x3b: {  	_ = 	snop  }
0x3c: {  	p2 =	seq.s32 s10, $0x1;
	s10 =	sld [smem:$0x3FB5]  }
0x3d: {  	_ =	shalt  }
0x3e: {  	_ =	shalt  }
0x3f: {  	_ =	shalt  }
0x40: {  	_ =	shalt  }
0x41: {  	_ =	shalt  }
0x42: {  	_ =	shalt  }
0x43: {  	_ =	shalt  }
0x44: {  	_ =	shalt  }
0x45: {  	_ =	shalt  }
0x46: {  	_ =	shalt  }
0x47: {  	_ =	shalt  }
0x48: {  	_ =	shalt  }
0x49: {  	_ =	shalt  }
0x4a: {  	_ =	shalt  }
0x4b: {  	_ =	shalt  }
0x4c: {  	_ =	shalt  }
0x4d: {  	_ =	shalt  }
0x4e: {  	_ =	shalt  }
0x4f: {  	_ =	shalt  }
0x50: {  	_ =	shalt  }
0x51: {  	_ =	shalt  }
0x52: {  	_ =	shalt  }
0x53: {  	_ =	shalt  }
0x54: {  	_ =	shalt  }
0x55: {  	_ =	shalt  }
0x56: {  	_ =	shalt  }
0x57: {  	_ =	shalt  }
0x58: {  	_ =	shalt  }
0x59: {  	_ =	shalt  }
0x5a: {  	_ =	shalt  }
0x5b: {  	_ =	shalt  }
0x5c: {  	_ =	shalt  }
0x5d: {  	_ =	shalt  }
0x5e: {  	_ =	shalt  }
0x5f: {  	_ =	shalt  }
0x60: {  	_ =	shalt  }
0x61: {  	_ =	shalt  }
0x62: {  	_ =	shalt  }
0x63: {  	_ =	shalt  }
0x64: {  	_ =	shalt  }
0x65: {  	_ =	shalt  }
0x66: {  	_ =	shalt  }
0x67: {  	_ =	shalt  }
0x68: {  	_ =	shalt  }
0x69: {  	_ =	shalt  }
0x6a: {  	_ =	shalt  }
0x6b: {  	_ =	shalt  }
0x6c: {  	_ =	shalt  }
0x6d: {  	_ =	shalt  }
0x6e: {  	_ =	shalt  }
0x6f: {  	_ =	shalt  }
0x70: {  	_ =	shalt  }
0x71: {  	_ =	shalt  }
0x72: {  	_ =	shalt  }
0x73: {  	_ =	shalt  }
0x74: {  	_ =	shalt  }
0x75: {  	_ =	shalt  }
0x76: {  	_ =	shalt  }
0x77: {  	_ =	shalt  }
0x78: {  	_ =	shalt  }
0x79: {  	_ =	shalt  }
0x7a: {  	_ =	shalt  }
0x7b: {  	_ =	shalt  }
0x7c: {  	_ =	shalt  }
0x7d: {  	_ =	shalt  }
0x7e: {  	_ =	shalt  }
0x7f: {  	_ =	shalt  }
0x80: {  	_ =	shalt  }
0x81: {  	_ =	shalt  }
0x82: {  	_ =	shalt  }
0x83: {  	_ =	shalt  }
0x84: {  	_ =	shalt  }
0x85: {  	_ =	shalt  }
0x86: {  	_ =	shalt  }
0x87: {  	_ =	shalt  }
.Lfunc_end0:
.L_simem_size_0:
called_computation.1_lowered:
.L_overlay_start_0:
0x88: {  	s2 =	sld [smem:$0x3FD9]  }
0x89: {  	s3 =	sld [smem:$0x3FFE];
	_ =	sdelay $0x1  }
0x8a: {  	s1 =	srdreg.scid  }
0x8b: {  	s0 =	sand.u32 $0x1, s1  }
0x8c: {  	s17 =	sshll.u32 s0, $0xA;
	s2 =	sadd.s32 s3, s2  }
0x8d: {  	s2 =	sadd.s32 s2, s17  }
0x8e: {  	[smem:$0x3FC1] =	sst s2  }
0x8f: {  	_ = 	snop  }
0x90: {  	s2 =	sld [smem:$0x3FC8]  }
0x91: {  	s18 =	sld [smem:$0x3FD0];
	(tm) =	ssettm $0x1  }
0x92: {  	s4 =	sld [smem:$0x3FFB];
	_ =	sdelay $0x3  }
0x93: {  	_ =	strace s4  }
0x94: {  	s4 =	sld [smem:$0x3FFC];
	_ =	sdelay $0x3  }
0x95: {  	_ =	strace s4  }
0x96: {  	s4 =	sld [smem:$0x3FFD];
	_ =	sdelay $0x3  }
0x97: {  	_ =	strace s4  }
0x98: {  	_ =	strace $0x8FFFFFFF  }
0x99: {  	s19 =	sld [smem:$0x3FDB];
	_ =	sdelay $0x1  }
0x9a: {  	s5 =	simm.s32 $_scs_section_size  }
0x9b: {  	s6 =	simm.s32 $_size__tile_overlayer_lowered;
	s7 =	simm.s32 $_tile_overlayer_lowered  }
0x9c: {  	s22 =	simm.s32 $0x1BFF;
	s21 =	sshll.u32 s7, $0x1;
	s4 =	sadd.s32 s5, s19  }
0x9d: {  	s8 =	simm.s32 $0x0;
	s20 =	sshll.u32 s6, $0x1;
	s6 =	sadd.s32 s21, s4  }
0x9e: {  	[timem:s8], [sflag:s22] =	dma.local [hbm:s6], s20  }
0x9f: {  	_ =	swait.ge [sflag:s22], s20  }
0xa0: {  	s5 =	ssub.s32 $0x0, s20;
	[sflag:s22] =	ssyncset.done $0x0  }
0xa1: {  	[sflag:s22] =	ssyncadd.s32 s5;
	_ =	sdelay $0x1  }
0xa2: {  	s23 =	simm.s32 $0x1B8B  }
0xa3: {  	_ =	swait.ge [sflag:s23], $0x1  }
0xa4: {  	[sflag:s23] =	ssyncset.done $0x0  }
0xa5: {  	s25 =	simm.s32 $0x1B8E;
	s24 =	sld [smem:$0x3FFE];
	[sflag:s23] =	ssyncadd.s32 $0xFFFFFFFF  }
0xa6: {  	s26 =	simm.s32 $execute0_lowered;
	[smem:$0x3FD2] =	sst s25  }
0xa7: {  	s6 =	sshll.u32 s26, $0x1;
	_ =	strace $0x80000049;
	[dreg:$0x1] =	wrdreg $0xFFFFFFFF  }
0xa8: {  	s28 =	simm.s32 $_size_execute0_lowered;
	s4 =	sadd.s32 s4, s6;
	[dreg:$0x0] =	wrdreg $0x0  }
0xa9: {  	s6 =	sshll.u32 s28, $0x1;
	[dreg:$0x2] =	wrdreg s4  }
0xaa: {  	[dreg:$0x3] =	wrdreg s6  }
0xab: {  	[dreg:$0x4] =	wrdreg $0xC0  }
0xac: {  	_ =	task [dreg:s8], $0x5FFFF  }
0xad: {  	[dreg:$0x1] =	wrdreg $0xFFFFFFFF  }
0xae: {  	[dreg:$0x0] =	wrdreg $0x60  }
0xaf: {  	[dreg:$0x2] =	wrdreg s24  }
0xb0: {  	[dreg:$0x3] =	wrdreg s2  }
0xb1: {  	[dreg:$0x4] =	wrdreg s18  }
0xb2: {  	[dreg:$0x5] =	wrdreg $0x9  }
0xb3: {  	_ =	task.clear_ibuf [dreg:s8], $0x6FFFF;
	_ =	strace $0x90000049  }
0xb4: {  	s29 =	simm.s32 $0x9;
	_ =	strace $0x8000004B  }
0xb5: {  	_ =	swait.ge [sflag:s29], $0x1  }
0xb6: {  	[sflag:s29] =	ssyncadd.s32 $0xFFFFFFFF  }
0xb7: {  	_ =	strace $0x9000004B  }
0xb8: {  	_ =	sfence  }
0xb9: {  	s30 =	sld [smem:$0x0];
	_ =	sdelay $0x2  }
0xba: {  	s31 =	sshll.u32 s1, $0xD;
	s1 =	sshrl.u32 s1, $0x2  }
0xbb: {  	s3 =	sand.u32 $0x4000, s31;
	s1 =	sadd.s32 s1, s30  }
0xbc: {  	s0 =	sor.u32 s3, s0;
	s1 =	sshll.u32 s1, $0x11  }
0xbd: {  	s0 =	sor.u32 s1, s0  }
0xbe: {  	s0 =	sadd.s32 $0x8F2B, s0  }
0xbf: {  	[sflag:s0] =	ssyncadd.remote.s32 $0x1  }
0xc0: {  	_ =	sfence.sel $0xFFFF  }
0xc1: {  	[dreg:$0x0] =	wrdreg $0xFFFFFFFF;
	(pc) =	sbr.abs _section_cstart, $3  }
0xc2: {  	[dreg:$0x1] =	wrdreg $0xFFFFFFFF  }
0xc3: {  	_ =	task.clear_ibuf [dreg:s8], $0x2FFFF;
	_ =	strace $0x9FFFFFFF  }
0xc4: {  	(tm) =	ssettm $0x7FFFFFFF  }
0xc5: {  	_ =	shalt  }
tec
execute0_lowered:
.L_overlay_start_1:
0x0: {  	(tag) =	ssettag $0x1  }
0x1: {  	v0 =	vlaneseq.u32  }
0x2: {  	v3 =	vimm.s32 $0x76543210;
	v4 =	vimm.s32 $0x33323130;
	vm0 =	vcmask $0x1F10  }
0x3: {  	v5 =	vimm.s32 $0x37363534;
	v6 =	vimm.s32 $0x23222120;
	v7 =	vimm.s32 $0x27262524  }
0x4: {  	v10 =	vimm.s32 $0x77767574;
	v13 =	vimm.s32 $0xC7C6C5C4;
	vm14 =	vcmask $0x300  }
0x5: {  	vm13 =	vcmask $0x704;
	vm12 =	vcmask $0xB08;
	vm11 =	vcmask $0xF0C  }
0x6: {  	vm10 =	vcmask $0x1310;
	vm9 =	vcmask $0x1714;
	v0 =	vmul.u32 $0xC8, v0  }
0x7: {  	vm8 =	vcmask $0x1B18;
	vm6 =	vcmask $0x1F1C;
	vm7 =	vcmask $0x2320  }
0x8: {  	vm5 =	vcmask $0x2724;
	vm4 =	vcmask $0x2B28;
	v1 =	vadd.s32 $0xFFFFFFFF, v0  }
0x9: {  	vm3 =	vcmask $0x2F2C;
	vm2 =	vcmask $0x3330;
	v2 =	vadd.s32 $0x31FF, v0;
	[tilespmem:$0x1FB80] =	vst v1  }
0xa: {  	vm1 =	vcmask $0x3734;
	vm15 =	vcmask $0x3B38;
	v1 =	vadd.s32 $0xC7F, v0;
	[tilespmem:$0x1FBC0] =	vst v2  }
0xb: {  	v3 =	vunpack.c.l.s4.s8 v3;
	v4 =	vunpack.c.0.s8.s32 v4;
	[tilespmem:$0x1FB90] =	vst v1;
	v1 =	vadd.s32 $0x18FF, v0  }
0xc: {  	v5 =	vunpack.c.0.s8.s32 v5;
	v6 =	vunpack.c.0.s8.s32 v6;
	[tilespmem:$0x1FBA0] =	vst v1;
	v1 =	vadd.s32 $0x257F, v0  }
0xd: {  	v8 =	vadd.s32 $0x3E7F, v0;
	v2 =	vimm.s32 $0x17161514;
	[tilespmem:$0x1FBB0] =	vst v1;
	v1 =	vimm.s32 $0x13121110  }
0xe: {  	[tilespmem:$0x1FBD0] =	vst v8;
	v8 =	vadd.s32 $0x4AFF, v0;
	v2 =	vunpack.c.0.s8.s32 v2;
	v1 =	vunpack.c.0.s8.s32 v1  }
0xf: {  	v7 =	vunpack.c.0.s8.s32 v7;
	v10 =	vunpack.c.0.s8.s32 v10;
	[tilespmem:$0x1FBE0] =	vst v8;
	v8 =	vimm.s32 $0x73727170  }
0x10: {  	v13 =	vunpack.c.0.s8.s32 v13;
	v12 =	vunpack.c.0.s8.s32 v8;
	v1 =	vsel vm0, v2, v1  }
0x11: {  	v2 =	vunpack.c.0.s8.s32 v3;
	v3 =	vsel vm0, v5, v4;
	v4 =	vsel vm0, v7, v6  }
0x12: {  	v5 =	vimm.s32 $0x53525150;
	v6 =	vimm.s32 $0x57565554;
	v7 =	vimm.s32 $0x43424140  }
0x13: {  	v5 =	vunpack.c.0.s8.s32 v5;
	v6 =	vunpack.c.0.s8.s32 v6;
	v9 =	vunpack.c.0.s8.s32 v7  }
0x14: {  	v7 =	vimm.s32 $0x47464544;
	v8 =	vcombine.low v4, v3;
	v3 =	vsel vm0, v10, v12  }
0x15: {  	v4 =	vimm.s32 $0x63626160;
	v10 =	vimm.s32 $0x87868584;
	v11 =	vunpack.c.0.s8.s32 v7  }
0x16: {  	v7 =	vcombine.low v2, v1;
	v4 =	vunpack.c.0.s8.s32 v4;
	v12 =	vunpack.c.0.s8.s32 v10  }
0x17: {  	v1 =	vsel vm0, v6, v5;
	v5 =	vimm.s32 $0x67666564;
	v6 =	vimm.s32 $0x93929190  }
0x18: {  	v2 =	vsel vm0, v11, v9;
	v5 =	vunpack.c.0.s8.s32 v5;
	v9 =	vimm.s32 $0x97969594  }
0x19: {  	v6 =	vunpack.c.0.s8.s32 v6;
	v11 =	vunpack.c.0.s8.s32 v9;
	v9 =	vimm.s32 $0x83828180  }
0x1a: {  	v4 =	vsel vm0, v5, v4;
	v5 =	vunpack.c.0.s8.s32 v9;
	v9 =	vcombine.low v2, v1  }
0x1b: {  	v10 =	vcombine.low v4, v3;
	v1 =	vsel vm0, v11, v6;
	v3 =	vimm.s32 $0xB3B2B1B0  }
0x1c: {  	v4 =	vimm.s32 $0xB7B6B5B4;
	v6 =	vimm.s32 $0xD3D2D1D0;
	v2 =	vsel vm0, v12, v5  }
0x1d: {  	v11 =	vimm.s32 $0xD7D6D5D4;
	v5 =	vimm.s32 $0xA7A6A5A4;
	v1 =	vcombine.low v2, v1  }
0x1e: {  	v2 =	vunpack.c.0.s8.s32 v3;
	v3 =	vunpack.c.0.s8.s32 v4;
	v4 =	vimm.s32 $0xA3A2A1A0  }
0x1f: {  	v12 =	vimm.s32 $0xC3C2C1C0;
	v5 =	vunpack.c.0.s8.s32 v5;
	v4 =	vunpack.c.0.s8.s32 v4  }
0x20: {  	v6 =	vunpack.c.0.s8.s32 v6;
	v11 =	vunpack.c.0.s8.s32 v11;
	v12 =	vunpack.c.0.s8.s32 v12  }
0x21: {  	v0 =	vadd.s32 $0x577F, v0;
	v2 =	vsel vm0, v3, v2;
	v3 =	vsel vm0, v5, v4  }
0x22: {  	v4 =	vimm.s32 $0xF3F2F1F0;
	v5 =	vsel vm0, v11, v6;
	v6 =	vsel vm0, v13, v12  }
0x23: {  	v11 =	vimm.s32 $0xF7F6F5F4;
	v12 =	vimm.s32 $0xE3E2E1E0;
	v13 =	vimm.s32 $0xE7E6E5E4  }
0x24: {  	v4 =	vunpack.c.0.s8.s32 v4;
	v11 =	vunpack.c.0.s8.s32 v11;
	v14 =	vunpack.c.0.s8.s32 v12  }
0x25: {  	[tilespmem:$0x1FBF0] =	vst v0;
	v13 =	vunpack.c.0.s8.s32 v13;
	v0 =	vcombine.low v3, v2;
	v2 =	vcombine.low v6, v5  }
0x26: {  	v12 =	vand.u32 $0xFF, v1;
	v5 =	vimm.s32 $0x7B7;
	v6 =	vimm.s32 $0x7D7  }
0x27: {  	v5 =	vsel vm14, $0x7A0, v5;
	v6 =	vsel vm14, $0x7C0, v6;
	v1 =	vsel vm0, v11, v4  }
0x28: {  	v3 =	vsel vm0, v13, v14;
	v13 =	vand.u32 $0xFF, v0;
	v0 =	vand.u32 $0xFF, v2  }
0x29: {  	v2 =	vimm.s32 $0x137;
	v4 =	vimm.s32 $0x797;
	v11 =	vimm.s32 $0x7F7  }
0x2a: {  	v5 =	vsel vm13, $0x7A1, v5;
	v6 =	vsel vm13, $0x7C1, v6;
	[tilespmem:$0x1FC00] =	vst v0;
	v0 =	vcombine.low v3, v1  }
0x2b: {  	v1 =	vimm.s32 $0x117;
	v2 =	vsel vm14, $0x120, v2;
	v3 =	vimm.s32 $0x777  }
0x2c: {  	v4 =	vsel vm14, $0x780, v4;
	v11 =	vsel vm14, $0x7E0, v11;
	v5 =	vsel vm12, $0x7A2, v5  }
0x2d: {  	v6 =	vsel vm12, $0x7C2, v6;
	v1 =	vsel vm14, $0x100, v1;
	v2 =	vsel vm13, $0x121, v2  }
0x2e: {  	v3 =	vsel vm14, $0x760, v3;
	v4 =	vsel vm13, $0x781, v4;
	v11 =	vsel vm13, $0x7E1, v11  }
0x2f: {  	v5 =	vsel vm11, $0x7A3, v5;
	v6 =	vsel vm11, $0x7C3, v6;
	v1 =	vsel vm13, $0x101, v1  }
0x30: {  	v2 =	vsel vm12, $0x122, v2;
	v0 =	vand.u32 $0xFF, v0;
	v3 =	vsel vm13, $0x761, v3  }
0x31: {  	v4 =	vsel vm12, $0x782, v4;
	v11 =	vsel vm12, $0x7E2, v11;
	v5 =	vsel vm10, $0x7A4, v5  }
0x32: {  	v6 =	vsel vm10, $0x7C4, v6;
	v1 =	vsel vm12, $0x102, v1;
	v2 =	vsel vm11, $0x123, v2  }
0x33: {  	[tilespmem:$0x1FC10] =	vst v0;
	v0 =	vimm.s32 $0x157;
	v3 =	vsel vm12, $0x762, v3;
	v4 =	vsel vm11, $0x783, v4  }
0x34: {  	v11 =	vsel vm11, $0x7E3, v11;
	v5 =	vsel vm9, $0x7A5, v5;
	v6 =	vsel vm9, $0x7C5, v6  }
0x35: {  	v1 =	vsel vm11, $0x103, v1;
	v2 =	vsel vm10, $0x124, v2;
	v0 =	vsel vm14, $0x140, v0  }
0x36: {  	v3 =	vsel vm11, $0x763, v3;
	v4 =	vsel vm10, $0x784, v4;
	v11 =	vsel vm10, $0x7E4, v11  }
0x37: {  	v5 =	vsel vm8, $0x7A6, v5;
	v6 =	vsel vm8, $0x7C6, v6;
	v1 =	vsel vm10, $0x104, v1  }
0x38: {  	v2 =	vsel vm9, $0x125, v2;
	v0 =	vsel vm13, $0x141, v0;
	v3 =	vsel vm10, $0x764, v3  }
0x39: {  	v4 =	vsel vm9, $0x785, v4;
	v11 =	vsel vm9, $0x7E5, v11;
	v5 =	vsel vm6, $0x7A7, v5  }
0x3a: {  	v6 =	vsel vm6, $0x7C7, v6;
	v1 =	vsel vm9, $0x105, v1;
	v2 =	vsel vm8, $0x126, v2  }
0x3b: {  	v0 =	vsel vm12, $0x142, v0;
	v3 =	vsel vm9, $0x765, v3;
	v4 =	vsel vm8, $0x786, v4  }
0x3c: {  	v11 =	vsel vm8, $0x7E6, v11;
	v5 =	vsel vm7, $0x7B0, v5;
	v6 =	vsel vm7, $0x7D0, v6  }
0x3d: {  	v1 =	vsel vm8, $0x106, v1;
	v2 =	vsel vm6, $0x127, v2;
	v0 =	vsel vm11, $0x143, v0  }
0x3e: {  	v3 =	vsel vm8, $0x766, v3;
	v4 =	vsel vm6, $0x787, v4;
	v11 =	vsel vm6, $0x7E7, v11  }
0x3f: {  	v5 =	vsel vm5, $0x7B1, v5;
	v6 =	vsel vm5, $0x7D1, v6;
	v1 =	vsel vm6, $0x107, v1  }
0x40: {  	v2 =	vsel vm7, $0x130, v2;
	v0 =	vsel vm10, $0x144, v0;
	v3 =	vsel vm6, $0x767, v3  }
0x41: {  	v4 =	vsel vm7, $0x790, v4;
	v11 =	vsel vm7, $0x7F0, v11;
	v5 =	vsel vm4, $0x7B2, v5  }
0x42: {  	v6 =	vsel vm4, $0x7D2, v6;
	v1 =	vsel vm7, $0x110, v1;
	v2 =	vsel vm5, $0x131, v2  }
0x43: {  	v0 =	vsel vm9, $0x145, v0;
	v3 =	vsel vm7, $0x770, v3;
	v4 =	vsel vm5, $0x791, v4  }
0x44: {  	v11 =	vsel vm5, $0x7F1, v11;
	v5 =	vsel vm3, $0x7B3, v5;
	v6 =	vsel vm3, $0x7D3, v6  }
0x45: {  	v1 =	vsel vm5, $0x111, v1;
	v2 =	vsel vm4, $0x132, v2;
	v0 =	vsel vm8, $0x146, v0  }
0x46: {  	v3 =	vsel vm5, $0x771, v3;
	v4 =	vsel vm4, $0x792, v4;
	v11 =	vsel vm4, $0x7F2, v11  }
0x47: {  	v5 =	vsel vm2, $0x7B4, v5;
	v6 =	vsel vm2, $0x7D4, v6;
	v1 =	vsel vm4, $0x112, v1  }
0x48: {  	v2 =	vsel vm3, $0x133, v2;
	v0 =	vsel vm6, $0x147, v0;
	v3 =	vsel vm4, $0x772, v3  }
0x49: {  	v4 =	vsel vm3, $0x793, v4;
	v11 =	vsel vm3, $0x7F3, v11;
	v5 =	vsel vm1, $0x7B5, v5  }
0x4a: {  	v6 =	vsel vm1, $0x7D5, v6;
	v1 =	vsel vm3, $0x113, v1;
	v2 =	vsel vm2, $0x134, v2  }
0x4b: {  	v0 =	vsel vm7, $0x150, v0;
	v3 =	vsel vm3, $0x773, v3;
	v4 =	vsel vm2, $0x794, v4  }
0x4c: {  	v11 =	vsel vm2, $0x7F4, v11;
	v1 =	vsel vm2, $0x114, v1;
	v2 =	vsel vm1, $0x135, v2  }
0x4d: {  	v5 =	vsel vm15, $0x7B6, v5;
	v1 =	vsel vm1, $0x115, v1;
	v43 =	vsel vm15, $0x136, v2  }
0x4e: {  	v2 =	vimm.s32 $0x197;
	v42 =	vsel vm15, $0x116, v1;
	v1 =	vimm.s32 $0x177  }
0x4f: {  	v6 =	vsel vm15, $0x7D6, v6;
	v2 =	vsel vm14, $0x180, v2;
	v1 =	vsel vm14, $0x160, v1  }
0x50: {  	v0 =	vsel vm5, $0x151, v0;
	v2 =	vsel vm13, $0x181, v2;
	v1 =	vsel vm13, $0x161, v1  }
0x51: {  	v3 =	vsel vm2, $0x774, v3;
	v2 =	vsel vm12, $0x182, v2;
	v1 =	vsel vm12, $0x162, v1  }
0x52: {  	v4 =	vsel vm1, $0x795, v4;
	v2 =	vsel vm11, $0x183, v2;
	v1 =	vsel vm11, $0x163, v1  }
0x53: {  	v11 =	vsel vm1, $0x7F5, v11;
	v2 =	vsel vm10, $0x184, v2;
	v1 =	vsel vm10, $0x164, v1  }
0x54: {  	v0 =	vsel vm4, $0x152, v0;
	v2 =	vsel vm9, $0x185, v2;
	v1 =	vsel vm9, $0x165, v1  }
0x55: {  	v3 =	vsel vm1, $0x775, v3;
	v2 =	vsel vm8, $0x186, v2;
	v1 =	vsel vm8, $0x166, v1  }
0x56: {  	v4 =	vsel vm15, $0x796, v4;
	v2 =	vsel vm6, $0x187, v2;
	v1 =	vsel vm6, $0x167, v1  }
0x57: {  	v11 =	vsel vm15, $0x7F6, v11;
	v2 =	vsel vm7, $0x190, v2;
	v1 =	vsel vm7, $0x170, v1  }
0x58: {  	v0 =	vsel vm3, $0x153, v0;
	v2 =	vsel vm5, $0x191, v2;
	v1 =	vsel vm5, $0x171, v1  }
0x59: {  	v3 =	vsel vm15, $0x776, v3;
	v2 =	vsel vm4, $0x192, v2;
	v1 =	vsel vm4, $0x172, v1  }
0x5a: {  	v0 =	vsel vm2, $0x154, v0;
	v2 =	vsel vm3, $0x193, v2;
	v1 =	vsel vm3, $0x173, v1  }
0x5b: {  	v0 =	vsel vm1, $0x155, v0;
	v2 =	vsel vm2, $0x194, v2;
	v1 =	vsel vm2, $0x174, v1  }
0x5c: {  	v37 =	vsel vm15, $0x156, v0;
	v2 =	vsel vm1, $0x195, v2;
	v1 =	vsel vm1, $0x175, v1  }
0x5d: {  	v0 =	vsel vm15, $0x196, v2;
	v2 =	vimm.s32 $0x1F7;
	v45 =	vsel vm15, $0x176, v1  }
0x5e: {  	[tilespmem:$0x1FC20] =	vst v0;
	v0 =	vimm.s32 $0x1B7;
	v1 =	vimm.s32 $0x1D7;
	v2 =	vsel vm14, $0x1E0, v2  }
0x5f: {  	v0 =	vsel vm14, $0x1A0, v0;
	v1 =	vsel vm14, $0x1C0, v1;
	v2 =	vsel vm13, $0x1E1, v2  }
0x60: {  	v0 =	vsel vm13, $0x1A1, v0;
	v1 =	vsel vm13, $0x1C1, v1;
	v2 =	vsel vm12, $0x1E2, v2  }
0x61: {  	v0 =	vsel vm12, $0x1A2, v0;
	v1 =	vsel vm12, $0x1C2, v1;
	v2 =	vsel vm11, $0x1E3, v2  }
0x62: {  	v0 =	vsel vm11, $0x1A3, v0;
	v1 =	vsel vm11, $0x1C3, v1;
	v2 =	vsel vm10, $0x1E4, v2  }
0x63: {  	v0 =	vsel vm10, $0x1A4, v0;
	v1 =	vsel vm10, $0x1C4, v1;
	v2 =	vsel vm9, $0x1E5, v2  }
0x64: {  	v0 =	vsel vm9, $0x1A5, v0;
	v1 =	vsel vm9, $0x1C5, v1;
	v2 =	vsel vm8, $0x1E6, v2  }
0x65: {  	v0 =	vsel vm8, $0x1A6, v0;
	v1 =	vsel vm8, $0x1C6, v1;
	v2 =	vsel vm6, $0x1E7, v2  }
0x66: {  	v0 =	vsel vm6, $0x1A7, v0;
	v1 =	vsel vm6, $0x1C7, v1;
	v2 =	vsel vm7, $0x1F0, v2  }
0x67: {  	v0 =	vsel vm7, $0x1B0, v0;
	v1 =	vsel vm7, $0x1D0, v1;
	v2 =	vsel vm5, $0x1F1, v2  }
0x68: {  	v0 =	vsel vm5, $0x1B1, v0;
	v1 =	vsel vm5, $0x1D1, v1;
	v2 =	vsel vm4, $0x1F2, v2  }
0x69: {  	v0 =	vsel vm4, $0x1B2, v0;
	v1 =	vsel vm4, $0x1D2, v1;
	v2 =	vsel vm3, $0x1F3, v2  }
0x6a: {  	v0 =	vsel vm3, $0x1B3, v0;
	v1 =	vsel vm3, $0x1D3, v1;
	v2 =	vsel vm2, $0x1F4, v2  }
0x6b: {  	v0 =	vsel vm2, $0x1B4, v0;
	v1 =	vsel vm2, $0x1D4, v1;
	v2 =	vsel vm1, $0x1F5, v2  }
0x6c: {  	v0 =	vsel vm1, $0x1B5, v0;
	v1 =	vsel vm1, $0x1D5, v1;
	v34 =	vsel vm15, $0x1F6, v2  }
0x6d: {  	v2 =	vimm.s32 $0x257;
	v40 =	vsel vm15, $0x1B6, v0;
	v35 =	vsel vm15, $0x1D6, v1  }
0x6e: {  	v0 =	vimm.s32 $0x217;
	v1 =	vimm.s32 $0x237;
	v2 =	vsel vm14, $0x240, v2  }
0x6f: {  	v0 =	vsel vm14, $0x200, v0;
	v1 =	vsel vm14, $0x220, v1;
	v2 =	vsel vm13, $0x241, v2  }
0x70: {  	v0 =	vsel vm13, $0x201, v0;
	v1 =	vsel vm13, $0x221, v1;
	v2 =	vsel vm12, $0x242, v2  }
0x71: {  	v0 =	vsel vm12, $0x202, v0;
	v1 =	vsel vm12, $0x222, v1;
	v2 =	vsel vm11, $0x243, v2  }
0x72: {  	v0 =	vsel vm11, $0x203, v0;
	v1 =	vsel vm11, $0x223, v1;
	v2 =	vsel vm10, $0x244, v2  }
0x73: {  	v0 =	vsel vm10, $0x204, v0;
	v1 =	vsel vm10, $0x224, v1;
	v2 =	vsel vm9, $0x245, v2  }
0x74: {  	v0 =	vsel vm9, $0x205, v0;
	v1 =	vsel vm9, $0x225, v1;
	v2 =	vsel vm8, $0x246, v2  }
0x75: {  	v0 =	vsel vm8, $0x206, v0;
	v1 =	vsel vm8, $0x226, v1;
	v2 =	vsel vm6, $0x247, v2  }
0x76: {  	v0 =	vsel vm6, $0x207, v0;
	v1 =	vsel vm6, $0x227, v1;
	v2 =	vsel vm7, $0x250, v2  }
0x77: {  	v0 =	vsel vm7, $0x210, v0;
	v1 =	vsel vm7, $0x230, v1;
	v2 =	vsel vm5, $0x251, v2  }
0x78: {  	v0 =	vsel vm5, $0x211, v0;
	v1 =	vsel vm5, $0x231, v1;
	v2 =	vsel vm4, $0x252, v2  }
0x79: {  	v0 =	vsel vm4, $0x212, v0;
	v1 =	vsel vm4, $0x232, v1;
	v2 =	vsel vm3, $0x253, v2  }
0x7a: {  	v0 =	vsel vm3, $0x213, v0;
	v1 =	vsel vm3, $0x233, v1;
	v2 =	vsel vm2, $0x254, v2  }
0x7b: {  	v0 =	vsel vm2, $0x214, v0;
	v1 =	vsel vm2, $0x234, v1;
	v2 =	vsel vm1, $0x255, v2  }
0x7c: {  	v0 =	vsel vm1, $0x215, v0;
	v1 =	vsel vm1, $0x235, v1;
	v32 =	vsel vm15, $0x256, v2  }
0x7d: {  	v2 =	vimm.s32 $0x2B7;
	v31 =	vsel vm15, $0x216, v0;
	v33 =	vsel vm15, $0x236, v1  }
0x7e: {  	v0 =	vimm.s32 $0x277;
	v1 =	vimm.s32 $0x297;
	v2 =	vsel vm14, $0x2A0, v2  }
0x7f: {  	v0 =	vsel vm14, $0x260, v0;
	v1 =	vsel vm14, $0x280, v1;
	v2 =	vsel vm13, $0x2A1, v2  }
0x80: {  	v0 =	vsel vm13, $0x261, v0;
	v1 =	vsel vm13, $0x281, v1;
	v2 =	vsel vm12, $0x2A2, v2  }
0x81: {  	v0 =	vsel vm12, $0x262, v0;
	v1 =	vsel vm12, $0x282, v1;
	v2 =	vsel vm11, $0x2A3, v2  }
0x82: {  	v0 =	vsel vm11, $0x263, v0;
	v1 =	vsel vm11, $0x283, v1;
	v2 =	vsel vm10, $0x2A4, v2  }
0x83: {  	v0 =	vsel vm10, $0x264, v0;
	v1 =	vsel vm10, $0x284, v1;
	v2 =	vsel vm9, $0x2A5, v2  }
0x84: {  	v0 =	vsel vm9, $0x265, v0;
	v1 =	vsel vm9, $0x285, v1;
	v2 =	vsel vm8, $0x2A6, v2  }
0x85: {  	v0 =	vsel vm8, $0x266, v0;
	v1 =	vsel vm8, $0x286, v1;
	v2 =	vsel vm6, $0x2A7, v2  }
0x86: {  	v0 =	vsel vm6, $0x267, v0;
	v1 =	vsel vm6, $0x287, v1;
	v2 =	vsel vm7, $0x2B0, v2  }
0x87: {  	v0 =	vsel vm7, $0x270, v0;
	v1 =	vsel vm7, $0x290, v1;
	v2 =	vsel vm5, $0x2B1, v2  }
0x88: {  	v0 =	vsel vm5, $0x271, v0;
	v1 =	vsel vm5, $0x291, v1;
	v2 =	vsel vm4, $0x2B2, v2  }
0x89: {  	v0 =	vsel vm4, $0x272, v0;
	v1 =	vsel vm4, $0x292, v1;
	v2 =	vsel vm3, $0x2B3, v2  }
0x8a: {  	v0 =	vsel vm3, $0x273, v0;
	v1 =	vsel vm3, $0x293, v1;
	v2 =	vsel vm2, $0x2B4, v2  }
0x8b: {  	v0 =	vsel vm2, $0x274, v0;
	v1 =	vsel vm2, $0x294, v1;
	v2 =	vsel vm1, $0x2B5, v2  }
0x8c: {  	v0 =	vsel vm1, $0x275, v0;
	v1 =	vsel vm1, $0x295, v1;
	v15 =	vsel vm15, $0x2B6, v2  }
0x8d: {  	v2 =	vimm.s32 $0x317;
	v30 =	vsel vm15, $0x276, v0;
	v14 =	vsel vm15, $0x296, v1  }
0x8e: {  	v0 =	vimm.s32 $0x2D7;
	v1 =	vimm.s32 $0x2F7;
	v2 =	vsel vm14, $0x300, v2  }
0x8f: {  	v0 =	vsel vm14, $0x2C0, v0;
	v1 =	vsel vm14, $0x2E0, v1;
	v2 =	vsel vm13, $0x301, v2  }
0x90: {  	v0 =	vsel vm13, $0x2C1, v0;
	v1 =	vsel vm13, $0x2E1, v1;
	v2 =	vsel vm12, $0x302, v2  }
0x91: {  	v0 =	vsel vm12, $0x2C2, v0;
	v1 =	vsel vm12, $0x2E2, v1;
	v2 =	vsel vm11, $0x303, v2  }
0x92: {  	v0 =	vsel vm11, $0x2C3, v0;
	v1 =	vsel vm11, $0x2E3, v1;
	v2 =	vsel vm10, $0x304, v2  }
0x93: {  	v0 =	vsel vm10, $0x2C4, v0;
	v1 =	vsel vm10, $0x2E4, v1;
	v2 =	vsel vm9, $0x305, v2  }
0x94: {  	v0 =	vsel vm9, $0x2C5, v0;
	v1 =	vsel vm9, $0x2E5, v1;
	v2 =	vsel vm8, $0x306, v2  }
0x95: {  	v0 =	vsel vm8, $0x2C6, v0;
	v1 =	vsel vm8, $0x2E6, v1;
	v2 =	vsel vm6, $0x307, v2  }
0x96: {  	v0 =	vsel vm6, $0x2C7, v0;
	v1 =	vsel vm6, $0x2E7, v1;
	v2 =	vsel vm7, $0x310, v2  }
0x97: {  	v0 =	vsel vm7, $0x2D0, v0;
	v1 =	vsel vm7, $0x2F0, v1;
	v2 =	vsel vm5, $0x311, v2  }
0x98: {  	v0 =	vsel vm5, $0x2D1, v0;
	v1 =	vsel vm5, $0x2F1, v1;
	v2 =	vsel vm4, $0x312, v2  }
0x99: {  	v0 =	vsel vm4, $0x2D2, v0;
	v1 =	vsel vm4, $0x2F2, v1;
	v2 =	vsel vm3, $0x313, v2  }
0x9a: {  	v0 =	vsel vm3, $0x2D3, v0;
	v1 =	vsel vm3, $0x2F3, v1;
	v2 =	vsel vm2, $0x314, v2  }
0x9b: {  	v0 =	vsel vm2, $0x2D4, v0;
	v1 =	vsel vm2, $0x2F4, v1;
	v2 =	vsel vm1, $0x315, v2  }
0x9c: {  	v0 =	vsel vm1, $0x2D5, v0;
	v1 =	vsel vm1, $0x2F5, v1;
	v18 =	vsel vm15, $0x316, v2  }
0x9d: {  	v2 =	vimm.s32 $0x377;
	v16 =	vsel vm15, $0x2D6, v0;
	v17 =	vsel vm15, $0x2F6, v1  }
0x9e: {  	v0 =	vimm.s32 $0x337;
	v1 =	vimm.s32 $0x357;
	v2 =	vsel vm14, $0x360, v2  }
0x9f: {  	v0 =	vsel vm14, $0x320, v0;
	v1 =	vsel vm14, $0x340, v1;
	v2 =	vsel vm13, $0x361, v2  }
0xa0: {  	v0 =	vsel vm13, $0x321, v0;
	v1 =	vsel vm13, $0x341, v1;
	v2 =	vsel vm12, $0x362, v2  }
0xa1: {  	v0 =	vsel vm12, $0x322, v0;
	v1 =	vsel vm12, $0x342, v1;
	v2 =	vsel vm11, $0x363, v2  }
0xa2: {  	v0 =	vsel vm11, $0x323, v0;
	v1 =	vsel vm11, $0x343, v1;
	v2 =	vsel vm10, $0x364, v2  }
0xa3: {  	v0 =	vsel vm10, $0x324, v0;
	v1 =	vsel vm10, $0x344, v1;
	v2 =	vsel vm9, $0x365, v2  }
0xa4: {  	v0 =	vsel vm9, $0x325, v0;
	v1 =	vsel vm9, $0x345, v1;
	v2 =	vsel vm8, $0x366, v2  }
0xa5: {  	v0 =	vsel vm8, $0x326, v0;
	v1 =	vsel vm8, $0x346, v1;
	v2 =	vsel vm6, $0x367, v2  }
0xa6: {  	v0 =	vsel vm6, $0x327, v0;
	v1 =	vsel vm6, $0x347, v1;
	v2 =	vsel vm7, $0x370, v2  }
0xa7: {  	v0 =	vsel vm7, $0x330, v0;
	v1 =	vsel vm7, $0x350, v1;
	v2 =	vsel vm5, $0x371, v2  }
0xa8: {  	v0 =	vsel vm5, $0x331, v0;
	v1 =	vsel vm5, $0x351, v1;
	v2 =	vsel vm4, $0x372, v2  }
0xa9: {  	v0 =	vsel vm4, $0x332, v0;
	v1 =	vsel vm4, $0x352, v1;
	v2 =	vsel vm3, $0x373, v2  }
0xaa: {  	v0 =	vsel vm3, $0x333, v0;
	v1 =	vsel vm3, $0x353, v1;
	v2 =	vsel vm2, $0x374, v2  }
0xab: {  	v0 =	vsel vm2, $0x334, v0;
	v1 =	vsel vm2, $0x354, v1;
	v2 =	vsel vm1, $0x375, v2  }
0xac: {  	v0 =	vsel vm1, $0x335, v0;
	v1 =	vsel vm1, $0x355, v1;
	v20 =	vsel vm15, $0x376, v2  }
0xad: {  	v2 =	vimm.s32 $0x3D7;
	v19 =	vsel vm15, $0x336, v0;
	v36 =	vsel vm15, $0x356, v1  }
0xae: {  	v0 =	vimm.s32 $0x397;
	v1 =	vimm.s32 $0x3B7;
	v2 =	vsel vm14, $0x3C0, v2  }
0xaf: {  	v0 =	vsel vm14, $0x380, v0;
	v1 =	vsel vm14, $0x3A0, v1;
	v2 =	vsel vm13, $0x3C1, v2  }
0xb0: {  	v0 =	vsel vm13, $0x381, v0;
	v1 =	vsel vm13, $0x3A1, v1;
	v2 =	vsel vm12, $0x3C2, v2  }
0xb1: {  	v0 =	vsel vm12, $0x382, v0;
	v1 =	vsel vm12, $0x3A2, v1;
	v2 =	vsel vm11, $0x3C3, v2  }
0xb2: {  	v0 =	vsel vm11, $0x383, v0;
	v1 =	vsel vm11, $0x3A3, v1;
	v2 =	vsel vm10, $0x3C4, v2  }
0xb3: {  	v0 =	vsel vm10, $0x384, v0;
	v1 =	vsel vm10, $0x3A4, v1;
	v2 =	vsel vm9, $0x3C5, v2  }
0xb4: {  	v0 =	vsel vm9, $0x385, v0;
	v1 =	vsel vm9, $0x3A5, v1;
	v2 =	vsel vm8, $0x3C6, v2  }
0xb5: {  	v0 =	vsel vm8, $0x386, v0;
	v1 =	vsel vm8, $0x3A6, v1;
	v2 =	vsel vm6, $0x3C7, v2  }
0xb6: {  	v0 =	vsel vm6, $0x387, v0;
	v1 =	vsel vm6, $0x3A7, v1;
	v2 =	vsel vm7, $0x3D0, v2  }
0xb7: {  	v0 =	vsel vm7, $0x390, v0;
	v1 =	vsel vm7, $0x3B0, v1;
	v2 =	vsel vm5, $0x3D1, v2  }
0xb8: {  	v0 =	vsel vm5, $0x391, v0;
	v1 =	vsel vm5, $0x3B1, v1;
	v2 =	vsel vm4, $0x3D2, v2  }
0xb9: {  	v0 =	vsel vm4, $0x392, v0;
	v1 =	vsel vm4, $0x3B2, v1;
	v2 =	vsel vm3, $0x3D3, v2  }
0xba: {  	v0 =	vsel vm3, $0x393, v0;
	v1 =	vsel vm3, $0x3B3, v1;
	v2 =	vsel vm2, $0x3D4, v2  }
0xbb: {  	v0 =	vsel vm2, $0x394, v0;
	v1 =	vsel vm2, $0x3B4, v1;
	v2 =	vsel vm1, $0x3D5, v2  }
0xbc: {  	v0 =	vsel vm1, $0x395, v0;
	v1 =	vsel vm1, $0x3B5, v1;
	v23 =	vsel vm15, $0x3D6, v2  }
0xbd: {  	v2 =	vimm.s32 $0x437;
	v21 =	vsel vm15, $0x396, v0;
	v22 =	vsel vm15, $0x3B6, v1  }
0xbe: {  	v0 =	vimm.s32 $0x3F7;
	v1 =	vimm.s32 $0x417;
	v2 =	vsel vm14, $0x420, v2  }
0xbf: {  	v0 =	vsel vm14, $0x3E0, v0;
	v1 =	vsel vm14, $0x400, v1;
	v2 =	vsel vm13, $0x421, v2  }
0xc0: {  	v0 =	vsel vm13, $0x3E1, v0;
	v1 =	vsel vm13, $0x401, v1;
	v2 =	vsel vm12, $0x422, v2  }
0xc1: {  	v0 =	vsel vm12, $0x3E2, v0;
	v1 =	vsel vm12, $0x402, v1;
	v2 =	vsel vm11, $0x423, v2  }
0xc2: {  	v0 =	vsel vm11, $0x3E3, v0;
	v1 =	vsel vm11, $0x403, v1;
	v2 =	vsel vm10, $0x424, v2  }
0xc3: {  	v0 =	vsel vm10, $0x3E4, v0;
	v1 =	vsel vm10, $0x404, v1;
	v2 =	vsel vm9, $0x425, v2  }
0xc4: {  	v0 =	vsel vm9, $0x3E5, v0;
	v1 =	vsel vm9, $0x405, v1;
	v2 =	vsel vm8, $0x426, v2  }
0xc5: {  	v0 =	vsel vm8, $0x3E6, v0;
	v1 =	vsel vm8, $0x406, v1;
	v2 =	vsel vm6, $0x427, v2  }
0xc6: {  	v0 =	vsel vm6, $0x3E7, v0;
	v1 =	vsel vm6, $0x407, v1;
	v2 =	vsel vm7, $0x430, v2  }
0xc7: {  	v0 =	vsel vm7, $0x3F0, v0;
	v1 =	vsel vm7, $0x410, v1;
	v2 =	vsel vm5, $0x431, v2  }
0xc8: {  	v0 =	vsel vm5, $0x3F1, v0;
	v1 =	vsel vm5, $0x411, v1;
	v2 =	vsel vm4, $0x432, v2  }
0xc9: {  	v0 =	vsel vm4, $0x3F2, v0;
	v1 =	vsel vm4, $0x412, v1;
	v2 =	vsel vm3, $0x433, v2  }
0xca: {  	v0 =	vsel vm3, $0x3F3, v0;
	v1 =	vsel vm3, $0x413, v1;
	v2 =	vsel vm2, $0x434, v2  }
0xcb: {  	v0 =	vsel vm2, $0x3F4, v0;
	v1 =	vsel vm2, $0x414, v1;
	v2 =	vsel vm1, $0x435, v2  }
0xcc: {  	v0 =	vsel vm1, $0x3F5, v0;
	v26 =	vsel vm15, $0x436, v2;
	v2 =	vimm.s32 $0x497  }
0xcd: {  	v1 =	vsel vm1, $0x415, v1;
	v24 =	vsel vm15, $0x3F6, v0;
	v2 =	vsel vm14, $0x480, v2  }
0xce: {  	v25 =	vsel vm15, $0x416, v1;
	v0 =	vimm.s32 $0x457;
	v2 =	vsel vm13, $0x481, v2  }
0xcf: {  	v1 =	vimm.s32 $0x477;
	v0 =	vsel vm14, $0x440, v0;
	v2 =	vsel vm12, $0x482, v2  }
0xd0: {  	v1 =	vsel vm14, $0x460, v1;
	v0 =	vsel vm13, $0x441, v0;
	v2 =	vsel vm11, $0x483, v2  }
0xd1: {  	v1 =	vsel vm13, $0x461, v1;
	v0 =	vsel vm12, $0x442, v0;
	v2 =	vsel vm10, $0x484, v2  }
0xd2: {  	v1 =	vsel vm12, $0x462, v1;
	v0 =	vsel vm11, $0x443, v0;
	v2 =	vsel vm9, $0x485, v2  }
0xd3: {  	v1 =	vsel vm11, $0x463, v1;
	v0 =	vsel vm10, $0x444, v0;
	v2 =	vsel vm8, $0x486, v2  }
0xd4: {  	v1 =	vsel vm10, $0x464, v1;
	v0 =	vsel vm9, $0x445, v0;
	v2 =	vsel vm6, $0x487, v2  }
0xd5: {  	v1 =	vsel vm9, $0x465, v1;
	v0 =	vsel vm8, $0x446, v0;
	v2 =	vsel vm7, $0x490, v2  }
0xd6: {  	v1 =	vsel vm8, $0x466, v1;
	v0 =	vsel vm6, $0x447, v0;
	v2 =	vsel vm5, $0x491, v2  }
0xd7: {  	v1 =	vsel vm6, $0x467, v1;
	v0 =	vsel vm7, $0x450, v0;
	v2 =	vsel vm4, $0x492, v2  }
0xd8: {  	v1 =	vsel vm7, $0x470, v1;
	v0 =	vsel vm5, $0x451, v0;
	v2 =	vsel vm3, $0x493, v2  }
0xd9: {  	v1 =	vsel vm5, $0x471, v1;
	v0 =	vsel vm4, $0x452, v0;
	v2 =	vsel vm2, $0x494, v2  }
0xda: {  	v1 =	vsel vm4, $0x472, v1;
	v0 =	vsel vm3, $0x453, v0;
	v2 =	vsel vm1, $0x495, v2  }
0xdb: {  	v1 =	vsel vm3, $0x473, v1;
	v29 =	vsel vm15, $0x496, v2;
	v2 =	vimm.s32 $0x4F7  }
0xdc: {  	v0 =	vsel vm2, $0x454, v0;
	v1 =	vsel vm2, $0x474, v1;
	v2 =	vsel vm14, $0x4E0, v2  }
0xdd: {  	v0 =	vsel vm1, $0x455, v0;
	v1 =	vsel vm1, $0x475, v1;
	v2 =	vsel vm13, $0x4E1, v2  }
0xde: {  	v27 =	vsel vm15, $0x456, v0;
	v28 =	vsel vm15, $0x476, v1;
	v2 =	vsel vm12, $0x4E2, v2  }
0xdf: {  	v0 =	vimm.s32 $0x4B7;
	v1 =	vimm.s32 $0x4D7;
	v2 =	vsel vm11, $0x4E3, v2  }
0xe0: {  	v0 =	vsel vm14, $0x4A0, v0;
	v1 =	vsel vm14, $0x4C0, v1;
	v2 =	vsel vm10, $0x4E4, v2  }
0xe1: {  	v0 =	vsel vm13, $0x4A1, v0;
	v1 =	vsel vm13, $0x4C1, v1;
	v2 =	vsel vm9, $0x4E5, v2  }
0xe2: {  	v0 =	vsel vm12, $0x4A2, v0;
	v1 =	vsel vm12, $0x4C2, v1;
	v2 =	vsel vm8, $0x4E6, v2  }
0xe3: {  	v0 =	vsel vm11, $0x4A3, v0;
	v1 =	vsel vm11, $0x4C3, v1;
	v2 =	vsel vm6, $0x4E7, v2  }
0xe4: {  	v0 =	vsel vm10, $0x4A4, v0;
	v1 =	vsel vm10, $0x4C4, v1;
	v2 =	vsel vm7, $0x4F0, v2  }
0xe5: {  	v0 =	vsel vm9, $0x4A5, v0;
	v1 =	vsel vm9, $0x4C5, v1;
	v2 =	vsel vm5, $0x4F1, v2  }
0xe6: {  	v0 =	vsel vm8, $0x4A6, v0;
	v1 =	vsel vm8, $0x4C6, v1;
	v2 =	vsel vm4, $0x4F2, v2  }
0xe7: {  	v0 =	vsel vm6, $0x4A7, v0;
	v1 =	vsel vm6, $0x4C7, v1;
	v2 =	vsel vm3, $0x4F3, v2  }
0xe8: {  	v0 =	vsel vm7, $0x4B0, v0;
	v1 =	vsel vm7, $0x4D0, v1;
	v2 =	vsel vm2, $0x4F4, v2  }
0xe9: {  	v0 =	vsel vm5, $0x4B1, v0;
	v1 =	vsel vm5, $0x4D1, v1;
	v2 =	vsel vm1, $0x4F5, v2  }
0xea: {  	v0 =	vsel vm4, $0x4B2, v0;
	v41 =	vsel vm15, $0x4F6, v2;
	v2 =	vimm.s32 $0x557  }
0xeb: {  	v1 =	vsel vm4, $0x4D2, v1;
	v0 =	vsel vm3, $0x4B3, v0;
	v2 =	vsel vm14, $0x540, v2  }
0xec: {  	v1 =	vsel vm3, $0x4D3, v1;
	v0 =	vsel vm2, $0x4B4, v0;
	v2 =	vsel vm13, $0x541, v2  }
0xed: {  	v1 =	vsel vm2, $0x4D4, v1;
	v0 =	vsel vm1, $0x4B5, v0;
	v2 =	vsel vm12, $0x542, v2  }
0xee: {  	v1 =	vsel vm1, $0x4D5, v1;
	v38 =	vsel vm15, $0x4B6, v0;
	v2 =	vsel vm11, $0x543, v2  }
0xef: {  	v39 =	vsel vm15, $0x4D6, v1;
	v0 =	vimm.s32 $0x517;
	v2 =	vsel vm10, $0x544, v2  }
0xf0: {  	v1 =	vimm.s32 $0x537;
	v0 =	vsel vm14, $0x500, v0;
	v2 =	vsel vm9, $0x545, v2  }
0xf1: {  	v1 =	vsel vm14, $0x520, v1;
	v0 =	vsel vm13, $0x501, v0;
	v2 =	vsel vm8, $0x546, v2  }
0xf2: {  	v1 =	vsel vm13, $0x521, v1;
	v0 =	vsel vm12, $0x502, v0;
	v2 =	vsel vm6, $0x547, v2  }
0xf3: {  	v1 =	vsel vm12, $0x522, v1;
	v0 =	vsel vm11, $0x503, v0;
	v2 =	vsel vm7, $0x550, v2  }
0xf4: {  	v1 =	vsel vm11, $0x523, v1;
	v0 =	vsel vm10, $0x504, v0;
	v2 =	vsel vm5, $0x551, v2  }
0xf5: {  	v1 =	vsel vm10, $0x524, v1;
	v0 =	vsel vm9, $0x505, v0;
	v2 =	vsel vm4, $0x552, v2  }
0xf6: {  	v1 =	vsel vm9, $0x525, v1;
	v0 =	vsel vm8, $0x506, v0;
	v2 =	vsel vm3, $0x553, v2  }
0xf7: {  	v1 =	vsel vm8, $0x526, v1;
	v0 =	vsel vm6, $0x507, v0;
	v2 =	vsel vm2, $0x554, v2  }
0xf8: {  	v1 =	vsel vm6, $0x527, v1;
	v0 =	vsel vm7, $0x510, v0;
	v2 =	vsel vm1, $0x555, v2  }
0xf9: {  	v1 =	vsel vm7, $0x530, v1;
	v48 =	vsel vm15, $0x556, v2;
	v2 =	vimm.s32 $0x5B7  }
0xfa: {  	v0 =	vsel vm5, $0x511, v0;
	v1 =	vsel vm5, $0x531, v1;
	v2 =	vsel vm14, $0x5A0, v2  }
0xfb: {  	v0 =	vsel vm4, $0x512, v0;
	v1 =	vsel vm4, $0x532, v1;
	v2 =	vsel vm13, $0x5A1, v2  }
0xfc: {  	v0 =	vsel vm3, $0x513, v0;
	v1 =	vsel vm3, $0x533, v1;
	v2 =	vsel vm12, $0x5A2, v2  }
0xfd: {  	v0 =	vsel vm2, $0x514, v0;
	v1 =	vsel vm2, $0x534, v1;
	v2 =	vsel vm11, $0x5A3, v2  }
0xfe: {  	v0 =	vsel vm1, $0x515, v0;
	v1 =	vsel vm1, $0x535, v1;
	v2 =	vsel vm10, $0x5A4, v2  }
0xff: {  	v46 =	vsel vm15, $0x516, v0;
	v47 =	vsel vm15, $0x536, v1;
	v2 =	vsel vm9, $0x5A5, v2  }
0x100: {  	v0 =	vimm.s32 $0x577;
	v1 =	vimm.s32 $0x597;
	v2 =	vsel vm8, $0x5A6, v2  }
0x101: {  	v0 =	vsel vm14, $0x560, v0;
	v1 =	vsel vm14, $0x580, v1;
	v2 =	vsel vm6, $0x5A7, v2  }
0x102: {  	v0 =	vsel vm13, $0x561, v0;
	v1 =	vsel vm13, $0x581, v1;
	v2 =	vsel vm7, $0x5B0, v2  }
0x103: {  	v0 =	vsel vm12, $0x562, v0;
	v1 =	vsel vm12, $0x582, v1;
	v2 =	vsel vm5, $0x5B1, v2  }
0x104: {  	v0 =	vsel vm11, $0x563, v0;
	v1 =	vsel vm11, $0x583, v1;
	v2 =	vsel vm4, $0x5B2, v2  }
0x105: {  	v0 =	vsel vm10, $0x564, v0;
	v1 =	vsel vm10, $0x584, v1;
	v2 =	vsel vm3, $0x5B3, v2  }
0x106: {  	v0 =	vsel vm9, $0x565, v0;
	v1 =	vsel vm9, $0x585, v1;
	v2 =	vsel vm2, $0x5B4, v2  }
0x107: {  	v0 =	vsel vm8, $0x566, v0;
	v1 =	vsel vm8, $0x586, v1;
	v2 =	vsel vm1, $0x5B5, v2  }
0x108: {  	v0 =	vsel vm6, $0x567, v0;
	v51 =	vsel vm15, $0x5B6, v2;
	v2 =	vimm.s32 $0x617  }
0x109: {  	v1 =	vsel vm6, $0x587, v1;
	v0 =	vsel vm7, $0x570, v0;
	v2 =	vsel vm14, $0x600, v2  }
0x10a: {  	v1 =	vsel vm7, $0x590, v1;
	v0 =	vsel vm5, $0x571, v0;
	v2 =	vsel vm13, $0x601, v2  }
0x10b: {  	v1 =	vsel vm5, $0x591, v1;
	v0 =	vsel vm4, $0x572, v0;
	v2 =	vsel vm12, $0x602, v2  }
0x10c: {  	v1 =	vsel vm4, $0x592, v1;
	v0 =	vsel vm3, $0x573, v0;
	v2 =	vsel vm11, $0x603, v2  }
0x10d: {  	v1 =	vsel vm3, $0x593, v1;
	v0 =	vsel vm2, $0x574, v0;
	v2 =	vsel vm10, $0x604, v2  }
0x10e: {  	v1 =	vsel vm2, $0x594, v1;
	v0 =	vsel vm1, $0x575, v0;
	v2 =	vsel vm9, $0x605, v2  }
0x10f: {  	v1 =	vsel vm1, $0x595, v1;
	v49 =	vsel vm15, $0x576, v0;
	v2 =	vsel vm8, $0x606, v2  }
0x110: {  	v50 =	vsel vm15, $0x596, v1;
	v0 =	vimm.s32 $0x5D7;
	v2 =	vsel vm6, $0x607, v2  }
0x111: {  	v1 =	vimm.s32 $0x5F7;
	v0 =	vsel vm14, $0x5C0, v0;
	v2 =	vsel vm7, $0x610, v2  }
0x112: {  	v1 =	vsel vm14, $0x5E0, v1;
	v0 =	vsel vm13, $0x5C1, v0;
	v2 =	vsel vm5, $0x611, v2  }
0x113: {  	v1 =	vsel vm13, $0x5E1, v1;
	v0 =	vsel vm12, $0x5C2, v0;
	v2 =	vsel vm4, $0x612, v2  }
0x114: {  	s1 =	srdreg.scid;
	s2 =	stileid.u32;
	v1 =	vsel vm12, $0x5E2, v1;
	v0 =	vsel vm11, $0x5C3, v0;
	v2 =	vsel vm3, $0x613, v2  }
0x115: {  	s0 =	rddreg [dreg:$0x0];
	s1 =	sand.u32 $0x1, s1;
	s2 =	sshll.u32 s2, $0x1;
	v1 =	vsel vm11, $0x5E3, v1;
	v0 =	vsel vm10, $0x5C4, v0;
	v2 =	vsel vm2, $0x614, v2  }
0x116: {  	s5 =	rddreg [dreg:$0x1];
	s7 =	sor.u32 s1, s2;
	s2 =	simm.s32 $0x0;
	v1 =	vsel vm10, $0x5E4, v1;
	v0 =	vsel vm9, $0x5C5, v0;
	v2 =	vsel vm1, $0x615, v2  }
0x117: {  	[smem:$0x7FF] =	sst s2;
	v1 =	vsel vm9, $0x5E5, v1;
	v54 =	vsel vm15, $0x616, v2;
	v2 =	vimm.s32 $0x677  }
0x118: {  	s6 =	rddreg [dreg:$0x2];
	_ =	strace $0x8000004A;
	[tilespmem:$0x1FC30] =	vst v7;
	v0 =	vsel vm8, $0x5C6, v0;
	v1 =	vsel vm8, $0x5E6, v1;
	v2 =	vsel vm14, $0x660, v2  }
0x119: {  	[tilespmem:$0x1FC40] =	vst v8;
	v0 =	vsel vm6, $0x5C7, v0;
	v1 =	vsel vm6, $0x5E7, v1;
	v2 =	vsel vm13, $0x661, v2  }
0x11a: {  	[tilespmem:$0x1FC50] =	vst v37;
	v0 =	vsel vm7, $0x5D0, v0;
	v1 =	vsel vm7, $0x5F0, v1;
	v2 =	vsel vm12, $0x662, v2  }
0x11b: {  	[tilespmem:$0x1FC60] =	vst v42;
	v0 =	vsel vm5, $0x5D1, v0;
	v1 =	vsel vm5, $0x5F1, v1;
	v2 =	vsel vm11, $0x663, v2  }
0x11c: {  	[tilespmem:$0x1FC70] =	vst v43;
	v0 =	vsel vm4, $0x5D2, v0;
	v1 =	vsel vm4, $0x5F2, v1;
	v2 =	vsel vm10, $0x664, v2  }
0x11d: {  	[tilespmem:$0x1FD00] =	vst v45;
	v0 =	vsel vm3, $0x5D3, v0;
	v1 =	vsel vm3, $0x5F3, v1;
	v2 =	vsel vm9, $0x665, v2  }
0x11e: {  	[tilespmem:$0x1FDC0] =	vst v10;
	v0 =	vsel vm2, $0x5D4, v0;
	v1 =	vsel vm2, $0x5F4, v1;
	v2 =	vsel vm8, $0x666, v2  }
0x11f: {  	[tilespmem:$0x1FDE0] =	vst v12;
	v0 =	vsel vm1, $0x5D5, v0;
	v1 =	vsel vm1, $0x5F5, v1;
	v2 =	vsel vm6, $0x667, v2  }
0x120: {  	[tilespmem:$0x1FE00] =	vst v13;
	v52 =	vsel vm15, $0x5D6, v0;
	v53 =	vsel vm15, $0x5F6, v1;
	v2 =	vsel vm7, $0x670, v2  }
0x121: {  	[tilespmem:$0x1FEE0] =	vst v4;
	v0 =	vimm.s32 $0x637;
	v1 =	vimm.s32 $0x657;
	v2 =	vsel vm5, $0x671, v2  }
0x122: {  	[tilespmem:$0x1FEF0] =	vst v6;
	v0 =	vsel vm14, $0x620, v0;
	v1 =	vsel vm14, $0x640, v1;
	v2 =	vsel vm4, $0x672, v2  }
0x123: {  	[tilespmem:$0x1FFB0] =	vst v3;
	v0 =	vsel vm13, $0x621, v0;
	v1 =	vsel vm13, $0x641, v1;
	v2 =	vsel vm3, $0x673, v2  }
0x124: {  	[tilespmem:$0x1FFC0] =	vst v5;
	v0 =	vsel vm12, $0x622, v0;
	v1 =	vsel vm12, $0x642, v1;
	v2 =	vsel vm2, $0x674, v2  }
0x125: {  	[tilespmem:$0x1FFD0] =	vst v11;
	v0 =	vsel vm11, $0x623, v0;
	v1 =	vsel vm11, $0x643, v1;
	v2 =	vsel vm1, $0x675, v2  }
0x126: {  	[tilespmem:$0x1FFE0] =	vst v9;
	v0 =	vsel vm10, $0x624, v0;
	v57 =	vsel vm15, $0x676, v2;
	v2 =	vimm.s32 $0x6D7  }
0x127: {  	[tilespmem:$0x1FCF0] =	vst v34;
	v1 =	vsel vm10, $0x644, v1;
	v0 =	vsel vm9, $0x625, v0;
	v2 =	vsel vm14, $0x6C0, v2  }
0x128: {  	[tilespmem:$0x1FD10] =	vst v35;
	v1 =	vsel vm9, $0x645, v1;
	v0 =	vsel vm8, $0x626, v0;
	v2 =	vsel vm13, $0x6C1, v2  }
0x129: {  	[tilespmem:$0x1FDD0] =	vst v40;
	v1 =	vsel vm8, $0x646, v1;
	v0 =	vsel vm6, $0x627, v0;
	v2 =	vsel vm12, $0x6C2, v2  }
0x12a: {  	[tilespmem:$0x1FCA0] =	vst v32;
	v1 =	vsel vm6, $0x647, v1;
	v0 =	vsel vm7, $0x630, v0;
	v2 =	vsel vm11, $0x6C3, v2  }
0x12b: {  	[tilespmem:$0x1FC80] =	vst v31;
	v1 =	vsel vm7, $0x650, v1;
	v0 =	vsel vm5, $0x631, v0;
	v2 =	vsel vm10, $0x6C4, v2  }
0x12c: {  	[tilespmem:$0x1FC90] =	vst v33;
	v1 =	vsel vm5, $0x651, v1;
	v0 =	vsel vm4, $0x632, v0;
	v2 =	vsel vm9, $0x6C5, v2  }
0x12d: {  	[tilespmem:$0x1FCD0] =	vst v15;
	v1 =	vsel vm4, $0x652, v1;
	v0 =	vsel vm3, $0x633, v0;
	v2 =	vsel vm8, $0x6C6, v2  }
0x12e: {  	[tilespmem:$0x1FCB0] =	vst v30;
	v1 =	vsel vm3, $0x653, v1;
	v0 =	vsel vm2, $0x634, v0;
	v2 =	vsel vm6, $0x6C7, v2  }
0x12f: {  	[tilespmem:$0x1FCC0] =	vst v14;
	v1 =	vsel vm2, $0x654, v1;
	v0 =	vsel vm1, $0x635, v0;
	v2 =	vsel vm7, $0x6D0, v2  }
0x130: {  	[tilespmem:$0x1FFF0] =	vst v18;
	v1 =	vsel vm1, $0x655, v1;
	v55 =	vsel vm15, $0x636, v0;
	v2 =	vsel vm5, $0x6D1, v2  }
0x131: {  	[tilespmem:$0x1FCE0] =	vst v16;
	v56 =	vsel vm15, $0x656, v1;
	v0 =	vimm.s32 $0x697;
	v2 =	vsel vm4, $0x6D2, v2  }
0x132: {  	[tilespmem:$0x1FE10] =	vst v17;
	v1 =	vimm.s32 $0x6B7;
	v0 =	vsel vm14, $0x680, v0;
	v2 =	vsel vm3, $0x6D3, v2  }
0x133: {  	[tilespmem:$0x1FD30] =	vst v20;
	v1 =	vsel vm14, $0x6A0, v1;
	v0 =	vsel vm13, $0x681, v0;
	v2 =	vsel vm2, $0x6D4, v2  }
0x134: {  	[tilespmem:$0x1FD20] =	vst v36;
	v1 =	vsel vm13, $0x6A1, v1;
	v0 =	vsel vm12, $0x682, v0;
	v2 =	vsel vm1, $0x6D5, v2  }
0x135: {  	[tilespmem:$0x1FDF0] =	vst v19;
	v1 =	vsel vm12, $0x6A2, v1;
	v60 =	vsel vm15, $0x6D6, v2;
	v2 =	vimm.s32 $0x737  }
0x136: {  	[tilespmem:$0x1FD60] =	vst v23;
	v0 =	vsel vm11, $0x683, v0;
	v1 =	vsel vm11, $0x6A3, v1;
	v2 =	vsel vm14, $0x720, v2  }
0x137: {  	[tilespmem:$0x1FD40] =	vst v21;
	v0 =	vsel vm10, $0x684, v0;
	v1 =	vsel vm10, $0x6A4, v1;
	v2 =	vsel vm13, $0x721, v2  }
0x138: {  	[tilespmem:$0x1FD50] =	vst v22;
	v0 =	vsel vm9, $0x685, v0;
	v1 =	vsel vm9, $0x6A5, v1;
	v2 =	vsel vm12, $0x722, v2  }
0x139: {  	[tilespmem:$0x1FD90] =	vst v26;
	v0 =	vsel vm8, $0x686, v0;
	v1 =	vsel vm8, $0x6A6, v1;
	v2 =	vsel vm11, $0x723, v2  }
0x13a: {  	[tilespmem:$0x1FD70] =	vst v24;
	v0 =	vsel vm6, $0x687, v0;
	v1 =	vsel vm6, $0x6A7, v1;
	v2 =	vsel vm10, $0x724, v2  }
0x13b: {  	[tilespmem:$0x1FD80] =	vst v25;
	v0 =	vsel vm7, $0x690, v0;
	v1 =	vsel vm7, $0x6B0, v1;
	v2 =	vsel vm9, $0x725, v2  }
0x13c: {  	[tilespmem:$0x1FE20] =	vst v29;
	v0 =	vsel vm5, $0x691, v0;
	v1 =	vsel vm5, $0x6B1, v1;
	v2 =	vsel vm8, $0x726, v2  }
0x13d: {  	[tilespmem:$0x1FDA0] =	vst v27;
	v0 =	vsel vm4, $0x692, v0;
	v1 =	vsel vm4, $0x6B2, v1;
	v2 =	vsel vm6, $0x727, v2  }
0x13e: {  	[tilespmem:$0x1FDB0] =	vst v28;
	v0 =	vsel vm3, $0x693, v0;
	v1 =	vsel vm3, $0x6B3, v1;
	v2 =	vsel vm7, $0x730, v2  }
0x13f: {  	[tilespmem:$0x1FF10] =	vst v41;
	v0 =	vsel vm2, $0x694, v0;
	v1 =	vsel vm2, $0x6B4, v1;
	v2 =	vsel vm5, $0x731, v2  }
0x140: {  	[tilespmem:$0x1FE30] =	vst v39;
	v0 =	vsel vm1, $0x695, v0;
	v1 =	vsel vm1, $0x6B5, v1;
	v2 =	vsel vm4, $0x732, v2  }
0x141: {  	[tilespmem:$0x1FF00] =	vst v38;
	v58 =	vsel vm15, $0x696, v0;
	v59 =	vsel vm15, $0x6B6, v1;
	v2 =	vsel vm3, $0x733, v2  }
0x142: {  	[tilespmem:$0x1FE50] =	vst v48;
	v0 =	vimm.s32 $0x6F7;
	v1 =	vimm.s32 $0x717;
	v2 =	vsel vm2, $0x734, v2  }
0x143: {  	[tilespmem:$0x1FE40] =	vst v46;
	v0 =	vsel vm14, $0x6E0, v0;
	v1 =	vsel vm14, $0x700, v1;
	v2 =	vsel vm1, $0x735, v2  }
0x144: {  	[tilespmem:$0x1FF20] =	vst v47;
	v1 =	vsel vm13, $0x701, v1;
	v62 =	vsel vm15, $0x736, v2;
	v2 =	vimm.s32 $0x757  }
0x145: {  	[tilespmem:$0x1FF40] =	vst v51;
	v0 =	vsel vm13, $0x6E1, v0;
	v1 =	vsel vm12, $0x702, v1;
	v2 =	vsel vm14, $0x740, v2  }
0x146: {  	[tilespmem:$0x1FE60] =	vst v50;
	v0 =	vsel vm12, $0x6E2, v0;
	v1 =	vsel vm11, $0x703, v1;
	v2 =	vsel vm13, $0x741, v2  }
0x147: {  	[tilespmem:$0x1FF30] =	vst v49;
	v0 =	vsel vm11, $0x6E3, v0;
	v1 =	vsel vm10, $0x704, v1;
	v2 =	vsel vm12, $0x742, v2  }
0x148: {  	s13 =	simm.s32 $0x6500;
	s16 =	simm.s32 $0x6D00;
	[tilespmem:$0x1FE80] =	vst v54;
	v0 =	vsel vm10, $0x6E4, v0;
	v1 =	vsel vm9, $0x705, v1;
	v2 =	vsel vm11, $0x743, v2  }
0x149: {  	s17 =	simm.s32 $0x48;
	s18 =	simm.s32 $0x8D00;
	[tilespmem:$0x1FE70] =	vst v52;
	v0 =	vsel vm9, $0x6E5, v0;
	v1 =	vsel vm8, $0x706, v1;
	v2 =	vsel vm10, $0x744, v2  }
0x14a: {  	s20 =	simm.s32 $0x7500;
	s22 =	simm.s32 $0x9180;
	[tilespmem:$0x1FF50] =	vst v53;
	v0 =	vsel vm8, $0x6E6, v0;
	v1 =	vsel vm6, $0x707, v1;
	v2 =	vsel vm9, $0x745, v2  }
0x14b: {  	s11 =	simm.s32 $0x80;
	s24 =	simm.s32 $0x7D00;
	s25 =	simm.s32 $0x210;
	[tilespmem:$0x1FF70] =	vst v57;
	v0 =	vsel vm6, $0x6E7, v0;
	v1 =	vsel vm7, $0x710, v1;
	v2 =	vsel vm8, $0x746, v2  }
0x14c: {  	s14 =	simm.s32 $0x1;
	s28 =	simm.s32 $0x258;
	s29 =	simm.s32 $0x8500;
	[tilespmem:$0x1FE90] =	vst v56;
	v0 =	vsel vm7, $0x6F0, v0;
	v1 =	vsel vm5, $0x711, v1;
	v2 =	vsel vm6, $0x747, v2  }
0x14d: {  	s30 =	simm.s32 $0x2D8;
	s31 =	simm.s32 $0x9A80;
	s10 =	simm.s32 $0x4;
	[tilespmem:$0x1FF60] =	vst v55;
	v0 =	vsel vm5, $0x6F1, v0;
	v1 =	vsel vm4, $0x712, v1;
	v2 =	vsel vm7, $0x750, v2  }
0x14e: {  	s12 =	simm.s32 $0x9F00;
	s15 =	simm.s32 $0x0;
	s1 =	ssub.s32 $0x2, s1;
	[tilespmem:$0x1FEB0] =	vst v60;
	v0 =	vsel vm4, $0x6F2, v0;
	v1 =	vsel vm3, $0x713, v1;
	v2 =	vsel vm5, $0x751, v2  }
0x14f: {  	s3 =	smul.u32 $0xC80, s7;
	s8 =	sshll.u32 s7, $0x8;
	s9 =	sshrl.u32 s1, $0x1;
	[tilespmem:$0x1FEA0] =	vst v58;
	v0 =	vsel vm3, $0x6F3, v0;
	v1 =	vsel vm2, $0x714, v1;
	v2 =	vsel vm4, $0x752, v2  }
0x150: {  	s26 =	sshll.u32 s7, $0x4;
	s7 =	sshll.u32 s7, $0x7;
	s1 =	ssub.s32 s1, s9;
	[tilespmem:$0x1FF80] =	vst v59;
	v0 =	vsel vm2, $0x6F4, v0;
	v1 =	vsel vm1, $0x715, v1;
	v2 =	vsel vm3, $0x753, v2  }
0x151: {  	s5 =	sadd.s32 s5, s26;
	s6 =	sadd.s32 s6, s7;
	s9 =	simm.s32 $0x5;
	v0 =	vsel vm1, $0x6F5, v0;
	v1 =	vsel vm15, $0x716, v1;
	[tilespmem:$0x1FFA0] =	vst v62;
	v2 =	vsel vm2, $0x754, v2  }
0x152: {  	s26 =	simm.s32 $0x9600;
	s4 =	sadd.s32 s3, s0;
	s3 =	sadd.s32 $0x102400, s0;
	v61 =	vsel vm15, $0x6F6, v0;
	[tilespmem:$0x1FEC0] =	vst v1;
	v2 =	vsel vm1, $0x755, v2  }
0x153: {  	s0 =	sadd.s32 s8, s0;
	s8 =	smax.u32 s1, $0x1;
	s1 =	simm.s32 $0x2;
	[tilespmem:$0x1FF90] =	vst v61;
	v2 =	vsel vm15, $0x756, v2  }
0x154: {  	s4 =	sadd.s32 $0x302400, s4;
	s7 =	sadd.s32 $0x2400, s0;
	s0 =	simm.s32 $0x3;
	[tilespmem:$0x1FED0] =	vst v2  }
.LBB2_1:
0x155: {  	[tilespmem:s2], [sflag:$0x5] =	stream.linear.gather [hbm4b:s4+s2], $0x6400, $0x38;
	[tilespmem:$0xAB00] =	vst v63  }
0x156: {  	_ =	swait.ge [sflag:s9], $0x6400  }
0x157: {  	[sflag:s9] =	ssyncset.done $0x0  }
0x158: {  	s19 =	simm.s32 $0x6400;
	[sflag:s9] =	ssyncadd.s32 $0xFFFF9C00  }
0x159: {  	[tilespmem:s19], [sflag:$0x5] =	stream.linear.gather [hbm4b:s5+s2], $0x80, $0x38;
	[tilespmem:$0xAB00] =	vst v63  }
0x15a: {  	_ =	swait.ge [sflag:s9], $0x80  }
0x15b: {  	[sflag:s9] =	ssyncset.done $0x0  }
0x15c: {  	v0 =	vld [tilespmem:$0x1FB80];
	[sflag:s9] =	ssyncadd.s32 $0xFFFFFF80  }
0x15d: {  	v44 =	vld [tilespmem:$0x6400];
	_ =	sdelay $0x4  }
0x15e: {  	v63 =	vld [tilespmem:$0x6410];
	v44 =	vadd.s32 v0, v44  }
0x15f: {  	v0 =	vld [tilespmem:$0x1FB90];
	_ =	sdelay $0x3  }
0x160: {  	v44 =	vld.idx.msk [tilespmem:v44+s2+$0x0], $0xffff  }
0x161: {  	v0 =	vadd.s32 v0, v63;
	_ =	sdelay $0x3  }
0x162: {  	v63 =	vld [tilespmem:$0x6420];
	[tilespmem:$0x6480] =	vst v44  }
0x163: {  	v44 =	vld.idx.msk [tilespmem:v0+s2+$0x0], $0xffff  }
0x164: {  	v0 =	vld [tilespmem:$0x1FBA0];
	_ =	sdelay $0x4  }
0x165: {  	v0 =	vadd.s32 v0, v63;
	_ =	sdelay $0x3  }
0x166: {  	v63 =	vld [tilespmem:$0x6430];
	[tilespmem:$0x6490] =	vst v44  }
0x167: {  	v44 =	vld.idx.msk [tilespmem:v0+s2+$0x0], $0xffff  }
0x168: {  	v0 =	vld [tilespmem:$0x1FBB0];
	_ =	sdelay $0x4  }
0x169: {  	v0 =	vadd.s32 v0, v63;
	_ =	sdelay $0x3  }
0x16a: {  	v63 =	vld [tilespmem:$0x6440];
	[tilespmem:$0x64A0] =	vst v44  }
0x16b: {  	v44 =	vld.idx.msk [tilespmem:v0+s2+$0x0], $0xffff  }
0x16c: {  	v0 =	vld [tilespmem:$0x1FBC0];
	_ =	sdelay $0x4  }
0x16d: {  	v0 =	vadd.s32 v0, v63;
	_ =	sdelay $0x3  }
0x16e: {  	v63 =	vld [tilespmem:$0x6450];
	[tilespmem:$0x64B0] =	vst v44  }
0x16f: {  	v44 =	vld.idx.msk [tilespmem:v0+s2+$0x0], $0xffff  }
0x170: {  	v0 =	vld [tilespmem:$0x1FBD0];
	_ =	sdelay $0x4  }
0x171: {  	v0 =	vadd.s32 v0, v63;
	_ =	sdelay $0x3  }
0x172: {  	v63 =	vld [tilespmem:$0x6460];
	[tilespmem:$0x64C0] =	vst v44  }
0x173: {  	v44 =	vld.idx.msk [tilespmem:v0+s2+$0x0], $0xffff  }
0x174: {  	v0 =	vld [tilespmem:$0x1FBE0];
	_ =	sdelay $0x4  }
0x175: {  	v0 =	vadd.s32 v0, v63;
	_ =	sdelay $0x3  }
0x176: {  	v63 =	vld [tilespmem:$0x6470];
	[tilespmem:$0x64D0] =	vst v44  }
0x177: {  	v44 =	vld.idx.msk [tilespmem:v0+s2+$0x0], $0xffff  }
0x178: {  	v0 =	vld [tilespmem:$0x1FBF0];
	_ =	sdelay $0x4  }
0x179: {  	v0 =	vadd.s32 v0, v63;
	_ =	sdelay $0x3  }
0x17a: {  	[tilespmem:$0x64E0] =	vst v44  }
0x17b: {  	v44 =	vld.idx.msk [tilespmem:v0+s2+$0x0], $0xffff;
	_ =	sdelay $0x4  }
0x17c: {  	s23 =	simm.s32 $0x6480;
	[tilespmem:$0x64F0] =	vst v44  }
0x17d: {  	[tilespmem:s13], [sflag:$0x1] =	stream.indirect.gather [hbm4b:s3+s11], $0x10, s23, s11, $0xb8;
	[tilespmem:$0xAB00] =	vst v63  }
0x17e: {  	_ =	swait.ge [sflag:s14], $0x800  }
0x17f: {  	[sflag:s14] =	ssyncset.done $0x0  }
0x180: {  	[sflag:s14] =	ssyncadd.s32 $0xFFFFF800  }
0x181: {  	v0 =	vld.idx.msk [tilespmem:v7+s13+$0x0], $0xffff;
	_ =	sdelay $0x4  }
0x182: {  	[tilespmem:$0xA700] =	vst v0  }
0x183: {  	v44 =	vld.idx.msk [tilespmem:v8+s13+$0x0], $0xffff;
	_ =	sdelay $0x4  }
0x184: {  	[tilespmem:$0xA710] =	vst v44  }
0x185: {  	v44 =	vld.idx.msk [tilespmem:v9+s13+$0x0], $0xffff;
	_ =	sdelay $0x4  }
0x186: {  	[tilespmem:$0xA720] =	vst v44  }
0x187: {  	v44 =	vld.idx.msk [tilespmem:v10+s13+$0x0], $0xffff;
	_ =	sdelay $0x4  }
0x188: {  	[tilespmem:$0xA730] =	vst v44  }
0x189: {  	v44 =	vld.idx.msk [tilespmem:v12+s13+$0x0], $0xffff;
	_ =	sdelay $0x3  }
0x18a: {  	v63 =	vld [tilespmem:$0x1FC00]  }
0x18b: {  	[tilespmem:$0xA740] =	vst v44  }
0x18c: {  	v44 =	vld.idx.msk [tilespmem:v13+s13+$0x0], $0xffff;
	_ =	sdelay $0x4  }
0x18d: {  	[tilespmem:$0xA750] =	vst v44  }
0x18e: {  	v44 =	vld.idx.msk [tilespmem:v63+s13+$0x0], $0xffff;
	_ =	sdelay $0x4  }
0x18f: {  	[tilespmem:$0xA760] =	vst v44;
	v44 =	vld [tilespmem:$0x1FC10];
	_ =	sdelay $0x7  }
0x190: {  	v44 =	vld.idx.msk [tilespmem:v44+s13+$0x0], $0xffff;
	_ =	sdelay $0x4  }
0x191: {  	[tilespmem:$0xA770] =	vst v44  }
0x192: {  	v44 =	vld.idx.msk [tilespmem:v42+s13+$0x0], $0xffff;
	_ =	sdelay $0x4  }
0x193: {  	[tilespmem:$0xA780] =	vst v44  }
0x194: {  	v44 =	vld.idx.msk [tilespmem:v43+s13+$0x0], $0xffff;
	_ =	sdelay $0x4  }
0x195: {  	[tilespmem:$0xA790] =	vst v44  }
0x196: {  	v44 =	vld.idx.msk [tilespmem:v37+s13+$0x0], $0xffff;
	_ =	sdelay $0x3  }
0x197: {  	v63 =	vld [tilespmem:$0x1FC20]  }
0x198: {  	[tilespmem:$0xA7A0] =	vst v44  }
0x199: {  	v44 =	vld.idx.msk [tilespmem:v45+s13+$0x0], $0xffff;
	_ =	sdelay $0x4  }
0x19a: {  	[tilespmem:$0xA7B0] =	vst v44  }
0x19b: {  	v44 =	vld.idx.msk [tilespmem:v63+s13+$0x0], $0xffff;
	_ =	sdelay $0x4  }
0x19c: {  	[tilespmem:$0xA7C0] =	vst v44  }
0x19d: {  	v44 =	vld.idx.msk [tilespmem:v40+s13+$0x0], $0xffff;
	_ =	sdelay $0x4  }
0x19e: {  	[tilespmem:$0xA7D0] =	vst v44  }
0x19f: {  	v44 =	vld.idx.msk [tilespmem:v35+s13+$0x0], $0xffff;
	_ =	sdelay $0x4  }
0x1a0: {  	[tilespmem:$0xA7E0] =	vst v44  }
0x1a1: {  	v44 =	vld.idx.msk [tilespmem:v34+s13+$0x0], $0xffff;
	_ =	sdelay $0x4  }
0x1a2: {  	[tilespmem:$0xA7F0] =	vst v44  }
0x1a3: {  	v44 =	vld.idx.msk [tilespmem:v31+s13+$0x0], $0xffff;
	_ =	sdelay $0x4  }
0x1a4: {  	[tilespmem:$0xA800] =	vst v44  }
0x1a5: {  	v44 =	vld.idx.msk [tilespmem:v33+s13+$0x0], $0xffff;
	_ =	sdelay $0x4  }
0x1a6: {  	[tilespmem:$0xA810] =	vst v44  }
0x1a7: {  	v44 =	vld.idx.msk [tilespmem:v32+s13+$0x0], $0xffff;
	_ =	sdelay $0x4  }
0x1a8: {  	[tilespmem:$0xA820] =	vst v44  }
0x1a9: {  	v44 =	vld.idx.msk [tilespmem:v30+s13+$0x0], $0xffff;
	_ =	sdelay $0x4  }
0x1aa: {  	[tilespmem:$0xA830] =	vst v44  }
0x1ab: {  	v44 =	vld.idx.msk [tilespmem:v14+s13+$0x0], $0xffff;
	_ =	sdelay $0x4  }
0x1ac: {  	[tilespmem:$0xA840] =	vst v44  }
0x1ad: {  	v44 =	vld.idx.msk [tilespmem:v15+s13+$0x0], $0xffff;
	_ =	sdelay $0x4  }
0x1ae: {  	[tilespmem:$0xA850] =	vst v44  }
0x1af: {  	v44 =	vld.idx.msk [tilespmem:v16+s13+$0x0], $0xffff;
	_ =	sdelay $0x4  }
0x1b0: {  	[tilespmem:$0xA860] =	vst v44  }
0x1b1: {  	v44 =	vld.idx.msk [tilespmem:v17+s13+$0x0], $0xffff;
	_ =	sdelay $0x4  }
0x1b2: {  	[tilespmem:$0xA870] =	vst v44  }
0x1b3: {  	v44 =	vld.idx.msk [tilespmem:v18+s13+$0x0], $0xffff;
	_ =	sdelay $0x4  }
0x1b4: {  	[tilespmem:$0xA880] =	vst v44  }
0x1b5: {  	v44 =	vld.idx.msk [tilespmem:v19+s13+$0x0], $0xffff;
	_ =	sdelay $0x4  }
0x1b6: {  	[tilespmem:$0xA890] =	vst v44  }
0x1b7: {  	v44 =	vld.idx.msk [tilespmem:v36+s13+$0x0], $0xffff;
	_ =	sdelay $0x4  }
0x1b8: {  	[tilespmem:$0xA8A0] =	vst v44  }
0x1b9: {  	v44 =	vld.idx.msk [tilespmem:v20+s13+$0x0], $0xffff;
	_ =	sdelay $0x4  }
0x1ba: {  	[tilespmem:$0xA8B0] =	vst v44  }
0x1bb: {  	v44 =	vld.idx.msk [tilespmem:v21+s13+$0x0], $0xffff;
	_ =	sdelay $0x4  }
0x1bc: {  	[tilespmem:$0xA8C0] =	vst v44  }
0x1bd: {  	v44 =	vld.idx.msk [tilespmem:v22+s13+$0x0], $0xffff;
	_ =	sdelay $0x4  }
0x1be: {  	[tilespmem:$0xA8D0] =	vst v44  }
0x1bf: {  	v44 =	vld.idx.msk [tilespmem:v23+s13+$0x0], $0xffff;
	_ =	sdelay $0x4  }
0x1c0: {  	[tilespmem:$0xA8E0] =	vst v44  }
0x1c1: {  	v44 =	vld.idx.msk [tilespmem:v24+s13+$0x0], $0xffff;
	_ =	sdelay $0x4  }
0x1c2: {  	[tilespmem:$0xA8F0] =	vst v44  }
0x1c3: {  	v44 =	vld.idx.msk [tilespmem:v25+s13+$0x0], $0xffff;
	_ =	sdelay $0x4  }
0x1c4: {  	[tilespmem:$0xA900] =	vst v44  }
0x1c5: {  	v44 =	vld.idx.msk [tilespmem:v26+s13+$0x0], $0xffff;
	_ =	sdelay $0x4  }
0x1c6: {  	[tilespmem:$0xA910] =	vst v44  }
0x1c7: {  	v44 =	vld.idx.msk [tilespmem:v27+s13+$0x0], $0xffff;
	_ =	sdelay $0x4  }
0x1c8: {  	[tilespmem:$0xA920] =	vst v44  }
0x1c9: {  	v44 =	vld.idx.msk [tilespmem:v28+s13+$0x0], $0xffff;
	_ =	sdelay $0x4  }
0x1ca: {  	[tilespmem:$0xA930] =	vst v44  }
0x1cb: {  	v44 =	vld.idx.msk [tilespmem:v29+s13+$0x0], $0xffff;
	_ =	sdelay $0x4  }
0x1cc: {  	[tilespmem:$0xA940] =	vst v44  }
0x1cd: {  	v44 =	vld.idx.msk [tilespmem:v38+s13+$0x0], $0xffff;
	_ =	sdelay $0x4  }
0x1ce: {  	[tilespmem:$0xA950] =	vst v44  }
0x1cf: {  	v44 =	vld.idx.msk [tilespmem:v39+s13+$0x0], $0xffff;
	_ =	sdelay $0x4  }
0x1d0: {  	[tilespmem:$0xA960] =	vst v44  }
0x1d1: {  	v44 =	vld.idx.msk [tilespmem:v41+s13+$0x0], $0xffff;
	_ =	sdelay $0x4  }
0x1d2: {  	[tilespmem:$0xA970] =	vst v44  }
0x1d3: {  	v44 =	vld.idx.msk [tilespmem:v46+s13+$0x0], $0xffff;
	_ =	sdelay $0x4  }
0x1d4: {  	[tilespmem:$0xA980] =	vst v44  }
0x1d5: {  	v44 =	vld.idx.msk [tilespmem:v47+s13+$0x0], $0xffff;
	_ =	sdelay $0x4  }
0x1d6: {  	[tilespmem:$0xA990] =	vst v44  }
0x1d7: {  	v44 =	vld.idx.msk [tilespmem:v48+s13+$0x0], $0xffff;
	_ =	sdelay $0x4  }
0x1d8: {  	[tilespmem:$0xA9A0] =	vst v44  }
0x1d9: {  	v44 =	vld.idx.msk [tilespmem:v49+s13+$0x0], $0xffff;
	_ =	sdelay $0x4  }
0x1da: {  	[tilespmem:$0xA9B0] =	vst v44  }
0x1db: {  	v44 =	vld.idx.msk [tilespmem:v50+s13+$0x0], $0xffff;
	_ =	sdelay $0x4  }
0x1dc: {  	[tilespmem:$0xA9C0] =	vst v44  }
0x1dd: {  	v44 =	vld.idx.msk [tilespmem:v51+s13+$0x0], $0xffff;
	_ =	sdelay $0x4  }
0x1de: {  	[tilespmem:$0xA9D0] =	vst v44  }
0x1df: {  	v44 =	vld.idx.msk [tilespmem:v52+s13+$0x0], $0xffff;
	_ =	sdelay $0x4  }
0x1e0: {  	[tilespmem:$0xA9E0] =	vst v44  }
0x1e1: {  	v44 =	vld.idx.msk [tilespmem:v53+s13+$0x0], $0xffff;
	_ =	sdelay $0x4  }
0x1e2: {  	[tilespmem:$0xA9F0] =	vst v44  }
0x1e3: {  	v44 =	vld.idx.msk [tilespmem:v54+s13+$0x0], $0xffff;
	_ =	sdelay $0x4  }
0x1e4: {  	[tilespmem:$0xAA00] =	vst v44  }
0x1e5: {  	v44 =	vld.idx.msk [tilespmem:v55+s13+$0x0], $0xffff;
	_ =	sdelay $0x4  }
0x1e6: {  	[tilespmem:$0xAA10] =	vst v44  }
0x1e7: {  	v44 =	vld.idx.msk [tilespmem:v56+s13+$0x0], $0xffff;
	_ =	sdelay $0x4  }
0x1e8: {  	[tilespmem:$0xAA20] =	vst v44  }
0x1e9: {  	v44 =	vld.idx.msk [tilespmem:v57+s13+$0x0], $0xffff;
	_ =	sdelay $0x4  }
0x1ea: {  	[tilespmem:$0xAA30] =	vst v44  }
0x1eb: {  	v44 =	vld.idx.msk [tilespmem:v58+s13+$0x0], $0xffff;
	_ =	sdelay $0x4  }
0x1ec: {  	[tilespmem:$0xAA40] =	vst v44  }
0x1ed: {  	v44 =	vld.idx.msk [tilespmem:v59+s13+$0x0], $0xffff;
	_ =	sdelay $0x4  }
0x1ee: {  	[tilespmem:$0xAA50] =	vst v44  }
0x1ef: {  	v44 =	vld.idx.msk [tilespmem:v60+s13+$0x0], $0xffff;
	_ =	sdelay $0x4  }
0x1f0: {  	[tilespmem:$0xAA60] =	vst v44  }
0x1f1: {  	v44 =	vld.idx.msk [tilespmem:v61+s13+$0x0], $0xffff;
	_ =	sdelay $0x4  }
0x1f2: {  	[tilespmem:$0xAA70] =	vst v44  }
0x1f3: {  	v44 =	vld.idx.msk [tilespmem:v1+s13+$0x0], $0xffff;
	_ =	sdelay $0x4  }
0x1f4: {  	[tilespmem:$0xAA80] =	vst v44  }
0x1f5: {  	v44 =	vld.idx.msk [tilespmem:v62+s13+$0x0], $0xffff;
	_ =	sdelay $0x4  }
0x1f6: {  	[tilespmem:$0xAA90] =	vst v44  }
0x1f7: {  	v44 =	vld.idx.msk [tilespmem:v2+s13+$0x0], $0xffff;
	_ =	sdelay $0x4  }
0x1f8: {  	[tilespmem:$0xAAA0] =	vst v44  }
0x1f9: {  	v44 =	vld.idx.msk [tilespmem:v3+s13+$0x0], $0xffff;
	_ =	sdelay $0x4  }
0x1fa: {  	[tilespmem:$0xAAB0] =	vst v44  }
0x1fb: {  	v44 =	vld.idx.msk [tilespmem:v4+s13+$0x0], $0xffff;
	_ =	sdelay $0x4  }
0x1fc: {  	[tilespmem:$0xAAC0] =	vst v44  }
0x1fd: {  	v44 =	vld.idx.msk [tilespmem:v5+s13+$0x0], $0xffff;
	_ =	sdelay $0x4  }
0x1fe: {  	[tilespmem:$0xAAD0] =	vst v44  }
0x1ff: {  	v44 =	vld.idx.msk [tilespmem:v6+s13+$0x0], $0xffff;
	_ =	sdelay $0x4  }
0x200: {  	[tilespmem:$0xAAE0] =	vst v44  }
0x201: {  	v44 =	vld.idx.msk [tilespmem:v11+s13+$0x0], $0xffff;
	_ =	sdelay $0x4  }
0x202: {  	s21 =	simm.s32 $0xA700;
	[tilespmem:$0xAAF0] =	vst v44  }
0x203: {  	[hbm4b:s6+s2] =	stream.linear.scatter [tilespmem:s21], [sflag:$0x5], $0x400, $0x38;
	[tilespmem:$0xAB00] =	vst v63  }
0x204: {  	_ =	swait.ge [sflag:s9], $0x400  }
0x205: {  	[sflag:s9] =	ssyncset.done $0x0  }
0x206: {  	[sflag:s9] =	ssyncadd.s32 $0xFFFFFC00  }
0x207: {  	[tilespmem:s16], [sflag:$0x1] =	stream.indirect.gather [hbm4b:s3+s11], $0x10, s2, s11, $0xb8;
	[tilespmem:$0xAB00] =	vst v63  }
0x208: {  	_ = 	snop  }
0x209: {  	[tilespmem:s18], [sflag:$0x1] =	stream.indirect.gather [hbm4b:s3+s17], $0x10, s11, s17, $0xb8;
	[tilespmem:$0xAB00] =	vst v63  }
0x20a: {  	s23 =	simm.s32 $0xC8  }
0x20b: {  	[tilespmem:s20], [sflag:$0x2] =	stream.indirect.gather [hbm4b:s3+s11], $0x10, s23, s11, $0xb8;
	[tilespmem:$0xAB00] =	vst v63  }
0x20c: {  	s21 =	simm.s32 $0x148  }
0x20d: {  	[tilespmem:s22], [sflag:$0x2] =	stream.indirect.gather [hbm4b:s3+s17], $0x10, s21, s17, $0xb8;
	[tilespmem:$0xAB00] =	vst v63  }
0x20e: {  	s23 =	simm.s32 $0x190  }
0x20f: {  	[tilespmem:s24], [sflag:$0x3] =	stream.indirect.gather [hbm4b:s3+s11], $0x10, s23, s11, $0xb8;
	[tilespmem:$0xAB00] =	vst v63  }
0x210: {  	_ = 	snop  }
0x211: {  	[tilespmem:s26], [sflag:$0x3] =	stream.indirect.gather [hbm4b:s3+s17], $0x10, s25, s17, $0xb8;
	[tilespmem:$0xAB00] =	vst v63  }
0x212: {  	_ = 	snop  }
0x213: {  	[tilespmem:s29], [sflag:$0x4] =	stream.indirect.gather [hbm4b:s3+s11], $0x10, s28, s11, $0xb8;
	[tilespmem:$0xAB00] =	vst v63  }
0x214: {  	s19 =	simm.s32 $0x7;
	s21 =	simm.s32 $0x9F20  }
0x215: {  	[tilespmem:s31], [sflag:$0x4] =	stream.indirect.gather [hbm4b:s3+s17], $0x10, s30, s17, $0xb8;
	[tilespmem:$0xAB00] =	vst v63  }
.LBB2_2:
0x216: {  	_ =	swait.ge [sflag:s14], $0x800  }
0x217: {  	[sflag:s14] =	ssyncset.done $0x0  }
0x218: {  	[sflag:s14] =	ssyncadd.s32 $0xFFFFF800  }
0x219: {  	_ =	swait.ge [sflag:s14], $0x480  }
0x21a: {  	v39 =	vld [tilespmem:$0x1FFE0]  }
0x21b: {  	v4 =	vmov v40;
	v40 =	vld [tilespmem:$0x1FDC0]  }
0x21c: {  	v41 =	vld [tilespmem:$0x1FDE0]  }
0x21d: {  	v38 =	vld [tilespmem:$0x1FE00]  }
0x21e: {  	[sflag:s14] =	ssyncset.done $0x0;
	v5 =	vld [tilespmem:$0x1FC00]  }
0x21f: {  	v0 =	vld [tilespmem:$0x1FC20];
	[sflag:s14] =	ssyncadd.s32 $0xFFFFFB80  }
0x220: {  	v2 =	vmov v45;
	v44 =	vld.idx.msk [tilespmem:v7+s16+$0x0], $0xffff  }
0x221: {  	v45 =	vld.idx.msk [tilespmem:v8+s16+$0x0], $0xffff  }
0x222: {  	v52 =	vld.idx.msk [tilespmem:v42+s16+$0x0], $0xffff  }
0x223: {  	v53 =	vld.idx.msk [tilespmem:v43+s16+$0x0], $0xffff  }
0x224: {  	v54 =	vld.idx.msk [tilespmem:v37+s16+$0x0], $0xffff  }
0x225: {  	v55 =	vld.idx.msk [tilespmem:v2+s16+$0x0], $0xffff  }
0x226: {  	v57 =	vld.idx.msk [tilespmem:v4+s16+$0x0], $0xffff  }
0x227: {  	v58 =	vld.idx.msk [tilespmem:v35+s16+$0x0], $0xffff  }
0x228: {  	v59 =	vld.idx.msk [tilespmem:v34+s16+$0x0], $0xffff  }
0x229: {  	v60 =	vld.idx.msk [tilespmem:v31+s16+$0x0], $0xffff  }
0x22a: {  	v61 =	vld.idx.msk [tilespmem:v33+s16+$0x0], $0xffff  }
0x22b: {  	v62 =	vld.idx.msk [tilespmem:v32+s16+$0x0], $0xffff  }
0x22c: {  	v63 =	vld.idx.msk [tilespmem:v30+s16+$0x0], $0xffff  }
0x22d: {  	v2 =	vld.idx.msk [tilespmem:v14+s16+$0x0], $0xffff  }
0x22e: {  	v1 =	vld.idx.msk [tilespmem:v15+s16+$0x0], $0xffff  }
0x22f: {  	v4 =	vld.idx.msk [tilespmem:v16+s16+$0x0], $0xffff  }
0x230: {  	v3 =	vld.idx.msk [tilespmem:v17+s16+$0x0], $0xffff  }
0x231: {  	v6 =	vld.idx.msk [tilespmem:v18+s16+$0x0], $0xffff  }
0x232: {  	v7 =	vld.idx.msk [tilespmem:v36+s16+$0x0], $0xffff  }
0x233: {  	v11 =	vld.idx.msk [tilespmem:v20+s16+$0x0], $0xffff  }
0x234: {  	v9 =	vld.idx.msk [tilespmem:v21+s16+$0x0], $0xffff  }
0x235: {  	v8 =	vld.idx.msk [tilespmem:v22+s16+$0x0], $0xffff  }
0x236: {  	v12 =	vld.idx.msk [tilespmem:v23+s16+$0x0], $0xffff  }
0x237: {  	v10 =	vld.idx.msk [tilespmem:v24+s16+$0x0], $0xffff  }
0x238: {  	v14 =	vld.idx.msk [tilespmem:v25+s16+$0x0], $0xffff  }
0x239: {  	v13 =	vld.idx.msk [tilespmem:v26+s16+$0x0], $0xffff  }
0x23a: {  	v16 =	vld.idx.msk [tilespmem:v27+s16+$0x0], $0xffff  }
0x23b: {  	v15 =	vld.idx.msk [tilespmem:v28+s16+$0x0], $0xffff  }
0x23c: {  	v42 =	vld [tilespmem:$0x1FE20]  }
0x23d: {  	v43 =	vld [tilespmem:$0x1FF00]  }
0x23e: {  	v33 =	vld [tilespmem:$0x1FE30]  }
0x23f: {  	v34 =	vld [tilespmem:$0x1FF10]  }
0x240: {  	v35 =	vld [tilespmem:$0x1FE40]  }
0x241: {  	v36 =	vld [tilespmem:$0x1FF20]  }
0x242: {  	v32 =	vld [tilespmem:$0x1FE50]  }
0x243: {  	v46 =	vld.idx.msk [tilespmem:v39+s16+$0x0], $0xffff  }
0x244: {  	v47 =	vld.idx.msk [tilespmem:v40+s16+$0x0], $0xffff  }
0x245: {  	v48 =	vld.idx.msk [tilespmem:v41+s16+$0x0], $0xffff  }
0x246: {  	v49 =	vld.idx.msk [tilespmem:v38+s16+$0x0], $0xffff  }
0x247: {  	v50 =	vld.idx.msk [tilespmem:v5+s16+$0x0], $0xffff  }
0x248: {  	v5 =	vld [tilespmem:$0x1FC10]  }
0x249: {  	v56 =	vld.idx.msk [tilespmem:v0+s16+$0x0], $0xffff  }
0x24a: {  	v37 =	vld.idx.msk [tilespmem:v42+s16+$0x0], $0xffff  }
0x24b: {  	v17 =	vld.idx.msk [tilespmem:v43+s16+$0x0], $0xffff  }
0x24c: {  	v18 =	vld.idx.msk [tilespmem:v33+s16+$0x0], $0xffff  }
0x24d: {  	v20 =	vld.idx.msk [tilespmem:v35+s16+$0x0], $0xffff  }
0x24e: {  	v21 =	vld.idx.msk [tilespmem:v36+s16+$0x0], $0xffff  }
0x24f: {  	v22 =	vld.idx.msk [tilespmem:v32+s16+$0x0], $0xffff  }
0x250: {  	v33 =	vld [tilespmem:$0x1FF30]  }
0x251: {  	v44 =	vadd.f32 $0.0e+00, v44;
	v35 =	vld [tilespmem:$0x1FF40]  }
0x252: {  	v45 =	vadd.f32 $0.0e+00, v45;
	v36 =	vld [tilespmem:$0x1FE70]  }
0x253: {  	v32 =	vld [tilespmem:$0x1FF50];
	v44 =	vadd.f32 v48, v44  }
0x254: {  	v45 =	vadd.f32 v49, v45;
	v49 =	vld [tilespmem:$0x1FFA0]  }
0x255: {  	v44 =	vadd.f32 v52, v44;
	v52 =	vld [tilespmem:$0x1FFB0]  }
0x256: {  	v45 =	vadd.f32 v53, v45;
	v53 =	vld [tilespmem:$0x1FEE0]  }
0x257: {  	v46 =	vadd.f32 $0.0e+00, v46;
	v51 =	vld.idx.msk [tilespmem:v5+s16+$0x0], $0xffff  }
0x258: {  	v5 =	vld.idx.msk [tilespmem:v19+s16+$0x0], $0xffff  }
0x259: {  	v46 =	vadd.f32 v50, v46;
	v19 =	vld.idx.msk [tilespmem:v34+s16+$0x0], $0xffff  }
0x25a: {  	v34 =	vld [tilespmem:$0x1FE60]  }
0x25b: {  	v46 =	vadd.f32 v54, v46;
	v54 =	vld [tilespmem:$0x1FFC0]  }
0x25c: {  	v44 =	vadd.f32 v56, v44;
	v56 =	vld [tilespmem:$0x1FFD0]  }
0x25d: {  	v23 =	vld.idx.msk [tilespmem:v33+s16+$0x0], $0xffff  }
0x25e: {  	v25 =	vld.idx.msk [tilespmem:v35+s16+$0x0], $0xffff  }
0x25f: {  	v26 =	vld.idx.msk [tilespmem:v36+s16+$0x0], $0xffff  }
0x260: {  	v27 =	vld.idx.msk [tilespmem:v32+s16+$0x0], $0xffff  }
0x261: {  	v33 =	vld [tilespmem:$0x1FE80]  }
0x262: {  	v35 =	vld [tilespmem:$0x1FE90]  }
0x263: {  	v36 =	vld [tilespmem:$0x1FF70]  }
0x264: {  	v32 =	vld [tilespmem:$0x1FEA0]  }
0x265: {  	v46 =	vadd.f32 v58, v46;
	v58 =	vld [tilespmem:$0x1FC30]  }
0x266: {  	v47 =	vadd.f32 $0.0e+00, v47;
	v44 =	vadd.f32 v60, v44;
	v60 =	vld [tilespmem:$0x1FC40]  }
0x267: {  	v45 =	vadd.f32 v57, v45;
	v48 =	vld.idx.msk [tilespmem:v49+s16+$0x0], $0xffff  }
0x268: {  	v47 =	vadd.f32 v51, v47;
	v51 =	vld [tilespmem:$0x1FED0]  }
0x269: {  	v45 =	vadd.f32 v61, v45;
	v46 =	vadd.f32 v62, v46;
	v62 =	vld.idx.msk [tilespmem:v39+s18+$0x0], $0xffff  }
0x26a: {  	v50 =	vld.idx.msk [tilespmem:v52+s16+$0x0], $0xffff  }
0x26b: {  	v1 =	vadd.f32 v1, v45;
	v47 =	vadd.f32 v55, v47;
	v55 =	vld [tilespmem:$0x1FEF0]  }
0x26c: {  	v61 =	vadd.f32 v4, v46;
	v4 =	vld.idx.msk [tilespmem:v40+s18+$0x0], $0xffff  }
0x26d: {  	v1 =	vadd.f32 v5, v1;
	v5 =	vld.idx.msk [tilespmem:v41+s18+$0x0], $0xffff  }
0x26e: {  	v24 =	vld.idx.msk [tilespmem:v34+s16+$0x0], $0xffff  }
0x26f: {  	v34 =	vld [tilespmem:$0x1FF60]  }
0x270: {  	v52 =	vld.idx.msk [tilespmem:v54+s16+$0x0], $0xffff  }
0x271: {  	v47 =	vadd.f32 v59, v47;
	v57 =	vld.idx.msk [tilespmem:v56+s16+$0x0], $0xffff  }
0x272: {  	v59 =	vadd.f32 v2, v44;
	v2 =	vadd.f32 v7, v61;
	v7 =	vld [tilespmem:$0x1FC00]  }
0x273: {  	v1 =	vadd.f32 v8, v1;
	v8 =	vld [tilespmem:$0x1FC10]  }
0x274: {  	v28 =	vld.idx.msk [tilespmem:v33+s16+$0x0], $0xffff  }
0x275: {  	v30 =	vld.idx.msk [tilespmem:v35+s16+$0x0], $0xffff  }
0x276: {  	v31 =	vld.idx.msk [tilespmem:v36+s16+$0x0], $0xffff  }
0x277: {  	v32 =	vld.idx.msk [tilespmem:v32+s16+$0x0], $0xffff  }
0x278: {  	v33 =	vld [tilespmem:$0x1FF80]  }
0x279: {  	v35 =	vld [tilespmem:$0x1FF90]  }
0x27a: {  	v36 =	vld [tilespmem:$0x1FEC0]  }
0x27b: {  	v44 =	vld.idx.msk [tilespmem:v60+s18+$0x0], $0xffff  }
0x27c: {  	v0 =	vadd.f32 v6, v59;
	v6 =	vld.idx.msk [tilespmem:v38+s18+$0x0], $0xffff  }
0x27d: {  	v2 =	vadd.f32 v12, v2;
	v12 =	vld [tilespmem:$0x1FD00]  }
0x27e: {  	v1 =	vadd.f32 v13, v1;
	v13 =	vld [tilespmem:$0x1FC20]  }
0x27f: {  	v49 =	vld.idx.msk [tilespmem:v51+s16+$0x0], $0xffff  }
0x280: {  	v51 =	vld.idx.msk [tilespmem:v53+s16+$0x0], $0xffff  }
0x281: {  	v0 =	vadd.f32 v9, v0;
	v9 =	vld [tilespmem:$0x1FC60]  }
0x282: {  	v47 =	vadd.f32 v63, v47;
	v2 =	vadd.f32 v16, v2;
	v16 =	vld [tilespmem:$0x1FCF0]  }
0x283: {  	v1 =	vadd.f32 v17, v1;
	v17 =	vld [tilespmem:$0x1FC80]  }
0x284: {  	v3 =	vadd.f32 v3, v47;
	v53 =	vld.idx.msk [tilespmem:v55+s16+$0x0], $0xffff  }
0x285: {  	v55 =	vld.idx.msk [tilespmem:v58+s18+$0x0], $0xffff  }
0x286: {  	v3 =	vadd.f32 v11, v3;
	v11 =	vld [tilespmem:$0x1FC50]  }
0x287: {  	v0 =	vadd.f32 v14, v0;
	v14 =	vld [tilespmem:$0x1FDD0]  }
0x288: {  	v2 =	vadd.f32 v18, v2;
	v18 =	vld [tilespmem:$0x1FC90]  }
0x289: {  	v1 =	vadd.f32 v21, v1;
	v21 =	vld [tilespmem:$0x1FCC0]  }
0x28a: {  	v29 =	vld.idx.msk [tilespmem:v34+s16+$0x0], $0xffff  }
0x28b: {  	v34 =	vld [tilespmem:$0x1FEB0]  }
0x28c: {  	v7 =	vld.idx.msk [tilespmem:v7+s18+$0x0], $0xffff  }
0x28d: {  	v8 =	vld.idx.msk [tilespmem:v8+s18+$0x0], $0xffff  }
0x28e: {  	v3 =	vadd.f32 v10, v3;
	v10 =	vld [tilespmem:$0x1FC70]  }
0x28f: {  	v2 =	vadd.f32 v22, v2;
	v22 =	vld [tilespmem:$0x1FCD0]  }
0x290: {  	v33 =	vld.idx.msk [tilespmem:v33+s16+$0x0], $0xffff  }
0x291: {  	v35 =	vld.idx.msk [tilespmem:v35+s16+$0x0], $0xffff  }
0x292: {  	v36 =	vld.idx.msk [tilespmem:v36+s16+$0x0], $0xffff  }
0x293: {  	v12 =	vld.idx.msk [tilespmem:v12+s18+$0x0], $0xffff  }
0x294: {  	v0 =	vadd.f32 v37, v0;
	v13 =	vld.idx.msk [tilespmem:v13+s18+$0x0], $0xffff  }
0x295: {  	v3 =	vadd.f32 v15, v3;
	v15 =	vld [tilespmem:$0x1FD10]  }
0x296: {  	v0 =	vadd.f32 v20, v0;
	v20 =	vld [tilespmem:$0x1FCB0]  }
0x297: {  	v9 =	vld.idx.msk [tilespmem:v9+s18+$0x0], $0xffff  }
0x298: {  	v16 =	vld.idx.msk [tilespmem:v16+s18+$0x0], $0xffff  }
0x299: {  	v17 =	vld.idx.msk [tilespmem:v17+s18+$0x0], $0xffff  }
0x29a: {  	v3 =	vadd.f32 v19, v3;
	v19 =	vld [tilespmem:$0x1FCA0]  }
0x29b: {  	v0 =	vadd.f32 v24, v0;
	v24 =	vld [tilespmem:$0x1FE10]  }
0x29c: {  	v11 =	vld.idx.msk [tilespmem:v11+s18+$0x0], $0xffff  }
0x29d: {  	v1 =	vadd.f32 v25, v1;
	v14 =	vld.idx.msk [tilespmem:v14+s18+$0x0], $0xffff  }
0x29e: {  	v18 =	vld.idx.msk [tilespmem:v18+s18+$0x0], $0xffff  }
0x29f: {  	v1 =	vadd.f32 v29, v1;
	v3 =	vadd.f32 v23, v3;
	v21 =	vld.idx.msk [tilespmem:v21+s18+$0x0], $0xffff  }
0x2a0: {  	v0 =	vadd.f32 v28, v0;
	v23 =	vld [tilespmem:$0x1FCE0]  }
0x2a1: {  	v1 =	vadd.f32 v33, v1;
	v34 =	vld.idx.msk [tilespmem:v34+s16+$0x0], $0xffff;
	v3 =	vadd.f32 v27, v3  }
0x2a2: {  	v2 =	vadd.f32 v26, v2;
	v10 =	vld.idx.msk [tilespmem:v10+s18+$0x0], $0xffff;
	v0 =	vadd.f32 v32, v0  }
0x2a3: {  	v1 =	vadd.f32 v48, v1;
	v22 =	vld.idx.msk [tilespmem:v22+s18+$0x0], $0xffff;
	v3 =	vadd.f32 v31, v3  }
0x2a4: {  	v2 =	vadd.f32 v30, v2;
	v15 =	vld.idx.msk [tilespmem:v15+s18+$0x0], $0xffff;
	v0 =	vadd.f32 v36, v0  }
0x2a5: {  	v20 =	vld.idx.msk [tilespmem:v20+s18+$0x0], $0xffff;
	v1 =	vadd.f32 v52, v1;
	v3 =	vadd.f32 v35, v3  }
0x2a6: {  	v2 =	vadd.f32 v34, v2;
	v19 =	vld.idx.msk [tilespmem:v19+s18+$0x0], $0xffff;
	v0 =	vadd.f32 v51, v0  }
0x2a7: {  	v1 =	vadd.f32 v44, v1;
	v24 =	vld.idx.msk [tilespmem:v24+s18+$0x0], $0xffff;
	v3 =	vadd.f32 v50, v3  }
0x2a8: {  	v2 =	vadd.f32 v49, v2;
	v23 =	vld.idx.msk [tilespmem:v23+s18+$0x0], $0xffff;
	v0 =	vadd.f32 v55, v0  }
0x2a9: {  	v1 =	vadd.f32 v6, v1;
	v6 =	vld [tilespmem:$0x1FD20];
	v3 =	vadd.f32 v57, v3  }
0x2aa: {  	v0 =	vadd.f32 v5, v0;
	v5 =	vld [tilespmem:$0x1FDF0]  }
0x2ab: {  	v2 =	vadd.f32 v53, v2;
	v3 =	vadd.f32 v4, v3;
	v4 =	vld [tilespmem:$0x1FFF0]  }
0x2ac: {  	v1 =	vadd.f32 v10, v1;
	v10 =	vld [tilespmem:$0x1FD60]  }
0x2ad: {  	v2 =	vadd.f32 v62, v2;
	v0 =	vadd.f32 v9, v0;
	v9 =	vld [tilespmem:$0x1FD50]  }
0x2ae: {  	v1 =	vadd.f32 v14, v1;
	v14 =	vld [tilespmem:$0x1FDA0]  }
0x2af: {  	v2 =	vadd.f32 v7, v2;
	v7 =	vld [tilespmem:$0x1FD30]  }
0x2b0: {  	v3 =	vadd.f32 v8, v3;
	v8 =	vld [tilespmem:$0x1FD40]  }
0x2b1: {  	v0 =	vadd.f32 v13, v0;
	v13 =	vld [tilespmem:$0x1FD90]  }
0x2b2: {  	v6 =	vld.idx.msk [tilespmem:v6+s18+$0x0], $0xffff  }
0x2b3: {  	v4 =	vld.idx.msk [tilespmem:v4+s18+$0x0], $0xffff  }
0x2b4: {  	v2 =	vadd.f32 v11, v2;
	v0 =	vadd.f32 v17, v0;
	v11 =	vld [tilespmem:$0x1FD70]  }
0x2b5: {  	v3 =	vadd.f32 v12, v3;
	v12 =	vld [tilespmem:$0x1FD80]  }
0x2b6: {  	v5 =	vld.idx.msk [tilespmem:v5+s18+$0x0], $0xffff;
	v0 =	vadd.f32 v21, v0  }
0x2b7: {  	v10 =	vld.idx.msk [tilespmem:v10+s18+$0x0], $0xffff  }
0x2b8: {  	v0 =	vadd.f32 v4, v0;
	v4 =	vld [tilespmem:$0x1FDB0]  }
0x2b9: {  	v9 =	vld.idx.msk [tilespmem:v9+s18+$0x0], $0xffff  }
0x2ba: {  	v2 =	vadd.f32 v15, v2;
	v14 =	vld.idx.msk [tilespmem:v14+s18+$0x0], $0xffff  }
0x2bb: {  	v3 =	vadd.f32 v16, v3;
	v7 =	vld.idx.msk [tilespmem:v7+s18+$0x0], $0xffff  }
0x2bc: {  	v1 =	vadd.f32 v18, v1;
	v2 =	vadd.f32 v19, v2;
	v8 =	vld.idx.msk [tilespmem:v8+s18+$0x0], $0xffff  }
0x2bd: {  	v3 =	vadd.f32 v20, v3;
	v13 =	vld.idx.msk [tilespmem:v13+s18+$0x0], $0xffff  }
0x2be: {  	v1 =	vadd.f32 v22, v1;
	v2 =	vadd.f32 v23, v2;
	v11 =	vld.idx.msk [tilespmem:v11+s18+$0x0], $0xffff  }
0x2bf: {  	v3 =	vadd.f32 v24, v3;
	v12 =	vld.idx.msk [tilespmem:v12+s18+$0x0], $0xffff  }
0x2c0: {  	v1 =	vadd.f32 v5, v1;
	v2 =	vadd.f32 v6, v2;
	v4 =	vld.idx.msk [tilespmem:v4+s18+$0x0], $0xffff  }
0x2c1: {  	v3 =	vadd.f32 v7, v3  }
0x2c2: {  	v1 =	vadd.f32 v9, v1;
	v2 =	vadd.f32 v10, v2  }
0x2c3: {  	v0 =	vadd.f32 v8, v0;
	v3 =	vadd.f32 v11, v3  }
0x2c4: {  	v1 =	vadd.f32 v13, v1;
	v2 =	vadd.f32 v14, v2  }
0x2c5: {  	v0 =	vadd.f32 v12, v0;
	v3 =	vadd.f32 v4, v3;
	_ =	sdelay $0x1  }
0x2c6: {  	s23 =	sadd.s32 $0xFFFFFFFD, s19;
	v63 =	vmov v41;
	v0 =	vadd.f32 v1, v0;
	v41 =	vadd.f32 v3, v2  }
0x2c7: {  	s23 =	sand.u32 $0x7C, s23  }
0x2c8: {  	s23 =	smul.u32 $0x320, s23;
	v0 =	vadd.f32 v41, v0;
	_ =	sdelay $0x1  }
0x2c9: {  	s23 =	sshrl.u32 s23, $0x2;
	[tilespmem:s21+$0xFFFFFFE0] =	vst v0  }
0x2ca: {  	[tilespmem:s16], [sflag:$0x1] =	stream.indirect.gather [hbm4b:s3+s11], $0x10, s23, s11, $0xb8;
	[tilespmem:$0xAB00] =	vst v63  }
0x2cb: {  	s23 =	sadd.s32 $0x80, s23  }
0x2cc: {  	[tilespmem:s18], [sflag:$0x1] =	stream.indirect.gather [hbm4b:s3+s17], $0x10, s23, s17, $0xb8;
	[tilespmem:$0xAB00] =	vst v63  }
0x2cd: {  	_ =	swait.ge [sflag:s1], $0x800  }
0x2ce: {  	[sflag:s1] =	ssyncset.done $0x0  }
0x2cf: {  	[sflag:s1] =	ssyncadd.s32 $0xFFFFF800  }
0x2d0: {  	_ =	swait.ge [sflag:s1], $0x480  }
0x2d1: {  	v44 =	vld [tilespmem:$0x1FC30]  }
0x2d2: {  	v45 =	vld [tilespmem:$0x1FC40]  }
0x2d3: {  	v6 =	vld [tilespmem:$0x1FC00]  }
0x2d4: {  	v7 =	vld [tilespmem:$0x1FC10]  }
0x2d5: {  	v8 =	vld [tilespmem:$0x1FC60]  }
0x2d6: {  	v9 =	vld [tilespmem:$0x1FC70]  }
0x2d7: {  	v10 =	vld [tilespmem:$0x1FC50]  }
0x2d8: {  	v11 =	vld [tilespmem:$0x1FD00]  }
0x2d9: {  	v12 =	vld [tilespmem:$0x1FC20]  }
0x2da: {  	v13 =	vld [tilespmem:$0x1FDD0]  }
0x2db: {  	v14 =	vld [tilespmem:$0x1FD10]  }
0x2dc: {  	v15 =	vld [tilespmem:$0x1FCF0]  }
0x2dd: {  	v16 =	vld [tilespmem:$0x1FC80]  }
0x2de: {  	v17 =	vld [tilespmem:$0x1FC90]  }
0x2df: {  	v18 =	vld [tilespmem:$0x1FCA0]  }
0x2e0: {  	v19 =	vld [tilespmem:$0x1FCB0]  }
0x2e1: {  	v20 =	vld [tilespmem:$0x1FCC0]  }
0x2e2: {  	v21 =	vld [tilespmem:$0x1FCD0]  }
0x2e3: {  	v22 =	vld [tilespmem:$0x1FCE0]  }
0x2e4: {  	v23 =	vld [tilespmem:$0x1FE10]  }
0x2e5: {  	v24 =	vld [tilespmem:$0x1FFF0]  }
0x2e6: {  	v25 =	vld [tilespmem:$0x1FDF0]  }
0x2e7: {  	v26 =	vld [tilespmem:$0x1FD20]  }
0x2e8: {  	v27 =	vld [tilespmem:$0x1FD30]  }
0x2e9: {  	v28 =	vld [tilespmem:$0x1FD40]  }
0x2ea: {  	v29 =	vld [tilespmem:$0x1FD50]  }
0x2eb: {  	v30 =	vld [tilespmem:$0x1FD60]  }
0x2ec: {  	v31 =	vld [tilespmem:$0x1FD70]  }
0x2ed: {  	v46 =	vld [tilespmem:$0x1FD80]  }
0x2ee: {  	v47 =	vld [tilespmem:$0x1FD90]  }
0x2ef: {  	v48 =	vld [tilespmem:$0x1FDA0]  }
0x2f0: {  	v49 =	vld [tilespmem:$0x1FDB0]  }
0x2f1: {  	v50 =	vld [tilespmem:$0x1FE30]  }
0x2f2: {  	v51 =	vld [tilespmem:$0x1FF10]  }
0x2f3: {  	v52 =	vld [tilespmem:$0x1FE40]  }
0x2f4: {  	v53 =	vld [tilespmem:$0x1FF20]  }
0x2f5: {  	v54 =	vld [tilespmem:$0x1FF30]  }
0x2f6: {  	v55 =	vld [tilespmem:$0x1FE60]  }
0x2f7: {  	v56 =	vld [tilespmem:$0x1FF40]  }
0x2f8: {  	v57 =	vld [tilespmem:$0x1FE70]  }
0x2f9: {  	v58 =	vld [tilespmem:$0x1FF50]  }
0x2fa: {  	v59 =	vld [tilespmem:$0x1FE80]  }
0x2fb: {  	v60 =	vld [tilespmem:$0x1FF60]  }
0x2fc: {  	[sflag:s1] =	ssyncset.done $0x0;
	v61 =	vld [tilespmem:$0x1FE90]  }
0x2fd: {  	v62 =	vld [tilespmem:$0x1FF70];
	[sflag:s1] =	ssyncadd.s32 $0xFFFFFB80  }
0x2fe: {  	v2 =	vld.idx.msk [tilespmem:v39+s20+$0x0], $0xffff  }
0x2ff: {  	v3 =	vld.idx.msk [tilespmem:v40+s20+$0x0], $0xffff  }
0x300: {  	v4 =	vld.idx.msk [tilespmem:v63+s20+$0x0], $0xffff  }
0x301: {  	v5 =	vld.idx.msk [tilespmem:v38+s20+$0x0], $0xffff  }
0x302: {  	v36 =	vld.idx.msk [tilespmem:v42+s20+$0x0], $0xffff  }
0x303: {  	v0 =	vld.idx.msk [tilespmem:v44+s20+$0x0], $0xffff  }
0x304: {  	v1 =	vld.idx.msk [tilespmem:v45+s20+$0x0], $0xffff  }
0x305: {  	v6 =	vld.idx.msk [tilespmem:v6+s20+$0x0], $0xffff  }
0x306: {  	v7 =	vld.idx.msk [tilespmem:v7+s20+$0x0], $0xffff  }
0x307: {  	v8 =	vld.idx.msk [tilespmem:v8+s20+$0x0], $0xffff  }
0x308: {  	v9 =	vld.idx.msk [tilespmem:v9+s20+$0x0], $0xffff  }
0x309: {  	v10 =	vld.idx.msk [tilespmem:v10+s20+$0x0], $0xffff  }
0x30a: {  	v11 =	vld.idx.msk [tilespmem:v11+s20+$0x0], $0xffff  }
0x30b: {  	v12 =	vld.idx.msk [tilespmem:v12+s20+$0x0], $0xffff  }
0x30c: {  	v13 =	vld.idx.msk [tilespmem:v13+s20+$0x0], $0xffff  }
0x30d: {  	v14 =	vld.idx.msk [tilespmem:v14+s20+$0x0], $0xffff  }
0x30e: {  	v15 =	vld.idx.msk [tilespmem:v15+s20+$0x0], $0xffff  }
0x30f: {  	v16 =	vld.idx.msk [tilespmem:v16+s20+$0x0], $0xffff  }
0x310: {  	v17 =	vld.idx.msk [tilespmem:v17+s20+$0x0], $0xffff  }
0x311: {  	v18 =	vld.idx.msk [tilespmem:v18+s20+$0x0], $0xffff  }
0x312: {  	v19 =	vld.idx.msk [tilespmem:v19+s20+$0x0], $0xffff  }
0x313: {  	v20 =	vld.idx.msk [tilespmem:v20+s20+$0x0], $0xffff  }
0x314: {  	v21 =	vld.idx.msk [tilespmem:v21+s20+$0x0], $0xffff  }
0x315: {  	v22 =	vld.idx.msk [tilespmem:v22+s20+$0x0], $0xffff  }
0x316: {  	v23 =	vld.idx.msk [tilespmem:v23+s20+$0x0], $0xffff  }
0x317: {  	v24 =	vld.idx.msk [tilespmem:v24+s20+$0x0], $0xffff  }
0x318: {  	v25 =	vld.idx.msk [tilespmem:v25+s20+$0x0], $0xffff  }
0x319: {  	v26 =	vld.idx.msk [tilespmem:v26+s20+$0x0], $0xffff  }
0x31a: {  	v27 =	vld.idx.msk [tilespmem:v27+s20+$0x0], $0xffff  }
0x31b: {  	v28 =	vld.idx.msk [tilespmem:v28+s20+$0x0], $0xffff  }
0x31c: {  	v29 =	vld.idx.msk [tilespmem:v29+s20+$0x0], $0xffff  }
0x31d: {  	v30 =	vld.idx.msk [tilespmem:v30+s20+$0x0], $0xffff  }
0x31e: {  	v31 =	vld.idx.msk [tilespmem:v31+s20+$0x0], $0xffff  }
0x31f: {  	v32 =	vld.idx.msk [tilespmem:v46+s20+$0x0], $0xffff  }
0x320: {  	v33 =	vld.idx.msk [tilespmem:v47+s20+$0x0], $0xffff  }
0x321: {  	v34 =	vld.idx.msk [tilespmem:v48+s20+$0x0], $0xffff  }
0x322: {  	v35 =	vld.idx.msk [tilespmem:v49+s20+$0x0], $0xffff  }
0x323: {  	v44 =	vld.idx.msk [tilespmem:v43+s20+$0x0], $0xffff  }
0x324: {  	v45 =	vld.idx.msk [tilespmem:v50+s20+$0x0], $0xffff  }
0x325: {  	v46 =	vld.idx.msk [tilespmem:v51+s20+$0x0], $0xffff  }
0x326: {  	v47 =	vld.idx.msk [tilespmem:v52+s20+$0x0], $0xffff  }
0x327: {  	v48 =	vld.idx.msk [tilespmem:v53+s20+$0x0], $0xffff  }
0x328: {  	v43 =	vld [tilespmem:$0x1FE50]  }
0x329: {  	v50 =	vld.idx.msk [tilespmem:v54+s20+$0x0], $0xffff  }
0x32a: {  	v51 =	vld.idx.msk [tilespmem:v55+s20+$0x0], $0xffff  }
0x32b: {  	v52 =	vld.idx.msk [tilespmem:v56+s20+$0x0], $0xffff  }
0x32c: {  	v53 =	vld.idx.msk [tilespmem:v57+s20+$0x0], $0xffff  }
0x32d: {  	v54 =	vld.idx.msk [tilespmem:v58+s20+$0x0], $0xffff  }
0x32e: {  	v55 =	vld.idx.msk [tilespmem:v59+s20+$0x0], $0xffff  }
0x32f: {  	v56 =	vld.idx.msk [tilespmem:v60+s20+$0x0], $0xffff  }
0x330: {  	v57 =	vld.idx.msk [tilespmem:v61+s20+$0x0], $0xffff  }
0x331: {  	v58 =	vld.idx.msk [tilespmem:v62+s20+$0x0], $0xffff  }
0x332: {  	v49 =	vld.idx.msk [tilespmem:v43+s20+$0x0], $0xffff  }
0x333: {  	v41 =	vmov v40;
	v40 =	vmov v63;
	v63 =	vld [tilespmem:$0x1FEA0]  }
0x334: {  	v37 =	vmov v39;
	v0 =	vadd.f32 $0.0e+00, v0;
	v39 =	vld [tilespmem:$0x1FF80]  }
0x335: {  	v1 =	vadd.f32 $0.0e+00, v1;
	v42 =	vld [tilespmem:$0x1FEB0]  }
0x336: {  	v2 =	vadd.f32 $0.0e+00, v2;
	v0 =	vadd.f32 v4, v0;
	v4 =	vld [tilespmem:$0x1FFA0]  }
0x337: {  	v3 =	vadd.f32 $0.0e+00, v3;
	v1 =	vadd.f32 v5, v1;
	v5 =	vld [tilespmem:$0x1FED0]  }
0x338: {  	v2 =	vadd.f32 v6, v2;
	v6 =	vld [tilespmem:$0x1FFB0]  }
0x339: {  	v3 =	vadd.f32 v7, v3;
	v7 =	vld [tilespmem:$0x1FEE0]  }
0x33a: {  	v2 =	vadd.f32 v10, v2;
	v10 =	vld [tilespmem:$0x1FFD0]  }
0x33b: {  	v3 =	vadd.f32 v11, v3;
	v11 =	vld [tilespmem:$0x1FC30]  }
0x33c: {  	v0 =	vadd.f32 v8, v0;
	v8 =	vld [tilespmem:$0x1FFC0]  }
0x33d: {  	v1 =	vadd.f32 v9, v1;
	v9 =	vld [tilespmem:$0x1FEF0]  }
0x33e: {  	v2 =	vadd.f32 v14, v2;
	v14 =	vld.idx.msk [tilespmem:v41+s22+$0x0], $0xffff  }
0x33f: {  	v3 =	vadd.f32 v15, v3;
	v15 =	vld.idx.msk [tilespmem:v40+s22+$0x0], $0xffff  }
0x340: {  	v0 =	vadd.f32 v12, v0;
	v12 =	vld [tilespmem:$0x1FC40]  }
0x341: {  	v1 =	vadd.f32 v13, v1;
	v13 =	vld.idx.msk [tilespmem:v37+s22+$0x0], $0xffff  }
0x342: {  	v2 =	vadd.f32 v18, v2;
	v18 =	vld [tilespmem:$0x1FC10]  }
0x343: {  	v3 =	vadd.f32 v19, v3;
	v19 =	vld [tilespmem:$0x1FC60]  }
0x344: {  	v0 =	vadd.f32 v16, v0;
	v16 =	vld.idx.msk [tilespmem:v38+s22+$0x0], $0xffff  }
0x345: {  	v1 =	vadd.f32 v17, v1;
	v17 =	vld [tilespmem:$0x1FC00]  }
0x346: {  	v2 =	vadd.f32 v22, v2;
	v22 =	vld [tilespmem:$0x1FD00]  }
0x347: {  	v3 =	vadd.f32 v23, v3;
	v23 =	vld [tilespmem:$0x1FC20]  }
0x348: {  	v0 =	vadd.f32 v20, v0;
	v20 =	vld [tilespmem:$0x1FC70]  }
0x349: {  	v1 =	vadd.f32 v21, v1;
	v21 =	vld [tilespmem:$0x1FC50]  }
0x34a: {  	v2 =	vadd.f32 v26, v2;
	v26 =	vld [tilespmem:$0x1FCF0]  }
0x34b: {  	v3 =	vadd.f32 v27, v3;
	v27 =	vld [tilespmem:$0x1FC80]  }
0x34c: {  	v59 =	vld.idx.msk [tilespmem:v63+s20+$0x0], $0xffff  }
0x34d: {  	v60 =	vld.idx.msk [tilespmem:v39+s20+$0x0], $0xffff  }
0x34e: {  	v61 =	vld.idx.msk [tilespmem:v42+s20+$0x0], $0xffff  }
0x34f: {  	v39 =	vld [tilespmem:$0x1FF90]  }
0x350: {  	v42 =	vld [tilespmem:$0x1FEC0]  }
0x351: {  	v4 =	vld.idx.msk [tilespmem:v4+s20+$0x0], $0xffff  }
0x352: {  	v5 =	vld.idx.msk [tilespmem:v5+s20+$0x0], $0xffff  }
0x353: {  	v6 =	vld.idx.msk [tilespmem:v6+s20+$0x0], $0xffff  }
0x354: {  	v7 =	vld.idx.msk [tilespmem:v7+s20+$0x0], $0xffff  }
0x355: {  	v10 =	vld.idx.msk [tilespmem:v10+s20+$0x0], $0xffff  }
0x356: {  	v11 =	vld.idx.msk [tilespmem:v11+s22+$0x0], $0xffff  }
0x357: {  	v8 =	vld.idx.msk [tilespmem:v8+s20+$0x0], $0xffff  }
0x358: {  	v9 =	vld.idx.msk [tilespmem:v9+s20+$0x0], $0xffff  }
0x359: {  	v0 =	vadd.f32 v24, v0;
	v24 =	vld [tilespmem:$0x1FDD0]  }
0x35a: {  	v1 =	vadd.f32 v25, v1;
	v25 =	vld [tilespmem:$0x1FD10]  }
0x35b: {  	v12 =	vld.idx.msk [tilespmem:v12+s22+$0x0], $0xffff  }
0x35c: {  	v18 =	vld.idx.msk [tilespmem:v18+s22+$0x0], $0xffff  }
0x35d: {  	v19 =	vld.idx.msk [tilespmem:v19+s22+$0x0], $0xffff  }
0x35e: {  	v0 =	vadd.f32 v28, v0;
	v28 =	vld [tilespmem:$0x1FC90]  }
0x35f: {  	v2 =	vadd.f32 v30, v2;
	v1 =	vadd.f32 v29, v1;
	v29 =	vld [tilespmem:$0x1FCA0]  }
0x360: {  	v3 =	vadd.f32 v31, v3;
	v17 =	vld.idx.msk [tilespmem:v17+s22+$0x0], $0xffff  }
0x361: {  	v2 =	vadd.f32 v34, v2;
	v22 =	vld.idx.msk [tilespmem:v22+s22+$0x0], $0xffff  }
0x362: {  	v3 =	vadd.f32 v35, v3;
	v23 =	vld.idx.msk [tilespmem:v23+s22+$0x0], $0xffff  }
0x363: {  	v1 =	vadd.f32 v33, v1;
	v2 =	vadd.f32 v45, v2;
	v20 =	vld.idx.msk [tilespmem:v20+s22+$0x0], $0xffff  }
0x364: {  	v0 =	vadd.f32 v32, v0;
	v3 =	vadd.f32 v46, v3;
	v21 =	vld.idx.msk [tilespmem:v21+s22+$0x0], $0xffff  }
0x365: {  	v1 =	vadd.f32 v44, v1;
	v2 =	vadd.f32 v49, v2;
	v26 =	vld.idx.msk [tilespmem:v26+s22+$0x0], $0xffff  }
0x366: {  	v0 =	vadd.f32 v36, v0;
	v3 =	vadd.f32 v50, v3;
	v27 =	vld.idx.msk [tilespmem:v27+s22+$0x0], $0xffff  }
0x367: {  	v62 =	vld.idx.msk [tilespmem:v39+s20+$0x0], $0xffff;
	v1 =	vadd.f32 v48, v1;
	v2 =	vadd.f32 v53, v2  }
0x368: {  	v63 =	vld.idx.msk [tilespmem:v42+s20+$0x0], $0xffff;
	v0 =	vadd.f32 v47, v0;
	v3 =	vadd.f32 v54, v3  }
0x369: {  	v24 =	vld.idx.msk [tilespmem:v24+s22+$0x0], $0xffff;
	v1 =	vadd.f32 v52, v1;
	v2 =	vadd.f32 v57, v2  }
0x36a: {  	v25 =	vld.idx.msk [tilespmem:v25+s22+$0x0], $0xffff;
	v0 =	vadd.f32 v51, v0;
	v3 =	vadd.f32 v58, v3  }
0x36b: {  	v28 =	vld.idx.msk [tilespmem:v28+s22+$0x0], $0xffff;
	v1 =	vadd.f32 v56, v1;
	v2 =	vadd.f32 v61, v2  }
0x36c: {  	v29 =	vld.idx.msk [tilespmem:v29+s22+$0x0], $0xffff;
	v0 =	vadd.f32 v55, v0;
	v3 =	vadd.f32 v62, v3  }
0x36d: {  	v1 =	vadd.f32 v60, v1;
	v2 =	vadd.f32 v5, v2;
	v5 =	vld [tilespmem:$0x1FCC0]  }
0x36e: {  	v0 =	vadd.f32 v59, v0;
	v3 =	vadd.f32 v6, v3;
	v6 =	vld [tilespmem:$0x1FCD0]  }
0x36f: {  	v1 =	vadd.f32 v4, v1;
	v4 =	vld [tilespmem:$0x1FCB0]  }
0x370: {  	v0 =	vadd.f32 v63, v0;
	v2 =	vadd.f32 v9, v2;
	v9 =	vld [tilespmem:$0x1FFF0]  }
0x371: {  	v3 =	vadd.f32 v10, v3;
	v10 =	vld [tilespmem:$0x1FDF0]  }
0x372: {  	v0 =	vadd.f32 v7, v0;
	v7 =	vld [tilespmem:$0x1FCE0]  }
0x373: {  	v1 =	vadd.f32 v8, v1;
	v8 =	vld [tilespmem:$0x1FE10]  }
0x374: {  	v2 =	vadd.f32 v13, v2;
	v13 =	vld [tilespmem:$0x1FD40]  }
0x375: {  	v3 =	vadd.f32 v14, v3;
	v14 =	vld [tilespmem:$0x1FD50]  }
0x376: {  	v0 =	vadd.f32 v11, v0;
	v11 =	vld [tilespmem:$0x1FD20]  }
0x377: {  	v1 =	vadd.f32 v12, v1;
	v12 =	vld [tilespmem:$0x1FD30]  }
0x378: {  	v5 =	vld.idx.msk [tilespmem:v5+s22+$0x0], $0xffff  }
0x379: {  	v6 =	vld.idx.msk [tilespmem:v6+s22+$0x0], $0xffff  }
0x37a: {  	v0 =	vadd.f32 v15, v0;
	v15 =	vld [tilespmem:$0x1FD60]  }
0x37b: {  	v1 =	vadd.f32 v16, v1;
	v16 =	vld [tilespmem:$0x1FD70]  }
0x37c: {  	v4 =	vld.idx.msk [tilespmem:v4+s22+$0x0], $0xffff  }
0x37d: {  	v3 =	vadd.f32 v18, v3;
	v9 =	vld.idx.msk [tilespmem:v9+s22+$0x0], $0xffff  }
0x37e: {  	v2 =	vadd.f32 v17, v2;
	v10 =	vld.idx.msk [tilespmem:v10+s22+$0x0], $0xffff;
	v0 =	vadd.f32 v19, v0  }
0x37f: {  	v3 =	vadd.f32 v22, v3;
	v1 =	vadd.f32 v20, v1;
	v7 =	vld.idx.msk [tilespmem:v7+s22+$0x0], $0xffff  }
0x380: {  	v2 =	vadd.f32 v21, v2;
	v8 =	vld.idx.msk [tilespmem:v8+s22+$0x0], $0xffff;
	v0 =	vadd.f32 v23, v0  }
0x381: {  	v3 =	vadd.f32 v26, v3;
	v13 =	vld.idx.msk [tilespmem:v13+s22+$0x0], $0xffff;
	v1 =	vadd.f32 v24, v1  }
0x382: {  	v2 =	vadd.f32 v25, v2;
	v14 =	vld.idx.msk [tilespmem:v14+s22+$0x0], $0xffff;
	v0 =	vadd.f32 v27, v0  }
0x383: {  	v1 =	vadd.f32 v28, v1;
	v3 =	vadd.f32 v4, v3;
	v4 =	vld [tilespmem:$0x1FD80]  }
0x384: {  	v2 =	vadd.f32 v29, v2;
	v0 =	vadd.f32 v5, v0;
	v5 =	vld [tilespmem:$0x1FD90]  }
0x385: {  	v1 =	vadd.f32 v6, v1;
	v6 =	vld [tilespmem:$0x1FDA0]  }
0x386: {  	v2 =	vadd.f32 v7, v2;
	v7 =	vld [tilespmem:$0x1FDB0]  }
0x387: {  	v11 =	vld.idx.msk [tilespmem:v11+s22+$0x0], $0xffff  }
0x388: {  	v12 =	vld.idx.msk [tilespmem:v12+s22+$0x0], $0xffff  }
0x389: {  	v15 =	vld.idx.msk [tilespmem:v15+s22+$0x0], $0xffff  }
0x38a: {  	v16 =	vld.idx.msk [tilespmem:v16+s22+$0x0], $0xffff  }
0x38b: {  	v4 =	vld.idx.msk [tilespmem:v4+s22+$0x0], $0xffff  }
0x38c: {  	v5 =	vld.idx.msk [tilespmem:v5+s22+$0x0], $0xffff  }
0x38d: {  	v3 =	vadd.f32 v8, v3;
	v6 =	vld.idx.msk [tilespmem:v6+s22+$0x0], $0xffff  }
0x38e: {  	v0 =	vadd.f32 v9, v0;
	v1 =	vadd.f32 v10, v1;
	v7 =	vld.idx.msk [tilespmem:v7+s22+$0x0], $0xffff  }
0x38f: {  	v2 =	vadd.f32 v11, v2;
	v3 =	vadd.f32 v12, v3  }
0x390: {  	v0 =	vadd.f32 v13, v0;
	v1 =	vadd.f32 v14, v1  }
0x391: {  	v2 =	vadd.f32 v15, v2;
	v3 =	vadd.f32 v16, v3  }
0x392: {  	v0 =	vadd.f32 v4, v0;
	v1 =	vadd.f32 v5, v1  }
0x393: {  	v2 =	vadd.f32 v6, v2;
	v3 =	vadd.f32 v7, v3;
	_ =	sdelay $0x1  }
0x394: {  	s23 =	sadd.s32 $0xFFFFFFFE, s19;
	v0 =	vadd.f32 v1, v0;
	v48 =	vadd.f32 v3, v2  }
0x395: {  	s23 =	sand.u32 $0x7D, s23  }
0x396: {  	s23 =	smul.u32 $0x320, s23;
	v0 =	vadd.f32 v48, v0;
	_ =	sdelay $0x1  }
0x397: {  	s23 =	sshrl.u32 s23, $0x2;
	[tilespmem:s21+$0xFFFFFFF0] =	vst v0  }
0x398: {  	[tilespmem:s20], [sflag:$0x2] =	stream.indirect.gather [hbm4b:s3+s11], $0x10, s23, s11, $0xb8;
	[tilespmem:$0xAB00] =	vst v63  }
0x399: {  	s23 =	sadd.s32 $0x80, s23  }
0x39a: {  	[tilespmem:s22], [sflag:$0x2] =	stream.indirect.gather [hbm4b:s3+s17], $0x10, s23, s17, $0xb8;
	[tilespmem:$0xAB00] =	vst v63  }
0x39b: {  	_ =	swait.ge [sflag:s0], $0x800  }
0x39c: {  	[sflag:s0] =	ssyncset.done $0x0  }
0x39d: {  	[sflag:s0] =	ssyncadd.s32 $0xFFFFF800  }
0x39e: {  	_ =	swait.ge [sflag:s0], $0x480  }
0x39f: {  	v49 =	vld [tilespmem:$0x1FC30]  }
0x3a0: {  	v50 =	vld [tilespmem:$0x1FC40]  }
0x3a1: {  	v6 =	vld [tilespmem:$0x1FC00]  }
0x3a2: {  	v7 =	vld [tilespmem:$0x1FC10]  }
0x3a3: {  	v8 =	vld [tilespmem:$0x1FC60]  }
0x3a4: {  	v9 =	vld [tilespmem:$0x1FC70]  }
0x3a5: {  	v10 =	vld [tilespmem:$0x1FC50]  }
0x3a6: {  	v11 =	vld [tilespmem:$0x1FD00]  }
0x3a7: {  	v12 =	vld [tilespmem:$0x1FC20]  }
0x3a8: {  	v13 =	vld [tilespmem:$0x1FDD0]  }
0x3a9: {  	v14 =	vld [tilespmem:$0x1FD10]  }
0x3aa: {  	v15 =	vld [tilespmem:$0x1FCF0]  }
0x3ab: {  	v16 =	vld [tilespmem:$0x1FC80]  }
0x3ac: {  	v17 =	vld [tilespmem:$0x1FC90]  }
0x3ad: {  	v18 =	vld [tilespmem:$0x1FCA0]  }
0x3ae: {  	v19 =	vld [tilespmem:$0x1FCB0]  }
0x3af: {  	v20 =	vld [tilespmem:$0x1FCC0]  }
0x3b0: {  	v21 =	vld [tilespmem:$0x1FCD0]  }
0x3b1: {  	v22 =	vld [tilespmem:$0x1FCE0]  }
0x3b2: {  	v23 =	vld [tilespmem:$0x1FE10]  }
0x3b3: {  	v24 =	vld [tilespmem:$0x1FFF0]  }
0x3b4: {  	v25 =	vld [tilespmem:$0x1FDF0]  }
0x3b5: {  	v26 =	vld [tilespmem:$0x1FD20]  }
0x3b6: {  	v27 =	vld [tilespmem:$0x1FD30]  }
0x3b7: {  	v28 =	vld [tilespmem:$0x1FD40]  }
0x3b8: {  	v29 =	vld [tilespmem:$0x1FD50]  }
0x3b9: {  	v30 =	vld [tilespmem:$0x1FD60]  }
0x3ba: {  	v31 =	vld [tilespmem:$0x1FD70]  }
0x3bb: {  	v51 =	vld [tilespmem:$0x1FD80]  }
0x3bc: {  	v52 =	vld [tilespmem:$0x1FD90]  }
0x3bd: {  	v53 =	vld [tilespmem:$0x1FDA0]  }
0x3be: {  	v54 =	vld [tilespmem:$0x1FDB0]  }
0x3bf: {  	v55 =	vld [tilespmem:$0x1FE80]  }
0x3c0: {  	v56 =	vld [tilespmem:$0x1FF60]  }
0x3c1: {  	v57 =	vld [tilespmem:$0x1FE90]  }
0x3c2: {  	v58 =	vld [tilespmem:$0x1FF70]  }
0x3c3: {  	v59 =	vld [tilespmem:$0x1FEA0]  }
0x3c4: {  	v60 =	vld [tilespmem:$0x1FF80]  }
0x3c5: {  	v61 =	vld [tilespmem:$0x1FEB0]  }
0x3c6: {  	[sflag:s0] =	ssyncset.done $0x0;
	v62 =	vld [tilespmem:$0x1FF90]  }
0x3c7: {  	v63 =	vld [tilespmem:$0x1FEC0];
	[sflag:s0] =	ssyncadd.s32 $0xFFFFFB80  }
0x3c8: {  	v2 =	vld.idx.msk [tilespmem:v37+s24+$0x0], $0xffff  }
0x3c9: {  	v3 =	vld.idx.msk [tilespmem:v41+s24+$0x0], $0xffff  }
0x3ca: {  	v4 =	vld.idx.msk [tilespmem:v40+s24+$0x0], $0xffff  }
0x3cb: {  	v5 =	vld.idx.msk [tilespmem:v38+s24+$0x0], $0xffff  }
0x3cc: {  	v0 =	vld.idx.msk [tilespmem:v49+s24+$0x0], $0xffff  }
0x3cd: {  	v1 =	vld.idx.msk [tilespmem:v50+s24+$0x0], $0xffff  }
0x3ce: {  	v6 =	vld.idx.msk [tilespmem:v6+s24+$0x0], $0xffff  }
0x3cf: {  	v7 =	vld.idx.msk [tilespmem:v7+s24+$0x0], $0xffff  }
0x3d0: {  	v8 =	vld.idx.msk [tilespmem:v8+s24+$0x0], $0xffff  }
0x3d1: {  	v9 =	vld.idx.msk [tilespmem:v9+s24+$0x0], $0xffff  }
0x3d2: {  	v10 =	vld.idx.msk [tilespmem:v10+s24+$0x0], $0xffff  }
0x3d3: {  	v11 =	vld.idx.msk [tilespmem:v11+s24+$0x0], $0xffff  }
0x3d4: {  	v12 =	vld.idx.msk [tilespmem:v12+s24+$0x0], $0xffff  }
0x3d5: {  	v13 =	vld.idx.msk [tilespmem:v13+s24+$0x0], $0xffff  }
0x3d6: {  	v14 =	vld.idx.msk [tilespmem:v14+s24+$0x0], $0xffff  }
0x3d7: {  	v15 =	vld.idx.msk [tilespmem:v15+s24+$0x0], $0xffff  }
0x3d8: {  	v16 =	vld.idx.msk [tilespmem:v16+s24+$0x0], $0xffff  }
0x3d9: {  	v17 =	vld.idx.msk [tilespmem:v17+s24+$0x0], $0xffff  }
0x3da: {  	v39 =	vld.idx.msk [tilespmem:v30+s24+$0x0], $0xffff  }
0x3db: {  	v30 =	vld [tilespmem:$0x1FE20]  }
0x3dc: {  	v18 =	vld.idx.msk [tilespmem:v18+s24+$0x0], $0xffff  }
0x3dd: {  	v19 =	vld.idx.msk [tilespmem:v19+s24+$0x0], $0xffff  }
0x3de: {  	v20 =	vld.idx.msk [tilespmem:v20+s24+$0x0], $0xffff  }
0x3df: {  	v21 =	vld.idx.msk [tilespmem:v21+s24+$0x0], $0xffff  }
0x3e0: {  	v22 =	vld.idx.msk [tilespmem:v22+s24+$0x0], $0xffff  }
0x3e1: {  	v23 =	vld.idx.msk [tilespmem:v23+s24+$0x0], $0xffff  }
0x3e2: {  	v24 =	vld.idx.msk [tilespmem:v24+s24+$0x0], $0xffff  }
0x3e3: {  	v36 =	vmov v37;
	v37 =	vmov v41;
	v41 =	vmov v40;
	v40 =	vld.idx.msk [tilespmem:v30+s24+$0x0], $0xffff  }
0x3e4: {  	v30 =	vld [tilespmem:$0x1FF00]  }
0x3e5: {  	v25 =	vld.idx.msk [tilespmem:v25+s24+$0x0], $0xffff  }
0x3e6: {  	v26 =	vld.idx.msk [tilespmem:v26+s24+$0x0], $0xffff  }
0x3e7: {  	v27 =	vld.idx.msk [tilespmem:v27+s24+$0x0], $0xffff  }
0x3e8: {  	v28 =	vld.idx.msk [tilespmem:v28+s24+$0x0], $0xffff  }
0x3e9: {  	v29 =	vld.idx.msk [tilespmem:v29+s24+$0x0], $0xffff  }
0x3ea: {  	v31 =	vld.idx.msk [tilespmem:v31+s24+$0x0], $0xffff  }
0x3eb: {  	v32 =	vld.idx.msk [tilespmem:v51+s24+$0x0], $0xffff  }
0x3ec: {  	v44 =	vld.idx.msk [tilespmem:v30+s24+$0x0], $0xffff  }
0x3ed: {  	v30 =	vld [tilespmem:$0x1FE30]  }
0x3ee: {  	v33 =	vld.idx.msk [tilespmem:v52+s24+$0x0], $0xffff  }
0x3ef: {  	v34 =	vld.idx.msk [tilespmem:v53+s24+$0x0], $0xffff  }
0x3f0: {  	v35 =	vld.idx.msk [tilespmem:v54+s24+$0x0], $0xffff  }
0x3f1: {  	v49 =	vld.idx.msk [tilespmem:v43+s24+$0x0], $0xffff  }
0x3f2: {  	v55 =	vld.idx.msk [tilespmem:v55+s24+$0x0], $0xffff  }
0x3f3: {  	v56 =	vld.idx.msk [tilespmem:v56+s24+$0x0], $0xffff  }
0x3f4: {  	v57 =	vld.idx.msk [tilespmem:v57+s24+$0x0], $0xffff  }
0x3f5: {  	v45 =	vld.idx.msk [tilespmem:v30+s24+$0x0], $0xffff  }
0x3f6: {  	v30 =	vld [tilespmem:$0x1FF10]  }
0x3f7: {  	v58 =	vld.idx.msk [tilespmem:v58+s24+$0x0], $0xffff  }
0x3f8: {  	v59 =	vld.idx.msk [tilespmem:v59+s24+$0x0], $0xffff  }
0x3f9: {  	v60 =	vld.idx.msk [tilespmem:v60+s24+$0x0], $0xffff  }
0x3fa: {  	v61 =	vld.idx.msk [tilespmem:v61+s24+$0x0], $0xffff  }
0x3fb: {  	v2 =	vadd.f32 $0.0e+00, v2;
	v62 =	vld.idx.msk [tilespmem:v62+s24+$0x0], $0xffff  }
0x3fc: {  	v42 =	vmov v38;
	v38 =	vld.idx.msk [tilespmem:v63+s24+$0x0], $0xffff  }
0x3fd: {  	v2 =	vadd.f32 v6, v2;
	v6 =	vld [tilespmem:$0x1FFB0]  }
0x3fe: {  	v3 =	vadd.f32 $0.0e+00, v3;
	v46 =	vld.idx.msk [tilespmem:v30+s24+$0x0], $0xffff  }
0x3ff: {  	v0 =	vadd.f32 $0.0e+00, v0;
	v30 =	vld [tilespmem:$0x1FE40]  }
0x400: {  	v1 =	vadd.f32 $0.0e+00, v1;
	v3 =	vadd.f32 v7, v3;
	v7 =	vld [tilespmem:$0x1FEE0]  }
0x401: {  	v0 =	vadd.f32 v4, v0;
	v4 =	vld [tilespmem:$0x1FFA0]  }
0x402: {  	v1 =	vadd.f32 v5, v1;
	v5 =	vld [tilespmem:$0x1FED0]  }
0x403: {  	v2 =	vadd.f32 v10, v2;
	v10 =	vld [tilespmem:$0x1FFD0]  }
0x404: {  	v3 =	vadd.f32 v11, v3;
	v11 =	vld [tilespmem:$0x1FC30]  }
0x405: {  	v0 =	vadd.f32 v8, v0;
	v8 =	vld [tilespmem:$0x1FFC0]  }
0x406: {  	v1 =	vadd.f32 v9, v1;
	v9 =	vld [tilespmem:$0x1FEF0]  }
0x407: {  	v47 =	vld.idx.msk [tilespmem:v30+s24+$0x0], $0xffff  }
0x408: {  	v30 =	vld [tilespmem:$0x1FF20]  }
0x409: {  	v2 =	vadd.f32 v14, v2;
	v14 =	vld.idx.msk [tilespmem:v37+s26+$0x0], $0xffff  }
0x40a: {  	v3 =	vadd.f32 v15, v3;
	v15 =	vld.idx.msk [tilespmem:v41+s26+$0x0], $0xffff  }
0x40b: {  	v0 =	vadd.f32 v12, v0;
	v12 =	vld [tilespmem:$0x1FC40]  }
0x40c: {  	v1 =	vadd.f32 v13, v1;
	v13 =	vld.idx.msk [tilespmem:v36+s26+$0x0], $0xffff  }
0x40d: {  	v2 =	vadd.f32 v18, v2;
	v18 =	vld [tilespmem:$0x1FC10]  }
0x40e: {  	v3 =	vadd.f32 v19, v3;
	v19 =	vld [tilespmem:$0x1FC60]  }
0x40f: {  	v6 =	vld.idx.msk [tilespmem:v6+s24+$0x0], $0xffff  }
0x410: {  	v48 =	vld.idx.msk [tilespmem:v30+s24+$0x0], $0xffff  }
0x411: {  	v30 =	vld [tilespmem:$0x1FF30]  }
0x412: {  	v7 =	vld.idx.msk [tilespmem:v7+s24+$0x0], $0xffff  }
0x413: {  	v0 =	vadd.f32 v16, v0;
	v16 =	vld.idx.msk [tilespmem:v42+s26+$0x0], $0xffff  }
0x414: {  	v1 =	vadd.f32 v17, v1;
	v17 =	vld [tilespmem:$0x1FC00]  }
0x415: {  	v2 =	vadd.f32 v22, v2;
	v22 =	vld [tilespmem:$0x1FD00]  }
0x416: {  	v3 =	vadd.f32 v23, v3;
	v23 =	vld [tilespmem:$0x1FC20]  }
0x417: {  	v4 =	vld.idx.msk [tilespmem:v4+s24+$0x0], $0xffff  }
0x418: {  	v5 =	vld.idx.msk [tilespmem:v5+s24+$0x0], $0xffff  }
0x419: {  	v50 =	vld.idx.msk [tilespmem:v30+s24+$0x0], $0xffff  }
0x41a: {  	v30 =	vld [tilespmem:$0x1FE60]  }
0x41b: {  	v10 =	vld.idx.msk [tilespmem:v10+s24+$0x0], $0xffff  }
0x41c: {  	v11 =	vld.idx.msk [tilespmem:v11+s26+$0x0], $0xffff  }
0x41d: {  	v0 =	vadd.f32 v20, v0;
	v20 =	vld [tilespmem:$0x1FC70]  }
0x41e: {  	v1 =	vadd.f32 v21, v1;
	v21 =	vld [tilespmem:$0x1FC50]  }
0x41f: {  	v2 =	vadd.f32 v26, v2;
	v26 =	vld [tilespmem:$0x1FCF0]  }
0x420: {  	v3 =	vadd.f32 v27, v3;
	v27 =	vld [tilespmem:$0x1FC80]  }
0x421: {  	v8 =	vld.idx.msk [tilespmem:v8+s24+$0x0], $0xffff  }
0x422: {  	v51 =	vld.idx.msk [tilespmem:v30+s24+$0x0], $0xffff  }
0x423: {  	v30 =	vld [tilespmem:$0x1FF40]  }
0x424: {  	v9 =	vld.idx.msk [tilespmem:v9+s24+$0x0], $0xffff  }
0x425: {  	v0 =	vadd.f32 v24, v0;
	v24 =	vld [tilespmem:$0x1FDD0]  }
0x426: {  	v1 =	vadd.f32 v25, v1;
	v25 =	vld [tilespmem:$0x1FD10]  }
0x427: {  	v12 =	vld.idx.msk [tilespmem:v12+s26+$0x0], $0xffff  }
0x428: {  	v0 =	vadd.f32 v28, v0;
	v18 =	vld.idx.msk [tilespmem:v18+s26+$0x0], $0xffff  }
0x429: {  	v19 =	vld.idx.msk [tilespmem:v19+s26+$0x0], $0xffff  }
0x42a: {  	v28 =	vld [tilespmem:$0x1FC90];
	v0 =	vadd.f32 v32, v0  }
0x42b: {  	v52 =	vld.idx.msk [tilespmem:v30+s24+$0x0], $0xffff  }
0x42c: {  	v0 =	vadd.f32 v40, v0;
	v30 =	vld [tilespmem:$0x1FE70]  }
0x42d: {  	v1 =	vadd.f32 v29, v1;
	v29 =	vld [tilespmem:$0x1FCA0]  }
0x42e: {  	v17 =	vld.idx.msk [tilespmem:v17+s26+$0x0], $0xffff;
	v0 =	vadd.f32 v47, v0  }
0x42f: {  	v22 =	vld.idx.msk [tilespmem:v22+s26+$0x0], $0xffff  }
0x430: {  	v23 =	vld.idx.msk [tilespmem:v23+s26+$0x0], $0xffff;
	v0 =	vadd.f32 v51, v0  }
0x431: {  	v20 =	vld.idx.msk [tilespmem:v20+s26+$0x0], $0xffff  }
0x432: {  	v21 =	vld.idx.msk [tilespmem:v21+s26+$0x0], $0xffff;
	v0 =	vadd.f32 v55, v0  }
0x433: {  	v1 =	vadd.f32 v33, v1;
	v26 =	vld.idx.msk [tilespmem:v26+s26+$0x0], $0xffff  }
0x434: {  	v0 =	vadd.f32 v59, v0;
	v53 =	vld.idx.msk [tilespmem:v30+s24+$0x0], $0xffff  }
0x435: {  	v1 =	vadd.f32 v44, v1;
	v30 =	vld [tilespmem:$0x1FF50]  }
0x436: {  	v27 =	vld.idx.msk [tilespmem:v27+s26+$0x0], $0xffff;
	v0 =	vadd.f32 v38, v0  }
0x437: {  	v2 =	vadd.f32 v39, v2;
	v24 =	vld.idx.msk [tilespmem:v24+s26+$0x0], $0xffff;
	v1 =	vadd.f32 v48, v1  }
0x438: {  	v0 =	vadd.f32 v7, v0;
	v7 =	vld [tilespmem:$0x1FCE0]  }
0x439: {  	v2 =	vadd.f32 v34, v2;
	v25 =	vld.idx.msk [tilespmem:v25+s26+$0x0], $0xffff;
	v1 =	vadd.f32 v52, v1  }
0x43a: {  	v3 =	vadd.f32 v31, v3;
	v0 =	vadd.f32 v11, v0;
	v11 =	vld [tilespmem:$0x1FD20]  }
0x43b: {  	v28 =	vld.idx.msk [tilespmem:v28+s26+$0x0], $0xffff;
	v2 =	vadd.f32 v45, v2;
	v1 =	vadd.f32 v56, v1  }
0x43c: {  	v3 =	vadd.f32 v35, v3;
	v0 =	vadd.f32 v15, v0;
	v15 =	vld [tilespmem:$0x1FD60]  }
0x43d: {  	v2 =	vadd.f32 v49, v2;
	v1 =	vadd.f32 v60, v1;
	v54 =	vld.idx.msk [tilespmem:v30+s24+$0x0], $0xffff  }
0x43e: {  	v29 =	vld.idx.msk [tilespmem:v29+s26+$0x0], $0xffff;
	v3 =	vadd.f32 v46, v3  }
0x43f: {  	v1 =	vadd.f32 v4, v1;
	v4 =	vld [tilespmem:$0x1FCB0];
	v2 =	vadd.f32 v53, v2  }
0x440: {  	v3 =	vadd.f32 v50, v3;
	v7 =	vld.idx.msk [tilespmem:v7+s26+$0x0], $0xffff  }
0x441: {  	v1 =	vadd.f32 v8, v1;
	v8 =	vld [tilespmem:$0x1FE10];
	v2 =	vadd.f32 v57, v2  }
0x442: {  	v11 =	vld.idx.msk [tilespmem:v11+s26+$0x0], $0xffff;
	v3 =	vadd.f32 v54, v3  }
0x443: {  	v1 =	vadd.f32 v12, v1;
	v12 =	vld [tilespmem:$0x1FD30];
	v2 =	vadd.f32 v61, v2  }
0x444: {  	v15 =	vld.idx.msk [tilespmem:v15+s26+$0x0], $0xffff;
	v3 =	vadd.f32 v58, v3  }
0x445: {  	v2 =	vadd.f32 v5, v2;
	v5 =	vld [tilespmem:$0x1FCC0]  }
0x446: {  	v1 =	vadd.f32 v16, v1;
	v16 =	vld [tilespmem:$0x1FD70];
	v3 =	vadd.f32 v62, v3  }
0x447: {  	v4 =	vld.idx.msk [tilespmem:v4+s26+$0x0], $0xffff;
	v2 =	vadd.f32 v9, v2  }
0x448: {  	v3 =	vadd.f32 v6, v3;
	v6 =	vld [tilespmem:$0x1FCD0]  }
0x449: {  	v8 =	vld.idx.msk [tilespmem:v8+s26+$0x0], $0xffff;
	v2 =	vadd.f32 v13, v2  }
0x44a: {  	v9 =	vld [tilespmem:$0x1FFF0];
	v3 =	vadd.f32 v10, v3  }
0x44b: {  	v12 =	vld.idx.msk [tilespmem:v12+s26+$0x0], $0xffff;
	v2 =	vadd.f32 v17, v2  }
0x44c: {  	v0 =	vadd.f32 v19, v0;
	v13 =	vld [tilespmem:$0x1FD40];
	v3 =	vadd.f32 v14, v3  }
0x44d: {  	v5 =	vld.idx.msk [tilespmem:v5+s26+$0x0], $0xffff;
	v2 =	vadd.f32 v21, v2  }
0x44e: {  	v0 =	vadd.f32 v23, v0;
	v16 =	vld.idx.msk [tilespmem:v16+s26+$0x0], $0xffff;
	v3 =	vadd.f32 v18, v3  }
0x44f: {  	v1 =	vadd.f32 v20, v1;
	v10 =	vld [tilespmem:$0x1FDF0];
	v2 =	vadd.f32 v25, v2  }
0x450: {  	v0 =	vadd.f32 v27, v0;
	v6 =	vld.idx.msk [tilespmem:v6+s26+$0x0], $0xffff;
	v3 =	vadd.f32 v22, v3  }
0x451: {  	v1 =	vadd.f32 v24, v1;
	v14 =	vld [tilespmem:$0x1FD50];
	v2 =	vadd.f32 v29, v2  }
0x452: {  	v0 =	vadd.f32 v5, v0;
	v5 =	vld [tilespmem:$0x1FD90];
	v3 =	vadd.f32 v26, v3  }
0x453: {  	v1 =	vadd.f32 v28, v1;
	v2 =	vadd.f32 v7, v2;
	v7 =	vld [tilespmem:$0x1FDB0]  }
0x454: {  	v3 =	vadd.f32 v4, v3;
	v4 =	vld [tilespmem:$0x1FD80]  }
0x455: {  	v1 =	vadd.f32 v6, v1;
	v6 =	vld [tilespmem:$0x1FDA0]  }
0x456: {  	v9 =	vld.idx.msk [tilespmem:v9+s26+$0x0], $0xffff  }
0x457: {  	v13 =	vld.idx.msk [tilespmem:v13+s26+$0x0], $0xffff  }
0x458: {  	v10 =	vld.idx.msk [tilespmem:v10+s26+$0x0], $0xffff  }
0x459: {  	v14 =	vld.idx.msk [tilespmem:v14+s26+$0x0], $0xffff  }
0x45a: {  	v5 =	vld.idx.msk [tilespmem:v5+s26+$0x0], $0xffff  }
0x45b: {  	v3 =	vadd.f32 v8, v3;
	v7 =	vld.idx.msk [tilespmem:v7+s26+$0x0], $0xffff  }
0x45c: {  	v4 =	vld.idx.msk [tilespmem:v4+s26+$0x0], $0xffff  }
0x45d: {  	v1 =	vadd.f32 v10, v1;
	v3 =	vadd.f32 v12, v3;
	v6 =	vld.idx.msk [tilespmem:v6+s26+$0x0], $0xffff  }
0x45e: {  	v0 =	vadd.f32 v9, v0;
	v2 =	vadd.f32 v11, v2  }
0x45f: {  	v1 =	vadd.f32 v14, v1;
	v3 =	vadd.f32 v16, v3  }
0x460: {  	v0 =	vadd.f32 v13, v0;
	v2 =	vadd.f32 v15, v2  }
0x461: {  	v1 =	vadd.f32 v5, v1;
	v3 =	vadd.f32 v7, v3  }
0x462: {  	v0 =	vadd.f32 v4, v0;
	v2 =	vadd.f32 v6, v2;
	_ =	sdelay $0x1  }
0x463: {  	s23 =	sadd.s32 $0xFFFFFFFF, s19;
	v0 =	vadd.f32 v1, v0;
	v56 =	vadd.f32 v3, v2  }
0x464: {  	s23 =	sand.u32 $0x7E, s23  }
0x465: {  	s23 =	smul.u32 $0x320, s23;
	v0 =	vadd.f32 v56, v0;
	_ =	sdelay $0x1  }
0x466: {  	s23 =	sshrl.u32 s23, $0x2;
	[tilespmem:s21+$0x0] =	vst v0  }
0x467: {  	[tilespmem:s24], [sflag:$0x3] =	stream.indirect.gather [hbm4b:s3+s11], $0x10, s23, s11, $0xb8;
	[tilespmem:$0xAB00] =	vst v63  }
0x468: {  	s23 =	sadd.s32 $0x80, s23  }
0x469: {  	[tilespmem:s26], [sflag:$0x3] =	stream.indirect.gather [hbm4b:s3+s17], $0x10, s23, s17, $0xb8;
	[tilespmem:$0xAB00] =	vst v63  }
0x46a: {  	_ =	swait.ge [sflag:s10], $0x800  }
0x46b: {  	[sflag:s10] =	ssyncset.done $0x0  }
0x46c: {  	[sflag:s10] =	ssyncadd.s32 $0xFFFFF800  }
0x46d: {  	_ =	swait.ge [sflag:s10], $0x480  }
0x46e: {  	v57 =	vld [tilespmem:$0x1FC30]  }
0x46f: {  	v58 =	vld [tilespmem:$0x1FC40]  }
0x470: {  	v6 =	vld [tilespmem:$0x1FC00]  }
0x471: {  	v7 =	vld [tilespmem:$0x1FC10]  }
0x472: {  	v8 =	vld [tilespmem:$0x1FC60]  }
0x473: {  	v9 =	vld [tilespmem:$0x1FC70]  }
0x474: {  	v10 =	vld [tilespmem:$0x1FC50]  }
0x475: {  	v11 =	vld [tilespmem:$0x1FD00]  }
0x476: {  	v12 =	vld [tilespmem:$0x1FC20]  }
0x477: {  	v13 =	vld [tilespmem:$0x1FDD0]  }
0x478: {  	v14 =	vld [tilespmem:$0x1FD10]  }
0x479: {  	v15 =	vld [tilespmem:$0x1FCF0]  }
0x47a: {  	v16 =	vld [tilespmem:$0x1FC80]  }
0x47b: {  	v17 =	vld [tilespmem:$0x1FC90]  }
0x47c: {  	v18 =	vld [tilespmem:$0x1FCA0]  }
0x47d: {  	v19 =	vld [tilespmem:$0x1FCB0]  }
0x47e: {  	v20 =	vld [tilespmem:$0x1FCC0]  }
0x47f: {  	v21 =	vld [tilespmem:$0x1FCD0]  }
0x480: {  	v22 =	vld [tilespmem:$0x1FCE0]  }
0x481: {  	v23 =	vld [tilespmem:$0x1FE10]  }
0x482: {  	v24 =	vld [tilespmem:$0x1FFF0]  }
0x483: {  	v25 =	vld [tilespmem:$0x1FDF0]  }
0x484: {  	v26 =	vld [tilespmem:$0x1FD20]  }
0x485: {  	v27 =	vld [tilespmem:$0x1FD30]  }
0x486: {  	v28 =	vld [tilespmem:$0x1FD40]  }
0x487: {  	v29 =	vld [tilespmem:$0x1FD50]  }
0x488: {  	v30 =	vld [tilespmem:$0x1FD60]  }
0x489: {  	v31 =	vld [tilespmem:$0x1FD70]  }
0x48a: {  	v59 =	vld [tilespmem:$0x1FD80]  }
0x48b: {  	v60 =	vld [tilespmem:$0x1FD90]  }
0x48c: {  	v61 =	vld [tilespmem:$0x1FDA0]  }
0x48d: {  	v62 =	vld [tilespmem:$0x1FDB0]  }
0x48e: {  	v63 =	vld [tilespmem:$0x1FE20]  }
0x48f: {  	v44 =	vld [tilespmem:$0x1FF00]  }
0x490: {  	v45 =	vld [tilespmem:$0x1FE30]  }
0x491: {  	v46 =	vld [tilespmem:$0x1FF10]  }
0x492: {  	v47 =	vld [tilespmem:$0x1FE40]  }
0x493: {  	v48 =	vld [tilespmem:$0x1FF20]  }
0x494: {  	v49 =	vld [tilespmem:$0x1FE50]  }
0x495: {  	v50 =	vld [tilespmem:$0x1FF30]  }
0x496: {  	v51 =	vld [tilespmem:$0x1FE60]  }
0x497: {  	v52 =	vld [tilespmem:$0x1FF40]  }
0x498: {  	v53 =	vld [tilespmem:$0x1FE70]  }
0x499: {  	v54 =	vld [tilespmem:$0x1FF50]  }
0x49a: {  	v55 =	vld [tilespmem:$0x1FE80]  }
0x49b: {  	v56 =	vld [tilespmem:$0x1FF60]  }
0x49c: {  	[sflag:s10] =	ssyncset.done $0x0;
	v38 =	vld [tilespmem:$0x1FC00]  }
0x49d: {  	v39 =	vld [tilespmem:$0x1FC10];
	[sflag:s10] =	ssyncadd.s32 $0xFFFFFB80  }
0x49e: {  	v2 =	vld.idx.msk [tilespmem:v36+s29+$0x0], $0xffff  }
0x49f: {  	v3 =	vld.idx.msk [tilespmem:v37+s29+$0x0], $0xffff  }
0x4a0: {  	v4 =	vld.idx.msk [tilespmem:v41+s29+$0x0], $0xffff  }
0x4a1: {  	v5 =	vld.idx.msk [tilespmem:v42+s29+$0x0], $0xffff  }
0x4a2: {  	v0 =	vld.idx.msk [tilespmem:v57+s29+$0x0], $0xffff  }
0x4a3: {  	v1 =	vld.idx.msk [tilespmem:v58+s29+$0x0], $0xffff  }
0x4a4: {  	v6 =	vld.idx.msk [tilespmem:v6+s29+$0x0], $0xffff  }
0x4a5: {  	v7 =	vld.idx.msk [tilespmem:v7+s29+$0x0], $0xffff  }
0x4a6: {  	v8 =	vld.idx.msk [tilespmem:v8+s29+$0x0], $0xffff  }
0x4a7: {  	v9 =	vld.idx.msk [tilespmem:v9+s29+$0x0], $0xffff  }
0x4a8: {  	v10 =	vld.idx.msk [tilespmem:v10+s29+$0x0], $0xffff  }
0x4a9: {  	v11 =	vld.idx.msk [tilespmem:v11+s29+$0x0], $0xffff  }
0x4aa: {  	v12 =	vld.idx.msk [tilespmem:v12+s29+$0x0], $0xffff  }
0x4ab: {  	v13 =	vld.idx.msk [tilespmem:v13+s29+$0x0], $0xffff  }
0x4ac: {  	v14 =	vld.idx.msk [tilespmem:v14+s29+$0x0], $0xffff  }
0x4ad: {  	v15 =	vld.idx.msk [tilespmem:v15+s29+$0x0], $0xffff  }
0x4ae: {  	v16 =	vld.idx.msk [tilespmem:v16+s29+$0x0], $0xffff  }
0x4af: {  	v17 =	vld.idx.msk [tilespmem:v17+s29+$0x0], $0xffff  }
0x4b0: {  	v18 =	vld.idx.msk [tilespmem:v18+s29+$0x0], $0xffff  }
0x4b1: {  	v19 =	vld.idx.msk [tilespmem:v19+s29+$0x0], $0xffff  }
0x4b2: {  	v20 =	vld.idx.msk [tilespmem:v20+s29+$0x0], $0xffff  }
0x4b3: {  	v21 =	vld.idx.msk [tilespmem:v21+s29+$0x0], $0xffff  }
0x4b4: {  	v22 =	vld.idx.msk [tilespmem:v22+s29+$0x0], $0xffff  }
0x4b5: {  	v23 =	vld.idx.msk [tilespmem:v23+s29+$0x0], $0xffff  }
0x4b6: {  	v24 =	vld.idx.msk [tilespmem:v24+s29+$0x0], $0xffff  }
0x4b7: {  	v25 =	vld.idx.msk [tilespmem:v25+s29+$0x0], $0xffff  }
0x4b8: {  	v26 =	vld.idx.msk [tilespmem:v26+s29+$0x0], $0xffff  }
0x4b9: {  	v27 =	vld.idx.msk [tilespmem:v27+s29+$0x0], $0xffff  }
0x4ba: {  	v28 =	vld.idx.msk [tilespmem:v28+s29+$0x0], $0xffff  }
0x4bb: {  	v29 =	vld.idx.msk [tilespmem:v29+s29+$0x0], $0xffff  }
0x4bc: {  	v30 =	vld.idx.msk [tilespmem:v30+s29+$0x0], $0xffff  }
0x4bd: {  	v31 =	vld.idx.msk [tilespmem:v31+s29+$0x0], $0xffff  }
0x4be: {  	v32 =	vld.idx.msk [tilespmem:v59+s29+$0x0], $0xffff  }
0x4bf: {  	v33 =	vld.idx.msk [tilespmem:v60+s29+$0x0], $0xffff  }
0x4c0: {  	v34 =	vld.idx.msk [tilespmem:v61+s29+$0x0], $0xffff  }
0x4c1: {  	v35 =	vld.idx.msk [tilespmem:v62+s29+$0x0], $0xffff  }
0x4c2: {  	v40 =	vmov v36;
	v36 =	vld.idx.msk [tilespmem:v63+s29+$0x0], $0xffff  }
0x4c3: {  	v44 =	vld.idx.msk [tilespmem:v44+s29+$0x0], $0xffff  }
0x4c4: {  	v45 =	vld.idx.msk [tilespmem:v45+s29+$0x0], $0xffff  }
0x4c5: {  	v46 =	vld.idx.msk [tilespmem:v46+s29+$0x0], $0xffff  }
0x4c6: {  	v47 =	vld.idx.msk [tilespmem:v47+s29+$0x0], $0xffff  }
0x4c7: {  	v48 =	vld.idx.msk [tilespmem:v48+s29+$0x0], $0xffff  }
0x4c8: {  	v49 =	vld.idx.msk [tilespmem:v49+s29+$0x0], $0xffff  }
0x4c9: {  	v50 =	vld.idx.msk [tilespmem:v50+s29+$0x0], $0xffff  }
0x4ca: {  	v51 =	vld.idx.msk [tilespmem:v51+s29+$0x0], $0xffff  }
0x4cb: {  	v52 =	vld.idx.msk [tilespmem:v52+s29+$0x0], $0xffff  }
0x4cc: {  	v53 =	vld.idx.msk [tilespmem:v53+s29+$0x0], $0xffff  }
0x4cd: {  	v54 =	vld.idx.msk [tilespmem:v54+s29+$0x0], $0xffff  }
0x4ce: {  	v55 =	vld.idx.msk [tilespmem:v55+s29+$0x0], $0xffff  }
0x4cf: {  	v56 =	vld.idx.msk [tilespmem:v56+s29+$0x0], $0xffff  }
0x4d0: {  	v57 =	vld [tilespmem:$0x1FE90]  }
0x4d1: {  	v58 =	vld [tilespmem:$0x1FF70]  }
0x4d2: {  	v59 =	vld [tilespmem:$0x1FEA0]  }
0x4d3: {  	v60 =	vld [tilespmem:$0x1FF80]  }
0x4d4: {  	v61 =	vld [tilespmem:$0x1FEB0]  }
0x4d5: {  	v2 =	vadd.f32 $0.0e+00, v2;
	v62 =	vld [tilespmem:$0x1FF90]  }
0x4d6: {  	v3 =	vadd.f32 $0.0e+00, v3;
	v63 =	vld [tilespmem:$0x1FEC0]  }
0x4d7: {  	v0 =	vadd.f32 $0.0e+00, v0;
	v2 =	vadd.f32 v6, v2;
	v6 =	vld [tilespmem:$0x1FFB0]  }
0x4d8: {  	v1 =	vadd.f32 $0.0e+00, v1;
	v3 =	vadd.f32 v7, v3;
	v7 =	vld [tilespmem:$0x1FEE0]  }
0x4d9: {  	v0 =	vadd.f32 v4, v0;
	v4 =	vld [tilespmem:$0x1FFA0]  }
0x4da: {  	v1 =	vadd.f32 v5, v1;
	v5 =	vld [tilespmem:$0x1FED0]  }
0x4db: {  	v2 =	vadd.f32 v10, v2;
	v10 =	vld [tilespmem:$0x1FFD0]  }
0x4dc: {  	v3 =	vadd.f32 v11, v3;
	v11 =	vld [tilespmem:$0x1FC30]  }
0x4dd: {  	v57 =	vld.idx.msk [tilespmem:v57+s29+$0x0], $0xffff  }
0x4de: {  	v58 =	vld.idx.msk [tilespmem:v58+s29+$0x0], $0xffff  }
0x4df: {  	v59 =	vld.idx.msk [tilespmem:v59+s29+$0x0], $0xffff  }
0x4e0: {  	v60 =	vld.idx.msk [tilespmem:v60+s29+$0x0], $0xffff  }
0x4e1: {  	v43 =	vmov v37;
	v61 =	vld.idx.msk [tilespmem:v61+s29+$0x0], $0xffff  }
0x4e2: {  	v62 =	vld.idx.msk [tilespmem:v62+s29+$0x0], $0xffff  }
0x4e3: {  	v63 =	vld.idx.msk [tilespmem:v63+s29+$0x0], $0xffff  }
0x4e4: {  	v0 =	vadd.f32 v8, v0;
	v8 =	vld [tilespmem:$0x1FFC0]  }
0x4e5: {  	v1 =	vadd.f32 v9, v1;
	v9 =	vld [tilespmem:$0x1FEF0]  }
0x4e6: {  	v2 =	vadd.f32 v14, v2;
	v14 =	vld.idx.msk [tilespmem:v43+s31+$0x0], $0xffff  }
0x4e7: {  	v3 =	vadd.f32 v15, v3;
	v15 =	vld.idx.msk [tilespmem:v41+s31+$0x0], $0xffff  }
0x4e8: {  	v0 =	vadd.f32 v12, v0;
	v12 =	vld [tilespmem:$0x1FC40]  }
0x4e9: {  	v1 =	vadd.f32 v13, v1;
	v13 =	vld.idx.msk [tilespmem:v40+s31+$0x0], $0xffff  }
0x4ea: {  	v3 =	vadd.f32 v19, v3;
	v19 =	vld [tilespmem:$0x1FC60]  }
0x4eb: {  	v2 =	vadd.f32 v18, v2;
	v18 =	vld.idx.msk [tilespmem:v39+s31+$0x0], $0xffff  }
0x4ec: {  	v6 =	vld.idx.msk [tilespmem:v6+s29+$0x0], $0xffff  }
0x4ed: {  	v7 =	vld.idx.msk [tilespmem:v7+s29+$0x0], $0xffff  }
0x4ee: {  	v0 =	vadd.f32 v16, v0;
	v16 =	vld.idx.msk [tilespmem:v42+s31+$0x0], $0xffff  }
0x4ef: {  	v1 =	vadd.f32 v17, v1;
	v17 =	vld.idx.msk [tilespmem:v38+s31+$0x0], $0xffff  }
0x4f0: {  	v2 =	vadd.f32 v22, v2;
	v22 =	vld [tilespmem:$0x1FD00]  }
0x4f1: {  	v38 =	vld [tilespmem:$0x1FC20]  }
0x4f2: {  	v4 =	vld.idx.msk [tilespmem:v4+s29+$0x0], $0xffff  }
0x4f3: {  	v5 =	vld.idx.msk [tilespmem:v5+s29+$0x0], $0xffff  }
0x4f4: {  	v10 =	vld.idx.msk [tilespmem:v10+s29+$0x0], $0xffff  }
0x4f5: {  	v11 =	vld.idx.msk [tilespmem:v11+s31+$0x0], $0xffff  }
0x4f6: {  	v0 =	vadd.f32 v20, v0;
	v20 =	vld [tilespmem:$0x1FC70]  }
0x4f7: {  	v3 =	vadd.f32 v23, v3;
	v1 =	vadd.f32 v21, v1;
	v21 =	vld [tilespmem:$0x1FC50]  }
0x4f8: {  	v2 =	vadd.f32 v26, v2;
	v8 =	vld.idx.msk [tilespmem:v8+s29+$0x0], $0xffff  }
0x4f9: {  	v3 =	vadd.f32 v27, v3;
	v9 =	vld.idx.msk [tilespmem:v9+s29+$0x0], $0xffff  }
0x4fa: {  	v2 =	vadd.f32 v30, v2;
	v30 =	vld [tilespmem:$0x1FCB0]  }
0x4fb: {  	v3 =	vadd.f32 v31, v3;
	v31 =	vld [tilespmem:$0x1FC80]  }
0x4fc: {  	v0 =	vadd.f32 v24, v0;
	v24 =	vld [tilespmem:$0x1FDD0]  }
0x4fd: {  	v1 =	vadd.f32 v25, v1;
	v12 =	vld.idx.msk [tilespmem:v12+s31+$0x0], $0xffff  }
0x4fe: {  	v42 =	vmov v19;
	v19 =	vld.idx.msk [tilespmem:v19+s31+$0x0], $0xffff  }
0x4ff: {  	v1 =	vadd.f32 v29, v1;
	v3 =	vadd.f32 v35, v3;
	v35 =	vld [tilespmem:$0x1FD10]  }
0x500: {  	v0 =	vadd.f32 v28, v0;
	v2 =	vadd.f32 v34, v2;
	v34 =	vld [tilespmem:$0x1FCF0]  }
0x501: {  	v1 =	vadd.f32 v33, v1;
	v33 =	vld [tilespmem:$0x1FC90]  }
0x502: {  	v0 =	vadd.f32 v32, v0;
	v32 =	vld [tilespmem:$0x1FCA0]  }
0x503: {  	v2 =	vadd.f32 v45, v2;
	v45 =	vmov v22;
	v22 =	vld.idx.msk [tilespmem:v22+s31+$0x0], $0xffff  }
0x504: {  	v23 =	vld.idx.msk [tilespmem:v38+s31+$0x0], $0xffff  }
0x505: {  	v43 =	vmov v20;
	v3 =	vadd.f32 v46, v3;
	v20 =	vld.idx.msk [tilespmem:v20+s31+$0x0], $0xffff  }
0x506: {  	v37 =	vmov v21;
	v1 =	vadd.f32 v44, v1;
	v21 =	vld.idx.msk [tilespmem:v21+s31+$0x0], $0xffff;
	v2 =	vadd.f32 v49, v2  }
0x507: {  	v0 =	vadd.f32 v36, v0;
	v3 =	vadd.f32 v50, v3;
	v36 =	vld [tilespmem:$0x1FD20]  }
0x508: {  	v40 =	vmov v24;
	v1 =	vadd.f32 v48, v1;
	v24 =	vld.idx.msk [tilespmem:v24+s31+$0x0], $0xffff;
	v2 =	vadd.f32 v53, v2  }
0x509: {  	v0 =	vadd.f32 v47, v0;
	v3 =	vadd.f32 v54, v3;
	v27 =	vld.idx.msk [tilespmem:v31+s31+$0x0], $0xffff  }
0x50a: {  	v1 =	vadd.f32 v52, v1;
	v25 =	vld.idx.msk [tilespmem:v35+s31+$0x0], $0xffff;
	v2 =	vadd.f32 v57, v2  }
0x50b: {  	v0 =	vadd.f32 v51, v0;
	v26 =	vld.idx.msk [tilespmem:v34+s31+$0x0], $0xffff;
	v3 =	vadd.f32 v58, v3  }
0x50c: {  	v1 =	vadd.f32 v56, v1;
	v28 =	vld.idx.msk [tilespmem:v33+s31+$0x0], $0xffff;
	v2 =	vadd.f32 v61, v2  }
0x50d: {  	v0 =	vadd.f32 v55, v0;
	v3 =	vadd.f32 v62, v3;
	v29 =	vld.idx.msk [tilespmem:v32+s31+$0x0], $0xffff  }
0x50e: {  	v1 =	vadd.f32 v60, v1;
	v2 =	vadd.f32 v5, v2;
	v5 =	vld [tilespmem:$0x1FCC0]  }
0x50f: {  	v0 =	vadd.f32 v59, v0;
	v3 =	vadd.f32 v6, v3;
	v6 =	vld [tilespmem:$0x1FCD0]  }
0x510: {  	v1 =	vadd.f32 v4, v1;
	v4 =	vld.idx.msk [tilespmem:v30+s31+$0x0], $0xffff  }
0x511: {  	v0 =	vadd.f32 v63, v0;
	v2 =	vadd.f32 v9, v2;
	v9 =	vld [tilespmem:$0x1FFF0]  }
0x512: {  	v3 =	vadd.f32 v10, v3;
	v10 =	vld [tilespmem:$0x1FDF0]  }
0x513: {  	v0 =	vadd.f32 v7, v0;
	v7 =	vld [tilespmem:$0x1FCE0]  }
0x514: {  	v1 =	vadd.f32 v8, v1;
	v8 =	vld [tilespmem:$0x1FE10];
	v2 =	vadd.f32 v13, v2  }
0x515: {  	v3 =	vadd.f32 v14, v3;
	v0 =	vadd.f32 v11, v0;
	v11 =	vld.idx.msk [tilespmem:v36+s31+$0x0], $0xffff  }
0x516: {  	v2 =	vadd.f32 v17, v2;
	v5 =	vld.idx.msk [tilespmem:v5+s31+$0x0], $0xffff  }
0x517: {  	v3 =	vadd.f32 v18, v3;
	v6 =	vld.idx.msk [tilespmem:v6+s31+$0x0], $0xffff  }
0x518: {  	v1 =	vadd.f32 v12, v1;
	v2 =	vadd.f32 v21, v2;
	v21 =	vld [tilespmem:$0x1FD40]  }
0x519: {  	v3 =	vadd.f32 v22, v3;
	v22 =	vld [tilespmem:$0x1FD50]  }
0x51a: {  	v1 =	vadd.f32 v16, v1;
	v9 =	vld.idx.msk [tilespmem:v9+s31+$0x0], $0xffff  }
0x51b: {  	v10 =	vld.idx.msk [tilespmem:v10+s31+$0x0], $0xffff  }
0x51c: {  	v1 =	vadd.f32 v20, v1;
	v20 =	vld [tilespmem:$0x1FD30]  }
0x51d: {  	v0 =	vadd.f32 v15, v0;
	v2 =	vadd.f32 v25, v2;
	v25 =	vld [tilespmem:$0x1FD80]  }
0x51e: {  	v3 =	vadd.f32 v26, v3;
	v26 =	vld [tilespmem:$0x1FD90]  }
0x51f: {  	v0 =	vadd.f32 v19, v0;
	v7 =	vld.idx.msk [tilespmem:v7+s31+$0x0], $0xffff  }
0x520: {  	v8 =	vld.idx.msk [tilespmem:v8+s31+$0x0], $0xffff  }
0x521: {  	v0 =	vadd.f32 v23, v0;
	v23 =	vld [tilespmem:$0x1FD60]  }
0x522: {  	v1 =	vadd.f32 v24, v1;
	v24 =	vld [tilespmem:$0x1FD70]  }
0x523: {  	v0 =	vadd.f32 v27, v0;
	v27 =	vld [tilespmem:$0x1FDA0]  }
0x524: {  	v1 =	vadd.f32 v28, v1;
	v28 =	vld [tilespmem:$0x1FDB0]  }
0x525: {  	v13 =	vld.idx.msk [tilespmem:v21+s31+$0x0], $0xffff  }
0x526: {  	v14 =	vld.idx.msk [tilespmem:v22+s31+$0x0], $0xffff  }
0x527: {  	v12 =	vld.idx.msk [tilespmem:v20+s31+$0x0], $0xffff  }
0x528: {  	v3 =	vadd.f32 v4, v3;
	v4 =	vld.idx.msk [tilespmem:v25+s31+$0x0], $0xffff  }
0x529: {  	v0 =	vadd.f32 v5, v0;
	v5 =	vld.idx.msk [tilespmem:v26+s31+$0x0], $0xffff  }
0x52a: {  	v2 =	vadd.f32 v29, v2;
	v15 =	vld.idx.msk [tilespmem:v23+s31+$0x0], $0xffff  }
0x52b: {  	v1 =	vadd.f32 v6, v1;
	v16 =	vld.idx.msk [tilespmem:v24+s31+$0x0], $0xffff  }
0x52c: {  	v2 =	vadd.f32 v7, v2;
	v3 =	vadd.f32 v8, v3;
	v6 =	vld.idx.msk [tilespmem:v27+s31+$0x0], $0xffff  }
0x52d: {  	v0 =	vadd.f32 v9, v0;
	v1 =	vadd.f32 v10, v1;
	v7 =	vld.idx.msk [tilespmem:v28+s31+$0x0], $0xffff  }
0x52e: {  	v2 =	vadd.f32 v11, v2;
	v3 =	vadd.f32 v12, v3  }
0x52f: {  	v0 =	vadd.f32 v13, v0;
	v1 =	vadd.f32 v14, v1  }
0x530: {  	v2 =	vadd.f32 v15, v2;
	v3 =	vadd.f32 v16, v3  }
0x531: {  	v0 =	vadd.f32 v4, v0;
	v1 =	vadd.f32 v5, v1  }
0x532: {  	v2 =	vadd.f32 v6, v2;
	v3 =	vadd.f32 v7, v3;
	_ =	sdelay $0x1  }
0x533: {  	v17 =	vld [tilespmem:$0x1FE10];
	v0 =	vadd.f32 v1, v0;
	v63 =	vadd.f32 v3, v2  }
0x534: {  	s23 =	sand.u32 $0x7F, s19;
	v18 =	vld [tilespmem:$0x1FFF0]  }
0x535: {  	p0 =	sne.s32 s19, $0x83;
	s23 =	smul.u32 $0x320, s23;
	v19 =	vld [tilespmem:$0x1FDF0];
	v0 =	vadd.f32 v63, v0  }
.Ltmp0:
0x536: {  	v8 =	vld [tilespmem:$0x1FC40];
	(pc) =	sbr.rel @p0 .LBB2_2-.Ltmp0, $4  }
0x537: {  	s23 =	sshrl.u32 s23, $0x2;
	v14 =	vld [tilespmem:$0x1FCC0];
	[tilespmem:s21+$0x10] =	vst v0  }
0x538: {  	v15 =	vld [tilespmem:$0x1FCD0];
	[tilespmem:s29], [sflag:$0x4] =	stream.indirect.gather [hbm4b:s3+s11], $0x10, s23, s11, $0xb8  }
0x539: {  	s19 =	sadd.s32 $0x4, s19;
	v16 =	vld [tilespmem:$0x1FCE0];
	s21 =	sadd.s32 $0x40, s21;
	s23 =	sadd.s32 $0x80, s23  }
0x53a: {  	v7 =	vld [tilespmem:$0x1FC30];
	[tilespmem:s31], [sflag:$0x4] =	stream.indirect.gather [hbm4b:s3+s17], $0x10, s23, s17, $0xb8  }
0x53b: {  	_ =	swait.ge [sflag:s14], $0x800  }
0x53c: {  	[sflag:s14] =	ssyncset.done $0x0  }
0x53d: {  	[sflag:s14] =	ssyncadd.s32 $0xFFFFF800  }
0x53e: {  	_ =	swait.ge [sflag:s14], $0x480  }
0x53f: {  	[sflag:s14] =	ssyncset.done $0x0  }
0x540: {  	[sflag:s14] =	ssyncadd.s32 $0xFFFFFB80  }
0x541: {  	_ =	swait.ge [sflag:s1], $0x800  }
0x542: {  	[sflag:s1] =	ssyncset.done $0x0  }
0x543: {  	[sflag:s1] =	ssyncadd.s32 $0xFFFFF800  }
0x544: {  	_ =	swait.ge [sflag:s1], $0x480  }
0x545: {  	[sflag:s1] =	ssyncset.done $0x0  }
0x546: {  	[sflag:s1] =	ssyncadd.s32 $0xFFFFFB80  }
0x547: {  	_ =	swait.ge [sflag:s0], $0x800  }
0x548: {  	[sflag:s0] =	ssyncset.done $0x0  }
0x549: {  	[sflag:s0] =	ssyncadd.s32 $0xFFFFF800  }
0x54a: {  	_ =	swait.ge [sflag:s0], $0x480  }
0x54b: {  	[sflag:s0] =	ssyncset.done $0x0  }
0x54c: {  	[sflag:s0] =	ssyncadd.s32 $0xFFFFFB80  }
0x54d: {  	_ =	swait.ge [sflag:s10], $0x800  }
0x54e: {  	[sflag:s10] =	ssyncset.done $0x0  }
0x54f: {  	[sflag:s10] =	ssyncadd.s32 $0xFFFFF800  }
0x550: {  	_ =	swait.ge [sflag:s10], $0x480  }
0x551: {  	[sflag:s10] =	ssyncset.done $0x0  }
0x552: {  	[sflag:s10] =	ssyncadd.s32 $0xFFFFFB80  }
0x553: {  	[hbm4b:s7+s2] =	stream.linear.scatter [tilespmem:s12], [sflag:$0x5], $0x800, $0x38;
	[tilespmem:$0xAB00] =	vst v63  }
0x554: {  	_ =	swait.ge [sflag:s9], $0x800  }
0x555: {  	v9 =	vld [tilespmem:$0x1FFE0]  }
0x556: {  	v10 =	vld [tilespmem:$0x1FDC0]  }
0x557: {  	v12 =	vld [tilespmem:$0x1FDE0]  }
0x558: {  	v13 =	vld [tilespmem:$0x1FE00]  }
0x559: {  	v29 =	vld [tilespmem:$0x1FE20]  }
0x55a: {  	v38 =	vld [tilespmem:$0x1FF00]  }
0x55b: {  	v39 =	vld [tilespmem:$0x1FE30]  }
0x55c: {  	v41 =	vld [tilespmem:$0x1FF10]  }
0x55d: {  	v46 =	vld [tilespmem:$0x1FE40]  }
0x55e: {  	v47 =	vld [tilespmem:$0x1FF20]  }
0x55f: {  	v48 =	vld [tilespmem:$0x1FE50]  }
0x560: {  	v49 =	vld [tilespmem:$0x1FF30]  }
0x561: {  	v50 =	vld [tilespmem:$0x1FE60]  }
0x562: {  	v51 =	vld [tilespmem:$0x1FF40]  }
0x563: {  	v52 =	vld [tilespmem:$0x1FE70]  }
0x564: {  	v53 =	vld [tilespmem:$0x1FF50]  }
0x565: {  	v54 =	vld [tilespmem:$0x1FE80]  }
0x566: {  	v55 =	vld [tilespmem:$0x1FF60]  }
0x567: {  	v56 =	vld [tilespmem:$0x1FE90]  }
0x568: {  	v57 =	vld [tilespmem:$0x1FF70]  }
0x569: {  	v58 =	vld [tilespmem:$0x1FEA0]  }
0x56a: {  	v59 =	vld [tilespmem:$0x1FF80]  }
0x56b: {  	v60 =	vld [tilespmem:$0x1FEB0]  }
0x56c: {  	v61 =	vld [tilespmem:$0x1FF90]  }
0x56d: {  	v1 =	vld [tilespmem:$0x1FEC0]  }
0x56e: {  	s15 =	sadd.s32 $0x1, s15;
	v62 =	vld [tilespmem:$0x1FFA0]  }
0x56f: {  	p0 =	sne.s32 s15, s8;
	v2 =	vld [tilespmem:$0x1FED0]  }
.Ltmp1:
0x570: {  	v3 =	vld [tilespmem:$0x1FFB0];
	(pc) =	sbr.rel @p0 .LBB2_1-.Ltmp1, $4  }
0x571: {  	v4 =	vld [tilespmem:$0x1FEE0]  }
0x572: {  	v5 =	vld [tilespmem:$0x1FFC0]  }
0x573: {  	[sflag:s9] =	ssyncset.done $0x0;
	v6 =	vld [tilespmem:$0x1FEF0]  }
0x574: {  	v11 =	vld [tilespmem:$0x1FFD0];
	[sflag:s9] =	ssyncadd.s32 $0xFFFFF800  }
0x575: {  	_ =	sfence.sel $0x180000  }
0x576: {  	[bflag:$0x0] =	sbarrier.arrive $0xFFFF  }
0x577: {  	_ =	strace $0x9000004A  }
0x578: {  	s0 =	stileid.u32;
	[bflag:$0x2] =	sbarrier.arrive $0xFFFF  }
0x579: {  	p0 =	sne.s32 s0, $0x0;
	s0 =	rddreg [dreg:$0x3]  }
0x57a: {  	s0 =	sadd.s32 @!p0 $0x100000, s0  }
0x57b: {  	[sflag:s0] =	ssyncadd.tile.s32 @!p0 $0x1;
	_ =	shalt  }
.Lfunc_end2:
_tile_overlayer_lowered:
.L_overlay_start_2:
0x57c: {  	(tag) =	ssettag $0x2  }
0x57d: {  	s0 =	rddreg [dreg:$0x0];
	s2 =	stileid.u32  }
0x57e: {  	s1 =	rddreg [dreg:$0x1];
	p0 =	sne.s32 s2, $0x0  }
0x57f: {  	s3 =	rddreg [dreg:$0x2];
	[bflag:$0x3] =	sbarrier.arrive $0xFFFF;
	s2 =	simm.s32 @!p0 $0x1C05  }
0x580: {  	[timem:s3], [sflag:s2] =	dma.local @!p0 [hbm:s0], s1  }
0x581: {  	s0 =	simm.s32 @!p0 $0x5  }
0x582: {  	_ =	swait.ge @!p0 [sflag:s0], s1  }
0x583: {  	s1 =	ssub.s32 @!p0 $0x0, s1;
	[sflag:s0] =	ssyncset.done @!p0 $0x0  }
0x584: {  	[sflag:s0] =	ssyncadd.s32 @!p0 s1  }
0x585: {  	[bflag:$0x3] =	sbarrier.arrive $0xFFFF  }
0x586: {  	_ =	shalt  }

</sc_bundles>
